<compile_context>
chip_gen: v7x
topology: tpu7x:2x2x1
jax: 0.10.2.dev20260603
libtpu: 0.0.44.dev20260713+nightly
codegen_flags: <defaults>
</compile_context>

<pallas_src>
import functools

import jax
import jax.numpy as jnp
from jax import lax
from jax.experimental import pallas as pl
from jax.experimental.pallas import tpu as pltpu
from jax.experimental.pallas import tpu_sc as plsc

E = 8
TOP_K = 2
T = 2048
HS = 1024
DFF = 1024
TK = T * TOP_K
HW = HS // 2
TB = 256
SB = TB * TOP_K
BR = 256
NPAD = TK + E * BR
NBLK = NPAD // BR
NW = 32
RPW = NPAD // NW
CH = 96
TPW = T // NW
CT = 32


def _router_body(x_ref, rw_ref, pos_ref, word_ref, blk_ref, xi_ref,
                 carry, eo, ro):
    b = pl.program_id(0)

    @pl.when(b == 0)
    def _init():
        carry[...] = jnp.zeros_like(carry)

    xb = x_ref[...]
    logits = jnp.dot(xb, rw_ref[...], preferred_element_type=jnp.float32)
    scores = jax.nn.softmax(logits, axis=-1)
    lane = lax.broadcasted_iota(jnp.int32, (TB, E), 1)
    m1 = jnp.max(scores, axis=-1, keepdims=True)
    i1 = jnp.min(jnp.where(scores == m1, lane, E), axis=-1, keepdims=True)
    scores2 = jnp.where(lane == i1, -jnp.inf, scores)
    m2 = jnp.max(scores2, axis=-1, keepdims=True)
    i2 = jnp.min(jnp.where(scores2 == m2, lane, E), axis=-1, keepdims=True)

    e_s = jnp.transpose(
        jnp.concatenate([i1, i2], axis=0).astype(jnp.float32), (1, 0))
    w_s = jnp.transpose(jnp.concatenate([m1, m2], axis=0), (1, 0))
    sub_s = lax.broadcasted_iota(jnp.int32, (E, SB), 0).astype(jnp.float32)
    onehot = (sub_s == e_s).astype(jnp.float32)
    row = lax.broadcasted_iota(jnp.int32, (SB, SB), 0)
    col = lax.broadcasted_iota(jnp.int32, (SB, SB), 1)
    tril_t = (row < col).astype(jnp.float32)
    within = jnp.dot(onehot, tril_t, preferred_element_type=jnp.float32)
    within = within + carry[...]
    rank = jnp.sum(onehot * within, axis=0, keepdims=True)
    carry[...] += jnp.sum(onehot, axis=1, keepdims=True)

    eo[pl.ds(b, 1), :] = e_s
    ro[pl.ds(b, 1), :] = rank
    word_ref[pl.ds(b, 1), :] = w_s

    xb_i = jax.lax.bitcast_convert_type(xb, jnp.int32)
    rnd = xb_i + 0x7FFF + ((xb_i >> 16) & 1)
    bfb = jax.lax.shift_right_logical(rnd, 16)
    xi_ref[...] = bfb[:, :HW] | (bfb[:, HW:] << 16)

    @pl.when(b == E - 1)
    def _finalize():
        hist = carry[...]
        pc = jnp.floor((hist + (BR - 1.0)) / BR) * BR
        e8 = lax.broadcasted_iota(jnp.int32, (E, 1), 0).astype(jnp.float32)
        e_all = eo[...]
        posf = ro[...]
        for ex in range(E):
            start = jnp.sum(pc * (e8 < ex))
            posf = posf + jnp.where(e_all == ex, start, 0.0)
        pos_ref[...] = posf.astype(jnp.int32)
        bstart = (lax.broadcasted_iota(jnp.int32, (1, 32), 1)
                  .astype(jnp.float32) * BR)
        acc = jnp.zeros((1, 32), jnp.float32)
        for ex in range(E):
            end = jnp.sum(pc * (e8 <= ex))
            acc = acc + jnp.where(bstart >= end, 1.0, 0.0)
        blk_ref[...] = jnp.minimum(acc, E - 1.0).astype(jnp.int32)


def _run_router(xf, router_w):
    return pl.pallas_call(
        _router_body,
        grid=(E,),
        in_specs=[
            pl.BlockSpec((TB, HS), lambda b: (b, 0)),
            pl.BlockSpec((HS, E), lambda b: (0, 0)),
        ],
        out_specs=[
            pl.BlockSpec((E, SB), lambda b: (0, 0)),
            pl.BlockSpec((E, SB), lambda b: (0, 0)),
            pl.BlockSpec((1, 32), lambda b: (0, 0)),
            pl.BlockSpec((TB, HW), lambda b: (b, 0)),
        ],
        out_shape=[
            jax.ShapeDtypeStruct((E, SB), jnp.int32),
            jax.ShapeDtypeStruct((E, SB), jnp.float32),
            jax.ShapeDtypeStruct((1, 32), jnp.int32),
            jax.ShapeDtypeStruct((T, HW), jnp.int32),
        ],
        scratch_shapes=[
            pltpu.VMEM((E, 1), jnp.float32),
            pltpu.VMEM((E, SB), jnp.float32),
            pltpu.VMEM((E, SB), jnp.float32),
        ],
    )(xf, router_w)


@functools.lru_cache(maxsize=None)
def _make_gather_kernel():
    mesh = plsc.VectorSubcoreMesh(core_axis_name="c", subcore_axis_name="s")
    return pl.kernel(
        _permute_body,
        out_type=jax.ShapeDtypeStruct((NPAD, HW), jnp.int32),
        mesh=mesh,
        scratch_types=[
            pltpu.VMEM((TPW, HW), jnp.int32),
            pltpu.VMEM((TPW,), jnp.int32),
            pltpu.VMEM((TPW,), jnp.int32),
            pltpu.SemaphoreType.DMA,
            pltpu.SemaphoreType.DMA,
        ],
        compiler_params=pltpu.CompilerParams(needs_layout_passes=False),
    )


def _permute_body(pos_hbm, x_hbm, xg_hbm, rows_v, idx0, idx1, sem0, sem1):
    wid = lax.axis_index("s") * 2 + lax.axis_index("c")
    t0 = wid * TPW
    s0 = pl.multiple_of(((t0 >> 8) << 9) | (t0 & 255), 64)
    pltpu.sync_copy(pos_hbm.at[pl.ds(s0, TPW)], idx0)
    pltpu.sync_copy(pos_hbm.at[pl.ds(s0 + TB, TPW)], idx1)
    pltpu.sync_copy(x_hbm.at[pl.ds(t0, TPW)], rows_v)
    cp0 = pltpu.async_copy(rows_v, xg_hbm.at[idx0], sem0)
    cp1 = pltpu.async_copy(rows_v, xg_hbm.at[idx1], sem1)
    cp0.wait()
    cp1.wait()


def _gemm_body(be_ref, xgi_ref, w1_ref, w2_ref, z_ref):
    xi = xgi_ref[...]
    lo = jax.lax.bitcast_convert_type(xi << 16, jnp.float32)
    hi = jax.lax.bitcast_convert_type(xi & jnp.int32(-65536), jnp.float32)
    xg = jnp.concatenate([lo, hi], axis=1).astype(jnp.bfloat16)
    h = jnp.dot(xg, w1_ref[0].astype(jnp.bfloat16),
                preferred_element_type=jnp.float32)
    z_ref[...] = jnp.dot(h.astype(jnp.bfloat16),
                         w2_ref[0].astype(jnp.bfloat16),
                         preferred_element_type=jnp.float32)


def _run_gemm(blk_e, xg, W1, W2):
    grid_spec = pltpu.PrefetchScalarGridSpec(
        num_scalar_prefetch=1,
        grid=(NBLK,),
        in_specs=[
            pl.BlockSpec((BR, HW), lambda b, be: (b, 0)),
            pl.BlockSpec((1, HS, DFF), lambda b, be: (be[b], 0, 0)),
            pl.BlockSpec((1, DFF, HS), lambda b, be: (be[b], 0, 0)),
        ],
        out_specs=pl.BlockSpec((BR, HS), lambda b, be: (b, 0)),
    )
    return pl.pallas_call(
        _gemm_body,
        grid_spec=grid_spec,
        out_shape=jax.ShapeDtypeStruct((NPAD, HS), jnp.float32),
    )(blk_e, xg, W1, W2)


@functools.lru_cache(maxsize=None)
def _make_combine_kernel():
    mesh = plsc.VectorSubcoreMesh(core_axis_name="c", subcore_axis_name="s")
    return pl.kernel(
        _combine_body,
        out_type=jax.ShapeDtypeStruct((T, HS), jnp.float32),
        mesh=mesh,
        scratch_types=[
            pltpu.VMEM((CT,), jnp.int32),
            pltpu.VMEM((CT,), jnp.int32),
            pltpu.VMEM((CT,), jnp.float32),
            pltpu.VMEM((CT,), jnp.float32),
            pltpu.VMEM((CT, HS), jnp.float32),
            pltpu.VMEM((CT, HS), jnp.float32),
            pltpu.VMEM((CT, HS), jnp.float32),
            pltpu.SemaphoreType.DMA,
            pltpu.SemaphoreType.DMA,
        ],
        compiler_params=pltpu.CompilerParams(needs_layout_passes=False),
    )


def _combine_body(pos_hbm, word_hbm, z_hbm, out_hbm,
                  idx0, idx1, w0v, w1v, rows0, rows1, outb, sem, sem2):
    wid = lax.axis_index("s") * 2 + lax.axis_index("c")
    t0 = wid * TPW
    s0 = ((t0 >> 8) << 9) | (t0 & 255)
    for c in range(TPW // CT):
        sc0 = pl.multiple_of(s0 + c * CT, 32)
        pltpu.sync_copy(pos_hbm.at[pl.ds(sc0, CT)], idx0)
        pltpu.sync_copy(pos_hbm.at[pl.ds(sc0 + TB, CT)], idx1)
        pltpu.sync_copy(word_hbm.at[pl.ds(sc0, CT)], w0v)
        pltpu.sync_copy(word_hbm.at[pl.ds(sc0 + TB, CT)], w1v)
        cp0 = pltpu.async_copy(z_hbm.at[idx0], rows0, sem)
        cp1 = pltpu.async_copy(z_hbm.at[idx1], rows1, sem2)
        cp0.wait()
        cp1.wait()

        def row_body(r, cc):
            bidx = jnp.full((16,), r, jnp.int32)
            wa = plsc.load_gather(w0v, [bidx])
            wb = plsc.load_gather(w1v, [bidx])
            for u in range(HS // 16):
                a = rows0[r, pl.ds(u * 16, 16)]
                bb = rows1[r, pl.ds(u * 16, 16)]
                outb[r, pl.ds(u * 16, 16)] = wa * a + wb * bb
            return cc

        lax.fori_loop(0, CT, row_body, 0)
        pltpu.sync_copy(outb, out_hbm.at[pl.ds(t0 + c * CT, CT)])


def kernel(x, router_w, W1, W2):
    sl, bs, hs = x.shape
    xf = x.reshape(T, HS)
    pos2, word2, blk2, xi = _run_router(xf, router_w)
    pos = pos2.reshape(TK)
    word = word2.reshape(TK)
    blk_e = blk2.reshape(32)[:NBLK]
    xgi = _make_gather_kernel()(pos, xi)
    z = _run_gemm(blk_e, xgi, W1, W2)
    out = _make_combine_kernel()(pos, word, z)
    return out.reshape(sl, bs, hs)

# --- scband reference (transcript-rebuilt; emitter-appended) ---
"""Pipeline reference for scband-d-mo-a-2216203124860 (READ-ONLY COPY).

The authoritative reference and input builder live on the scoring server;
editing this copy changes nothing except your own understanding.
"""

import jax, jax.numpy as jnp
import numpy as np

E = 8
TOP_K = 2
SL, BS, HS = 2048, 1, 1024
DFF = 1024


def setup_inputs(seed: int = 0) -> dict:
    key = jax.random.key(seed)
    k1, k2, k3, k4 = jax.random.split(key, 4)
    x = jax.random.normal(k1, (SL, BS, HS), dtype=jnp.float32)
    router_w = jax.random.normal(k2, (HS, E), dtype=jnp.float32) * 0.02
    W1 = jax.random.normal(k3, (E, HS, DFF), dtype=jnp.float32) * 0.02
    W2 = jax.random.normal(k4, (E, DFF, HS), dtype=jnp.float32) * 0.02
    return {"x": x, "router_w": router_w, "W1": W1, "W2": W2}


def _grouped_mm(xg, sorted_experts, W):
    # dropless grouped GEMM emulation: tokens are sorted by expert id (bin_ids),
    # each row of xg is multiplied by the weight of its assigned expert.
    out = jnp.zeros((xg.shape[0], W.shape[2]), dtype=xg.dtype)
    for e in range(W.shape[0]):
        mask = (sorted_experts == e)[:, None].astype(xg.dtype)
        out = out + mask * (xg @ W[e])
    return out


def reference(x, router_w, W1, W2):
    sl, bs, hs = x.shape
    xf = x.reshape(-1, hs)                      # [T, hs]
    T = xf.shape[0]
    # LearnedRouter: logits -> softmax -> top-k expert weights / ids
    logits = xf @ router_w                      # [T, E]
    scores = jax.nn.softmax(logits, axis=-1)
    expert_weights, top_experts = jax.lax.top_k(scores, TOP_K)  # [T, k]
    flat_e = top_experts.reshape(-1)            # [T*k]
    flat_w = expert_weights.reshape(-1)         # [T*k]
    # indices_and_bins: sort token-slots by expert id (stable)
    order = jnp.argsort(flat_e)                 # indices
    token_idx = order // TOP_K
    # map stage: ops.gather(x, indices, bin_ids, bins, top_k) then mlp.map (W1)
    xg = jnp.take(xf, token_idx, axis=0)        # [T*k, hs]
    se = jnp.take(flat_e, order, axis=0)        # sorted bin ids
    h = _grouped_mm(xg, se, W1)                 # [T*k, dff] == map output (per top_k slot)
    # reduce stage: mlp.reduce (W2) then ops.scatter with expert_weights (weighted sum over top_k)
    z = _grouped_mm(h, se, W2)                  # [T*k, hs]
    wz = jnp.take(flat_w, order, axis=0)[:, None] * z
    out = jnp.zeros((T, hs), dtype=x.dtype).at[token_idx].add(wz)
    return out.reshape(sl, bs, hs)

if __name__ == "__main__":
    import jax
    _d = setup_inputs()
    print(jax.jit(kernel)(*tuple(_d.values())))

</pallas_src>

<mosaic_0001>
#map = affine_map<(d0, d1) -> (0)>
#map1 = affine_map<(d0, d1) -> (0, 0)>
module attributes {stable_mosaic.version = 14 : i64} {
  func.func @_permute_body(%arg0: i32, %arg1: i32, %arg2: memref<4096xi32, #tpu.memory_space<hbm>>, %arg3: memref<2048x512xi32, #tpu.memory_space<hbm>>, %arg4: memref<6144x512xi32, #tpu.memory_space<hbm>>, %arg5: memref<64x512xi32, #tpu.memory_space<vmem>>, %arg6: memref<64xi32, #tpu.memory_space<vmem>>, %arg7: memref<64xi32, #tpu.memory_space<vmem>>, %arg8: memref<!tpu.dma_semaphore, #tpu.memory_space<semaphore_mem>>, %arg9: memref<!tpu.dma_semaphore, #tpu.memory_space<semaphore_mem>>) attributes {dimension_semantics = [#tpu.dimension_semantics<core_parallel>, #tpu.dimension_semantics<subcore_parallel>], iteration_bounds = array<i64: 2, 16>, scalar_prefetch = 0 : i64, scratch_operands = 5 : i64, tpu.core_type = #tpu.core_type<sc_vector_subcore>, window_params = [{transform_indices = #map}, {transform_indices = #map1}, {transform_indices = #map1}]} {
    %mul3A = arith.constant 2 : i32
    %mul3A_0 = arith.muli %arg1, %mul3A : i32
    %add3A = arith.addi %mul3A_0, %arg0 : i32
    %mul3A_1 = arith.constant 64 : i32
    %mul3A_2 = arith.muli %add3A, %mul3A_1 : i32
    %shift_right_arithmetic3A = arith.constant 8 : i32
    %shift_right_arithmetic3A_3 = arith.shrsi %mul3A_2, %shift_right_arithmetic3A : i32
    %shift_left3A = arith.constant 9 : i32
    %shift_left3A_4 = arith.shli %shift_right_arithmetic3A_3, %shift_left3A : i32
    %and3A = arith.constant 255 : i32
    %and3A_5 = arith.andi %mul3A_2, %and3A : i32
    %or3A = arith.ori %shift_left3A_4, %and3A_5 : i32
    %multiple_of3A = tpu.assume_multiple %or3A, 64 : i32
    "tpu.region"() ({
      %run_scoped3A = tpu.sem_alloc : memref<!tpu.dma_semaphore, #tpu.memory_space<semaphore_mem>>
      %dma_start3A_18 = tpu.memref_slice %arg2[%multiple_of3A] : memref<4096xi32, #tpu.memory_space<hbm>> -> memref<64xi32, #tpu.memory_space<hbm>>
      %dma_start3A_19 = tpu.memref_slice %arg2[%multiple_of3A] : memref<4096xi32, #tpu.memory_space<hbm>> -> memref<64xi32, #tpu.memory_space<hbm>>
      tpu.enqueue_dma source(%dma_start3A_19 : memref<64xi32, #tpu.memory_space<hbm>>) target(%arg6 : memref<64xi32, #tpu.memory_space<vmem>>) target_semaphore(%run_scoped3A : memref<!tpu.dma_semaphore, #tpu.memory_space<semaphore_mem>>)
      %dma_wait3A_20 = tpu.memref_slice %arg2[%multiple_of3A] : memref<4096xi32, #tpu.memory_space<hbm>> -> memref<64xi32, #tpu.memory_space<hbm>>
      %dma_wait3A_21 = tpu.memref_slice %arg2[%multiple_of3A] : memref<4096xi32, #tpu.memory_space<hbm>> -> memref<64xi32, #tpu.memory_space<hbm>>
      tpu.wait_dma2 semaphore(%run_scoped3A : memref<!tpu.dma_semaphore, #tpu.memory_space<semaphore_mem>>) src(%dma_wait3A_21 : memref<64xi32, #tpu.memory_space<hbm>>) dst(%arg6 : memref<64xi32, #tpu.memory_space<vmem>>)
      tpu.yield
    }) : () -> ()
    %add3A_6 = arith.constant 256 : i32
    %add3A_7 = arith.addi %multiple_of3A, %add3A_6 : i32
    "tpu.region"() ({
      %run_scoped3A = tpu.sem_alloc : memref<!tpu.dma_semaphore, #tpu.memory_space<semaphore_mem>>
      %dma_start3A_18 = tpu.memref_slice %arg2[%add3A_7] : memref<4096xi32, #tpu.memory_space<hbm>> -> memref<64xi32, #tpu.memory_space<hbm>>
      %dma_start3A_19 = tpu.memref_slice %arg2[%add3A_7] : memref<4096xi32, #tpu.memory_space<hbm>> -> memref<64xi32, #tpu.memory_space<hbm>>
      tpu.enqueue_dma source(%dma_start3A_19 : memref<64xi32, #tpu.memory_space<hbm>>) target(%arg7 : memref<64xi32, #tpu.memory_space<vmem>>) target_semaphore(%run_scoped3A : memref<!tpu.dma_semaphore, #tpu.memory_space<semaphore_mem>>)
      %dma_wait3A_20 = tpu.memref_slice %arg2[%add3A_7] : memref<4096xi32, #tpu.memory_space<hbm>> -> memref<64xi32, #tpu.memory_space<hbm>>
      %dma_wait3A_21 = tpu.memref_slice %arg2[%add3A_7] : memref<4096xi32, #tpu.memory_space<hbm>> -> memref<64xi32, #tpu.memory_space<hbm>>
      tpu.wait_dma2 semaphore(%run_scoped3A : memref<!tpu.dma_semaphore, #tpu.memory_space<semaphore_mem>>) src(%dma_wait3A_21 : memref<64xi32, #tpu.memory_space<hbm>>) dst(%arg7 : memref<64xi32, #tpu.memory_space<vmem>>)
      tpu.yield
    }) : () -> ()
    "tpu.region"() ({
      %run_scoped3A = tpu.sem_alloc : memref<!tpu.dma_semaphore, #tpu.memory_space<semaphore_mem>>
      %dma_start3A_18 = arith.constant 0 : i32
      %dma_start3A_19 = tpu.memref_slice %arg3[%mul3A_2, %dma_start3A_18] : memref<2048x512xi32, #tpu.memory_space<hbm>> -> memref<64x512xi32, #tpu.memory_space<hbm>>
      %dma_start3A_20 = arith.constant 0 : i32
      %dma_start3A_21 = tpu.memref_slice %arg3[%mul3A_2, %dma_start3A_20] : memref<2048x512xi32, #tpu.memory_space<hbm>> -> memref<64x512xi32, #tpu.memory_space<hbm>>
      tpu.enqueue_dma source(%dma_start3A_21 : memref<64x512xi32, #tpu.memory_space<hbm>>) target(%arg5 : memref<64x512xi32, #tpu.memory_space<vmem>>) target_semaphore(%run_scoped3A : memref<!tpu.dma_semaphore, #tpu.memory_space<semaphore_mem>>)
      %dma_wait3A_22 = arith.constant 0 : i32
      %dma_wait3A_23 = tpu.memref_slice %arg3[%mul3A_2, %dma_wait3A_22] : memref<2048x512xi32, #tpu.memory_space<hbm>> -> memref<64x512xi32, #tpu.memory_space<hbm>>
      %dma_wait3A_24 = arith.constant 0 : i32
      %dma_wait3A_25 = tpu.memref_slice %arg3[%mul3A_2, %dma_wait3A_24] : memref<2048x512xi32, #tpu.memory_space<hbm>> -> memref<64x512xi32, #tpu.memory_space<hbm>>
      tpu.wait_dma2 semaphore(%run_scoped3A : memref<!tpu.dma_semaphore, #tpu.memory_space<semaphore_mem>>) src(%dma_wait3A_25 : memref<64x512xi32, #tpu.memory_space<hbm>>) dst(%arg5 : memref<64x512xi32, #tpu.memory_space<vmem>>)
      tpu.yield
    }) : () -> ()
    %dma_start3A = arith.constant 0 : i32
    %dma_start3A_8 = arith.constant 0 : i32
    %dma_start3A_9 = tpu.memref_slice %arg4[%dma_start3A, %dma_start3A_8] : memref<6144x512xi32, #tpu.memory_space<hbm>> -> memref<6144x512xi32, #tpu.memory_space<hbm>>
    tpu.enqueue_indirect_dma source(%arg5 : memref<64x512xi32, #tpu.memory_space<vmem>>) target(%dma_start3A_9 : memref<6144x512xi32, #tpu.memory_space<hbm>>) offsets(%arg6 : memref<64xi32, #tpu.memory_space<vmem>>) semaphore(%arg8 : memref<!tpu.dma_semaphore, #tpu.memory_space<semaphore_mem>>)
    %dma_start3A_10 = arith.constant 0 : i32
    %dma_start3A_11 = arith.constant 0 : i32
    %dma_start3A_12 = tpu.memref_slice %arg4[%dma_start3A_10, %dma_start3A_11] : memref<6144x512xi32, #tpu.memory_space<hbm>> -> memref<6144x512xi32, #tpu.memory_space<hbm>>
    tpu.enqueue_indirect_dma source(%arg5 : memref<64x512xi32, #tpu.memory_space<vmem>>) target(%dma_start3A_12 : memref<6144x512xi32, #tpu.memory_space<hbm>>) offsets(%arg7 : memref<64xi32, #tpu.memory_space<vmem>>) semaphore(%arg9 : memref<!tpu.dma_semaphore, #tpu.memory_space<semaphore_mem>>)
    %dma_wait3A = arith.constant 0 : i32
    %dma_wait3A_13 = arith.constant 0 : i32
    %dma_wait3A_14 = tpu.memref_slice %arg4[%dma_wait3A, %dma_wait3A_13] : memref<6144x512xi32, #tpu.memory_space<hbm>> -> memref<6144x512xi32, #tpu.memory_space<hbm>>
    tpu.wait_indirect_dma semaphore(%arg8 : memref<!tpu.dma_semaphore, #tpu.memory_space<semaphore_mem>>) src(%arg5 : memref<64x512xi32, #tpu.memory_space<vmem>>) dst(%dma_wait3A_14 : memref<6144x512xi32, #tpu.memory_space<hbm>>)
    %dma_wait3A_15 = arith.constant 0 : i32
    %dma_wait3A_16 = arith.constant 0 : i32
    %dma_wait3A_17 = tpu.memref_slice %arg4[%dma_wait3A_15, %dma_wait3A_16] : memref<6144x512xi32, #tpu.memory_space<hbm>> -> memref<6144x512xi32, #tpu.memory_space<hbm>>
    tpu.wait_indirect_dma semaphore(%arg9 : memref<!tpu.dma_semaphore, #tpu.memory_space<semaphore_mem>>) src(%arg5 : memref<64x512xi32, #tpu.memory_space<vmem>>) dst(%dma_wait3A_17 : memref<6144x512xi32, #tpu.memory_space<hbm>>)
    return
  }
}

#map = affine_map<(d0, d1) -> (0)>
#map1 = affine_map<(d0, d1) -> (0, 0)>
module attributes {stable_mosaic.version = 14 : i64} {
  func.func @_combine_body(%arg0: i32, %arg1: i32, %arg2: memref<4096xi32, #tpu.memory_space<hbm>>, %arg3: memref<4096xf32, #tpu.memory_space<hbm>>, %arg4: memref<6144x1024xf32, #tpu.memory_space<hbm>>, %arg5: memref<2048x1024xf32, #tpu.memory_space<hbm>>, %arg6: memref<32xi32, #tpu.memory_space<vmem>>, %arg7: memref<32xi32, #tpu.memory_space<vmem>>, %arg8: memref<32xf32, #tpu.memory_space<vmem>>, %arg9: memref<32xf32, #tpu.memory_space<vmem>>, %arg10: memref<32x1024xf32, #tpu.memory_space<vmem>>, %arg11: memref<32x1024xf32, #tpu.memory_space<vmem>>, %arg12: memref<32x1024xf32, #tpu.memory_space<vmem>>, %arg13: memref<!tpu.dma_semaphore, #tpu.memory_space<semaphore_mem>>, %arg14: memref<!tpu.dma_semaphore, #tpu.memory_space<semaphore_mem>>) attributes {dimension_semantics = [#tpu.dimension_semantics<core_parallel>, #tpu.dimension_semantics<subcore_parallel>], iteration_bounds = array<i64: 2, 16>, scalar_prefetch = 0 : i64, scratch_operands = 9 : i64, tpu.core_type = #tpu.core_type<sc_vector_subcore>, window_params = [{transform_indices = #map}, {transform_indices = #map}, {transform_indices = #map1}, {transform_indices = #map1}]} {
    %mul3A = arith.constant 2 : i32
    %mul3A_0 = arith.muli %arg1, %mul3A : i32
    %add3A = arith.addi %mul3A_0, %arg0 : i32
    %mul3A_1 = arith.constant 64 : i32
    %mul3A_2 = arith.muli %add3A, %mul3A_1 : i32
    %shift_right_arithmetic3A = arith.constant 8 : i32
    %shift_right_arithmetic3A_3 = arith.shrsi %mul3A_2, %shift_right_arithmetic3A : i32
    %shift_left3A = arith.constant 9 : i32
    %shift_left3A_4 = arith.shli %shift_right_arithmetic3A_3, %shift_left3A : i32
    %and3A = arith.constant 255 : i32
    %and3A_5 = arith.andi %mul3A_2, %and3A : i32
    %or3A = arith.ori %shift_left3A_4, %and3A_5 : i32
    %add3A_6 = arith.constant 0 : i32
    %add3A_7 = arith.addi %or3A, %add3A_6 : i32
    %multiple_of3A = tpu.assume_multiple %add3A_7, 32 : i32
    "tpu.region"() ({
      %run_scoped3A = tpu.sem_alloc : memref<!tpu.dma_semaphore, #tpu.memory_space<semaphore_mem>>
      %dma_start3A_56 = tpu.memref_slice %arg2[%multiple_of3A] : memref<4096xi32, #tpu.memory_space<hbm>> -> memref<32xi32, #tpu.memory_space<hbm>>
      %dma_start3A_57 = tpu.memref_slice %arg2[%multiple_of3A] : memref<4096xi32, #tpu.memory_space<hbm>> -> memref<32xi32, #tpu.memory_space<hbm>>
      tpu.enqueue_dma source(%dma_start3A_57 : memref<32xi32, #tpu.memory_space<hbm>>) target(%arg6 : memref<32xi32, #tpu.memory_space<vmem>>) target_semaphore(%run_scoped3A : memref<!tpu.dma_semaphore, #tpu.memory_space<semaphore_mem>>)
      %dma_wait3A_58 = tpu.memref_slice %arg2[%multiple_of3A] : memref<4096xi32, #tpu.memory_space<hbm>> -> memref<32xi32, #tpu.memory_space<hbm>>
      %dma_wait3A_59 = tpu.memref_slice %arg2[%multiple_of3A] : memref<4096xi32, #tpu.memory_space<hbm>> -> memref<32xi32, #tpu.memory_space<hbm>>
      tpu.wait_dma2 semaphore(%run_scoped3A : memref<!tpu.dma_semaphore, #tpu.memory_space<semaphore_mem>>) src(%dma_wait3A_59 : memref<32xi32, #tpu.memory_space<hbm>>) dst(%arg6 : memref<32xi32, #tpu.memory_space<vmem>>)
      tpu.yield
    }) : () -> ()
    %add3A_8 = arith.constant 256 : i32
    %add3A_9 = arith.addi %multiple_of3A, %add3A_8 : i32
    "tpu.region"() ({
      %run_scoped3A = tpu.sem_alloc : memref<!tpu.dma_semaphore, #tpu.memory_space<semaphore_mem>>
      %dma_start3A_56 = tpu.memref_slice %arg2[%add3A_9] : memref<4096xi32, #tpu.memory_space<hbm>> -> memref<32xi32, #tpu.memory_space<hbm>>
      %dma_start3A_57 = tpu.memref_slice %arg2[%add3A_9] : memref<4096xi32, #tpu.memory_space<hbm>> -> memref<32xi32, #tpu.memory_space<hbm>>
      tpu.enqueue_dma source(%dma_start3A_57 : memref<32xi32, #tpu.memory_space<hbm>>) target(%arg7 : memref<32xi32, #tpu.memory_space<vmem>>) target_semaphore(%run_scoped3A : memref<!tpu.dma_semaphore, #tpu.memory_space<semaphore_mem>>)
      %dma_wait3A_58 = tpu.memref_slice %arg2[%add3A_9] : memref<4096xi32, #tpu.memory_space<hbm>> -> memref<32xi32, #tpu.memory_space<hbm>>
      %dma_wait3A_59 = tpu.memref_slice %arg2[%add3A_9] : memref<4096xi32, #tpu.memory_space<hbm>> -> memref<32xi32, #tpu.memory_space<hbm>>
      tpu.wait_dma2 semaphore(%run_scoped3A : memref<!tpu.dma_semaphore, #tpu.memory_space<semaphore_mem>>) src(%dma_wait3A_59 : memref<32xi32, #tpu.memory_space<hbm>>) dst(%arg7 : memref<32xi32, #tpu.memory_space<vmem>>)
      tpu.yield
    }) : () -> ()
    "tpu.region"() ({
      %run_scoped3A = tpu.sem_alloc : memref<!tpu.dma_semaphore, #tpu.memory_space<semaphore_mem>>
      %dma_start3A_56 = tpu.memref_slice %arg3[%multiple_of3A] : memref<4096xf32, #tpu.memory_space<hbm>> -> memref<32xf32, #tpu.memory_space<hbm>>
      %dma_start3A_57 = tpu.memref_slice %arg3[%multiple_of3A] : memref<4096xf32, #tpu.memory_space<hbm>> -> memref<32xf32, #tpu.memory_space<hbm>>
      tpu.enqueue_dma source(%dma_start3A_57 : memref<32xf32, #tpu.memory_space<hbm>>) target(%arg8 : memref<32xf32, #tpu.memory_space<vmem>>) target_semaphore(%run_scoped3A : memref<!tpu.dma_semaphore, #tpu.memory_space<semaphore_mem>>)
      %dma_wait3A_58 = tpu.memref_slice %arg3[%multiple_of3A] : memref<4096xf32, #tpu.memory_space<hbm>> -> memref<32xf32, #tpu.memory_space<hbm>>
      %dma_wait3A_59 = tpu.memref_slice %arg3[%multiple_of3A] : memref<4096xf32, #tpu.memory_space<hbm>> -> memref<32xf32, #tpu.memory_space<hbm>>
      tpu.wait_dma2 semaphore(%run_scoped3A : memref<!tpu.dma_semaphore, #tpu.memory_space<semaphore_mem>>) src(%dma_wait3A_59 : memref<32xf32, #tpu.memory_space<hbm>>) dst(%arg8 : memref<32xf32, #tpu.memory_space<vmem>>)
      tpu.yield
    }) : () -> ()
    %add3A_10 = arith.constant 256 : i32
    %add3A_11 = arith.addi %multiple_of3A, %add3A_10 : i32
    "tpu.region"() ({
      %run_scoped3A = tpu.sem_alloc : memref<!tpu.dma_semaphore, #tpu.memory_space<semaphore_mem>>
      %dma_start3A_56 = tpu.memref_slice %arg3[%add3A_11] : memref<4096xf32, #tpu.memory_space<hbm>> -> memref<32xf32, #tpu.memory_space<hbm>>
      %dma_start3A_57 = tpu.memref_slice %arg3[%add3A_11] : memref<4096xf32, #tpu.memory_space<hbm>> -> memref<32xf32, #tpu.memory_space<hbm>>
      tpu.enqueue_dma source(%dma_start3A_57 : memref<32xf32, #tpu.memory_space<hbm>>) target(%arg9 : memref<32xf32, #tpu.memory_space<vmem>>) target_semaphore(%run_scoped3A : memref<!tpu.dma_semaphore, #tpu.memory_space<semaphore_mem>>)
      %dma_wait3A_58 = tpu.memref_slice %arg3[%add3A_11] : memref<4096xf32, #tpu.memory_space<hbm>> -> memref<32xf32, #tpu.memory_space<hbm>>
      %dma_wait3A_59 = tpu.memref_slice %arg3[%add3A_11] : memref<4096xf32, #tpu.memory_space<hbm>> -> memref<32xf32, #tpu.memory_space<hbm>>
      tpu.wait_dma2 semaphore(%run_scoped3A : memref<!tpu.dma_semaphore, #tpu.memory_space<semaphore_mem>>) src(%dma_wait3A_59 : memref<32xf32, #tpu.memory_space<hbm>>) dst(%arg9 : memref<32xf32, #tpu.memory_space<vmem>>)
      tpu.yield
    }) : () -> ()
    %dma_start3A = arith.constant 0 : i32
    %dma_start3A_12 = arith.constant 0 : i32
    %dma_start3A_13 = tpu.memref_slice %arg4[%dma_start3A, %dma_start3A_12] : memref<6144x1024xf32, #tpu.memory_space<hbm>> -> memref<6144x1024xf32, #tpu.memory_space<hbm>>
    tpu.enqueue_indirect_dma source(%dma_start3A_13 : memref<6144x1024xf32, #tpu.memory_space<hbm>>) target(%arg10 : memref<32x1024xf32, #tpu.memory_space<vmem>>) offsets(%arg6 : memref<32xi32, #tpu.memory_space<vmem>>) semaphore(%arg13 : memref<!tpu.dma_semaphore, #tpu.memory_space<semaphore_mem>>)
    %dma_start3A_14 = arith.constant 0 : i32
    %dma_start3A_15 = arith.constant 0 : i32
    %dma_start3A_16 = tpu.memref_slice %arg4[%dma_start3A_14, %dma_start3A_15] : memref<6144x1024xf32, #tpu.memory_space<hbm>> -> memref<6144x1024xf32, #tpu.memory_space<hbm>>
    tpu.enqueue_indirect_dma source(%dma_start3A_16 : memref<6144x1024xf32, #tpu.memory_space<hbm>>) target(%arg11 : memref<32x1024xf32, #tpu.memory_space<vmem>>) offsets(%arg7 : memref<32xi32, #tpu.memory_space<vmem>>) semaphore(%arg14 : memref<!tpu.dma_semaphore, #tpu.memory_space<semaphore_mem>>)
    %dma_wait3A = arith.constant 0 : i32
    %dma_wait3A_17 = arith.constant 0 : i32
    %dma_wait3A_18 = tpu.memref_slice %arg4[%dma_wait3A, %dma_wait3A_17] : memref<6144x1024xf32, #tpu.memory_space<hbm>> -> memref<6144x1024xf32, #tpu.memory_space<hbm>>
    tpu.wait_indirect_dma semaphore(%arg13 : memref<!tpu.dma_semaphore, #tpu.memory_space<semaphore_mem>>) src(%dma_wait3A_18 : memref<6144x1024xf32, #tpu.memory_space<hbm>>) dst(%arg10 : memref<32x1024xf32, #tpu.memory_space<vmem>>)
    %dma_wait3A_19 = arith.constant 0 : i32
    %dma_wait3A_20 = arith.constant 0 : i32
    %dma_wait3A_21 = tpu.memref_slice %arg4[%dma_wait3A_19, %dma_wait3A_20] : memref<6144x1024xf32, #tpu.memory_space<hbm>> -> memref<6144x1024xf32, #tpu.memory_space<hbm>>
    tpu.wait_indirect_dma semaphore(%arg14 : memref<!tpu.dma_semaphore, #tpu.memory_space<semaphore_mem>>) src(%dma_wait3A_21 : memref<6144x1024xf32, #tpu.memory_space<hbm>>) dst(%arg11 : memref<32x1024xf32, #tpu.memory_space<vmem>>)
    %scan3A = arith.constant 0 : i32
    %scan3A_22 = arith.constant 0 : i32
    %scan3A_23 = arith.constant 32 : i32
    %scan3A_24 = arith.addi %scan3A_22, %scan3A_23 : i32
    %scan3A_25 = arith.constant 1 : i32
    scf.for %scan3A_56 = %scan3A_22 to %scan3A_24 step %scan3A_25  : i32 {
      %broadcast_in_dim3A = vector.broadcast %scan3A_56 : i32 to vector<16xi32>
      %gather3A = tpu.vector_load_idx %arg8[%broadcast_in_dim3A] : memref<32xf32, #tpu.memory_space<vmem>>[vector<16xi32>], vector<16xf32>,
      %gather3A_57 = tpu.vector_load_idx %arg9[%broadcast_in_dim3A] : memref<32xf32, #tpu.memory_space<vmem>>[vector<16xi32>], vector<16xf32>,
      %get3A = arith.index_cast %scan3A_56 : i32 to index
      %get3A_58 = arith.constant 0 : index
      %get3A_59 = tpu.vector_load %arg10[%get3A, %get3A_58] {strides = array<i32>} : memref<32x1024xf32, #tpu.memory_space<vmem>>, vector<16xf32>,
      %get3A_60 = arith.index_cast %scan3A_56 : i32 to index
      %get3A_61 = arith.constant 0 : index
      %get3A_62 = tpu.vector_load %arg11[%get3A_60, %get3A_61] {strides = array<i32>} : memref<32x1024xf32, #tpu.memory_space<vmem>>, vector<16xf32>,
      %mul3A_63 = arith.mulf %gather3A, %get3A_59 : vector<16xf32>
      %mul3A_64 = arith.mulf %gather3A_57, %get3A_62 : vector<16xf32>
      %add3A_65 = arith.addf %mul3A_63, %mul3A_64 : vector<16xf32>
      %swap3A = arith.index_cast %scan3A_56 : i32 to index
      %swap3A_66 = arith.constant 0 : index
      %swap3A_67 = tpu.vector_load %arg12[%swap3A, %swap3A_66] {strides = array<i32>} : memref<32x1024xf32, #tpu.memory_space<vmem>>, vector<16xf32>,
      tpu.vector_store %arg12[%swap3A, %swap3A_66], %add3A_65 {strides = array<i32>} : memref<32x1024xf32, #tpu.memory_space<vmem>>, vector<16xf32>,
      %get3A_68 = arith.index_cast %scan3A_56 : i32 to index
      %get3A_69 = arith.constant 16 : index
      %get3A_70 = tpu.vector_load %arg10[%get3A_68, %get3A_69] {strides = array<i32>} : memref<32x1024xf32, #tpu.memory_space<vmem>>, vector<16xf32>,
      %get3A_71 = arith.index_cast %scan3A_56 : i32 to index
      %get3A_72 = arith.constant 16 : index
      %get3A_73 = tpu.vector_load %arg11[%get3A_71, %get3A_72] {strides = array<i32>} : memref<32x1024xf32, #tpu.memory_space<vmem>>, vector<16xf32>,
      %mul3A_74 = arith.mulf %gather3A, %get3A_70 : vector<16xf32>
      %mul3A_75 = arith.mulf %gather3A_57, %get3A_73 : vector<16xf32>
      %add3A_76 = arith.addf %mul3A_74, %mul3A_75 : vector<16xf32>
      %swap3A_77 = arith.index_cast %scan3A_56 : i32 to index
      %swap3A_78 = arith.constant 16 : index
      %swap3A_79 = tpu.vector_load %arg12[%swap3A_77, %swap3A_78] {strides = array<i32>} : memref<32x1024xf32, #tpu.memory_space<vmem>>, vector<16xf32>,
      tpu.vector_store %arg12[%swap3A_77, %swap3A_78], %add3A_76 {strides = array<i32>} : memref<32x1024xf32, #tpu.memory_space<vmem>>, vector<16xf32>,
      %get3A_80 = arith.index_cast %scan3A_56 : i32 to index
      %get3A_81 = arith.constant 32 : index
      %get3A_82 = tpu.vector_load %arg10[%get3A_80, %get3A_81] {strides = array<i32>} : memref<32x1024xf32, #tpu.memory_space<vmem>>, vector<16xf32>,
      %get3A_83 = arith.index_cast %scan3A_56 : i32 to index
      %get3A_84 = arith.constant 32 : index
      %get3A_85 = tpu.vector_load %arg11[%get3A_83, %get3A_84] {strides = array<i32>} : memref<32x1024xf32, #tpu.memory_space<vmem>>, vector<16xf32>,
      %mul3A_86 = arith.mulf %gather3A, %get3A_82 : vector<16xf32>
      %mul3A_87 = arith.mulf %gather3A_57, %get3A_85 : vector<16xf32>
      %add3A_88 = arith.addf %mul3A_86, %mul3A_87 : vector<16xf32>
      %swap3A_89 = arith.index_cast %scan3A_56 : i32 to index
      %swap3A_90 = arith.constant 32 : index
      %swap3A_91 = tpu.vector_load %arg12[%swap3A_89, %swap3A_90] {strides = array<i32>} : memref<32x1024xf32, #tpu.memory_space<vmem>>, vector<16xf32>,
      tpu.vector_store %arg12[%swap3A_89, %swap3A_90], %add3A_88 {strides = array<i32>} : memref<32x1024xf32, #tpu.memory_space<vmem>>, vector<16xf32>,
      %get3A_92 = arith.index_cast %scan3A_56 : i32 to index
      %get3A_93 = arith.constant 48 : index
      %get3A_94 = tpu.vector_load %arg10[%get3A_92, %get3A_93] {strides = array<i32>} : memref<32x1024xf32, #tpu.memory_space<vmem>>, vector<16xf32>,
      %get3A_95 = arith.index_cast %scan3A_56 : i32 to index
      %get3A_96 = arith.constant 48 : index
      %get3A_97 = tpu.vector_load %arg11[%get3A_95, %get3A_96] {strides = array<i32>} : memref<32x1024xf32, #tpu.memory_space<vmem>>, vector<16xf32>,
      %mul3A_98 = arith.mulf %gather3A, %get3A_94 : vector<16xf32>
      %mul3A_99 = arith.mulf %gather3A_57, %get3A_97 : vector<16xf32>
      %add3A_100 = arith.addf %mul3A_98, %mul3A_99 : vector<16xf32>
      %swap3A_101 = arith.index_cast %scan3A_56 : i32 to index
      %swap3A_102 = arith.constant 48 : index
      %swap3A_103 = tpu.vector_load %arg12[%swap3A_101, %swap3A_102] {strides = array<i32>} : memref<32x1024xf32, #tpu.memory_space<vmem>>, vector<16xf32>,
      tpu.vector_store %arg12[%swap3A_101, %swap3A_102], %add3A_100 {strides = array<i32>} : memref<32x1024xf32, #tpu.memory_space<vmem>>, vector<16xf32>,
      %get3A_104 = arith.index_cast %scan3A_56 : i32 to index
      %get3A_105 = arith.constant 64 : index
      %get3A_106 = tpu.vector_load %arg10[%get3A_104, %get3A_105] {strides = array<i32>} : memref<32x1024xf32, #tpu.memory_space<vmem>>, vector<16xf32>,
      %get3A_107 = arith.index_cast %scan3A_56 : i32 to index
      %get3A_108 = arith.constant 64 : index
      %get3A_109 = tpu.vector_load %arg11[%get3A_107, %get3A_108] {strides = array<i32>} : memref<32x1024xf32, #tpu.memory_space<vmem>>, vector<16xf32>,
      %mul3A_110 = arith.mulf %gather3A, %get3A_106 : vector<16xf32>
      %mul3A_111 = arith.mulf %gather3A_57, %get3A_109 : vector<16xf32>
      %add3A_112 = arith.addf %mul3A_110, %mul3A_111 : vector<16xf32>
      %swap3A_113 = arith.index_cast %scan3A_56 : i32 to index
      %swap3A_114 = arith.constant 64 : index
      %swap3A_115 = tpu.vector_load %arg12[%swap3A_113, %swap3A_114] {strides = array<i32>} : memref<32x1024xf32, #tpu.memory_space<vmem>>, vector<16xf32>,
      tpu.vector_store %arg12[%swap3A_113, %swap3A_114], %add3A_112 {strides = array<i32>} : memref<32x1024xf32, #tpu.memory_space<vmem>>, vector<16xf32>,
      %get3A_116 = arith.index_cast %scan3A_56 : i32 to index
      %get3A_117 = arith.constant 80 : index
      %get3A_118 = tpu.vector_load %arg10[%get3A_116, %get3A_117] {strides = array<i32>} : memref<32x1024xf32, #tpu.memory_space<vmem>>, vector<16xf32>,
      %get3A_119 = arith.index_cast %scan3A_56 : i32 to index
      %get3A_120 = arith.constant 80 : index
      %get3A_121 = tpu.vector_load %arg11[%get3A_119, %get3A_120] {strides = array<i32>} : memref<32x1024xf32, #tpu.memory_space<vmem>>, vector<16xf32>,
      %mul3A_122 = arith.mulf %gather3A, %get3A_118 : vector<16xf32>
      %mul3A_123 = arith.mulf %gather3A_57, %get3A_121 : vector<16xf32>
      %add3A_124 = arith.addf %mul3A_122, %mul3A_123 : vector<16xf32>
      %swap3A_125 = arith.index_cast %scan3A_56 : i32 to index
      %swap3A_126 = arith.constant 80 : index
      %swap3A_127 = tpu.vector_load %arg12[%swap3A_125, %swap3A_126] {strides = array<i32>} : memref<32x1024xf32, #tpu.memory_space<vmem>>, vector<16xf32>,
      tpu.vector_store %arg12[%swap3A_125, %swap3A_126], %add3A_124 {strides = array<i32>} : memref<32x1024xf32, #tpu.memory_space<vmem>>, vector<16xf32>,
      %get3A_128 = arith.index_cast %scan3A_56 : i32 to index
      %get3A_129 = arith.constant 96 : index
      %get3A_130 = tpu.vector_load %arg10[%get3A_128, %get3A_129] {strides = array<i32>} : memref<32x1024xf32, #tpu.memory_space<vmem>>, vector<16xf32>,
      %get3A_131 = arith.index_cast %scan3A_56 : i32 to index
      %get3A_132 = arith.constant 96 : index
      %get3A_133 = tpu.vector_load %arg11[%get3A_131, %get3A_132] {strides = array<i32>} : memref<32x1024xf32, #tpu.memory_space<vmem>>, vector<16xf32>,
      %mul3A_134 = arith.mulf %gather3A, %get3A_130 : vector<16xf32>
      %mul3A_135 = arith.mulf %gather3A_57, %get3A_133 : vector<16xf32>
      %add3A_136 = arith.addf %mul3A_134, %mul3A_135 : vector<16xf32>
      %swap3A_137 = arith.index_cast %scan3A_56 : i32 to index
      %swap3A_138 = arith.constant 96 : index
      %swap3A_139 = tpu.vector_load %arg12[%swap3A_137, %swap3A_138] {strides = array<i32>} : memref<32x1024xf32, #tpu.memory_space<vmem>>, vector<16xf32>,
      tpu.vector_store %arg12[%swap3A_137, %swap3A_138], %add3A_136 {strides = array<i32>} : memref<32x1024xf32, #tpu.memory_space<vmem>>, vector<16xf32>,
      %get3A_140 = arith.index_cast %scan3A_56 : i32 to index
      %get3A_141 = arith.constant 112 : index
      %get3A_142 = tpu.vector_load %arg10[%get3A_140, %get3A_141] {strides = array<i32>} : memref<32x1024xf32, #tpu.memory_space<vmem>>, vector<16xf32>,
      %get3A_143 = arith.index_cast %scan3A_56 : i32 to index
      %get3A_144 = arith.constant 112 : index
      %get3A_145 = tpu.vector_load %arg11[%get3A_143, %get3A_144] {strides = array<i32>} : memref<32x1024xf32, #tpu.memory_space<vmem>>, vector<16xf32>,
      %mul3A_146 = arith.mulf %gather3A, %get3A_142 : vector<16xf32>
      %mul3A_147 = arith.mulf %gather3A_57, %get3A_145 : vector<16xf32>
      %add3A_148 = arith.addf %mul3A_146, %mul3A_147 : vector<16xf32>
      %swap3A_149 = arith.index_cast %scan3A_56 : i32 to index
      %swap3A_150 = arith.constant 112 : index
      %swap3A_151 = tpu.vector_load %arg12[%swap3A_149, %swap3A_150] {strides = array<i32>} : memref<32x1024xf32, #tpu.memory_space<vmem>>, vector<16xf32>,
      tpu.vector_store %arg12[%swap3A_149, %swap3A_150], %add3A_148 {strides = array<i32>} : memref<32x1024xf32, #tpu.memory_space<vmem>>, vector<16xf32>,
      %get3A_152 = arith.index_cast %scan3A_56 : i32 to index
      %get3A_153 = arith.constant 128 : index
      %get3A_154 = tpu.vector_load %arg10[%get3A_152, %get3A_153] {strides = array<i32>} : memref<32x1024xf32, #tpu.memory_space<vmem>>, vector<16xf32>,
      %get3A_155 = arith.index_cast %scan3A_56 : i32 to index
      %get3A_156 = arith.constant 128 : index
      %get3A_157 = tpu.vector_load %arg11[%get3A_155, %get3A_156] {strides = array<i32>} : memref<32x1024xf32, #tpu.memory_space<vmem>>, vector<16xf32>,
      %mul3A_158 = arith.mulf %gather3A, %get3A_154 : vector<16xf32>
      %mul3A_159 = arith.mulf %gather3A_57, %get3A_157 : vector<16xf32>
      %add3A_160 = arith.addf %mul3A_158, %mul3A_159 : vector<16xf32>
      %swap3A_161 = arith.index_cast %scan3A_56 : i32 to index
      %swap3A_162 = arith.constant 128 : index
      %swap3A_163 = tpu.vector_load %arg12[%swap3A_161, %swap3A_162] {strides = array<i32>} : memref<32x1024xf32, #tpu.memory_space<vmem>>, vector<16xf32>,
      tpu.vector_store %arg12[%swap3A_161, %swap3A_162], %add3A_160 {strides = array<i32>} : memref<32x1024xf32, #tpu.memory_space<vmem>>, vector<16xf32>,
      %get3A_164 = arith.index_cast %scan3A_56 : i32 to index
      %get3A_165 = arith.constant 144 : index
      %get3A_166 = tpu.vector_load %arg10[%get3A_164, %get3A_165] {strides = array<i32>} : memref<32x1024xf32, #tpu.memory_space<vmem>>, vector<16xf32>,
      %get3A_167 = arith.index_cast %scan3A_56 : i32 to index
      %get3A_168 = arith.constant 144 : index
      %get3A_169 = tpu.vector_load %arg11[%get3A_167, %get3A_168] {strides = array<i32>} : memref<32x1024xf32, #tpu.memory_space<vmem>>, vector<16xf32>,
      %mul3A_170 = arith.mulf %gather3A, %get3A_166 : vector<16xf32>
      %mul3A_171 = arith.mulf %gather3A_57, %get3A_169 : vector<16xf32>
      %add3A_172 = arith.addf %mul3A_170, %mul3A_171 : vector<16xf32>
      %swap3A_173 = arith.index_cast %scan3A_56 : i32 to index
      %swap3A_174 = arith.constant 144 : index
      %swap3A_175 = tpu.vector_load %arg12[%swap3A_173, %swap3A_174] {strides = array<i32>} : memref<32x1024xf32, #tpu.memory_space<vmem>>, vector<16xf32>,
      tpu.vector_store %arg12[%swap3A_173, %swap3A_174], %add3A_172 {strides = array<i32>} : memref<32x1024xf32, #tpu.memory_space<vmem>>, vector<16xf32>,
      %get3A_176 = arith.index_cast %scan3A_56 : i32 to index
      %get3A_177 = arith.constant 160 : index
      %get3A_178 = tpu.vector_load %arg10[%get3A_176, %get3A_177] {strides = array<i32>} : memref<32x1024xf32, #tpu.memory_space<vmem>>, vector<16xf32>,
      %get3A_179 = arith.index_cast %scan3A_56 : i32 to index
      %get3A_180 = arith.constant 160 : index
      %get3A_181 = tpu.vector_load %arg11[%get3A_179, %get3A_180] {strides = array<i32>} : memref<32x1024xf32, #tpu.memory_space<vmem>>, vector<16xf32>,
      %mul3A_182 = arith.mulf %gather3A, %get3A_178 : vector<16xf32>
      %mul3A_183 = arith.mulf %gather3A_57, %get3A_181 : vector<16xf32>
      %add3A_184 = arith.addf %mul3A_182, %mul3A_183 : vector<16xf32>
      %swap3A_185 = arith.index_cast %scan3A_56 : i32 to index
      %swap3A_186 = arith.constant 160 : index
      %swap3A_187 = tpu.vector_load %arg12[%swap3A_185, %swap3A_186] {strides = array<i32>} : memref<32x1024xf32, #tpu.memory_space<vmem>>, vector<16xf32>,
      tpu.vector_store %arg12[%swap3A_185, %swap3A_186], %add3A_184 {strides = array<i32>} : memref<32x1024xf32, #tpu.memory_space<vmem>>, vector<16xf32>,
      %get3A_188 = arith.index_cast %scan3A_56 : i32 to index
      %get3A_189 = arith.constant 176 : index
      %get3A_190 = tpu.vector_load %arg10[%get3A_188, %get3A_189] {strides = array<i32>} : memref<32x1024xf32, #tpu.memory_space<vmem>>, vector<16xf32>,
      %get3A_191 = arith.index_cast %scan3A_56 : i32 to index
      %get3A_192 = arith.constant 176 : index
      %get3A_193 = tpu.vector_load %arg11[%get3A_191, %get3A_192] {strides = array<i32>} : memref<32x1024xf32, #tpu.memory_space<vmem>>, vector<16xf32>,
      %mul3A_194 = arith.mulf %gather3A, %get3A_190 : vector<16xf32>
      %mul3A_195 = arith.mulf %gather3A_57, %get3A_193 : vector<16xf32>
      %add3A_196 = arith.addf %mul3A_194, %mul3A_195 : vector<16xf32>
      %swap3A_197 = arith.index_cast %scan3A_56 : i32 to index
      %swap3A_198 = arith.constant 176 : index
      %swap3A_199 = tpu.vector_load %arg12[%swap3A_197, %swap3A_198] {strides = array<i32>} : memref<32x1024xf32, #tpu.memory_space<vmem>>, vector<16xf32>,
      tpu.vector_store %arg12[%swap3A_197, %swap3A_198], %add3A_196 {strides = array<i32>} : memref<32x1024xf32, #tpu.memory_space<vmem>>, vector<16xf32>,
      %get3A_200 = arith.index_cast %scan3A_56 : i32 to index
      %get3A_201 = arith.constant 192 : index
      %get3A_202 = tpu.vector_load %arg10[%get3A_200, %get3A_201] {strides = array<i32>} : memref<32x1024xf32, #tpu.memory_space<vmem>>, vector<16xf32>,
      %get3A_203 = arith.index_cast %scan3A_56 : i32 to index
      %get3A_204 = arith.constant 192 : index
      %get3A_205 = tpu.vector_load %arg11[%get3A_203, %get3A_204] {strides = array<i32>} : memref<32x1024xf32, #tpu.memory_space<vmem>>, vector<16xf32>,
      %mul3A_206 = arith.mulf %gather3A, %get3A_202 : vector<16xf32>
      %mul3A_207 = arith.mulf %gather3A_57, %get3A_205 : vector<16xf32>
      %add3A_208 = arith.addf %mul3A_206, %mul3A_207 : vector<16xf32>
      %swap3A_209 = arith.index_cast %scan3A_56 : i32 to index
      %swap3A_210 = arith.constant 192 : index
      %swap3A_211 = tpu.vector_load %arg12[%swap3A_209, %swap3A_210] {strides = array<i32>} : memref<32x1024xf32, #tpu.memory_space<vmem>>, vector<16xf32>,
      tpu.vector_store %arg12[%swap3A_209, %swap3A_210], %add3A_208 {strides = array<i32>} : memref<32x1024xf32, #tpu.memory_space<vmem>>, vector<16xf32>,
      %get3A_212 = arith.index_cast %scan3A_56 : i32 to index
      %get3A_213 = arith.constant 208 : index
      %get3A_214 = tpu.vector_load %arg10[%get3A_212, %get3A_213] {strides = array<i32>} : memref<32x1024xf32, #tpu.memory_space<vmem>>, vector<16xf32>,
      %get3A_215 = arith.index_cast %scan3A_56 : i32 to index
      %get3A_216 = arith.constant 208 : index
      %get3A_217 = tpu.vector_load %arg11[%get3A_215, %get3A_216] {strides = array<i32>} : memref<32x1024xf32, #tpu.memory_space<vmem>>, vector<16xf32>,
      %mul3A_218 = arith.mulf %gather3A, %get3A_214 : vector<16xf32>
      %mul3A_219 = arith.mulf %gather3A_57, %get3A_217 : vector<16xf32>
      %add3A_220 = arith.addf %mul3A_218, %mul3A_219 : vector<16xf32>
      %swap3A_221 = arith.index_cast %scan3A_56 : i32 to index
      %swap3A_222 = arith.constant 208 : index
      %swap3A_223 = tpu.vector_load %arg12[%swap3A_221, %swap3A_222] {strides = array<i32>} : memref<32x1024xf32, #tpu.memory_space<vmem>>, vector<16xf32>,
      tpu.vector_store %arg12[%swap3A_221, %swap3A_222], %add3A_220 {strides = array<i32>} : memref<32x1024xf32, #tpu.memory_space<vmem>>, vector<16xf32>,
      %get3A_224 = arith.index_cast %scan3A_56 : i32 to index
      %get3A_225 = arith.constant 224 : index
      %get3A_226 = tpu.vector_load %arg10[%get3A_224, %get3A_225] {strides = array<i32>} : memref<32x1024xf32, #tpu.memory_space<vmem>>, vector<16xf32>,
      %get3A_227 = arith.index_cast %scan3A_56 : i32 to index
      %get3A_228 = arith.constant 224 : index
      %get3A_229 = tpu.vector_load %arg11[%get3A_227, %get3A_228] {strides = array<i32>} : memref<32x1024xf32, #tpu.memory_space<vmem>>, vector<16xf32>,
      %mul3A_230 = arith.mulf %gather3A, %get3A_226 : vector<16xf32>
      %mul3A_231 = arith.mulf %gather3A_57, %get3A_229 : vector<16xf32>
      %add3A_232 = arith.addf %mul3A_230, %mul3A_231 : vector<16xf32>
      %swap3A_233 = arith.index_cast %scan3A_56 : i32 to index
      %swap3A_234 = arith.constant 224 : index
      %swap3A_235 = tpu.vector_load %arg12[%swap3A_233, %swap3A_234] {strides = array<i32>} : memref<32x1024xf32, #tpu.memory_space<vmem>>, vector<16xf32>,
      tpu.vector_store %arg12[%swap3A_233, %swap3A_234], %add3A_232 {strides = array<i32>} : memref<32x1024xf32, #tpu.memory_space<vmem>>, vector<16xf32>,
      %get3A_236 = arith.index_cast %scan3A_56 : i32 to index
      %get3A_237 = arith.constant 240 : index
      %get3A_238 = tpu.vector_load %arg10[%get3A_236, %get3A_237] {strides = array<i32>} : memref<32x1024xf32, #tpu.memory_space<vmem>>, vector<16xf32>,
      %get3A_239 = arith.index_cast %scan3A_56 : i32 to index
      %get3A_240 = arith.constant 240 : index
      %get3A_241 = tpu.vector_load %arg11[%get3A_239, %get3A_240] {strides = array<i32>} : memref<32x1024xf32, #tpu.memory_space<vmem>>, vector<16xf32>,
      %mul3A_242 = arith.mulf %gather3A, %get3A_238 : vector<16xf32>
      %mul3A_243 = arith.mulf %gather3A_57, %get3A_241 : vector<16xf32>
      %add3A_244 = arith.addf %mul3A_242, %mul3A_243 : vector<16xf32>
      %swap3A_245 = arith.index_cast %scan3A_56 : i32 to index
      %swap3A_246 = arith.constant 240 : index
      %swap3A_247 = tpu.vector_load %arg12[%swap3A_245, %swap3A_246] {strides = array<i32>} : memref<32x1024xf32, #tpu.memory_space<vmem>>, vector<16xf32>,
      tpu.vector_store %arg12[%swap3A_245, %swap3A_246], %add3A_244 {strides = array<i32>} : memref<32x1024xf32, #tpu.memory_space<vmem>>, vector<16xf32>,
      %get3A_248 = arith.index_cast %scan3A_56 : i32 to index
      %get3A_249 = arith.constant 256 : index
      %get3A_250 = tpu.vector_load %arg10[%get3A_248, %get3A_249] {strides = array<i32>} : memref<32x1024xf32, #tpu.memory_space<vmem>>, vector<16xf32>,
      %get3A_251 = arith.index_cast %scan3A_56 : i32 to index
      %get3A_252 = arith.constant 256 : index
      %get3A_253 = tpu.vector_load %arg11[%get3A_251, %get3A_252] {strides = array<i32>} : memref<32x1024xf32, #tpu.memory_space<vmem>>, vector<16xf32>,
      %mul3A_254 = arith.mulf %gather3A, %get3A_250 : vector<16xf32>
      %mul3A_255 = arith.mulf %gather3A_57, %get3A_253 : vector<16xf32>
      %add3A_256 = arith.addf %mul3A_254, %mul3A_255 : vector<16xf32>
      %swap3A_257 = arith.index_cast %scan3A_56 : i32 to index
      %swap3A_258 = arith.constant 256 : index
      %swap3A_259 = tpu.vector_load %arg12[%swap3A_257, %swap3A_258] {strides = array<i32>} : memref<32x1024xf32, #tpu.memory_space<vmem>>, vector<16xf32>,
      tpu.vector_store %arg12[%swap3A_257, %swap3A_258], %add3A_256 {strides = array<i32>} : memref<32x1024xf32, #tpu.memory_space<vmem>>, vector<16xf32>,
      %get3A_260 = arith.index_cast %scan3A_56 : i32 to index
      %get3A_261 = arith.constant 272 : index
      %get3A_262 = tpu.vector_load %arg10[%get3A_260, %get3A_261] {strides = array<i32>} : memref<32x1024xf32, #tpu.memory_space<vmem>>, vector<16xf32>,
      %get3A_263 = arith.index_cast %scan3A_56 : i32 to index
      %get3A_264 = arith.constant 272 : index
      %get3A_265 = tpu.vector_load %arg11[%get3A_263, %get3A_264] {strides = array<i32>} : memref<32x1024xf32, #tpu.memory_space<vmem>>, vector<16xf32>,
      %mul3A_266 = arith.mulf %gather3A, %get3A_262 : vector<16xf32>
      %mul3A_267 = arith.mulf %gather3A_57, %get3A_265 : vector<16xf32>
      %add3A_268 = arith.addf %mul3A_266, %mul3A_267 : vector<16xf32>
      %swap3A_269 = arith.index_cast %scan3A_56 : i32 to index
      %swap3A_270 = arith.constant 272 : index
      %swap3A_271 = tpu.vector_load %arg12[%swap3A_269, %swap3A_270] {strides = array<i32>} : memref<32x1024xf32, #tpu.memory_space<vmem>>, vector<16xf32>,
      tpu.vector_store %arg12[%swap3A_269, %swap3A_270], %add3A_268 {strides = array<i32>} : memref<32x1024xf32, #tpu.memory_space<vmem>>, vector<16xf32>,
      %get3A_272 = arith.index_cast %scan3A_56 : i32 to index
      %get3A_273 = arith.constant 288 : index
      %get3A_274 = tpu.vector_load %arg10[%get3A_272, %get3A_273] {strides = array<i32>} : memref<32x1024xf32, #tpu.memory_space<vmem>>, vector<16xf32>,
      %get3A_275 = arith.index_cast %scan3A_56 : i32 to index
      %get3A_276 = arith.constant 288 : index
      %get3A_277 = tpu.vector_load %arg11[%get3A_275, %get3A_276] {strides = array<i32>} : memref<32x1024xf32, #tpu.memory_space<vmem>>, vector<16xf32>,
      %mul3A_278 = arith.mulf %gather3A, %get3A_274 : vector<16xf32>
      %mul3A_279 = arith.mulf %gather3A_57, %get3A_277 : vector<16xf32>
      %add3A_280 = arith.addf %mul3A_278, %mul3A_279 : vector<16xf32>
      %swap3A_281 = arith.index_cast %scan3A_56 : i32 to index
      %swap3A_282 = arith.constant 288 : index
      %swap3A_283 = tpu.vector_load %arg12[%swap3A_281, %swap3A_282] {strides = array<i32>} : memref<32x1024xf32, #tpu.memory_space<vmem>>, vector<16xf32>,
      tpu.vector_store %arg12[%swap3A_281, %swap3A_282], %add3A_280 {strides = array<i32>} : memref<32x1024xf32, #tpu.memory_space<vmem>>, vector<16xf32>,
      %get3A_284 = arith.index_cast %scan3A_56 : i32 to index
      %get3A_285 = arith.constant 304 : index
      %get3A_286 = tpu.vector_load %arg10[%get3A_284, %get3A_285] {strides = array<i32>} : memref<32x1024xf32, #tpu.memory_space<vmem>>, vector<16xf32>,
      %get3A_287 = arith.index_cast %scan3A_56 : i32 to index
      %get3A_288 = arith.constant 304 : index
      %get3A_289 = tpu.vector_load %arg11[%get3A_287, %get3A_288] {strides = array<i32>} : memref<32x1024xf32, #tpu.memory_space<vmem>>, vector<16xf32>,
      %mul3A_290 = arith.mulf %gather3A, %get3A_286 : vector<16xf32>
      %mul3A_291 = arith.mulf %gather3A_57, %get3A_289 : vector<16xf32>
      %add3A_292 = arith.addf %mul3A_290, %mul3A_291 : vector<16xf32>
      %swap3A_293 = arith.index_cast %scan3A_56 : i32 to index
      %swap3A_294 = arith.constant 304 : index
      %swap3A_295 = tpu.vector_load %arg12[%swap3A_293, %swap3A_294] {strides = array<i32>} : memref<32x1024xf32, #tpu.memory_space<vmem>>, vector<16xf32>,
      tpu.vector_store %arg12[%swap3A_293, %swap3A_294], %add3A_292 {strides = array<i32>} : memref<32x1024xf32, #tpu.memory_space<vmem>>, vector<16xf32>,
      %get3A_296 = arith.index_cast %scan3A_56 : i32 to index
      %get3A_297 = arith.constant 320 : index
      %get3A_298 = tpu.vector_load %arg10[%get3A_296, %get3A_297] {strides = array<i32>} : memref<32x1024xf32, #tpu.memory_space<vmem>>, vector<16xf32>,
      %get3A_299 = arith.index_cast %scan3A_56 : i32 to index
      %get3A_300 = arith.constant 320 : index
      %get3A_301 = tpu.vector_load %arg11[%get3A_299, %get3A_300] {strides = array<i32>} : memref<32x1024xf32, #tpu.memory_space<vmem>>, vector<16xf32>,
      %mul3A_302 = arith.mulf %gather3A, %get3A_298 : vector<16xf32>
      %mul3A_303 = arith.mulf %gather3A_57, %get3A_301 : vector<16xf32>
      %add3A_304 = arith.addf %mul3A_302, %mul3A_303 : vector<16xf32>
      %swap3A_305 = arith.index_cast %scan3A_56 : i32 to index
      %swap3A_306 = arith.constant 320 : index
      %swap3A_307 = tpu.vector_load %arg12[%swap3A_305, %swap3A_306] {strides = array<i32>} : memref<32x1024xf32, #tpu.memory_space<vmem>>, vector<16xf32>,
      tpu.vector_store %arg12[%swap3A_305, %swap3A_306], %add3A_304 {strides = array<i32>} : memref<32x1024xf32, #tpu.memory_space<vmem>>, vector<16xf32>,
      %get3A_308 = arith.index_cast %scan3A_56 : i32 to index
      %get3A_309 = arith.constant 336 : index
      %get3A_310 = tpu.vector_load %arg10[%get3A_308, %get3A_309] {strides = array<i32>} : memref<32x1024xf32, #tpu.memory_space<vmem>>, vector<16xf32>,
      %get3A_311 = arith.index_cast %scan3A_56 : i32 to index
      %get3A_312 = arith.constant 336 : index
      %get3A_313 = tpu.vector_load %arg11[%get3A_311, %get3A_312] {strides = array<i32>} : memref<32x1024xf32, #tpu.memory_space<vmem>>, vector<16xf32>,
      %mul3A_314 = arith.mulf %gather3A, %get3A_310 : vector<16xf32>
      %mul3A_315 = arith.mulf %gather3A_57, %get3A_313 : vector<16xf32>
      %add3A_316 = arith.addf %mul3A_314, %mul3A_315 : vector<16xf32>
      %swap3A_317 = arith.index_cast %scan3A_56 : i32 to index
      %swap3A_318 = arith.constant 336 : index
      %swap3A_319 = tpu.vector_load %arg12[%swap3A_317, %swap3A_318] {strides = array<i32>} : memref<32x1024xf32, #tpu.memory_space<vmem>>, vector<16xf32>,
      tpu.vector_store %arg12[%swap3A_317, %swap3A_318], %add3A_316 {strides = array<i32>} : memref<32x1024xf32, #tpu.memory_space<vmem>>, vector<16xf32>,
      %get3A_320 = arith.index_cast %scan3A_56 : i32 to index
      %get3A_321 = arith.constant 352 : index
      %get3A_322 = tpu.vector_load %arg10[%get3A_320, %get3A_321] {strides = array<i32>} : memref<32x1024xf32, #tpu.memory_space<vmem>>, vector<16xf32>,
      %get3A_323 = arith.index_cast %scan3A_56 : i32 to index
      %get3A_324 = arith.constant 352 : index
      %get3A_325 = tpu.vector_load %arg11[%get3A_323, %get3A_324] {strides = array<i32>} : memref<32x1024xf32, #tpu.memory_space<vmem>>, vector<16xf32>,
      %mul3A_326 = arith.mulf %gather3A, %get3A_322 : vector<16xf32>
      %mul3A_327 = arith.mulf %gather3A_57, %get3A_325 : vector<16xf32>
      %add3A_328 = arith.addf %mul3A_326, %mul3A_327 : vector<16xf32>
      %swap3A_329 = arith.index_cast %scan3A_56 : i32 to index
      %swap3A_330 = arith.constant 352 : index
      %swap3A_331 = tpu.vector_load %arg12[%swap3A_329, %swap3A_330] {strides = array<i32>} : memref<32x1024xf32, #tpu.memory_space<vmem>>, vector<16xf32>,
      tpu.vector_store %arg12[%swap3A_329, %swap3A_330], %add3A_328 {strides = array<i32>} : memref<32x1024xf32, #tpu.memory_space<vmem>>, vector<16xf32>,
      %get3A_332 = arith.index_cast %scan3A_56 : i32 to index
      %get3A_333 = arith.constant 368 : index
      %get3A_334 = tpu.vector_load %arg10[%get3A_332, %get3A_333] {strides = array<i32>} : memref<32x1024xf32, #tpu.memory_space<vmem>>, vector<16xf32>,
      %get3A_335 = arith.index_cast %scan3A_56 : i32 to index
      %get3A_336 = arith.constant 368 : index
      %get3A_337 = tpu.vector_load %arg11[%get3A_335, %get3A_336] {strides = array<i32>} : memref<32x1024xf32, #tpu.memory_space<vmem>>, vector<16xf32>,
      %mul3A_338 = arith.mulf %gather3A, %get3A_334 : vector<16xf32>
      %mul3A_339 = arith.mulf %gather3A_57, %get3A_337 : vector<16xf32>
      %add3A_340 = arith.addf %mul3A_338, %mul3A_339 : vector<16xf32>
      %swap3A_341 = arith.index_cast %scan3A_56 : i32 to index
      %swap3A_342 = arith.constant 368 : index
      %swap3A_343 = tpu.vector_load %arg12[%swap3A_341, %swap3A_342] {strides = array<i32>} : memref<32x1024xf32, #tpu.memory_space<vmem>>, vector<16xf32>,
      tpu.vector_store %arg12[%swap3A_341, %swap3A_342], %add3A_340 {strides = array<i32>} : memref<32x1024xf32, #tpu.memory_space<vmem>>, vector<16xf32>,
      %get3A_344 = arith.index_cast %scan3A_56 : i32 to index
      %get3A_345 = arith.constant 384 : index
      %get3A_346 = tpu.vector_load %arg10[%get3A_344, %get3A_345] {strides = array<i32>} : memref<32x1024xf32, #tpu.memory_space<vmem>>, vector<16xf32>,
      %get3A_347 = arith.index_cast %scan3A_56 : i32 to index
      %get3A_348 = arith.constant 384 : index
      %get3A_349 = tpu.vector_load %arg11[%get3A_347, %get3A_348] {strides = array<i32>} : memref<32x1024xf32, #tpu.memory_space<vmem>>, vector<16xf32>,
      %mul3A_350 = arith.mulf %gather3A, %get3A_346 : vector<16xf32>
      %mul3A_351 = arith.mulf %gather3A_57, %get3A_349 : vector<16xf32>
      %add3A_352 = arith.addf %mul3A_350, %mul3A_351 : vector<16xf32>
      %swap3A_353 = arith.index_cast %scan3A_56 : i32 to index
      %swap3A_354 = arith.constant 384 : index
      %swap3A_355 = tpu.vector_load %arg12[%swap3A_353, %swap3A_354] {strides = array<i32>} : memref<32x1024xf32, #tpu.memory_space<vmem>>, vector<16xf32>,
      tpu.vector_store %arg12[%swap3A_353, %swap3A_354], %add3A_352 {strides = array<i32>} : memref<32x1024xf32, #tpu.memory_space<vmem>>, vector<16xf32>,
      %get3A_356 = arith.index_cast %scan3A_56 : i32 to index
      %get3A_357 = arith.constant 400 : index
      %get3A_358 = tpu.vector_load %arg10[%get3A_356, %get3A_357] {strides = array<i32>} : memref<32x1024xf32, #tpu.memory_space<vmem>>, vector<16xf32>,
      %get3A_359 = arith.index_cast %scan3A_56 : i32 to index
      %get3A_360 = arith.constant 400 : index
      %get3A_361 = tpu.vector_load %arg11[%get3A_359, %get3A_360] {strides = array<i32>} : memref<32x1024xf32, #tpu.memory_space<vmem>>, vector<16xf32>,
      %mul3A_362 = arith.mulf %gather3A, %get3A_358 : vector<16xf32>
      %mul3A_363 = arith.mulf %gather3A_57, %get3A_361 : vector<16xf32>
      %add3A_364 = arith.addf %mul3A_362, %mul3A_363 : vector<16xf32>
      %swap3A_365 = arith.index_cast %scan3A_56 : i32 to index
      %swap3A_366 = arith.constant 400 : index
      %swap3A_367 = tpu.vector_load %arg12[%swap3A_365, %swap3A_366] {strides = array<i32>} : memref<32x1024xf32, #tpu.memory_space<vmem>>, vector<16xf32>,
      tpu.vector_store %arg12[%swap3A_365, %swap3A_366], %add3A_364 {strides = array<i32>} : memref<32x1024xf32, #tpu.memory_space<vmem>>, vector<16xf32>,
      %get3A_368 = arith.index_cast %scan3A_56 : i32 to index
      %get3A_369 = arith.constant 416 : index
      %get3A_370 = tpu.vector_load %arg10[%get3A_368, %get3A_369] {strides = array<i32>} : memref<32x1024xf32, #tpu.memory_space<vmem>>, vector<16xf32>,
      %get3A_371 = arith.index_cast %scan3A_56 : i32 to index
      %get3A_372 = arith.constant 416 : index
      %get3A_373 = tpu.vector_load %arg11[%get3A_371, %get3A_372] {strides = array<i32>} : memref<32x1024xf32, #tpu.memory_space<vmem>>, vector<16xf32>,
      %mul3A_374 = arith.mulf %gather3A, %get3A_370 : vector<16xf32>
      %mul3A_375 = arith.mulf %gather3A_57, %get3A_373 : vector<16xf32>
      %add3A_376 = arith.addf %mul3A_374, %mul3A_375 : vector<16xf32>
      %swap3A_377 = arith.index_cast %scan3A_56 : i32 to index
      %swap3A_378 = arith.constant 416 : index
      %swap3A_379 = tpu.vector_load %arg12[%swap3A_377, %swap3A_378] {strides = array<i32>} : memref<32x1024xf32, #tpu.memory_space<vmem>>, vector<16xf32>,
      tpu.vector_store %arg12[%swap3A_377, %swap3A_378], %add3A_376 {strides = array<i32>} : memref<32x1024xf32, #tpu.memory_space<vmem>>, vector<16xf32>,
      %get3A_380 = arith.index_cast %scan3A_56 : i32 to index
      %get3A_381 = arith.constant 432 : index
      %get3A_382 = tpu.vector_load %arg10[%get3A_380, %get3A_381] {strides = array<i32>} : memref<32x1024xf32, #tpu.memory_space<vmem>>, vector<16xf32>,
      %get3A_383 = arith.index_cast %scan3A_56 : i32 to index
      %get3A_384 = arith.constant 432 : index
      %get3A_385 = tpu.vector_load %arg11[%get3A_383, %get3A_384] {strides = array<i32>} : memref<32x1024xf32, #tpu.memory_space<vmem>>, vector<16xf32>,
      %mul3A_386 = arith.mulf %gather3A, %get3A_382 : vector<16xf32>
      %mul3A_387 = arith.mulf %gather3A_57, %get3A_385 : vector<16xf32>
      %add3A_388 = arith.addf %mul3A_386, %mul3A_387 : vector<16xf32>
      %swap3A_389 = arith.index_cast %scan3A_56 : i32 to index
      %swap3A_390 = arith.constant 432 : index
      %swap3A_391 = tpu.vector_load %arg12[%swap3A_389, %swap3A_390] {strides = array<i32>} : memref<32x1024xf32, #tpu.memory_space<vmem>>, vector<16xf32>,
      tpu.vector_store %arg12[%swap3A_389, %swap3A_390], %add3A_388 {strides = array<i32>} : memref<32x1024xf32, #tpu.memory_space<vmem>>, vector<16xf32>,
      %get3A_392 = arith.index_cast %scan3A_56 : i32 to index
      %get3A_393 = arith.constant 448 : index
      %get3A_394 = tpu.vector_load %arg10[%get3A_392, %get3A_393] {strides = array<i32>} : memref<32x1024xf32, #tpu.memory_space<vmem>>, vector<16xf32>,
      %get3A_395 = arith.index_cast %scan3A_56 : i32 to index
      %get3A_396 = arith.constant 448 : index
      %get3A_397 = tpu.vector_load %arg11[%get3A_395, %get3A_396] {strides = array<i32>} : memref<32x1024xf32, #tpu.memory_space<vmem>>, vector<16xf32>,
      %mul3A_398 = arith.mulf %gather3A, %get3A_394 : vector<16xf32>
      %mul3A_399 = arith.mulf %gather3A_57, %get3A_397 : vector<16xf32>
      %add3A_400 = arith.addf %mul3A_398, %mul3A_399 : vector<16xf32>
      %swap3A_401 = arith.index_cast %scan3A_56 : i32 to index
      %swap3A_402 = arith.constant 448 : index
      %swap3A_403 = tpu.vector_load %arg12[%swap3A_401, %swap3A_402] {strides = array<i32>} : memref<32x1024xf32, #tpu.memory_space<vmem>>, vector<16xf32>,
      tpu.vector_store %arg12[%swap3A_401, %swap3A_402], %add3A_400 {strides = array<i32>} : memref<32x1024xf32, #tpu.memory_space<vmem>>, vector<16xf32>,
      %get3A_404 = arith.index_cast %scan3A_56 : i32 to index
      %get3A_405 = arith.constant 464 : index
      %get3A_406 = tpu.vector_load %arg10[%get3A_404, %get3A_405] {strides = array<i32>} : memref<32x1024xf32, #tpu.memory_space<vmem>>, vector<16xf32>,
      %get3A_407 = arith.index_cast %scan3A_56 : i32 to index
      %get3A_408 = arith.constant 464 : index
      %get3A_409 = tpu.vector_load %arg11[%get3A_407, %get3A_408] {strides = array<i32>} : memref<32x1024xf32, #tpu.memory_space<vmem>>, vector<16xf32>,
      %mul3A_410 = arith.mulf %gather3A, %get3A_406 : vector<16xf32>
      %mul3A_411 = arith.mulf %gather3A_57, %get3A_409 : vector<16xf32>
      %add3A_412 = arith.addf %mul3A_410, %mul3A_411 : vector<16xf32>
      %swap3A_413 = arith.index_cast %scan3A_56 : i32 to index
      %swap3A_414 = arith.constant 464 : index
      %swap3A_415 = tpu.vector_load %arg12[%swap3A_413, %swap3A_414] {strides = array<i32>} : memref<32x1024xf32, #tpu.memory_space<vmem>>, vector<16xf32>,
      tpu.vector_store %arg12[%swap3A_413, %swap3A_414], %add3A_412 {strides = array<i32>} : memref<32x1024xf32, #tpu.memory_space<vmem>>, vector<16xf32>,
      %get3A_416 = arith.index_cast %scan3A_56 : i32 to index
      %get3A_417 = arith.constant 480 : index
      %get3A_418 = tpu.vector_load %arg10[%get3A_416, %get3A_417] {strides = array<i32>} : memref<32x1024xf32, #tpu.memory_space<vmem>>, vector<16xf32>,
      %get3A_419 = arith.index_cast %scan3A_56 : i32 to index
      %get3A_420 = arith.constant 480 : index
      %get3A_421 = tpu.vector_load %arg11[%get3A_419, %get3A_420] {strides = array<i32>} : memref<32x1024xf32, #tpu.memory_space<vmem>>, vector<16xf32>,
      %mul3A_422 = arith.mulf %gather3A, %get3A_418 : vector<16xf32>
      %mul3A_423 = arith.mulf %gather3A_57, %get3A_421 : vector<16xf32>
      %add3A_424 = arith.addf %mul3A_422, %mul3A_423 : vector<16xf32>
      %swap3A_425 = arith.index_cast %scan3A_56 : i32 to index
      %swap3A_426 = arith.constant 480 : index
      %swap3A_427 = tpu.vector_load %arg12[%swap3A_425, %swap3A_426] {strides = array<i32>} : memref<32x1024xf32, #tpu.memory_space<vmem>>, vector<16xf32>,
      tpu.vector_store %arg12[%swap3A_425, %swap3A_426], %add3A_424 {strides = array<i32>} : memref<32x1024xf32, #tpu.memory_space<vmem>>, vector<16xf32>,
      %get3A_428 = arith.index_cast %scan3A_56 : i32 to index
      %get3A_429 = arith.constant 496 : index
      %get3A_430 = tpu.vector_load %arg10[%get3A_428, %get3A_429] {strides = array<i32>} : memref<32x1024xf32, #tpu.memory_space<vmem>>, vector<16xf32>,
      %get3A_431 = arith.index_cast %scan3A_56 : i32 to index
      %get3A_432 = arith.constant 496 : index
      %get3A_433 = tpu.vector_load %arg11[%get3A_431, %get3A_432] {strides = array<i32>} : memref<32x1024xf32, #tpu.memory_space<vmem>>, vector<16xf32>,
      %mul3A_434 = arith.mulf %gather3A, %get3A_430 : vector<16xf32>
      %mul3A_435 = arith.mulf %gather3A_57, %get3A_433 : vector<16xf32>
      %add3A_436 = arith.addf %mul3A_434, %mul3A_435 : vector<16xf32>
      %swap3A_437 = arith.index_cast %scan3A_56 : i32 to index
      %swap3A_438 = arith.constant 496 : index
      %swap3A_439 = tpu.vector_load %arg12[%swap3A_437, %swap3A_438] {strides = array<i32>} : memref<32x1024xf32, #tpu.memory_space<vmem>>, vector<16xf32>,
      tpu.vector_store %arg12[%swap3A_437, %swap3A_438], %add3A_436 {strides = array<i32>} : memref<32x1024xf32, #tpu.memory_space<vmem>>, vector<16xf32>,
      %get3A_440 = arith.index_cast %scan3A_56 : i32 to index
      %get3A_441 = arith.constant 512 : index
      %get3A_442 = tpu.vector_load %arg10[%get3A_440, %get3A_441] {strides = array<i32>} : memref<32x1024xf32, #tpu.memory_space<vmem>>, vector<16xf32>,
      %get3A_443 = arith.index_cast %scan3A_56 : i32 to index
      %get3A_444 = arith.constant 512 : index
      %get3A_445 = tpu.vector_load %arg11[%get3A_443, %get3A_444] {strides = array<i32>} : memref<32x1024xf32, #tpu.memory_space<vmem>>, vector<16xf32>,
      %mul3A_446 = arith.mulf %gather3A, %get3A_442 : vector<16xf32>
      %mul3A_447 = arith.mulf %gather3A_57, %get3A_445 : vector<16xf32>
      %add3A_448 = arith.addf %mul3A_446, %mul3A_447 : vector<16xf32>
      %swap3A_449 = arith.index_cast %scan3A_56 : i32 to index
      %swap3A_450 = arith.constant 512 : index
      %swap3A_451 = tpu.vector_load %arg12[%swap3A_449, %swap3A_450] {strides = array<i32>} : memref<32x1024xf32, #tpu.memory_space<vmem>>, vector<16xf32>,
      tpu.vector_store %arg12[%swap3A_449, %swap3A_450], %add3A_448 {strides = array<i32>} : memref<32x1024xf32, #tpu.memory_space<vmem>>, vector<16xf32>,
      %get3A_452 = arith.index_cast %scan3A_56 : i32 to index
      %get3A_453 = arith.constant 528 : index
      %get3A_454 = tpu.vector_load %arg10[%get3A_452, %get3A_453] {strides = array<i32>} : memref<32x1024xf32, #tpu.memory_space<vmem>>, vector<16xf32>,
      %get3A_455 = arith.index_cast %scan3A_56 : i32 to index
      %get3A_456 = arith.constant 528 : index
      %get3A_457 = tpu.vector_load %arg11[%get3A_455, %get3A_456] {strides = array<i32>} : memref<32x1024xf32, #tpu.memory_space<vmem>>, vector<16xf32>,
      %mul3A_458 = arith.mulf %gather3A, %get3A_454 : vector<16xf32>
      %mul3A_459 = arith.mulf %gather3A_57, %get3A_457 : vector<16xf32>
      %add3A_460 = arith.addf %mul3A_458, %mul3A_459 : vector<16xf32>
      %swap3A_461 = arith.index_cast %scan3A_56 : i32 to index
      %swap3A_462 = arith.constant 528 : index
      %swap3A_463 = tpu.vector_load %arg12[%swap3A_461, %swap3A_462] {strides = array<i32>} : memref<32x1024xf32, #tpu.memory_space<vmem>>, vector<16xf32>,
      tpu.vector_store %arg12[%swap3A_461, %swap3A_462], %add3A_460 {strides = array<i32>} : memref<32x1024xf32, #tpu.memory_space<vmem>>, vector<16xf32>,
      %get3A_464 = arith.index_cast %scan3A_56 : i32 to index
      %get3A_465 = arith.constant 544 : index
      %get3A_466 = tpu.vector_load %arg10[%get3A_464, %get3A_465] {strides = array<i32>} : memref<32x1024xf32, #tpu.memory_space<vmem>>, vector<16xf32>,
      %get3A_467 = arith.index_cast %scan3A_56 : i32 to index
      %get3A_468 = arith.constant 544 : index
      %get3A_469 = tpu.vector_load %arg11[%get3A_467, %get3A_468] {strides = array<i32>} : memref<32x1024xf32, #tpu.memory_space<vmem>>, vector<16xf32>,
      %mul3A_470 = arith.mulf %gather3A, %get3A_466 : vector<16xf32>
      %mul3A_471 = arith.mulf %gather3A_57, %get3A_469 : vector<16xf32>
      %add3A_472 = arith.addf %mul3A_470, %mul3A_471 : vector<16xf32>
      %swap3A_473 = arith.index_cast %scan3A_56 : i32 to index
      %swap3A_474 = arith.constant 544 : index
      %swap3A_475 = tpu.vector_load %arg12[%swap3A_473, %swap3A_474] {strides = array<i32>} : memref<32x1024xf32, #tpu.memory_space<vmem>>, vector<16xf32>,
      tpu.vector_store %arg12[%swap3A_473, %swap3A_474], %add3A_472 {strides = array<i32>} : memref<32x1024xf32, #tpu.memory_space<vmem>>, vector<16xf32>,
      %get3A_476 = arith.index_cast %scan3A_56 : i32 to index
      %get3A_477 = arith.constant 560 : index
      %get3A_478 = tpu.vector_load %arg10[%get3A_476, %get3A_477] {strides = array<i32>} : memref<32x1024xf32, #tpu.memory_space<vmem>>, vector<16xf32>,
      %get3A_479 = arith.index_cast %scan3A_56 : i32 to index
      %get3A_480 = arith.constant 560 : index
      %get3A_481 = tpu.vector_load %arg11[%get3A_479, %get3A_480] {strides = array<i32>} : memref<32x1024xf32, #tpu.memory_space<vmem>>, vector<16xf32>,
      %mul3A_482 = arith.mulf %gather3A, %get3A_478 : vector<16xf32>
      %mul3A_483 = arith.mulf %gather3A_57, %get3A_481 : vector<16xf32>
      %add3A_484 = arith.addf %mul3A_482, %mul3A_483 : vector<16xf32>
      %swap3A_485 = arith.index_cast %scan3A_56 : i32 to index
      %swap3A_486 = arith.constant 560 : index
      %swap3A_487 = tpu.vector_load %arg12[%swap3A_485, %swap3A_486] {strides = array<i32>} : memref<32x1024xf32, #tpu.memory_space<vmem>>, vector<16xf32>,
      tpu.vector_store %arg12[%swap3A_485, %swap3A_486], %add3A_484 {strides = array<i32>} : memref<32x1024xf32, #tpu.memory_space<vmem>>, vector<16xf32>,
      %get3A_488 = arith.index_cast %scan3A_56 : i32 to index
      %get3A_489 = arith.constant 576 : index
      %get3A_490 = tpu.vector_load %arg10[%get3A_488, %get3A_489] {strides = array<i32>} : memref<32x1024xf32, #tpu.memory_space<vmem>>, vector<16xf32>,
      %get3A_491 = arith.index_cast %scan3A_56 : i32 to index
      %get3A_492 = arith.constant 576 : index
      %get3A_493 = tpu.vector_load %arg11[%get3A_491, %get3A_492] {strides = array<i32>} : memref<32x1024xf32, #tpu.memory_space<vmem>>, vector<16xf32>,
      %mul3A_494 = arith.mulf %gather3A, %get3A_490 : vector<16xf32>
      %mul3A_495 = arith.mulf %gather3A_57, %get3A_493 : vector<16xf32>
      %add3A_496 = arith.addf %mul3A_494, %mul3A_495 : vector<16xf32>
      %swap3A_497 = arith.index_cast %scan3A_56 : i32 to index
      %swap3A_498 = arith.constant 576 : index
      %swap3A_499 = tpu.vector_load %arg12[%swap3A_497, %swap3A_498] {strides = array<i32>} : memref<32x1024xf32, #tpu.memory_space<vmem>>, vector<16xf32>,
      tpu.vector_store %arg12[%swap3A_497, %swap3A_498], %add3A_496 {strides = array<i32>} : memref<32x1024xf32, #tpu.memory_space<vmem>>, vector<16xf32>,
      %get3A_500 = arith.index_cast %scan3A_56 : i32 to index
      %get3A_501 = arith.constant 592 : index
      %get3A_502 = tpu.vector_load %arg10[%get3A_500, %get3A_501] {strides = array<i32>} : memref<32x1024xf32, #tpu.memory_space<vmem>>, vector<16xf32>,
      %get3A_503 = arith.index_cast %scan3A_56 : i32 to index
      %get3A_504 = arith.constant 592 : index
      %get3A_505 = tpu.vector_load %arg11[%get3A_503, %get3A_504] {strides = array<i32>} : memref<32x1024xf32, #tpu.memory_space<vmem>>, vector<16xf32>,
      %mul3A_506 = arith.mulf %gather3A, %get3A_502 : vector<16xf32>
      %mul3A_507 = arith.mulf %gather3A_57, %get3A_505 : vector<16xf32>
      %add3A_508 = arith.addf %mul3A_506, %mul3A_507 : vector<16xf32>
      %swap3A_509 = arith.index_cast %scan3A_56 : i32 to index
      %swap3A_510 = arith.constant 592 : index
      %swap3A_511 = tpu.vector_load %arg12[%swap3A_509, %swap3A_510] {strides = array<i32>} : memref<32x1024xf32, #tpu.memory_space<vmem>>, vector<16xf32>,
      tpu.vector_store %arg12[%swap3A_509, %swap3A_510], %add3A_508 {strides = array<i32>} : memref<32x1024xf32, #tpu.memory_space<vmem>>, vector<16xf32>,
      %get3A_512 = arith.index_cast %scan3A_56 : i32 to index
      %get3A_513 = arith.constant 608 : index
      %get3A_514 = tpu.vector_load %arg10[%get3A_512, %get3A_513] {strides = array<i32>} : memref<32x1024xf32, #tpu.memory_space<vmem>>, vector<16xf32>,
      %get3A_515 = arith.index_cast %scan3A_56 : i32 to index
      %get3A_516 = arith.constant 608 : index
      %get3A_517 = tpu.vector_load %arg11[%get3A_515, %get3A_516] {strides = array<i32>} : memref<32x1024xf32, #tpu.memory_space<vmem>>, vector<16xf32>,
      %mul3A_518 = arith.mulf %gather3A, %get3A_514 : vector<16xf32>
      %mul3A_519 = arith.mulf %gather3A_57, %get3A_517 : vector<16xf32>
      %add3A_520 = arith.addf %mul3A_518, %mul3A_519 : vector<16xf32>
      %swap3A_521 = arith.index_cast %scan3A_56 : i32 to index
      %swap3A_522 = arith.constant 608 : index
      %swap3A_523 = tpu.vector_load %arg12[%swap3A_521, %swap3A_522] {strides = array<i32>} : memref<32x1024xf32, #tpu.memory_space<vmem>>, vector<16xf32>,
      tpu.vector_store %arg12[%swap3A_521, %swap3A_522], %add3A_520 {strides = array<i32>} : memref<32x1024xf32, #tpu.memory_space<vmem>>, vector<16xf32>,
      %get3A_524 = arith.index_cast %scan3A_56 : i32 to index
      %get3A_525 = arith.constant 624 : index
      %get3A_526 = tpu.vector_load %arg10[%get3A_524, %get3A_525] {strides = array<i32>} : memref<32x1024xf32, #tpu.memory_space<vmem>>, vector<16xf32>,
      %get3A_527 = arith.index_cast %scan3A_56 : i32 to index
      %get3A_528 = arith.constant 624 : index
      %get3A_529 = tpu.vector_load %arg11[%get3A_527, %get3A_528] {strides = array<i32>} : memref<32x1024xf32, #tpu.memory_space<vmem>>, vector<16xf32>,
      %mul3A_530 = arith.mulf %gather3A, %get3A_526 : vector<16xf32>
      %mul3A_531 = arith.mulf %gather3A_57, %get3A_529 : vector<16xf32>
      %add3A_532 = arith.addf %mul3A_530, %mul3A_531 : vector<16xf32>
      %swap3A_533 = arith.index_cast %scan3A_56 : i32 to index
      %swap3A_534 = arith.constant 624 : index
      %swap3A_535 = tpu.vector_load %arg12[%swap3A_533, %swap3A_534] {strides = array<i32>} : memref<32x1024xf32, #tpu.memory_space<vmem>>, vector<16xf32>,
      tpu.vector_store %arg12[%swap3A_533, %swap3A_534], %add3A_532 {strides = array<i32>} : memref<32x1024xf32, #tpu.memory_space<vmem>>, vector<16xf32>,
      %get3A_536 = arith.index_cast %scan3A_56 : i32 to index
      %get3A_537 = arith.constant 640 : index
      %get3A_538 = tpu.vector_load %arg10[%get3A_536, %get3A_537] {strides = array<i32>} : memref<32x1024xf32, #tpu.memory_space<vmem>>, vector<16xf32>,
      %get3A_539 = arith.index_cast %scan3A_56 : i32 to index
      %get3A_540 = arith.constant 640 : index
      %get3A_541 = tpu.vector_load %arg11[%get3A_539, %get3A_540] {strides = array<i32>} : memref<32x1024xf32, #tpu.memory_space<vmem>>, vector<16xf32>,
      %mul3A_542 = arith.mulf %gather3A, %get3A_538 : vector<16xf32>
      %mul3A_543 = arith.mulf %gather3A_57, %get3A_541 : vector<16xf32>
      %add3A_544 = arith.addf %mul3A_542, %mul3A_543 : vector<16xf32>
      %swap3A_545 = arith.index_cast %scan3A_56 : i32 to index
      %swap3A_546 = arith.constant 640 : index
      %swap3A_547 = tpu.vector_load %arg12[%swap3A_545, %swap3A_546] {strides = array<i32>} : memref<32x1024xf32, #tpu.memory_space<vmem>>, vector<16xf32>,
      tpu.vector_store %arg12[%swap3A_545, %swap3A_546], %add3A_544 {strides = array<i32>} : memref<32x1024xf32, #tpu.memory_space<vmem>>, vector<16xf32>,
      %get3A_548 = arith.index_cast %scan3A_56 : i32 to index
      %get3A_549 = arith.constant 656 : index
      %get3A_550 = tpu.vector_load %arg10[%get3A_548, %get3A_549] {strides = array<i32>} : memref<32x1024xf32, #tpu.memory_space<vmem>>, vector<16xf32>,
      %get3A_551 = arith.index_cast %scan3A_56 : i32 to index
      %get3A_552 = arith.constant 656 : index
      %get3A_553 = tpu.vector_load %arg11[%get3A_551, %get3A_552] {strides = array<i32>} : memref<32x1024xf32, #tpu.memory_space<vmem>>, vector<16xf32>,
      %mul3A_554 = arith.mulf %gather3A, %get3A_550 : vector<16xf32>
      %mul3A_555 = arith.mulf %gather3A_57, %get3A_553 : vector<16xf32>
      %add3A_556 = arith.addf %mul3A_554, %mul3A_555 : vector<16xf32>
      %swap3A_557 = arith.index_cast %scan3A_56 : i32 to index
      %swap3A_558 = arith.constant 656 : index
      %swap3A_559 = tpu.vector_load %arg12[%swap3A_557, %swap3A_558] {strides = array<i32>} : memref<32x1024xf32, #tpu.memory_space<vmem>>, vector<16xf32>,
      tpu.vector_store %arg12[%swap3A_557, %swap3A_558], %add3A_556 {strides = array<i32>} : memref<32x1024xf32, #tpu.memory_space<vmem>>, vector<16xf32>,
      %get3A_560 = arith.index_cast %scan3A_56 : i32 to index
      %get3A_561 = arith.constant 672 : index
      %get3A_562 = tpu.vector_load %arg10[%get3A_560, %get3A_561] {strides = array<i32>} : memref<32x1024xf32, #tpu.memory_space<vmem>>, vector<16xf32>,
      %get3A_563 = arith.index_cast %scan3A_56 : i32 to index
      %get3A_564 = arith.constant 672 : index
      %get3A_565 = tpu.vector_load %arg11[%get3A_563, %get3A_564] {strides = array<i32>} : memref<32x1024xf32, #tpu.memory_space<vmem>>, vector<16xf32>,
      %mul3A_566 = arith.mulf %gather3A, %get3A_562 : vector<16xf32>
      %mul3A_567 = arith.mulf %gather3A_57, %get3A_565 : vector<16xf32>
      %add3A_568 = arith.addf %mul3A_566, %mul3A_567 : vector<16xf32>
      %swap3A_569 = arith.index_cast %scan3A_56 : i32 to index
      %swap3A_570 = arith.constant 672 : index
      %swap3A_571 = tpu.vector_load %arg12[%swap3A_569, %swap3A_570] {strides = array<i32>} : memref<32x1024xf32, #tpu.memory_space<vmem>>, vector<16xf32>,
      tpu.vector_store %arg12[%swap3A_569, %swap3A_570], %add3A_568 {strides = array<i32>} : memref<32x1024xf32, #tpu.memory_space<vmem>>, vector<16xf32>,
      %get3A_572 = arith.index_cast %scan3A_56 : i32 to index
      %get3A_573 = arith.constant 688 : index
      %get3A_574 = tpu.vector_load %arg10[%get3A_572, %get3A_573] {strides = array<i32>} : memref<32x1024xf32, #tpu.memory_space<vmem>>, vector<16xf32>,
      %get3A_575 = arith.index_cast %scan3A_56 : i32 to index
      %get3A_576 = arith.constant 688 : index
      %get3A_577 = tpu.vector_load %arg11[%get3A_575, %get3A_576] {strides = array<i32>} : memref<32x1024xf32, #tpu.memory_space<vmem>>, vector<16xf32>,
      %mul3A_578 = arith.mulf %gather3A, %get3A_574 : vector<16xf32>
      %mul3A_579 = arith.mulf %gather3A_57, %get3A_577 : vector<16xf32>
      %add3A_580 = arith.addf %mul3A_578, %mul3A_579 : vector<16xf32>
      %swap3A_581 = arith.index_cast %scan3A_56 : i32 to index
      %swap3A_582 = arith.constant 688 : index
      %swap3A_583 = tpu.vector_load %arg12[%swap3A_581, %swap3A_582] {strides = array<i32>} : memref<32x1024xf32, #tpu.memory_space<vmem>>, vector<16xf32>,
      tpu.vector_store %arg12[%swap3A_581, %swap3A_582], %add3A_580 {strides = array<i32>} : memref<32x1024xf32, #tpu.memory_space<vmem>>, vector<16xf32>,
      %get3A_584 = arith.index_cast %scan3A_56 : i32 to index
      %get3A_585 = arith.constant 704 : index
      %get3A_586 = tpu.vector_load %arg10[%get3A_584, %get3A_585] {strides = array<i32>} : memref<32x1024xf32, #tpu.memory_space<vmem>>, vector<16xf32>,
      %get3A_587 = arith.index_cast %scan3A_56 : i32 to index
      %get3A_588 = arith.constant 704 : index
      %get3A_589 = tpu.vector_load %arg11[%get3A_587, %get3A_588] {strides = array<i32>} : memref<32x1024xf32, #tpu.memory_space<vmem>>, vector<16xf32>,
      %mul3A_590 = arith.mulf %gather3A, %get3A_586 : vector<16xf32>
      %mul3A_591 = arith.mulf %gather3A_57, %get3A_589 : vector<16xf32>
      %add3A_592 = arith.addf %mul3A_590, %mul3A_591 : vector<16xf32>
      %swap3A_593 = arith.index_cast %scan3A_56 : i32 to index
      %swap3A_594 = arith.constant 704 : index
      %swap3A_595 = tpu.vector_load %arg12[%swap3A_593, %swap3A_594] {strides = array<i32>} : memref<32x1024xf32, #tpu.memory_space<vmem>>, vector<16xf32>,
      tpu.vector_store %arg12[%swap3A_593, %swap3A_594], %add3A_592 {strides = array<i32>} : memref<32x1024xf32, #tpu.memory_space<vmem>>, vector<16xf32>,
      %get3A_596 = arith.index_cast %scan3A_56 : i32 to index
      %get3A_597 = arith.constant 720 : index
      %get3A_598 = tpu.vector_load %arg10[%get3A_596, %get3A_597] {strides = array<i32>} : memref<32x1024xf32, #tpu.memory_space<vmem>>, vector<16xf32>,
      %get3A_599 = arith.index_cast %scan3A_56 : i32 to index
      %get3A_600 = arith.constant 720 : index
      %get3A_601 = tpu.vector_load %arg11[%get3A_599, %get3A_600] {strides = array<i32>} : memref<32x1024xf32, #tpu.memory_space<vmem>>, vector<16xf32>,
      %mul3A_602 = arith.mulf %gather3A, %get3A_598 : vector<16xf32>
      %mul3A_603 = arith.mulf %gather3A_57, %get3A_601 : vector<16xf32>
      %add3A_604 = arith.addf %mul3A_602, %mul3A_603 : vector<16xf32>
      %swap3A_605 = arith.index_cast %scan3A_56 : i32 to index
      %swap3A_606 = arith.constant 720 : index
      %swap3A_607 = tpu.vector_load %arg12[%swap3A_605, %swap3A_606] {strides = array<i32>} : memref<32x1024xf32, #tpu.memory_space<vmem>>, vector<16xf32>,
      tpu.vector_store %arg12[%swap3A_605, %swap3A_606], %add3A_604 {strides = array<i32>} : memref<32x1024xf32, #tpu.memory_space<vmem>>, vector<16xf32>,
      %get3A_608 = arith.index_cast %scan3A_56 : i32 to index
      %get3A_609 = arith.constant 736 : index
      %get3A_610 = tpu.vector_load %arg10[%get3A_608, %get3A_609] {strides = array<i32>} : memref<32x1024xf32, #tpu.memory_space<vmem>>, vector<16xf32>,
      %get3A_611 = arith.index_cast %scan3A_56 : i32 to index
      %get3A_612 = arith.constant 736 : index
      %get3A_613 = tpu.vector_load %arg11[%get3A_611, %get3A_612] {strides = array<i32>} : memref<32x1024xf32, #tpu.memory_space<vmem>>, vector<16xf32>,
      %mul3A_614 = arith.mulf %gather3A, %get3A_610 : vector<16xf32>
      %mul3A_615 = arith.mulf %gather3A_57, %get3A_613 : vector<16xf32>
      %add3A_616 = arith.addf %mul3A_614, %mul3A_615 : vector<16xf32>
      %swap3A_617 = arith.index_cast %scan3A_56 : i32 to index
      %swap3A_618 = arith.constant 736 : index
      %swap3A_619 = tpu.vector_load %arg12[%swap3A_617, %swap3A_618] {strides = array<i32>} : memref<32x1024xf32, #tpu.memory_space<vmem>>, vector<16xf32>,
      tpu.vector_store %arg12[%swap3A_617, %swap3A_618], %add3A_616 {strides = array<i32>} : memref<32x1024xf32, #tpu.memory_space<vmem>>, vector<16xf32>,
      %get3A_620 = arith.index_cast %scan3A_56 : i32 to index
      %get3A_621 = arith.constant 752 : index
      %get3A_622 = tpu.vector_load %arg10[%get3A_620, %get3A_621] {strides = array<i32>} : memref<32x1024xf32, #tpu.memory_space<vmem>>, vector<16xf32>,
      %get3A_623 = arith.index_cast %scan3A_56 : i32 to index
      %get3A_624 = arith.constant 752 : index
      %get3A_625 = tpu.vector_load %arg11[%get3A_623, %get3A_624] {strides = array<i32>} : memref<32x1024xf32, #tpu.memory_space<vmem>>, vector<16xf32>,
      %mul3A_626 = arith.mulf %gather3A, %get3A_622 : vector<16xf32>
      %mul3A_627 = arith.mulf %gather3A_57, %get3A_625 : vector<16xf32>
      %add3A_628 = arith.addf %mul3A_626, %mul3A_627 : vector<16xf32>
      %swap3A_629 = arith.index_cast %scan3A_56 : i32 to index
      %swap3A_630 = arith.constant 752 : index
      %swap3A_631 = tpu.vector_load %arg12[%swap3A_629, %swap3A_630] {strides = array<i32>} : memref<32x1024xf32, #tpu.memory_space<vmem>>, vector<16xf32>,
      tpu.vector_store %arg12[%swap3A_629, %swap3A_630], %add3A_628 {strides = array<i32>} : memref<32x1024xf32, #tpu.memory_space<vmem>>, vector<16xf32>,
      %get3A_632 = arith.index_cast %scan3A_56 : i32 to index
      %get3A_633 = arith.constant 768 : index
      %get3A_634 = tpu.vector_load %arg10[%get3A_632, %get3A_633] {strides = array<i32>} : memref<32x1024xf32, #tpu.memory_space<vmem>>, vector<16xf32>,
      %get3A_635 = arith.index_cast %scan3A_56 : i32 to index
      %get3A_636 = arith.constant 768 : index
      %get3A_637 = tpu.vector_load %arg11[%get3A_635, %get3A_636] {strides = array<i32>} : memref<32x1024xf32, #tpu.memory_space<vmem>>, vector<16xf32>,
      %mul3A_638 = arith.mulf %gather3A, %get3A_634 : vector<16xf32>
      %mul3A_639 = arith.mulf %gather3A_57, %get3A_637 : vector<16xf32>
      %add3A_640 = arith.addf %mul3A_638, %mul3A_639 : vector<16xf32>
      %swap3A_641 = arith.index_cast %scan3A_56 : i32 to index
      %swap3A_642 = arith.constant 768 : index
      %swap3A_643 = tpu.vector_load %arg12[%swap3A_641, %swap3A_642] {strides = array<i32>} : memref<32x1024xf32, #tpu.memory_space<vmem>>, vector<16xf32>,
      tpu.vector_store %arg12[%swap3A_641, %swap3A_642], %add3A_640 {strides = array<i32>} : memref<32x1024xf32, #tpu.memory_space<vmem>>, vector<16xf32>,
      %get3A_644 = arith.index_cast %scan3A_56 : i32 to index
      %get3A_645 = arith.constant 784 : index
      %get3A_646 = tpu.vector_load %arg10[%get3A_644, %get3A_645] {strides = array<i32>} : memref<32x1024xf32, #tpu.memory_space<vmem>>, vector<16xf32>,
      %get3A_647 = arith.index_cast %scan3A_56 : i32 to index
      %get3A_648 = arith.constant 784 : index
      %get3A_649 = tpu.vector_load %arg11[%get3A_647, %get3A_648] {strides = array<i32>} : memref<32x1024xf32, #tpu.memory_space<vmem>>, vector<16xf32>,
      %mul3A_650 = arith.mulf %gather3A, %get3A_646 : vector<16xf32>
      %mul3A_651 = arith.mulf %gather3A_57, %get3A_649 : vector<16xf32>
      %add3A_652 = arith.addf %mul3A_650, %mul3A_651 : vector<16xf32>
      %swap3A_653 = arith.index_cast %scan3A_56 : i32 to index
      %swap3A_654 = arith.constant 784 : index
      %swap3A_655 = tpu.vector_load %arg12[%swap3A_653, %swap3A_654] {strides = array<i32>} : memref<32x1024xf32, #tpu.memory_space<vmem>>, vector<16xf32>,
      tpu.vector_store %arg12[%swap3A_653, %swap3A_654], %add3A_652 {strides = array<i32>} : memref<32x1024xf32, #tpu.memory_space<vmem>>, vector<16xf32>,
      %get3A_656 = arith.index_cast %scan3A_56 : i32 to index
      %get3A_657 = arith.constant 800 : index
      %get3A_658 = tpu.vector_load %arg10[%get3A_656, %get3A_657] {strides = array<i32>} : memref<32x1024xf32, #tpu.memory_space<vmem>>, vector<16xf32>,
      %get3A_659 = arith.index_cast %scan3A_56 : i32 to index
      %get3A_660 = arith.constant 800 : index
      %get3A_661 = tpu.vector_load %arg11[%get3A_659, %get3A_660] {strides = array<i32>} : memref<32x1024xf32, #tpu.memory_space<vmem>>, vector<16xf32>,
      %mul3A_662 = arith.mulf %gather3A, %get3A_658 : vector<16xf32>
      %mul3A_663 = arith.mulf %gather3A_57, %get3A_661 : vector<16xf32>
      %add3A_664 = arith.addf %mul3A_662, %mul3A_663 : vector<16xf32>
      %swap3A_665 = arith.index_cast %scan3A_56 : i32 to index
      %swap3A_666 = arith.constant 800 : index
      %swap3A_667 = tpu.vector_load %arg12[%swap3A_665, %swap3A_666] {strides = array<i32>} : memref<32x1024xf32, #tpu.memory_space<vmem>>, vector<16xf32>,
      tpu.vector_store %arg12[%swap3A_665, %swap3A_666], %add3A_664 {strides = array<i32>} : memref<32x1024xf32, #tpu.memory_space<vmem>>, vector<16xf32>,
      %get3A_668 = arith.index_cast %scan3A_56 : i32 to index
      %get3A_669 = arith.constant 816 : index
      %get3A_670 = tpu.vector_load %arg10[%get3A_668, %get3A_669] {strides = array<i32>} : memref<32x1024xf32, #tpu.memory_space<vmem>>, vector<16xf32>,
      %get3A_671 = arith.index_cast %scan3A_56 : i32 to index
      %get3A_672 = arith.constant 816 : index
      %get3A_673 = tpu.vector_load %arg11[%get3A_671, %get3A_672] {strides = array<i32>} : memref<32x1024xf32, #tpu.memory_space<vmem>>, vector<16xf32>,
      %mul3A_674 = arith.mulf %gather3A, %get3A_670 : vector<16xf32>
      %mul3A_675 = arith.mulf %gather3A_57, %get3A_673 : vector<16xf32>
      %add3A_676 = arith.addf %mul3A_674, %mul3A_675 : vector<16xf32>
      %swap3A_677 = arith.index_cast %scan3A_56 : i32 to index
      %swap3A_678 = arith.constant 816 : index
      %swap3A_679 = tpu.vector_load %arg12[%swap3A_677, %swap3A_678] {strides = array<i32>} : memref<32x1024xf32, #tpu.memory_space<vmem>>, vector<16xf32>,
      tpu.vector_store %arg12[%swap3A_677, %swap3A_678], %add3A_676 {strides = array<i32>} : memref<32x1024xf32, #tpu.memory_space<vmem>>, vector<16xf32>,
      %get3A_680 = arith.index_cast %scan3A_56 : i32 to index
      %get3A_681 = arith.constant 832 : index
      %get3A_682 = tpu.vector_load %arg10[%get3A_680, %get3A_681] {strides = array<i32>} : memref<32x1024xf32, #tpu.memory_space<vmem>>, vector<16xf32>,
      %get3A_683 = arith.index_cast %scan3A_56 : i32 to index
      %get3A_684 = arith.constant 832 : index
      %get3A_685 = tpu.vector_load %arg11[%get3A_683, %get3A_684] {strides = array<i32>} : memref<32x1024xf32, #tpu.memory_space<vmem>>, vector<16xf32>,
      %mul3A_686 = arith.mulf %gather3A, %get3A_682 : vector<16xf32>
      %mul3A_687 = arith.mulf %gather3A_57, %get3A_685 : vector<16xf32>
      %add3A_688 = arith.addf %mul3A_686, %mul3A_687 : vector<16xf32>
      %swap3A_689 = arith.index_cast %scan3A_56 : i32 to index
      %swap3A_690 = arith.constant 832 : index
      %swap3A_691 = tpu.vector_load %arg12[%swap3A_689, %swap3A_690] {strides = array<i32>} : memref<32x1024xf32, #tpu.memory_space<vmem>>, vector<16xf32>,
      tpu.vector_store %arg12[%swap3A_689, %swap3A_690], %add3A_688 {strides = array<i32>} : memref<32x1024xf32, #tpu.memory_space<vmem>>, vector<16xf32>,
      %get3A_692 = arith.index_cast %scan3A_56 : i32 to index
      %get3A_693 = arith.constant 848 : index
      %get3A_694 = tpu.vector_load %arg10[%get3A_692, %get3A_693] {strides = array<i32>} : memref<32x1024xf32, #tpu.memory_space<vmem>>, vector<16xf32>,
      %get3A_695 = arith.index_cast %scan3A_56 : i32 to index
      %get3A_696 = arith.constant 848 : index
      %get3A_697 = tpu.vector_load %arg11[%get3A_695, %get3A_696] {strides = array<i32>} : memref<32x1024xf32, #tpu.memory_space<vmem>>, vector<16xf32>,
      %mul3A_698 = arith.mulf %gather3A, %get3A_694 : vector<16xf32>
      %mul3A_699 = arith.mulf %gather3A_57, %get3A_697 : vector<16xf32>
      %add3A_700 = arith.addf %mul3A_698, %mul3A_699 : vector<16xf32>
      %swap3A_701 = arith.index_cast %scan3A_56 : i32 to index
      %swap3A_702 = arith.constant 848 : index
      %swap3A_703 = tpu.vector_load %arg12[%swap3A_701, %swap3A_702] {strides = array<i32>} : memref<32x1024xf32, #tpu.memory_space<vmem>>, vector<16xf32>,
      tpu.vector_store %arg12[%swap3A_701, %swap3A_702], %add3A_700 {strides = array<i32>} : memref<32x1024xf32, #tpu.memory_space<vmem>>, vector<16xf32>,
      %get3A_704 = arith.index_cast %scan3A_56 : i32 to index
      %get3A_705 = arith.constant 864 : index
      %get3A_706 = tpu.vector_load %arg10[%get3A_704, %get3A_705] {strides = array<i32>} : memref<32x1024xf32, #tpu.memory_space<vmem>>, vector<16xf32>,
      %get3A_707 = arith.index_cast %scan3A_56 : i32 to index
      %get3A_708 = arith.constant 864 : index
      %get3A_709 = tpu.vector_load %arg11[%get3A_707, %get3A_708] {strides = array<i32>} : memref<32x1024xf32, #tpu.memory_space<vmem>>, vector<16xf32>,
      %mul3A_710 = arith.mulf %gather3A, %get3A_706 : vector<16xf32>
      %mul3A_711 = arith.mulf %gather3A_57, %get3A_709 : vector<16xf32>
      %add3A_712 = arith.addf %mul3A_710, %mul3A_711 : vector<16xf32>
      %swap3A_713 = arith.index_cast %scan3A_56 : i32 to index
      %swap3A_714 = arith.constant 864 : index
      %swap3A_715 = tpu.vector_load %arg12[%swap3A_713, %swap3A_714] {strides = array<i32>} : memref<32x1024xf32, #tpu.memory_space<vmem>>, vector<16xf32>,
      tpu.vector_store %arg12[%swap3A_713, %swap3A_714], %add3A_712 {strides = array<i32>} : memref<32x1024xf32, #tpu.memory_space<vmem>>, vector<16xf32>,
      %get3A_716 = arith.index_cast %scan3A_56 : i32 to index
      %get3A_717 = arith.constant 880 : index
      %get3A_718 = tpu.vector_load %arg10[%get3A_716, %get3A_717] {strides = array<i32>} : memref<32x1024xf32, #tpu.memory_space<vmem>>, vector<16xf32>,
      %get3A_719 = arith.index_cast %scan3A_56 : i32 to index
      %get3A_720 = arith.constant 880 : index
      %get3A_721 = tpu.vector_load %arg11[%get3A_719, %get3A_720] {strides = array<i32>} : memref<32x1024xf32, #tpu.memory_space<vmem>>, vector<16xf32>,
      %mul3A_722 = arith.mulf %gather3A, %get3A_718 : vector<16xf32>
      %mul3A_723 = arith.mulf %gather3A_57, %get3A_721 : vector<16xf32>
      %add3A_724 = arith.addf %mul3A_722, %mul3A_723 : vector<16xf32>
      %swap3A_725 = arith.index_cast %scan3A_56 : i32 to index
      %swap3A_726 = arith.constant 880 : index
      %swap3A_727 = tpu.vector_load %arg12[%swap3A_725, %swap3A_726] {strides = array<i32>} : memref<32x1024xf32, #tpu.memory_space<vmem>>, vector<16xf32>,
      tpu.vector_store %arg12[%swap3A_725, %swap3A_726], %add3A_724 {strides = array<i32>} : memref<32x1024xf32, #tpu.memory_space<vmem>>, vector<16xf32>,
      %get3A_728 = arith.index_cast %scan3A_56 : i32 to index
      %get3A_729 = arith.constant 896 : index
      %get3A_730 = tpu.vector_load %arg10[%get3A_728, %get3A_729] {strides = array<i32>} : memref<32x1024xf32, #tpu.memory_space<vmem>>, vector<16xf32>,
      %get3A_731 = arith.index_cast %scan3A_56 : i32 to index
      %get3A_732 = arith.constant 896 : index
      %get3A_733 = tpu.vector_load %arg11[%get3A_731, %get3A_732] {strides = array<i32>} : memref<32x1024xf32, #tpu.memory_space<vmem>>, vector<16xf32>,
      %mul3A_734 = arith.mulf %gather3A, %get3A_730 : vector<16xf32>
      %mul3A_735 = arith.mulf %gather3A_57, %get3A_733 : vector<16xf32>
      %add3A_736 = arith.addf %mul3A_734, %mul3A_735 : vector<16xf32>
      %swap3A_737 = arith.index_cast %scan3A_56 : i32 to index
      %swap3A_738 = arith.constant 896 : index
      %swap3A_739 = tpu.vector_load %arg12[%swap3A_737, %swap3A_738] {strides = array<i32>} : memref<32x1024xf32, #tpu.memory_space<vmem>>, vector<16xf32>,
      tpu.vector_store %arg12[%swap3A_737, %swap3A_738], %add3A_736 {strides = array<i32>} : memref<32x1024xf32, #tpu.memory_space<vmem>>, vector<16xf32>,
      %get3A_740 = arith.index_cast %scan3A_56 : i32 to index
      %get3A_741 = arith.constant 912 : index
      %get3A_742 = tpu.vector_load %arg10[%get3A_740, %get3A_741] {strides = array<i32>} : memref<32x1024xf32, #tpu.memory_space<vmem>>, vector<16xf32>,
      %get3A_743 = arith.index_cast %scan3A_56 : i32 to index
      %get3A_744 = arith.constant 912 : index
      %get3A_745 = tpu.vector_load %arg11[%get3A_743, %get3A_744] {strides = array<i32>} : memref<32x1024xf32, #tpu.memory_space<vmem>>, vector<16xf32>,
      %mul3A_746 = arith.mulf %gather3A, %get3A_742 : vector<16xf32>
      %mul3A_747 = arith.mulf %gather3A_57, %get3A_745 : vector<16xf32>
      %add3A_748 = arith.addf %mul3A_746, %mul3A_747 : vector<16xf32>
      %swap3A_749 = arith.index_cast %scan3A_56 : i32 to index
      %swap3A_750 = arith.constant 912 : index
      %swap3A_751 = tpu.vector_load %arg12[%swap3A_749, %swap3A_750] {strides = array<i32>} : memref<32x1024xf32, #tpu.memory_space<vmem>>, vector<16xf32>,
      tpu.vector_store %arg12[%swap3A_749, %swap3A_750], %add3A_748 {strides = array<i32>} : memref<32x1024xf32, #tpu.memory_space<vmem>>, vector<16xf32>,
      %get3A_752 = arith.index_cast %scan3A_56 : i32 to index
      %get3A_753 = arith.constant 928 : index
      %get3A_754 = tpu.vector_load %arg10[%get3A_752, %get3A_753] {strides = array<i32>} : memref<32x1024xf32, #tpu.memory_space<vmem>>, vector<16xf32>,
      %get3A_755 = arith.index_cast %scan3A_56 : i32 to index
      %get3A_756 = arith.constant 928 : index
      %get3A_757 = tpu.vector_load %arg11[%get3A_755, %get3A_756] {strides = array<i32>} : memref<32x1024xf32, #tpu.memory_space<vmem>>, vector<16xf32>,
      %mul3A_758 = arith.mulf %gather3A, %get3A_754 : vector<16xf32>
      %mul3A_759 = arith.mulf %gather3A_57, %get3A_757 : vector<16xf32>
      %add3A_760 = arith.addf %mul3A_758, %mul3A_759 : vector<16xf32>
      %swap3A_761 = arith.index_cast %scan3A_56 : i32 to index
      %swap3A_762 = arith.constant 928 : index
      %swap3A_763 = tpu.vector_load %arg12[%swap3A_761, %swap3A_762] {strides = array<i32>} : memref<32x1024xf32, #tpu.memory_space<vmem>>, vector<16xf32>,
      tpu.vector_store %arg12[%swap3A_761, %swap3A_762], %add3A_760 {strides = array<i32>} : memref<32x1024xf32, #tpu.memory_space<vmem>>, vector<16xf32>,
      %get3A_764 = arith.index_cast %scan3A_56 : i32 to index
      %get3A_765 = arith.constant 944 : index
      %get3A_766 = tpu.vector_load %arg10[%get3A_764, %get3A_765] {strides = array<i32>} : memref<32x1024xf32, #tpu.memory_space<vmem>>, vector<16xf32>,
      %get3A_767 = arith.index_cast %scan3A_56 : i32 to index
      %get3A_768 = arith.constant 944 : index
      %get3A_769 = tpu.vector_load %arg11[%get3A_767, %get3A_768] {strides = array<i32>} : memref<32x1024xf32, #tpu.memory_space<vmem>>, vector<16xf32>,
      %mul3A_770 = arith.mulf %gather3A, %get3A_766 : vector<16xf32>
      %mul3A_771 = arith.mulf %gather3A_57, %get3A_769 : vector<16xf32>
      %add3A_772 = arith.addf %mul3A_770, %mul3A_771 : vector<16xf32>
      %swap3A_773 = arith.index_cast %scan3A_56 : i32 to index
      %swap3A_774 = arith.constant 944 : index
      %swap3A_775 = tpu.vector_load %arg12[%swap3A_773, %swap3A_774] {strides = array<i32>} : memref<32x1024xf32, #tpu.memory_space<vmem>>, vector<16xf32>,
      tpu.vector_store %arg12[%swap3A_773, %swap3A_774], %add3A_772 {strides = array<i32>} : memref<32x1024xf32, #tpu.memory_space<vmem>>, vector<16xf32>,
      %get3A_776 = arith.index_cast %scan3A_56 : i32 to index
      %get3A_777 = arith.constant 960 : index
      %get3A_778 = tpu.vector_load %arg10[%get3A_776, %get3A_777] {strides = array<i32>} : memref<32x1024xf32, #tpu.memory_space<vmem>>, vector<16xf32>,
      %get3A_779 = arith.index_cast %scan3A_56 : i32 to index
      %get3A_780 = arith.constant 960 : index
      %get3A_781 = tpu.vector_load %arg11[%get3A_779, %get3A_780] {strides = array<i32>} : memref<32x1024xf32, #tpu.memory_space<vmem>>, vector<16xf32>,
      %mul3A_782 = arith.mulf %gather3A, %get3A_778 : vector<16xf32>
      %mul3A_783 = arith.mulf %gather3A_57, %get3A_781 : vector<16xf32>
      %add3A_784 = arith.addf %mul3A_782, %mul3A_783 : vector<16xf32>
      %swap3A_785 = arith.index_cast %scan3A_56 : i32 to index
      %swap3A_786 = arith.constant 960 : index
      %swap3A_787 = tpu.vector_load %arg12[%swap3A_785, %swap3A_786] {strides = array<i32>} : memref<32x1024xf32, #tpu.memory_space<vmem>>, vector<16xf32>,
      tpu.vector_store %arg12[%swap3A_785, %swap3A_786], %add3A_784 {strides = array<i32>} : memref<32x1024xf32, #tpu.memory_space<vmem>>, vector<16xf32>,
      %get3A_788 = arith.index_cast %scan3A_56 : i32 to index
      %get3A_789 = arith.constant 976 : index
      %get3A_790 = tpu.vector_load %arg10[%get3A_788, %get3A_789] {strides = array<i32>} : memref<32x1024xf32, #tpu.memory_space<vmem>>, vector<16xf32>,
      %get3A_791 = arith.index_cast %scan3A_56 : i32 to index
      %get3A_792 = arith.constant 976 : index
      %get3A_793 = tpu.vector_load %arg11[%get3A_791, %get3A_792] {strides = array<i32>} : memref<32x1024xf32, #tpu.memory_space<vmem>>, vector<16xf32>,
      %mul3A_794 = arith.mulf %gather3A, %get3A_790 : vector<16xf32>
      %mul3A_795 = arith.mulf %gather3A_57, %get3A_793 : vector<16xf32>
      %add3A_796 = arith.addf %mul3A_794, %mul3A_795 : vector<16xf32>
      %swap3A_797 = arith.index_cast %scan3A_56 : i32 to index
      %swap3A_798 = arith.constant 976 : index
      %swap3A_799 = tpu.vector_load %arg12[%swap3A_797, %swap3A_798] {strides = array<i32>} : memref<32x1024xf32, #tpu.memory_space<vmem>>, vector<16xf32>,
      tpu.vector_store %arg12[%swap3A_797, %swap3A_798], %add3A_796 {strides = array<i32>} : memref<32x1024xf32, #tpu.memory_space<vmem>>, vector<16xf32>,
      %get3A_800 = arith.index_cast %scan3A_56 : i32 to index
      %get3A_801 = arith.constant 992 : index
      %get3A_802 = tpu.vector_load %arg10[%get3A_800, %get3A_801] {strides = array<i32>} : memref<32x1024xf32, #tpu.memory_space<vmem>>, vector<16xf32>,
      %get3A_803 = arith.index_cast %scan3A_56 : i32 to index
      %get3A_804 = arith.constant 992 : index
      %get3A_805 = tpu.vector_load %arg11[%get3A_803, %get3A_804] {strides = array<i32>} : memref<32x1024xf32, #tpu.memory_space<vmem>>, vector<16xf32>,
      %mul3A_806 = arith.mulf %gather3A, %get3A_802 : vector<16xf32>
      %mul3A_807 = arith.mulf %gather3A_57, %get3A_805 : vector<16xf32>
      %add3A_808 = arith.addf %mul3A_806, %mul3A_807 : vector<16xf32>
      %swap3A_809 = arith.index_cast %scan3A_56 : i32 to index
      %swap3A_810 = arith.constant 992 : index
      %swap3A_811 = tpu.vector_load %arg12[%swap3A_809, %swap3A_810] {strides = array<i32>} : memref<32x1024xf32, #tpu.memory_space<vmem>>, vector<16xf32>,
      tpu.vector_store %arg12[%swap3A_809, %swap3A_810], %add3A_808 {strides = array<i32>} : memref<32x1024xf32, #tpu.memory_space<vmem>>, vector<16xf32>,
      %get3A_812 = arith.index_cast %scan3A_56 : i32 to index
      %get3A_813 = arith.constant 1008 : index
      %get3A_814 = tpu.vector_load %arg10[%get3A_812, %get3A_813] {strides = array<i32>} : memref<32x1024xf32, #tpu.memory_space<vmem>>, vector<16xf32>,
      %get3A_815 = arith.index_cast %scan3A_56 : i32 to index
      %get3A_816 = arith.constant 1008 : index
      %get3A_817 = tpu.vector_load %arg11[%get3A_815, %get3A_816] {strides = array<i32>} : memref<32x1024xf32, #tpu.memory_space<vmem>>, vector<16xf32>,
      %mul3A_818 = arith.mulf %gather3A, %get3A_814 : vector<16xf32>
      %mul3A_819 = arith.mulf %gather3A_57, %get3A_817 : vector<16xf32>
      %add3A_820 = arith.addf %mul3A_818, %mul3A_819 : vector<16xf32>
      %swap3A_821 = arith.index_cast %scan3A_56 : i32 to index
      %swap3A_822 = arith.constant 1008 : index
      %swap3A_823 = tpu.vector_load %arg12[%swap3A_821, %swap3A_822] {strides = array<i32>} : memref<32x1024xf32, #tpu.memory_space<vmem>>, vector<16xf32>,
      tpu.vector_store %arg12[%swap3A_821, %swap3A_822], %add3A_820 {strides = array<i32>} : memref<32x1024xf32, #tpu.memory_space<vmem>>, vector<16xf32>,
    }
    %scan3A_26 = arith.constant 32 : i32
    %add3A_27 = arith.constant 0 : i32
    %add3A_28 = arith.addi %mul3A_2, %add3A_27 : i32
    "tpu.region"() ({
      %run_scoped3A = tpu.sem_alloc : memref<!tpu.dma_semaphore, #tpu.memory_space<semaphore_mem>>
      %dma_start3A_56 = arith.constant 0 : i32
      %dma_start3A_57 = tpu.memref_slice %arg5[%add3A_28, %dma_start3A_56] : memref<2048x1024xf32, #tpu.memory_space<hbm>> -> memref<32x1024xf32, #tpu.memory_space<hbm>>
      %dma_start3A_58 = arith.constant 0 : i32
      %dma_start3A_59 = tpu.memref_slice %arg5[%add3A_28, %dma_start3A_58] : memref<2048x1024xf32, #tpu.memory_space<hbm>> -> memref<32x1024xf32, #tpu.memory_space<hbm>>
      tpu.enqueue_dma source(%arg12 : memref<32x1024xf32, #tpu.memory_space<vmem>>) target(%dma_start3A_59 : memref<32x1024xf32, #tpu.memory_space<hbm>>) target_semaphore(%run_scoped3A : memref<!tpu.dma_semaphore, #tpu.memory_space<semaphore_mem>>)
      %dma_wait3A_60 = arith.constant 0 : i32
      %dma_wait3A_61 = tpu.memref_slice %arg5[%add3A_28, %dma_wait3A_60] : memref<2048x1024xf32, #tpu.memory_space<hbm>> -> memref<32x1024xf32, #tpu.memory_space<hbm>>
      %dma_wait3A_62 = arith.constant 0 : i32
      %dma_wait3A_63 = tpu.memref_slice %arg5[%add3A_28, %dma_wait3A_62] : memref<2048x1024xf32, #tpu.memory_space<hbm>> -> memref<32x1024xf32, #tpu.memory_space<hbm>>
      tpu.wait_dma2 semaphore(%run_scoped3A : memref<!tpu.dma_semaphore, #tpu.memory_space<semaphore_mem>>) src(%arg12 : memref<32x1024xf32, #tpu.memory_space<vmem>>) dst(%dma_wait3A_63 : memref<32x1024xf32, #tpu.memory_space<hbm>>)
      tpu.yield
    }) : () -> ()
    %add3A_29 = arith.constant 32 : i32
    %add3A_30 = arith.addi %or3A, %add3A_29 : i32
    %multiple_of3A_31 = tpu.assume_multiple %add3A_30, 32 : i32
    "tpu.region"() ({
      %run_scoped3A = tpu.sem_alloc : memref<!tpu.dma_semaphore, #tpu.memory_space<semaphore_mem>>
      %dma_start3A_56 = tpu.memref_slice %arg2[%multiple_of3A_31] : memref<4096xi32, #tpu.memory_space<hbm>> -> memref<32xi32, #tpu.memory_space<hbm>>
      %dma_start3A_57 = tpu.memref_slice %arg2[%multiple_of3A_31] : memref<4096xi32, #tpu.memory_space<hbm>> -> memref<32xi32, #tpu.memory_space<hbm>>
      tpu.enqueue_dma source(%dma_start3A_57 : memref<32xi32, #tpu.memory_space<hbm>>) target(%arg6 : memref<32xi32, #tpu.memory_space<vmem>>) target_semaphore(%run_scoped3A : memref<!tpu.dma_semaphore, #tpu.memory_space<semaphore_mem>>)
      %dma_wait3A_58 = tpu.memref_slice %arg2[%multiple_of3A_31] : memref<4096xi32, #tpu.memory_space<hbm>> -> memref<32xi32, #tpu.memory_space<hbm>>
      %dma_wait3A_59 = tpu.memref_slice %arg2[%multiple_of3A_31] : memref<4096xi32, #tpu.memory_space<hbm>> -> memref<32xi32, #tpu.memory_space<hbm>>
      tpu.wait_dma2 semaphore(%run_scoped3A : memref<!tpu.dma_semaphore, #tpu.memory_space<semaphore_mem>>) src(%dma_wait3A_59 : memref<32xi32, #tpu.memory_space<hbm>>) dst(%arg6 : memref<32xi32, #tpu.memory_space<vmem>>)
      tpu.yield
    }) : () -> ()
    %add3A_32 = arith.constant 256 : i32
    %add3A_33 = arith.addi %multiple_of3A_31, %add3A_32 : i32
    "tpu.region"() ({
      %run_scoped3A = tpu.sem_alloc : memref<!tpu.dma_semaphore, #tpu.memory_space<semaphore_mem>>
      %dma_start3A_56 = tpu.memref_slice %arg2[%add3A_33] : memref<4096xi32, #tpu.memory_space<hbm>> -> memref<32xi32, #tpu.memory_space<hbm>>
      %dma_start3A_57 = tpu.memref_slice %arg2[%add3A_33] : memref<4096xi32, #tpu.memory_space<hbm>> -> memref<32xi32, #tpu.memory_space<hbm>>
      tpu.enqueue_dma source(%dma_start3A_57 : memref<32xi32, #tpu.memory_space<hbm>>) target(%arg7 : memref<32xi32, #tpu.memory_space<vmem>>) target_semaphore(%run_scoped3A : memref<!tpu.dma_semaphore, #tpu.memory_space<semaphore_mem>>)
      %dma_wait3A_58 = tpu.memref_slice %arg2[%add3A_33] : memref<4096xi32, #tpu.memory_space<hbm>> -> memref<32xi32, #tpu.memory_space<hbm>>
      %dma_wait3A_59 = tpu.memref_slice %arg2[%add3A_33] : memref<4096xi32, #tpu.memory_space<hbm>> -> memref<32xi32, #tpu.memory_space<hbm>>
      tpu.wait_dma2 semaphore(%run_scoped3A : memref<!tpu.dma_semaphore, #tpu.memory_space<semaphore_mem>>) src(%dma_wait3A_59 : memref<32xi32, #tpu.memory_space<hbm>>) dst(%arg7 : memref<32xi32, #tpu.memory_space<vmem>>)
      tpu.yield
    }) : () -> ()
    "tpu.region"() ({
      %run_scoped3A = tpu.sem_alloc : memref<!tpu.dma_semaphore, #tpu.memory_space<semaphore_mem>>
      %dma_start3A_56 = tpu.memref_slice %arg3[%multiple_of3A_31] : memref<4096xf32, #tpu.memory_space<hbm>> -> memref<32xf32, #tpu.memory_space<hbm>>
      %dma_start3A_57 = tpu.memref_slice %arg3[%multiple_of3A_31] : memref<4096xf32, #tpu.memory_space<hbm>> -> memref<32xf32, #tpu.memory_space<hbm>>
      tpu.enqueue_dma source(%dma_start3A_57 : memref<32xf32, #tpu.memory_space<hbm>>) target(%arg8 : memref<32xf32, #tpu.memory_space<vmem>>) target_semaphore(%run_scoped3A : memref<!tpu.dma_semaphore, #tpu.memory_space<semaphore_mem>>)
      %dma_wait3A_58 = tpu.memref_slice %arg3[%multiple_of3A_31] : memref<4096xf32, #tpu.memory_space<hbm>> -> memref<32xf32, #tpu.memory_space<hbm>>
      %dma_wait3A_59 = tpu.memref_slice %arg3[%multiple_of3A_31] : memref<4096xf32, #tpu.memory_space<hbm>> -> memref<32xf32, #tpu.memory_space<hbm>>
      tpu.wait_dma2 semaphore(%run_scoped3A : memref<!tpu.dma_semaphore, #tpu.memory_space<semaphore_mem>>) src(%dma_wait3A_59 : memref<32xf32, #tpu.memory_space<hbm>>) dst(%arg8 : memref<32xf32, #tpu.memory_space<vmem>>)
      tpu.yield
    }) : () -> ()
    %add3A_34 = arith.constant 256 : i32
    %add3A_35 = arith.addi %multiple_of3A_31, %add3A_34 : i32
    "tpu.region"() ({
      %run_scoped3A = tpu.sem_alloc : memref<!tpu.dma_semaphore, #tpu.memory_space<semaphore_mem>>
      %dma_start3A_56 = tpu.memref_slice %arg3[%add3A_35] : memref<4096xf32, #tpu.memory_space<hbm>> -> memref<32xf32, #tpu.memory_space<hbm>>
      %dma_start3A_57 = tpu.memref_slice %arg3[%add3A_35] : memref<4096xf32, #tpu.memory_space<hbm>> -> memref<32xf32, #tpu.memory_space<hbm>>
      tpu.enqueue_dma source(%dma_start3A_57 : memref<32xf32, #tpu.memory_space<hbm>>) target(%arg9 : memref<32xf32, #tpu.memory_space<vmem>>) target_semaphore(%run_scoped3A : memref<!tpu.dma_semaphore, #tpu.memory_space<semaphore_mem>>)
      %dma_wait3A_58 = tpu.memref_slice %arg3[%add3A_35] : memref<4096xf32, #tpu.memory_space<hbm>> -> memref<32xf32, #tpu.memory_space<hbm>>
      %dma_wait3A_59 = tpu.memref_slice %arg3[%add3A_35] : memref<4096xf32, #tpu.memory_space<hbm>> -> memref<32xf32, #tpu.memory_space<hbm>>
      tpu.wait_dma2 semaphore(%run_scoped3A : memref<!tpu.dma_semaphore, #tpu.memory_space<semaphore_mem>>) src(%dma_wait3A_59 : memref<32xf32, #tpu.memory_space<hbm>>) dst(%arg9 : memref<32xf32, #tpu.memory_space<vmem>>)
      tpu.yield
    }) : () -> ()
    %dma_start3A_36 = arith.constant 0 : i32
    %dma_start3A_37 = arith.constant 0 : i32
    %dma_start3A_38 = tpu.memref_slice %arg4[%dma_start3A_36, %dma_start3A_37] : memref<6144x1024xf32, #tpu.memory_space<hbm>> -> memref<6144x1024xf32, #tpu.memory_space<hbm>>
    tpu.enqueue_indirect_dma source(%dma_start3A_38 : memref<6144x1024xf32, #tpu.memory_space<hbm>>) target(%arg10 : memref<32x1024xf32, #tpu.memory_space<vmem>>) offsets(%arg6 : memref<32xi32, #tpu.memory_space<vmem>>) semaphore(%arg13 : memref<!tpu.dma_semaphore, #tpu.memory_space<semaphore_mem>>)
    %dma_start3A_39 = arith.constant 0 : i32
    %dma_start3A_40 = arith.constant 0 : i32
    %dma_start3A_41 = tpu.memref_slice %arg4[%dma_start3A_39, %dma_start3A_40] : memref<6144x1024xf32, #tpu.memory_space<hbm>> -> memref<6144x1024xf32, #tpu.memory_space<hbm>>
    tpu.enqueue_indirect_dma source(%dma_start3A_41 : memref<6144x1024xf32, #tpu.memory_space<hbm>>) target(%arg11 : memref<32x1024xf32, #tpu.memory_space<vmem>>) offsets(%arg7 : memref<32xi32, #tpu.memory_space<vmem>>) semaphore(%arg14 : memref<!tpu.dma_semaphore, #tpu.memory_space<semaphore_mem>>)
    %dma_wait3A_42 = arith.constant 0 : i32
    %dma_wait3A_43 = arith.constant 0 : i32
    %dma_wait3A_44 = tpu.memref_slice %arg4[%dma_wait3A_42, %dma_wait3A_43] : memref<6144x1024xf32, #tpu.memory_space<hbm>> -> memref<6144x1024xf32, #tpu.memory_space<hbm>>
    tpu.wait_indirect_dma semaphore(%arg13 : memref<!tpu.dma_semaphore, #tpu.memory_space<semaphore_mem>>) src(%dma_wait3A_44 : memref<6144x1024xf32, #tpu.memory_space<hbm>>) dst(%arg10 : memref<32x1024xf32, #tpu.memory_space<vmem>>)
    %dma_wait3A_45 = arith.constant 0 : i32
    %dma_wait3A_46 = arith.constant 0 : i32
    %dma_wait3A_47 = tpu.memref_slice %arg4[%dma_wait3A_45, %dma_wait3A_46] : memref<6144x1024xf32, #tpu.memory_space<hbm>> -> memref<6144x1024xf32, #tpu.memory_space<hbm>>
    tpu.wait_indirect_dma semaphore(%arg14 : memref<!tpu.dma_semaphore, #tpu.memory_space<semaphore_mem>>) src(%dma_wait3A_47 : memref<6144x1024xf32, #tpu.memory_space<hbm>>) dst(%arg11 : memref<32x1024xf32, #tpu.memory_space<vmem>>)
    %scan3A_48 = arith.constant 0 : i32
    %scan3A_49 = arith.constant 0 : i32
    %scan3A_50 = arith.constant 32 : i32
    %scan3A_51 = arith.addi %scan3A_49, %scan3A_50 : i32
    %scan3A_52 = arith.constant 1 : i32
    scf.for %scan3A_56 = %scan3A_49 to %scan3A_51 step %scan3A_52  : i32 {
      %broadcast_in_dim3A = vector.broadcast %scan3A_56 : i32 to vector<16xi32>
      %gather3A = tpu.vector_load_idx %arg8[%broadcast_in_dim3A] : memref<32xf32, #tpu.memory_space<vmem>>[vector<16xi32>], vector<16xf32>,
      %gather3A_57 = tpu.vector_load_idx %arg9[%broadcast_in_dim3A] : memref<32xf32, #tpu.memory_space<vmem>>[vector<16xi32>], vector<16xf32>,
      %get3A = arith.index_cast %scan3A_56 : i32 to index
      %get3A_58 = arith.constant 0 : index
      %get3A_59 = tpu.vector_load %arg10[%get3A, %get3A_58] {strides = array<i32>} : memref<32x1024xf32, #tpu.memory_space<vmem>>, vector<16xf32>,
      %get3A_60 = arith.index_cast %scan3A_56 : i32 to index
      %get3A_61 = arith.constant 0 : index
      %get3A_62 = tpu.vector_load %arg11[%get3A_60, %get3A_61] {strides = array<i32>} : memref<32x1024xf32, #tpu.memory_space<vmem>>, vector<16xf32>,
      %mul3A_63 = arith.mulf %gather3A, %get3A_59 : vector<16xf32>
      %mul3A_64 = arith.mulf %gather3A_57, %get3A_62 : vector<16xf32>
      %add3A_65 = arith.addf %mul3A_63, %mul3A_64 : vector<16xf32>
      %swap3A = arith.index_cast %scan3A_56 : i32 to index
      %swap3A_66 = arith.constant 0 : index
      %swap3A_67 = tpu.vector_load %arg12[%swap3A, %swap3A_66] {strides = array<i32>} : memref<32x1024xf32, #tpu.memory_space<vmem>>, vector<16xf32>,
      tpu.vector_store %arg12[%swap3A, %swap3A_66], %add3A_65 {strides = array<i32>} : memref<32x1024xf32, #tpu.memory_space<vmem>>, vector<16xf32>,
      %get3A_68 = arith.index_cast %scan3A_56 : i32 to index
      %get3A_69 = arith.constant 16 : index
      %get3A_70 = tpu.vector_load %arg10[%get3A_68, %get3A_69] {strides = array<i32>} : memref<32x1024xf32, #tpu.memory_space<vmem>>, vector<16xf32>,
      %get3A_71 = arith.index_cast %scan3A_56 : i32 to index
      %get3A_72 = arith.constant 16 : index
      %get3A_73 = tpu.vector_load %arg11[%get3A_71, %get3A_72] {strides = array<i32>} : memref<32x1024xf32, #tpu.memory_space<vmem>>, vector<16xf32>,
      %mul3A_74 = arith.mulf %gather3A, %get3A_70 : vector<16xf32>
      %mul3A_75 = arith.mulf %gather3A_57, %get3A_73 : vector<16xf32>
      %add3A_76 = arith.addf %mul3A_74, %mul3A_75 : vector<16xf32>
      %swap3A_77 = arith.index_cast %scan3A_56 : i32 to index
      %swap3A_78 = arith.constant 16 : index
      %swap3A_79 = tpu.vector_load %arg12[%swap3A_77, %swap3A_78] {strides = array<i32>} : memref<32x1024xf32, #tpu.memory_space<vmem>>, vector<16xf32>,
      tpu.vector_store %arg12[%swap3A_77, %swap3A_78], %add3A_76 {strides = array<i32>} : memref<32x1024xf32, #tpu.memory_space<vmem>>, vector<16xf32>,
      %get3A_80 = arith.index_cast %scan3A_56 : i32 to index
      %get3A_81 = arith.constant 32 : index
      %get3A_82 = tpu.vector_load %arg10[%get3A_80, %get3A_81] {strides = array<i32>} : memref<32x1024xf32, #tpu.memory_space<vmem>>, vector<16xf32>,
      %get3A_83 = arith.index_cast %scan3A_56 : i32 to index
      %get3A_84 = arith.constant 32 : index
      %get3A_85 = tpu.vector_load %arg11[%get3A_83, %get3A_84] {strides = array<i32>} : memref<32x1024xf32, #tpu.memory_space<vmem>>, vector<16xf32>,
      %mul3A_86 = arith.mulf %gather3A, %get3A_82 : vector<16xf32>
      %mul3A_87 = arith.mulf %gather3A_57, %get3A_85 : vector<16xf32>
      %add3A_88 = arith.addf %mul3A_86, %mul3A_87 : vector<16xf32>
      %swap3A_89 = arith.index_cast %scan3A_56 : i32 to index
      %swap3A_90 = arith.constant 32 : index
      %swap3A_91 = tpu.vector_load %arg12[%swap3A_89, %swap3A_90] {strides = array<i32>} : memref<32x1024xf32, #tpu.memory_space<vmem>>, vector<16xf32>,
      tpu.vector_store %arg12[%swap3A_89, %swap3A_90], %add3A_88 {strides = array<i32>} : memref<32x1024xf32, #tpu.memory_space<vmem>>, vector<16xf32>,
      %get3A_92 = arith.index_cast %scan3A_56 : i32 to index
      %get3A_93 = arith.constant 48 : index
      %get3A_94 = tpu.vector_load %arg10[%get3A_92, %get3A_93] {strides = array<i32>} : memref<32x1024xf32, #tpu.memory_space<vmem>>, vector<16xf32>,
      %get3A_95 = arith.index_cast %scan3A_56 : i32 to index
      %get3A_96 = arith.constant 48 : index
      %get3A_97 = tpu.vector_load %arg11[%get3A_95, %get3A_96] {strides = array<i32>} : memref<32x1024xf32, #tpu.memory_space<vmem>>, vector<16xf32>,
      %mul3A_98 = arith.mulf %gather3A, %get3A_94 : vector<16xf32>
      %mul3A_99 = arith.mulf %gather3A_57, %get3A_97 : vector<16xf32>
      %add3A_100 = arith.addf %mul3A_98, %mul3A_99 : vector<16xf32>
      %swap3A_101 = arith.index_cast %scan3A_56 : i32 to index
      %swap3A_102 = arith.constant 48 : index
      %swap3A_103 = tpu.vector_load %arg12[%swap3A_101, %swap3A_102] {strides = array<i32>} : memref<32x1024xf32, #tpu.memory_space<vmem>>, vector<16xf32>,
      tpu.vector_store %arg12[%swap3A_101, %swap3A_102], %add3A_100 {strides = array<i32>} : memref<32x1024xf32, #tpu.memory_space<vmem>>, vector<16xf32>,
      %get3A_104 = arith.index_cast %scan3A_56 : i32 to index
      %get3A_105 = arith.constant 64 : index
      %get3A_106 = tpu.vector_load %arg10[%get3A_104, %get3A_105] {strides = array<i32>} : memref<32x1024xf32, #tpu.memory_space<vmem>>, vector<16xf32>,
      %get3A_107 = arith.index_cast %scan3A_56 : i32 to index
      %get3A_108 = arith.constant 64 : index
      %get3A_109 = tpu.vector_load %arg11[%get3A_107, %get3A_108] {strides = array<i32>} : memref<32x1024xf32, #tpu.memory_space<vmem>>, vector<16xf32>,
      %mul3A_110 = arith.mulf %gather3A, %get3A_106 : vector<16xf32>
      %mul3A_111 = arith.mulf %gather3A_57, %get3A_109 : vector<16xf32>
      %add3A_112 = arith.addf %mul3A_110, %mul3A_111 : vector<16xf32>
      %swap3A_113 = arith.index_cast %scan3A_56 : i32 to index
      %swap3A_114 = arith.constant 64 : index
      %swap3A_115 = tpu.vector_load %arg12[%swap3A_113, %swap3A_114] {strides = array<i32>} : memref<32x1024xf32, #tpu.memory_space<vmem>>, vector<16xf32>,
      tpu.vector_store %arg12[%swap3A_113, %swap3A_114], %add3A_112 {strides = array<i32>} : memref<32x1024xf32, #tpu.memory_space<vmem>>, vector<16xf32>,
      %get3A_116 = arith.index_cast %scan3A_56 : i32 to index
      %get3A_117 = arith.constant 80 : index
      %get3A_118 = tpu.vector_load %arg10[%get3A_116, %get3A_117] {strides = array<i32>} : memref<32x1024xf32, #tpu.memory_space<vmem>>, vector<16xf32>,
      %get3A_119 = arith.index_cast %scan3A_56 : i32 to index
      %get3A_120 = arith.constant 80 : index
      %get3A_121 = tpu.vector_load %arg11[%get3A_119, %get3A_120] {strides = array<i32>} : memref<32x1024xf32, #tpu.memory_space<vmem>>, vector<16xf32>,
      %mul3A_122 = arith.mulf %gather3A, %get3A_118 : vector<16xf32>
      %mul3A_123 = arith.mulf %gather3A_57, %get3A_121 : vector<16xf32>
      %add3A_124 = arith.addf %mul3A_122, %mul3A_123 : vector<16xf32>
      %swap3A_125 = arith.index_cast %scan3A_56 : i32 to index
      %swap3A_126 = arith.constant 80 : index
      %swap3A_127 = tpu.vector_load %arg12[%swap3A_125, %swap3A_126] {strides = array<i32>} : memref<32x1024xf32, #tpu.memory_space<vmem>>, vector<16xf32>,
      tpu.vector_store %arg12[%swap3A_125, %swap3A_126], %add3A_124 {strides = array<i32>} : memref<32x1024xf32, #tpu.memory_space<vmem>>, vector<16xf32>,
      %get3A_128 = arith.index_cast %scan3A_56 : i32 to index
      %get3A_129 = arith.constant 96 : index
      %get3A_130 = tpu.vector_load %arg10[%get3A_128, %get3A_129] {strides = array<i32>} : memref<32x1024xf32, #tpu.memory_space<vmem>>, vector<16xf32>,
      %get3A_131 = arith.index_cast %scan3A_56 : i32 to index
      %get3A_132 = arith.constant 96 : index
      %get3A_133 = tpu.vector_load %arg11[%get3A_131, %get3A_132] {strides = array<i32>} : memref<32x1024xf32, #tpu.memory_space<vmem>>, vector<16xf32>,
      %mul3A_134 = arith.mulf %gather3A, %get3A_130 : vector<16xf32>
      %mul3A_135 = arith.mulf %gather3A_57, %get3A_133 : vector<16xf32>
      %add3A_136 = arith.addf %mul3A_134, %mul3A_135 : vector<16xf32>
      %swap3A_137 = arith.index_cast %scan3A_56 : i32 to index
      %swap3A_138 = arith.constant 96 : index
      %swap3A_139 = tpu.vector_load %arg12[%swap3A_137, %swap3A_138] {strides = array<i32>} : memref<32x1024xf32, #tpu.memory_space<vmem>>, vector<16xf32>,
      tpu.vector_store %arg12[%swap3A_137, %swap3A_138], %add3A_136 {strides = array<i32>} : memref<32x1024xf32, #tpu.memory_space<vmem>>, vector<16xf32>,
      %get3A_140 = arith.index_cast %scan3A_56 : i32 to index
      %get3A_141 = arith.constant 112 : index
      %get3A_142 = tpu.vector_load %arg10[%get3A_140, %get3A_141] {strides = array<i32>} : memref<32x1024xf32, #tpu.memory_space<vmem>>, vector<16xf32>,
      %get3A_143 = arith.index_cast %scan3A_56 : i32 to index
      %get3A_144 = arith.constant 112 : index
      %get3A_145 = tpu.vector_load %arg11[%get3A_143, %get3A_144] {strides = array<i32>} : memref<32x1024xf32, #tpu.memory_space<vmem>>, vector<16xf32>,
      %mul3A_146 = arith.mulf %gather3A, %get3A_142 : vector<16xf32>
      %mul3A_147 = arith.mulf %gather3A_57, %get3A_145 : vector<16xf32>
      %add3A_148 = arith.addf %mul3A_146, %mul3A_147 : vector<16xf32>
      %swap3A_149 = arith.index_cast %scan3A_56 : i32 to index
      %swap3A_150 = arith.constant 112 : index
      %swap3A_151 = tpu.vector_load %arg12[%swap3A_149, %swap3A_150] {strides = array<i32>} : memref<32x1024xf32, #tpu.memory_space<vmem>>, vector<16xf32>,
      tpu.vector_store %arg12[%swap3A_149, %swap3A_150], %add3A_148 {strides = array<i32>} : memref<32x1024xf32, #tpu.memory_space<vmem>>, vector<16xf32>,
      %get3A_152 = arith.index_cast %scan3A_56 : i32 to index
      %get3A_153 = arith.constant 128 : index
      %get3A_154 = tpu.vector_load %arg10[%get3A_152, %get3A_153] {strides = array<i32>} : memref<32x1024xf32, #tpu.memory_space<vmem>>, vector<16xf32>,
      %get3A_155 = arith.index_cast %scan3A_56 : i32 to index
      %get3A_156 = arith.constant 128 : index
      %get3A_157 = tpu.vector_load %arg11[%get3A_155, %get3A_156] {strides = array<i32>} : memref<32x1024xf32, #tpu.memory_space<vmem>>, vector<16xf32>,
      %mul3A_158 = arith.mulf %gather3A, %get3A_154 : vector<16xf32>
      %mul3A_159 = arith.mulf %gather3A_57, %get3A_157 : vector<16xf32>
      %add3A_160 = arith.addf %mul3A_158, %mul3A_159 : vector<16xf32>
      %swap3A_161 = arith.index_cast %scan3A_56 : i32 to index
      %swap3A_162 = arith.constant 128 : index
      %swap3A_163 = tpu.vector_load %arg12[%swap3A_161, %swap3A_162] {strides = array<i32>} : memref<32x1024xf32, #tpu.memory_space<vmem>>, vector<16xf32>,
      tpu.vector_store %arg12[%swap3A_161, %swap3A_162], %add3A_160 {strides = array<i32>} : memref<32x1024xf32, #tpu.memory_space<vmem>>, vector<16xf32>,
      %get3A_164 = arith.index_cast %scan3A_56 : i32 to index
      %get3A_165 = arith.constant 144 : index
      %get3A_166 = tpu.vector_load %arg10[%get3A_164, %get3A_165] {strides = array<i32>} : memref<32x1024xf32, #tpu.memory_space<vmem>>, vector<16xf32>,
      %get3A_167 = arith.index_cast %scan3A_56 : i32 to index
      %get3A_168 = arith.constant 144 : index
      %get3A_169 = tpu.vector_load %arg11[%get3A_167, %get3A_168] {strides = array<i32>} : memref<32x1024xf32, #tpu.memory_space<vmem>>, vector<16xf32>,
      %mul3A_170 = arith.mulf %gather3A, %get3A_166 : vector<16xf32>
      %mul3A_171 = arith.mulf %gather3A_57, %get3A_169 : vector<16xf32>
      %add3A_172 = arith.addf %mul3A_170, %mul3A_171 : vector<16xf32>
      %swap3A_173 = arith.index_cast %scan3A_56 : i32 to index
      %swap3A_174 = arith.constant 144 : index
      %swap3A_175 = tpu.vector_load %arg12[%swap3A_173, %swap3A_174] {strides = array<i32>} : memref<32x1024xf32, #tpu.memory_space<vmem>>, vector<16xf32>,
      tpu.vector_store %arg12[%swap3A_173, %swap3A_174], %add3A_172 {strides = array<i32>} : memref<32x1024xf32, #tpu.memory_space<vmem>>, vector<16xf32>,
      %get3A_176 = arith.index_cast %scan3A_56 : i32 to index
      %get3A_177 = arith.constant 160 : index
      %get3A_178 = tpu.vector_load %arg10[%get3A_176, %get3A_177] {strides = array<i32>} : memref<32x1024xf32, #tpu.memory_space<vmem>>, vector<16xf32>,
      %get3A_179 = arith.index_cast %scan3A_56 : i32 to index
      %get3A_180 = arith.constant 160 : index
      %get3A_181 = tpu.vector_load %arg11[%get3A_179, %get3A_180] {strides = array<i32>} : memref<32x1024xf32, #tpu.memory_space<vmem>>, vector<16xf32>,
      %mul3A_182 = arith.mulf %gather3A, %get3A_178 : vector<16xf32>
      %mul3A_183 = arith.mulf %gather3A_57, %get3A_181 : vector<16xf32>
      %add3A_184 = arith.addf %mul3A_182, %mul3A_183 : vector<16xf32>
      %swap3A_185 = arith.index_cast %scan3A_56 : i32 to index
      %swap3A_186 = arith.constant 160 : index
      %swap3A_187 = tpu.vector_load %arg12[%swap3A_185, %swap3A_186] {strides = array<i32>} : memref<32x1024xf32, #tpu.memory_space<vmem>>, vector<16xf32>,
      tpu.vector_store %arg12[%swap3A_185, %swap3A_186], %add3A_184 {strides = array<i32>} : memref<32x1024xf32, #tpu.memory_space<vmem>>, vector<16xf32>,
      %get3A_188 = arith.index_cast %scan3A_56 : i32 to index
      %get3A_189 = arith.constant 176 : index
      %get3A_190 = tpu.vector_load %arg10[%get3A_188, %get3A_189] {strides = array<i32>} : memref<32x1024xf32, #tpu.memory_space<vmem>>, vector<16xf32>,
      %get3A_191 = arith.index_cast %scan3A_56 : i32 to index
      %get3A_192 = arith.constant 176 : index
      %get3A_193 = tpu.vector_load %arg11[%get3A_191, %get3A_192] {strides = array<i32>} : memref<32x1024xf32, #tpu.memory_space<vmem>>, vector<16xf32>,
      %mul3A_194 = arith.mulf %gather3A, %get3A_190 : vector<16xf32>
      %mul3A_195 = arith.mulf %gather3A_57, %get3A_193 : vector<16xf32>
      %add3A_196 = arith.addf %mul3A_194, %mul3A_195 : vector<16xf32>
      %swap3A_197 = arith.index_cast %scan3A_56 : i32 to index
      %swap3A_198 = arith.constant 176 : index
      %swap3A_199 = tpu.vector_load %arg12[%swap3A_197, %swap3A_198] {strides = array<i32>} : memref<32x1024xf32, #tpu.memory_space<vmem>>, vector<16xf32>,
      tpu.vector_store %arg12[%swap3A_197, %swap3A_198], %add3A_196 {strides = array<i32>} : memref<32x1024xf32, #tpu.memory_space<vmem>>, vector<16xf32>,
      %get3A_200 = arith.index_cast %scan3A_56 : i32 to index
      %get3A_201 = arith.constant 192 : index
      %get3A_202 = tpu.vector_load %arg10[%get3A_200, %get3A_201] {strides = array<i32>} : memref<32x1024xf32, #tpu.memory_space<vmem>>, vector<16xf32>,
      %get3A_203 = arith.index_cast %scan3A_56 : i32 to index
      %get3A_204 = arith.constant 192 : index
      %get3A_205 = tpu.vector_load %arg11[%get3A_203, %get3A_204] {strides = array<i32>} : memref<32x1024xf32, #tpu.memory_space<vmem>>, vector<16xf32>,
      %mul3A_206 = arith.mulf %gather3A, %get3A_202 : vector<16xf32>
      %mul3A_207 = arith.mulf %gather3A_57, %get3A_205 : vector<16xf32>
      %add3A_208 = arith.addf %mul3A_206, %mul3A_207 : vector<16xf32>
      %swap3A_209 = arith.index_cast %scan3A_56 : i32 to index
      %swap3A_210 = arith.constant 192 : index
      %swap3A_211 = tpu.vector_load %arg12[%swap3A_209, %swap3A_210] {strides = array<i32>} : memref<32x1024xf32, #tpu.memory_space<vmem>>, vector<16xf32>,
      tpu.vector_store %arg12[%swap3A_209, %swap3A_210], %add3A_208 {strides = array<i32>} : memref<32x1024xf32, #tpu.memory_space<vmem>>, vector<16xf32>,
      %get3A_212 = arith.index_cast %scan3A_56 : i32 to index
      %get3A_213 = arith.constant 208 : index
      %get3A_214 = tpu.vector_load %arg10[%get3A_212, %get3A_213] {strides = array<i32>} : memref<32x1024xf32, #tpu.memory_space<vmem>>, vector<16xf32>,
      %get3A_215 = arith.index_cast %scan3A_56 : i32 to index
      %get3A_216 = arith.constant 208 : index
      %get3A_217 = tpu.vector_load %arg11[%get3A_215, %get3A_216] {strides = array<i32>} : memref<32x1024xf32, #tpu.memory_space<vmem>>, vector<16xf32>,
      %mul3A_218 = arith.mulf %gather3A, %get3A_214 : vector<16xf32>
      %mul3A_219 = arith.mulf %gather3A_57, %get3A_217 : vector<16xf32>
      %add3A_220 = arith.addf %mul3A_218, %mul3A_219 : vector<16xf32>
      %swap3A_221 = arith.index_cast %scan3A_56 : i32 to index
      %swap3A_222 = arith.constant 208 : index
      %swap3A_223 = tpu.vector_load %arg12[%swap3A_221, %swap3A_222] {strides = array<i32>} : memref<32x1024xf32, #tpu.memory_space<vmem>>, vector<16xf32>,
      tpu.vector_store %arg12[%swap3A_221, %swap3A_222], %add3A_220 {strides = array<i32>} : memref<32x1024xf32, #tpu.memory_space<vmem>>, vector<16xf32>,
      %get3A_224 = arith.index_cast %scan3A_56 : i32 to index
      %get3A_225 = arith.constant 224 : index
      %get3A_226 = tpu.vector_load %arg10[%get3A_224, %get3A_225] {strides = array<i32>} : memref<32x1024xf32, #tpu.memory_space<vmem>>, vector<16xf32>,
      %get3A_227 = arith.index_cast %scan3A_56 : i32 to index
      %get3A_228 = arith.constant 224 : index
      %get3A_229 = tpu.vector_load %arg11[%get3A_227, %get3A_228] {strides = array<i32>} : memref<32x1024xf32, #tpu.memory_space<vmem>>, vector<16xf32>,
      %mul3A_230 = arith.mulf %gather3A, %get3A_226 : vector<16xf32>
      %mul3A_231 = arith.mulf %gather3A_57, %get3A_229 : vector<16xf32>
      %add3A_232 = arith.addf %mul3A_230, %mul3A_231 : vector<16xf32>
      %swap3A_233 = arith.index_cast %scan3A_56 : i32 to index
      %swap3A_234 = arith.constant 224 : index
      %swap3A_235 = tpu.vector_load %arg12[%swap3A_233, %swap3A_234] {strides = array<i32>} : memref<32x1024xf32, #tpu.memory_space<vmem>>, vector<16xf32>,
      tpu.vector_store %arg12[%swap3A_233, %swap3A_234], %add3A_232 {strides = array<i32>} : memref<32x1024xf32, #tpu.memory_space<vmem>>, vector<16xf32>,
      %get3A_236 = arith.index_cast %scan3A_56 : i32 to index
      %get3A_237 = arith.constant 240 : index
      %get3A_238 = tpu.vector_load %arg10[%get3A_236, %get3A_237] {strides = array<i32>} : memref<32x1024xf32, #tpu.memory_space<vmem>>, vector<16xf32>,
      %get3A_239 = arith.index_cast %scan3A_56 : i32 to index
      %get3A_240 = arith.constant 240 : index
      %get3A_241 = tpu.vector_load %arg11[%get3A_239, %get3A_240] {strides = array<i32>} : memref<32x1024xf32, #tpu.memory_space<vmem>>, vector<16xf32>,
      %mul3A_242 = arith.mulf %gather3A, %get3A_238 : vector<16xf32>
      %mul3A_243 = arith.mulf %gather3A_57, %get3A_241 : vector<16xf32>
      %add3A_244 = arith.addf %mul3A_242, %mul3A_243 : vector<16xf32>
      %swap3A_245 = arith.index_cast %scan3A_56 : i32 to index
      %swap3A_246 = arith.constant 240 : index
      %swap3A_247 = tpu.vector_load %arg12[%swap3A_245, %swap3A_246] {strides = array<i32>} : memref<32x1024xf32, #tpu.memory_space<vmem>>, vector<16xf32>,
      tpu.vector_store %arg12[%swap3A_245, %swap3A_246], %add3A_244 {strides = array<i32>} : memref<32x1024xf32, #tpu.memory_space<vmem>>, vector<16xf32>,
      %get3A_248 = arith.index_cast %scan3A_56 : i32 to index
      %get3A_249 = arith.constant 256 : index
      %get3A_250 = tpu.vector_load %arg10[%get3A_248, %get3A_249] {strides = array<i32>} : memref<32x1024xf32, #tpu.memory_space<vmem>>, vector<16xf32>,
      %get3A_251 = arith.index_cast %scan3A_56 : i32 to index
      %get3A_252 = arith.constant 256 : index
      %get3A_253 = tpu.vector_load %arg11[%get3A_251, %get3A_252] {strides = array<i32>} : memref<32x1024xf32, #tpu.memory_space<vmem>>, vector<16xf32>,
      %mul3A_254 = arith.mulf %gather3A, %get3A_250 : vector<16xf32>
      %mul3A_255 = arith.mulf %gather3A_57, %get3A_253 : vector<16xf32>
      %add3A_256 = arith.addf %mul3A_254, %mul3A_255 : vector<16xf32>
      %swap3A_257 = arith.index_cast %scan3A_56 : i32 to index
      %swap3A_258 = arith.constant 256 : index
      %swap3A_259 = tpu.vector_load %arg12[%swap3A_257, %swap3A_258] {strides = array<i32>} : memref<32x1024xf32, #tpu.memory_space<vmem>>, vector<16xf32>,
      tpu.vector_store %arg12[%swap3A_257, %swap3A_258], %add3A_256 {strides = array<i32>} : memref<32x1024xf32, #tpu.memory_space<vmem>>, vector<16xf32>,
      %get3A_260 = arith.index_cast %scan3A_56 : i32 to index
      %get3A_261 = arith.constant 272 : index
      %get3A_262 = tpu.vector_load %arg10[%get3A_260, %get3A_261] {strides = array<i32>} : memref<32x1024xf32, #tpu.memory_space<vmem>>, vector<16xf32>,
      %get3A_263 = arith.index_cast %scan3A_56 : i32 to index
      %get3A_264 = arith.constant 272 : index
      %get3A_265 = tpu.vector_load %arg11[%get3A_263, %get3A_264] {strides = array<i32>} : memref<32x1024xf32, #tpu.memory_space<vmem>>, vector<16xf32>,
      %mul3A_266 = arith.mulf %gather3A, %get3A_262 : vector<16xf32>
      %mul3A_267 = arith.mulf %gather3A_57, %get3A_265 : vector<16xf32>
      %add3A_268 = arith.addf %mul3A_266, %mul3A_267 : vector<16xf32>
      %swap3A_269 = arith.index_cast %scan3A_56 : i32 to index
      %swap3A_270 = arith.constant 272 : index
      %swap3A_271 = tpu.vector_load %arg12[%swap3A_269, %swap3A_270] {strides = array<i32>} : memref<32x1024xf32, #tpu.memory_space<vmem>>, vector<16xf32>,
      tpu.vector_store %arg12[%swap3A_269, %swap3A_270], %add3A_268 {strides = array<i32>} : memref<32x1024xf32, #tpu.memory_space<vmem>>, vector<16xf32>,
      %get3A_272 = arith.index_cast %scan3A_56 : i32 to index
      %get3A_273 = arith.constant 288 : index
      %get3A_274 = tpu.vector_load %arg10[%get3A_272, %get3A_273] {strides = array<i32>} : memref<32x1024xf32, #tpu.memory_space<vmem>>, vector<16xf32>,
      %get3A_275 = arith.index_cast %scan3A_56 : i32 to index
      %get3A_276 = arith.constant 288 : index
      %get3A_277 = tpu.vector_load %arg11[%get3A_275, %get3A_276] {strides = array<i32>} : memref<32x1024xf32, #tpu.memory_space<vmem>>, vector<16xf32>,
      %mul3A_278 = arith.mulf %gather3A, %get3A_274 : vector<16xf32>
      %mul3A_279 = arith.mulf %gather3A_57, %get3A_277 : vector<16xf32>
      %add3A_280 = arith.addf %mul3A_278, %mul3A_279 : vector<16xf32>
      %swap3A_281 = arith.index_cast %scan3A_56 : i32 to index
      %swap3A_282 = arith.constant 288 : index
      %swap3A_283 = tpu.vector_load %arg12[%swap3A_281, %swap3A_282] {strides = array<i32>} : memref<32x1024xf32, #tpu.memory_space<vmem>>, vector<16xf32>,
      tpu.vector_store %arg12[%swap3A_281, %swap3A_282], %add3A_280 {strides = array<i32>} : memref<32x1024xf32, #tpu.memory_space<vmem>>, vector<16xf32>,
      %get3A_284 = arith.index_cast %scan3A_56 : i32 to index
      %get3A_285 = arith.constant 304 : index
      %get3A_286 = tpu.vector_load %arg10[%get3A_284, %get3A_285] {strides = array<i32>} : memref<32x1024xf32, #tpu.memory_space<vmem>>, vector<16xf32>,
      %get3A_287 = arith.index_cast %scan3A_56 : i32 to index
      %get3A_288 = arith.constant 304 : index
      %get3A_289 = tpu.vector_load %arg11[%get3A_287, %get3A_288] {strides = array<i32>} : memref<32x1024xf32, #tpu.memory_space<vmem>>, vector<16xf32>,
      %mul3A_290 = arith.mulf %gather3A, %get3A_286 : vector<16xf32>
      %mul3A_291 = arith.mulf %gather3A_57, %get3A_289 : vector<16xf32>
      %add3A_292 = arith.addf %mul3A_290, %mul3A_291 : vector<16xf32>
      %swap3A_293 = arith.index_cast %scan3A_56 : i32 to index
      %swap3A_294 = arith.constant 304 : index
      %swap3A_295 = tpu.vector_load %arg12[%swap3A_293, %swap3A_294] {strides = array<i32>} : memref<32x1024xf32, #tpu.memory_space<vmem>>, vector<16xf32>,
      tpu.vector_store %arg12[%swap3A_293, %swap3A_294], %add3A_292 {strides = array<i32>} : memref<32x1024xf32, #tpu.memory_space<vmem>>, vector<16xf32>,
      %get3A_296 = arith.index_cast %scan3A_56 : i32 to index
      %get3A_297 = arith.constant 320 : index
      %get3A_298 = tpu.vector_load %arg10[%get3A_296, %get3A_297] {strides = array<i32>} : memref<32x1024xf32, #tpu.memory_space<vmem>>, vector<16xf32>,
      %get3A_299 = arith.index_cast %scan3A_56 : i32 to index
      %get3A_300 = arith.constant 320 : index
      %get3A_301 = tpu.vector_load %arg11[%get3A_299, %get3A_300] {strides = array<i32>} : memref<32x1024xf32, #tpu.memory_space<vmem>>, vector<16xf32>,
      %mul3A_302 = arith.mulf %gather3A, %get3A_298 : vector<16xf32>
      %mul3A_303 = arith.mulf %gather3A_57, %get3A_301 : vector<16xf32>
      %add3A_304 = arith.addf %mul3A_302, %mul3A_303 : vector<16xf32>
      %swap3A_305 = arith.index_cast %scan3A_56 : i32 to index
      %swap3A_306 = arith.constant 320 : index
      %swap3A_307 = tpu.vector_load %arg12[%swap3A_305, %swap3A_306] {strides = array<i32>} : memref<32x1024xf32, #tpu.memory_space<vmem>>, vector<16xf32>,
      tpu.vector_store %arg12[%swap3A_305, %swap3A_306], %add3A_304 {strides = array<i32>} : memref<32x1024xf32, #tpu.memory_space<vmem>>, vector<16xf32>,
      %get3A_308 = arith.index_cast %scan3A_56 : i32 to index
      %get3A_309 = arith.constant 336 : index
      %get3A_310 = tpu.vector_load %arg10[%get3A_308, %get3A_309] {strides = array<i32>} : memref<32x1024xf32, #tpu.memory_space<vmem>>, vector<16xf32>,
      %get3A_311 = arith.index_cast %scan3A_56 : i32 to index
      %get3A_312 = arith.constant 336 : index
      %get3A_313 = tpu.vector_load %arg11[%get3A_311, %get3A_312] {strides = array<i32>} : memref<32x1024xf32, #tpu.memory_space<vmem>>, vector<16xf32>,
      %mul3A_314 = arith.mulf %gather3A, %get3A_310 : vector<16xf32>
      %mul3A_315 = arith.mulf %gather3A_57, %get3A_313 : vector<16xf32>
      %add3A_316 = arith.addf %mul3A_314, %mul3A_315 : vector<16xf32>
      %swap3A_317 = arith.index_cast %scan3A_56 : i32 to index
      %swap3A_318 = arith.constant 336 : index
      %swap3A_319 = tpu.vector_load %arg12[%swap3A_317, %swap3A_318] {strides = array<i32>} : memref<32x1024xf32, #tpu.memory_space<vmem>>, vector<16xf32>,
      tpu.vector_store %arg12[%swap3A_317, %swap3A_318], %add3A_316 {strides = array<i32>} : memref<32x1024xf32, #tpu.memory_space<vmem>>, vector<16xf32>,
      %get3A_320 = arith.index_cast %scan3A_56 : i32 to index
      %get3A_321 = arith.constant 352 : index
      %get3A_322 = tpu.vector_load %arg10[%get3A_320, %get3A_321] {strides = array<i32>} : memref<32x1024xf32, #tpu.memory_space<vmem>>, vector<16xf32>,
      %get3A_323 = arith.index_cast %scan3A_56 : i32 to index
      %get3A_324 = arith.constant 352 : index
      %get3A_325 = tpu.vector_load %arg11[%get3A_323, %get3A_324] {strides = array<i32>} : memref<32x1024xf32, #tpu.memory_space<vmem>>, vector<16xf32>,
      %mul3A_326 = arith.mulf %gather3A, %get3A_322 : vector<16xf32>
      %mul3A_327 = arith.mulf %gather3A_57, %get3A_325 : vector<16xf32>
      %add3A_328 = arith.addf %mul3A_326, %mul3A_327 : vector<16xf32>
      %swap3A_329 = arith.index_cast %scan3A_56 : i32 to index
      %swap3A_330 = arith.constant 352 : index
      %swap3A_331 = tpu.vector_load %arg12[%swap3A_329, %swap3A_330] {strides = array<i32>} : memref<32x1024xf32, #tpu.memory_space<vmem>>, vector<16xf32>,
      tpu.vector_store %arg12[%swap3A_329, %swap3A_330], %add3A_328 {strides = array<i32>} : memref<32x1024xf32, #tpu.memory_space<vmem>>, vector<16xf32>,
      %get3A_332 = arith.index_cast %scan3A_56 : i32 to index
      %get3A_333 = arith.constant 368 : index
      %get3A_334 = tpu.vector_load %arg10[%get3A_332, %get3A_333] {strides = array<i32>} : memref<32x1024xf32, #tpu.memory_space<vmem>>, vector<16xf32>,
      %get3A_335 = arith.index_cast %scan3A_56 : i32 to index
      %get3A_336 = arith.constant 368 : index
      %get3A_337 = tpu.vector_load %arg11[%get3A_335, %get3A_336] {strides = array<i32>} : memref<32x1024xf32, #tpu.memory_space<vmem>>, vector<16xf32>,
      %mul3A_338 = arith.mulf %gather3A, %get3A_334 : vector<16xf32>
      %mul3A_339 = arith.mulf %gather3A_57, %get3A_337 : vector<16xf32>
      %add3A_340 = arith.addf %mul3A_338, %mul3A_339 : vector<16xf32>
      %swap3A_341 = arith.index_cast %scan3A_56 : i32 to index
      %swap3A_342 = arith.constant 368 : index
      %swap3A_343 = tpu.vector_load %arg12[%swap3A_341, %swap3A_342] {strides = array<i32>} : memref<32x1024xf32, #tpu.memory_space<vmem>>, vector<16xf32>,
      tpu.vector_store %arg12[%swap3A_341, %swap3A_342], %add3A_340 {strides = array<i32>} : memref<32x1024xf32, #tpu.memory_space<vmem>>, vector<16xf32>,
      %get3A_344 = arith.index_cast %scan3A_56 : i32 to index
      %get3A_345 = arith.constant 384 : index
      %get3A_346 = tpu.vector_load %arg10[%get3A_344, %get3A_345] {strides = array<i32>} : memref<32x1024xf32, #tpu.memory_space<vmem>>, vector<16xf32>,
      %get3A_347 = arith.index_cast %scan3A_56 : i32 to index
      %get3A_348 = arith.constant 384 : index
      %get3A_349 = tpu.vector_load %arg11[%get3A_347, %get3A_348] {strides = array<i32>} : memref<32x1024xf32, #tpu.memory_space<vmem>>, vector<16xf32>,
      %mul3A_350 = arith.mulf %gather3A, %get3A_346 : vector<16xf32>
      %mul3A_351 = arith.mulf %gather3A_57, %get3A_349 : vector<16xf32>
      %add3A_352 = arith.addf %mul3A_350, %mul3A_351 : vector<16xf32>
      %swap3A_353 = arith.index_cast %scan3A_56 : i32 to index
      %swap3A_354 = arith.constant 384 : index
      %swap3A_355 = tpu.vector_load %arg12[%swap3A_353, %swap3A_354] {strides = array<i32>} : memref<32x1024xf32, #tpu.memory_space<vmem>>, vector<16xf32>,
      tpu.vector_store %arg12[%swap3A_353, %swap3A_354], %add3A_352 {strides = array<i32>} : memref<32x1024xf32, #tpu.memory_space<vmem>>, vector<16xf32>,
      %get3A_356 = arith.index_cast %scan3A_56 : i32 to index
      %get3A_357 = arith.constant 400 : index
      %get3A_358 = tpu.vector_load %arg10[%get3A_356, %get3A_357] {strides = array<i32>} : memref<32x1024xf32, #tpu.memory_space<vmem>>, vector<16xf32>,
      %get3A_359 = arith.index_cast %scan3A_56 : i32 to index
      %get3A_360 = arith.constant 400 : index
      %get3A_361 = tpu.vector_load %arg11[%get3A_359, %get3A_360] {strides = array<i32>} : memref<32x1024xf32, #tpu.memory_space<vmem>>, vector<16xf32>,
      %mul3A_362 = arith.mulf %gather3A, %get3A_358 : vector<16xf32>
      %mul3A_363 = arith.mulf %gather3A_57, %get3A_361 : vector<16xf32>
      %add3A_364 = arith.addf %mul3A_362, %mul3A_363 : vector<16xf32>
      %swap3A_365 = arith.index_cast %scan3A_56 : i32 to index
      %swap3A_366 = arith.constant 400 : index
      %swap3A_367 = tpu.vector_load %arg12[%swap3A_365, %swap3A_366] {strides = array<i32>} : memref<32x1024xf32, #tpu.memory_space<vmem>>, vector<16xf32>,
      tpu.vector_store %arg12[%swap3A_365, %swap3A_366], %add3A_364 {strides = array<i32>} : memref<32x1024xf32, #tpu.memory_space<vmem>>, vector<16xf32>,
      %get3A_368 = arith.index_cast %scan3A_56 : i32 to index
      %get3A_369 = arith.constant 416 : index
      %get3A_370 = tpu.vector_load %arg10[%get3A_368, %get3A_369] {strides = array<i32>} : memref<32x1024xf32, #tpu.memory_space<vmem>>, vector<16xf32>,
      %get3A_371 = arith.index_cast %scan3A_56 : i32 to index
      %get3A_372 = arith.constant 416 : index
      %get3A_373 = tpu.vector_load %arg11[%get3A_371, %get3A_372] {strides = array<i32>} : memref<32x1024xf32, #tpu.memory_space<vmem>>, vector<16xf32>,
      %mul3A_374 = arith.mulf %gather3A, %get3A_370 : vector<16xf32>
      %mul3A_375 = arith.mulf %gather3A_57, %get3A_373 : vector<16xf32>
      %add3A_376 = arith.addf %mul3A_374, %mul3A_375 : vector<16xf32>
      %swap3A_377 = arith.index_cast %scan3A_56 : i32 to index
      %swap3A_378 = arith.constant 416 : index
      %swap3A_379 = tpu.vector_load %arg12[%swap3A_377, %swap3A_378] {strides = array<i32>} : memref<32x1024xf32, #tpu.memory_space<vmem>>, vector<16xf32>,
      tpu.vector_store %arg12[%swap3A_377, %swap3A_378], %add3A_376 {strides = array<i32>} : memref<32x1024xf32, #tpu.memory_space<vmem>>, vector<16xf32>,
      %get3A_380 = arith.index_cast %scan3A_56 : i32 to index
      %get3A_381 = arith.constant 432 : index
      %get3A_382 = tpu.vector_load %arg10[%get3A_380, %get3A_381] {strides = array<i32>} : memref<32x1024xf32, #tpu.memory_space<vmem>>, vector<16xf32>,
      %get3A_383 = arith.index_cast %scan3A_56 : i32 to index
      %get3A_384 = arith.constant 432 : index
      %get3A_385 = tpu.vector_load %arg11[%get3A_383, %get3A_384] {strides = array<i32>} : memref<32x1024xf32, #tpu.memory_space<vmem>>, vector<16xf32>,
      %mul3A_386 = arith.mulf %gather3A, %get3A_382 : vector<16xf32>
      %mul3A_387 = arith.mulf %gather3A_57, %get3A_385 : vector<16xf32>
      %add3A_388 = arith.addf %mul3A_386, %mul3A_387 : vector<16xf32>
      %swap3A_389 = arith.index_cast %scan3A_56 : i32 to index
      %swap3A_390 = arith.constant 432 : index
      %swap3A_391 = tpu.vector_load %arg12[%swap3A_389, %swap3A_390] {strides = array<i32>} : memref<32x1024xf32, #tpu.memory_space<vmem>>, vector<16xf32>,
      tpu.vector_store %arg12[%swap3A_389, %swap3A_390], %add3A_388 {strides = array<i32>} : memref<32x1024xf32, #tpu.memory_space<vmem>>, vector<16xf32>,
      %get3A_392 = arith.index_cast %scan3A_56 : i32 to index
      %get3A_393 = arith.constant 448 : index
      %get3A_394 = tpu.vector_load %arg10[%get3A_392, %get3A_393] {strides = array<i32>} : memref<32x1024xf32, #tpu.memory_space<vmem>>, vector<16xf32>,
      %get3A_395 = arith.index_cast %scan3A_56 : i32 to index
      %get3A_396 = arith.constant 448 : index
      %get3A_397 = tpu.vector_load %arg11[%get3A_395, %get3A_396] {strides = array<i32>} : memref<32x1024xf32, #tpu.memory_space<vmem>>, vector<16xf32>,
      %mul3A_398 = arith.mulf %gather3A, %get3A_394 : vector<16xf32>
      %mul3A_399 = arith.mulf %gather3A_57, %get3A_397 : vector<16xf32>
      %add3A_400 = arith.addf %mul3A_398, %mul3A_399 : vector<16xf32>
      %swap3A_401 = arith.index_cast %scan3A_56 : i32 to index
      %swap3A_402 = arith.constant 448 : index
      %swap3A_403 = tpu.vector_load %arg12[%swap3A_401, %swap3A_402] {strides = array<i32>} : memref<32x1024xf32, #tpu.memory_space<vmem>>, vector<16xf32>,
      tpu.vector_store %arg12[%swap3A_401, %swap3A_402], %add3A_400 {strides = array<i32>} : memref<32x1024xf32, #tpu.memory_space<vmem>>, vector<16xf32>,
      %get3A_404 = arith.index_cast %scan3A_56 : i32 to index
      %get3A_405 = arith.constant 464 : index
      %get3A_406 = tpu.vector_load %arg10[%get3A_404, %get3A_405] {strides = array<i32>} : memref<32x1024xf32, #tpu.memory_space<vmem>>, vector<16xf32>,
      %get3A_407 = arith.index_cast %scan3A_56 : i32 to index
      %get3A_408 = arith.constant 464 : index
      %get3A_409 = tpu.vector_load %arg11[%get3A_407, %get3A_408] {strides = array<i32>} : memref<32x1024xf32, #tpu.memory_space<vmem>>, vector<16xf32>,
      %mul3A_410 = arith.mulf %gather3A, %get3A_406 : vector<16xf32>
      %mul3A_411 = arith.mulf %gather3A_57, %get3A_409 : vector<16xf32>
      %add3A_412 = arith.addf %mul3A_410, %mul3A_411 : vector<16xf32>
      %swap3A_413 = arith.index_cast %scan3A_56 : i32 to index
      %swap3A_414 = arith.constant 464 : index
      %swap3A_415 = tpu.vector_load %arg12[%swap3A_413, %swap3A_414] {strides = array<i32>} : memref<32x1024xf32, #tpu.memory_space<vmem>>, vector<16xf32>,
      tpu.vector_store %arg12[%swap3A_413, %swap3A_414], %add3A_412 {strides = array<i32>} : memref<32x1024xf32, #tpu.memory_space<vmem>>, vector<16xf32>,
      %get3A_416 = arith.index_cast %scan3A_56 : i32 to index
      %get3A_417 = arith.constant 480 : index
      %get3A_418 = tpu.vector_load %arg10[%get3A_416, %get3A_417] {strides = array<i32>} : memref<32x1024xf32, #tpu.memory_space<vmem>>, vector<16xf32>,
      %get3A_419 = arith.index_cast %scan3A_56 : i32 to index
      %get3A_420 = arith.constant 480 : index
      %get3A_421 = tpu.vector_load %arg11[%get3A_419, %get3A_420] {strides = array<i32>} : memref<32x1024xf32, #tpu.memory_space<vmem>>, vector<16xf32>,
      %mul3A_422 = arith.mulf %gather3A, %get3A_418 : vector<16xf32>
      %mul3A_423 = arith.mulf %gather3A_57, %get3A_421 : vector<16xf32>
      %add3A_424 = arith.addf %mul3A_422, %mul3A_423 : vector<16xf32>
      %swap3A_425 = arith.index_cast %scan3A_56 : i32 to index
      %swap3A_426 = arith.constant 480 : index
      %swap3A_427 = tpu.vector_load %arg12[%swap3A_425, %swap3A_426] {strides = array<i32>} : memref<32x1024xf32, #tpu.memory_space<vmem>>, vector<16xf32>,
      tpu.vector_store %arg12[%swap3A_425, %swap3A_426], %add3A_424 {strides = array<i32>} : memref<32x1024xf32, #tpu.memory_space<vmem>>, vector<16xf32>,
      %get3A_428 = arith.index_cast %scan3A_56 : i32 to index
      %get3A_429 = arith.constant 496 : index
      %get3A_430 = tpu.vector_load %arg10[%get3A_428, %get3A_429] {strides = array<i32>} : memref<32x1024xf32, #tpu.memory_space<vmem>>, vector<16xf32>,
      %get3A_431 = arith.index_cast %scan3A_56 : i32 to index
      %get3A_432 = arith.constant 496 : index
      %get3A_433 = tpu.vector_load %arg11[%get3A_431, %get3A_432] {strides = array<i32>} : memref<32x1024xf32, #tpu.memory_space<vmem>>, vector<16xf32>,
      %mul3A_434 = arith.mulf %gather3A, %get3A_430 : vector<16xf32>
      %mul3A_435 = arith.mulf %gather3A_57, %get3A_433 : vector<16xf32>
      %add3A_436 = arith.addf %mul3A_434, %mul3A_435 : vector<16xf32>
      %swap3A_437 = arith.index_cast %scan3A_56 : i32 to index
      %swap3A_438 = arith.constant 496 : index
      %swap3A_439 = tpu.vector_load %arg12[%swap3A_437, %swap3A_438] {strides = array<i32>} : memref<32x1024xf32, #tpu.memory_space<vmem>>, vector<16xf32>,
      tpu.vector_store %arg12[%swap3A_437, %swap3A_438], %add3A_436 {strides = array<i32>} : memref<32x1024xf32, #tpu.memory_space<vmem>>, vector<16xf32>,
      %get3A_440 = arith.index_cast %scan3A_56 : i32 to index
      %get3A_441 = arith.constant 512 : index
      %get3A_442 = tpu.vector_load %arg10[%get3A_440, %get3A_441] {strides = array<i32>} : memref<32x1024xf32, #tpu.memory_space<vmem>>, vector<16xf32>,
      %get3A_443 = arith.index_cast %scan3A_56 : i32 to index
      %get3A_444 = arith.constant 512 : index
      %get3A_445 = tpu.vector_load %arg11[%get3A_443, %get3A_444] {strides = array<i32>} : memref<32x1024xf32, #tpu.memory_space<vmem>>, vector<16xf32>,
      %mul3A_446 = arith.mulf %gather3A, %get3A_442 : vector<16xf32>
      %mul3A_447 = arith.mulf %gather3A_57, %get3A_445 : vector<16xf32>
      %add3A_448 = arith.addf %mul3A_446, %mul3A_447 : vector<16xf32>
      %swap3A_449 = arith.index_cast %scan3A_56 : i32 to index
      %swap3A_450 = arith.constant 512 : index
      %swap3A_451 = tpu.vector_load %arg12[%swap3A_449, %swap3A_450] {strides = array<i32>} : memref<32x1024xf32, #tpu.memory_space<vmem>>, vector<16xf32>,
      tpu.vector_store %arg12[%swap3A_449, %swap3A_450], %add3A_448 {strides = array<i32>} : memref<32x1024xf32, #tpu.memory_space<vmem>>, vector<16xf32>,
      %get3A_452 = arith.index_cast %scan3A_56 : i32 to index
      %get3A_453 = arith.constant 528 : index
      %get3A_454 = tpu.vector_load %arg10[%get3A_452, %get3A_453] {strides = array<i32>} : memref<32x1024xf32, #tpu.memory_space<vmem>>, vector<16xf32>,
      %get3A_455 = arith.index_cast %scan3A_56 : i32 to index
      %get3A_456 = arith.constant 528 : index
      %get3A_457 = tpu.vector_load %arg11[%get3A_455, %get3A_456] {strides = array<i32>} : memref<32x1024xf32, #tpu.memory_space<vmem>>, vector<16xf32>,
      %mul3A_458 = arith.mulf %gather3A, %get3A_454 : vector<16xf32>
      %mul3A_459 = arith.mulf %gather3A_57, %get3A_457 : vector<16xf32>
      %add3A_460 = arith.addf %mul3A_458, %mul3A_459 : vector<16xf32>
      %swap3A_461 = arith.index_cast %scan3A_56 : i32 to index
      %swap3A_462 = arith.constant 528 : index
      %swap3A_463 = tpu.vector_load %arg12[%swap3A_461, %swap3A_462] {strides = array<i32>} : memref<32x1024xf32, #tpu.memory_space<vmem>>, vector<16xf32>,
      tpu.vector_store %arg12[%swap3A_461, %swap3A_462], %add3A_460 {strides = array<i32>} : memref<32x1024xf32, #tpu.memory_space<vmem>>, vector<16xf32>,
      %get3A_464 = arith.index_cast %scan3A_56 : i32 to index
      %get3A_465 = arith.constant 544 : index
      %get3A_466 = tpu.vector_load %arg10[%get3A_464, %get3A_465] {strides = array<i32>} : memref<32x1024xf32, #tpu.memory_space<vmem>>, vector<16xf32>,
      %get3A_467 = arith.index_cast %scan3A_56 : i32 to index
      %get3A_468 = arith.constant 544 : index
      %get3A_469 = tpu.vector_load %arg11[%get3A_467, %get3A_468] {strides = array<i32>} : memref<32x1024xf32, #tpu.memory_space<vmem>>, vector<16xf32>,
      %mul3A_470 = arith.mulf %gather3A, %get3A_466 : vector<16xf32>
      %mul3A_471 = arith.mulf %gather3A_57, %get3A_469 : vector<16xf32>
      %add3A_472 = arith.addf %mul3A_470, %mul3A_471 : vector<16xf32>
      %swap3A_473 = arith.index_cast %scan3A_56 : i32 to index
      %swap3A_474 = arith.constant 544 : index
      %swap3A_475 = tpu.vector_load %arg12[%swap3A_473, %swap3A_474] {strides = array<i32>} : memref<32x1024xf32, #tpu.memory_space<vmem>>, vector<16xf32>,
      tpu.vector_store %arg12[%swap3A_473, %swap3A_474], %add3A_472 {strides = array<i32>} : memref<32x1024xf32, #tpu.memory_space<vmem>>, vector<16xf32>,
      %get3A_476 = arith.index_cast %scan3A_56 : i32 to index
      %get3A_477 = arith.constant 560 : index
      %get3A_478 = tpu.vector_load %arg10[%get3A_476, %get3A_477] {strides = array<i32>} : memref<32x1024xf32, #tpu.memory_space<vmem>>, vector<16xf32>,
      %get3A_479 = arith.index_cast %scan3A_56 : i32 to index
      %get3A_480 = arith.constant 560 : index
      %get3A_481 = tpu.vector_load %arg11[%get3A_479, %get3A_480] {strides = array<i32>} : memref<32x1024xf32, #tpu.memory_space<vmem>>, vector<16xf32>,
      %mul3A_482 = arith.mulf %gather3A, %get3A_478 : vector<16xf32>
      %mul3A_483 = arith.mulf %gather3A_57, %get3A_481 : vector<16xf32>
      %add3A_484 = arith.addf %mul3A_482, %mul3A_483 : vector<16xf32>
      %swap3A_485 = arith.index_cast %scan3A_56 : i32 to index
      %swap3A_486 = arith.constant 560 : index
      %swap3A_487 = tpu.vector_load %arg12[%swap3A_485, %swap3A_486] {strides = array<i32>} : memref<32x1024xf32, #tpu.memory_space<vmem>>, vector<16xf32>,
      tpu.vector_store %arg12[%swap3A_485, %swap3A_486], %add3A_484 {strides = array<i32>} : memref<32x1024xf32, #tpu.memory_space<vmem>>, vector<16xf32>,
      %get3A_488 = arith.index_cast %scan3A_56 : i32 to index
      %get3A_489 = arith.constant 576 : index
      %get3A_490 = tpu.vector_load %arg10[%get3A_488, %get3A_489] {strides = array<i32>} : memref<32x1024xf32, #tpu.memory_space<vmem>>, vector<16xf32>,
      %get3A_491 = arith.index_cast %scan3A_56 : i32 to index
      %get3A_492 = arith.constant 576 : index
      %get3A_493 = tpu.vector_load %arg11[%get3A_491, %get3A_492] {strides = array<i32>} : memref<32x1024xf32, #tpu.memory_space<vmem>>, vector<16xf32>,
      %mul3A_494 = arith.mulf %gather3A, %get3A_490 : vector<16xf32>
      %mul3A_495 = arith.mulf %gather3A_57, %get3A_493 : vector<16xf32>
      %add3A_496 = arith.addf %mul3A_494, %mul3A_495 : vector<16xf32>
      %swap3A_497 = arith.index_cast %scan3A_56 : i32 to index
      %swap3A_498 = arith.constant 576 : index
      %swap3A_499 = tpu.vector_load %arg12[%swap3A_497, %swap3A_498] {strides = array<i32>} : memref<32x1024xf32, #tpu.memory_space<vmem>>, vector<16xf32>,
      tpu.vector_store %arg12[%swap3A_497, %swap3A_498], %add3A_496 {strides = array<i32>} : memref<32x1024xf32, #tpu.memory_space<vmem>>, vector<16xf32>,
      %get3A_500 = arith.index_cast %scan3A_56 : i32 to index
      %get3A_501 = arith.constant 592 : index
      %get3A_502 = tpu.vector_load %arg10[%get3A_500, %get3A_501] {strides = array<i32>} : memref<32x1024xf32, #tpu.memory_space<vmem>>, vector<16xf32>,
      %get3A_503 = arith.index_cast %scan3A_56 : i32 to index
      %get3A_504 = arith.constant 592 : index
      %get3A_505 = tpu.vector_load %arg11[%get3A_503, %get3A_504] {strides = array<i32>} : memref<32x1024xf32, #tpu.memory_space<vmem>>, vector<16xf32>,
      %mul3A_506 = arith.mulf %gather3A, %get3A_502 : vector<16xf32>
      %mul3A_507 = arith.mulf %gather3A_57, %get3A_505 : vector<16xf32>
      %add3A_508 = arith.addf %mul3A_506, %mul3A_507 : vector<16xf32>
      %swap3A_509 = arith.index_cast %scan3A_56 : i32 to index
      %swap3A_510 = arith.constant 592 : index
      %swap3A_511 = tpu.vector_load %arg12[%swap3A_509, %swap3A_510] {strides = array<i32>} : memref<32x1024xf32, #tpu.memory_space<vmem>>, vector<16xf32>,
      tpu.vector_store %arg12[%swap3A_509, %swap3A_510], %add3A_508 {strides = array<i32>} : memref<32x1024xf32, #tpu.memory_space<vmem>>, vector<16xf32>,
      %get3A_512 = arith.index_cast %scan3A_56 : i32 to index
      %get3A_513 = arith.constant 608 : index
      %get3A_514 = tpu.vector_load %arg10[%get3A_512, %get3A_513] {strides = array<i32>} : memref<32x1024xf32, #tpu.memory_space<vmem>>, vector<16xf32>,
      %get3A_515 = arith.index_cast %scan3A_56 : i32 to index
      %get3A_516 = arith.constant 608 : index
      %get3A_517 = tpu.vector_load %arg11[%get3A_515, %get3A_516] {strides = array<i32>} : memref<32x1024xf32, #tpu.memory_space<vmem>>, vector<16xf32>,
      %mul3A_518 = arith.mulf %gather3A, %get3A_514 : vector<16xf32>
      %mul3A_519 = arith.mulf %gather3A_57, %get3A_517 : vector<16xf32>
      %add3A_520 = arith.addf %mul3A_518, %mul3A_519 : vector<16xf32>
      %swap3A_521 = arith.index_cast %scan3A_56 : i32 to index
      %swap3A_522 = arith.constant 608 : index
      %swap3A_523 = tpu.vector_load %arg12[%swap3A_521, %swap3A_522] {strides = array<i32>} : memref<32x1024xf32, #tpu.memory_space<vmem>>, vector<16xf32>,
      tpu.vector_store %arg12[%swap3A_521, %swap3A_522], %add3A_520 {strides = array<i32>} : memref<32x1024xf32, #tpu.memory_space<vmem>>, vector<16xf32>,
      %get3A_524 = arith.index_cast %scan3A_56 : i32 to index
      %get3A_525 = arith.constant 624 : index
      %get3A_526 = tpu.vector_load %arg10[%get3A_524, %get3A_525] {strides = array<i32>} : memref<32x1024xf32, #tpu.memory_space<vmem>>, vector<16xf32>,
      %get3A_527 = arith.index_cast %scan3A_56 : i32 to index
      %get3A_528 = arith.constant 624 : index
      %get3A_529 = tpu.vector_load %arg11[%get3A_527, %get3A_528] {strides = array<i32>} : memref<32x1024xf32, #tpu.memory_space<vmem>>, vector<16xf32>,
      %mul3A_530 = arith.mulf %gather3A, %get3A_526 : vector<16xf32>
      %mul3A_531 = arith.mulf %gather3A_57, %get3A_529 : vector<16xf32>
      %add3A_532 = arith.addf %mul3A_530, %mul3A_531 : vector<16xf32>
      %swap3A_533 = arith.index_cast %scan3A_56 : i32 to index
      %swap3A_534 = arith.constant 624 : index
      %swap3A_535 = tpu.vector_load %arg12[%swap3A_533, %swap3A_534] {strides = array<i32>} : memref<32x1024xf32, #tpu.memory_space<vmem>>, vector<16xf32>,
      tpu.vector_store %arg12[%swap3A_533, %swap3A_534], %add3A_532 {strides = array<i32>} : memref<32x1024xf32, #tpu.memory_space<vmem>>, vector<16xf32>,
      %get3A_536 = arith.index_cast %scan3A_56 : i32 to index
      %get3A_537 = arith.constant 640 : index
      %get3A_538 = tpu.vector_load %arg10[%get3A_536, %get3A_537] {strides = array<i32>} : memref<32x1024xf32, #tpu.memory_space<vmem>>, vector<16xf32>,
      %get3A_539 = arith.index_cast %scan3A_56 : i32 to index
      %get3A_540 = arith.constant 640 : index
      %get3A_541 = tpu.vector_load %arg11[%get3A_539, %get3A_540] {strides = array<i32>} : memref<32x1024xf32, #tpu.memory_space<vmem>>, vector<16xf32>,
      %mul3A_542 = arith.mulf %gather3A, %get3A_538 : vector<16xf32>
      %mul3A_543 = arith.mulf %gather3A_57, %get3A_541 : vector<16xf32>
      %add3A_544 = arith.addf %mul3A_542, %mul3A_543 : vector<16xf32>
      %swap3A_545 = arith.index_cast %scan3A_56 : i32 to index
      %swap3A_546 = arith.constant 640 : index
      %swap3A_547 = tpu.vector_load %arg12[%swap3A_545, %swap3A_546] {strides = array<i32>} : memref<32x1024xf32, #tpu.memory_space<vmem>>, vector<16xf32>,
      tpu.vector_store %arg12[%swap3A_545, %swap3A_546], %add3A_544 {strides = array<i32>} : memref<32x1024xf32, #tpu.memory_space<vmem>>, vector<16xf32>,
      %get3A_548 = arith.index_cast %scan3A_56 : i32 to index
      %get3A_549 = arith.constant 656 : index
      %get3A_550 = tpu.vector_load %arg10[%get3A_548, %get3A_549] {strides = array<i32>} : memref<32x1024xf32, #tpu.memory_space<vmem>>, vector<16xf32>,
      %get3A_551 = arith.index_cast %scan3A_56 : i32 to index
      %get3A_552 = arith.constant 656 : index
      %get3A_553 = tpu.vector_load %arg11[%get3A_551, %get3A_552] {strides = array<i32>} : memref<32x1024xf32, #tpu.memory_space<vmem>>, vector<16xf32>,
      %mul3A_554 = arith.mulf %gather3A, %get3A_550 : vector<16xf32>
      %mul3A_555 = arith.mulf %gather3A_57, %get3A_553 : vector<16xf32>
      %add3A_556 = arith.addf %mul3A_554, %mul3A_555 : vector<16xf32>
      %swap3A_557 = arith.index_cast %scan3A_56 : i32 to index
      %swap3A_558 = arith.constant 656 : index
      %swap3A_559 = tpu.vector_load %arg12[%swap3A_557, %swap3A_558] {strides = array<i32>} : memref<32x1024xf32, #tpu.memory_space<vmem>>, vector<16xf32>,
      tpu.vector_store %arg12[%swap3A_557, %swap3A_558], %add3A_556 {strides = array<i32>} : memref<32x1024xf32, #tpu.memory_space<vmem>>, vector<16xf32>,
      %get3A_560 = arith.index_cast %scan3A_56 : i32 to index
      %get3A_561 = arith.constant 672 : index
      %get3A_562 = tpu.vector_load %arg10[%get3A_560, %get3A_561] {strides = array<i32>} : memref<32x1024xf32, #tpu.memory_space<vmem>>, vector<16xf32>,
      %get3A_563 = arith.index_cast %scan3A_56 : i32 to index
      %get3A_564 = arith.constant 672 : index
      %get3A_565 = tpu.vector_load %arg11[%get3A_563, %get3A_564] {strides = array<i32>} : memref<32x1024xf32, #tpu.memory_space<vmem>>, vector<16xf32>,
      %mul3A_566 = arith.mulf %gather3A, %get3A_562 : vector<16xf32>
      %mul3A_567 = arith.mulf %gather3A_57, %get3A_565 : vector<16xf32>
      %add3A_568 = arith.addf %mul3A_566, %mul3A_567 : vector<16xf32>
      %swap3A_569 = arith.index_cast %scan3A_56 : i32 to index
      %swap3A_570 = arith.constant 672 : index
      %swap3A_571 = tpu.vector_load %arg12[%swap3A_569, %swap3A_570] {strides = array<i32>} : memref<32x1024xf32, #tpu.memory_space<vmem>>, vector<16xf32>,
      tpu.vector_store %arg12[%swap3A_569, %swap3A_570], %add3A_568 {strides = array<i32>} : memref<32x1024xf32, #tpu.memory_space<vmem>>, vector<16xf32>,
      %get3A_572 = arith.index_cast %scan3A_56 : i32 to index
      %get3A_573 = arith.constant 688 : index
      %get3A_574 = tpu.vector_load %arg10[%get3A_572, %get3A_573] {strides = array<i32>} : memref<32x1024xf32, #tpu.memory_space<vmem>>, vector<16xf32>,
      %get3A_575 = arith.index_cast %scan3A_56 : i32 to index
      %get3A_576 = arith.constant 688 : index
      %get3A_577 = tpu.vector_load %arg11[%get3A_575, %get3A_576] {strides = array<i32>} : memref<32x1024xf32, #tpu.memory_space<vmem>>, vector<16xf32>,
      %mul3A_578 = arith.mulf %gather3A, %get3A_574 : vector<16xf32>
      %mul3A_579 = arith.mulf %gather3A_57, %get3A_577 : vector<16xf32>
      %add3A_580 = arith.addf %mul3A_578, %mul3A_579 : vector<16xf32>
      %swap3A_581 = arith.index_cast %scan3A_56 : i32 to index
      %swap3A_582 = arith.constant 688 : index
      %swap3A_583 = tpu.vector_load %arg12[%swap3A_581, %swap3A_582] {strides = array<i32>} : memref<32x1024xf32, #tpu.memory_space<vmem>>, vector<16xf32>,
      tpu.vector_store %arg12[%swap3A_581, %swap3A_582], %add3A_580 {strides = array<i32>} : memref<32x1024xf32, #tpu.memory_space<vmem>>, vector<16xf32>,
      %get3A_584 = arith.index_cast %scan3A_56 : i32 to index
      %get3A_585 = arith.constant 704 : index
      %get3A_586 = tpu.vector_load %arg10[%get3A_584, %get3A_585] {strides = array<i32>} : memref<32x1024xf32, #tpu.memory_space<vmem>>, vector<16xf32>,
      %get3A_587 = arith.index_cast %scan3A_56 : i32 to index
      %get3A_588 = arith.constant 704 : index
      %get3A_589 = tpu.vector_load %arg11[%get3A_587, %get3A_588] {strides = array<i32>} : memref<32x1024xf32, #tpu.memory_space<vmem>>, vector<16xf32>,
      %mul3A_590 = arith.mulf %gather3A, %get3A_586 : vector<16xf32>
      %mul3A_591 = arith.mulf %gather3A_57, %get3A_589 : vector<16xf32>
      %add3A_592 = arith.addf %mul3A_590, %mul3A_591 : vector<16xf32>
      %swap3A_593 = arith.index_cast %scan3A_56 : i32 to index
      %swap3A_594 = arith.constant 704 : index
      %swap3A_595 = tpu.vector_load %arg12[%swap3A_593, %swap3A_594] {strides = array<i32>} : memref<32x1024xf32, #tpu.memory_space<vmem>>, vector<16xf32>,
      tpu.vector_store %arg12[%swap3A_593, %swap3A_594], %add3A_592 {strides = array<i32>} : memref<32x1024xf32, #tpu.memory_space<vmem>>, vector<16xf32>,
      %get3A_596 = arith.index_cast %scan3A_56 : i32 to index
      %get3A_597 = arith.constant 720 : index
      %get3A_598 = tpu.vector_load %arg10[%get3A_596, %get3A_597] {strides = array<i32>} : memref<32x1024xf32, #tpu.memory_space<vmem>>, vector<16xf32>,
      %get3A_599 = arith.index_cast %scan3A_56 : i32 to index
      %get3A_600 = arith.constant 720 : index
      %get3A_601 = tpu.vector_load %arg11[%get3A_599, %get3A_600] {strides = array<i32>} : memref<32x1024xf32, #tpu.memory_space<vmem>>, vector<16xf32>,
      %mul3A_602 = arith.mulf %gather3A, %get3A_598 : vector<16xf32>
      %mul3A_603 = arith.mulf %gather3A_57, %get3A_601 : vector<16xf32>
      %add3A_604 = arith.addf %mul3A_602, %mul3A_603 : vector<16xf32>
      %swap3A_605 = arith.index_cast %scan3A_56 : i32 to index
      %swap3A_606 = arith.constant 720 : index
      %swap3A_607 = tpu.vector_load %arg12[%swap3A_605, %swap3A_606] {strides = array<i32>} : memref<32x1024xf32, #tpu.memory_space<vmem>>, vector<16xf32>,
      tpu.vector_store %arg12[%swap3A_605, %swap3A_606], %add3A_604 {strides = array<i32>} : memref<32x1024xf32, #tpu.memory_space<vmem>>, vector<16xf32>,
      %get3A_608 = arith.index_cast %scan3A_56 : i32 to index
      %get3A_609 = arith.constant 736 : index
      %get3A_610 = tpu.vector_load %arg10[%get3A_608, %get3A_609] {strides = array<i32>} : memref<32x1024xf32, #tpu.memory_space<vmem>>, vector<16xf32>,
      %get3A_611 = arith.index_cast %scan3A_56 : i32 to index
      %get3A_612 = arith.constant 736 : index
      %get3A_613 = tpu.vector_load %arg11[%get3A_611, %get3A_612] {strides = array<i32>} : memref<32x1024xf32, #tpu.memory_space<vmem>>, vector<16xf32>,
      %mul3A_614 = arith.mulf %gather3A, %get3A_610 : vector<16xf32>
      %mul3A_615 = arith.mulf %gather3A_57, %get3A_613 : vector<16xf32>
      %add3A_616 = arith.addf %mul3A_614, %mul3A_615 : vector<16xf32>
      %swap3A_617 = arith.index_cast %scan3A_56 : i32 to index
      %swap3A_618 = arith.constant 736 : index
      %swap3A_619 = tpu.vector_load %arg12[%swap3A_617, %swap3A_618] {strides = array<i32>} : memref<32x1024xf32, #tpu.memory_space<vmem>>, vector<16xf32>,
      tpu.vector_store %arg12[%swap3A_617, %swap3A_618], %add3A_616 {strides = array<i32>} : memref<32x1024xf32, #tpu.memory_space<vmem>>, vector<16xf32>,
      %get3A_620 = arith.index_cast %scan3A_56 : i32 to index
      %get3A_621 = arith.constant 752 : index
      %get3A_622 = tpu.vector_load %arg10[%get3A_620, %get3A_621] {strides = array<i32>} : memref<32x1024xf32, #tpu.memory_space<vmem>>, vector<16xf32>,
      %get3A_623 = arith.index_cast %scan3A_56 : i32 to index
      %get3A_624 = arith.constant 752 : index
      %get3A_625 = tpu.vector_load %arg11[%get3A_623, %get3A_624] {strides = array<i32>} : memref<32x1024xf32, #tpu.memory_space<vmem>>, vector<16xf32>,
      %mul3A_626 = arith.mulf %gather3A, %get3A_622 : vector<16xf32>
      %mul3A_627 = arith.mulf %gather3A_57, %get3A_625 : vector<16xf32>
      %add3A_628 = arith.addf %mul3A_626, %mul3A_627 : vector<16xf32>
      %swap3A_629 = arith.index_cast %scan3A_56 : i32 to index
      %swap3A_630 = arith.constant 752 : index
      %swap3A_631 = tpu.vector_load %arg12[%swap3A_629, %swap3A_630] {strides = array<i32>} : memref<32x1024xf32, #tpu.memory_space<vmem>>, vector<16xf32>,
      tpu.vector_store %arg12[%swap3A_629, %swap3A_630], %add3A_628 {strides = array<i32>} : memref<32x1024xf32, #tpu.memory_space<vmem>>, vector<16xf32>,
      %get3A_632 = arith.index_cast %scan3A_56 : i32 to index
      %get3A_633 = arith.constant 768 : index
      %get3A_634 = tpu.vector_load %arg10[%get3A_632, %get3A_633] {strides = array<i32>} : memref<32x1024xf32, #tpu.memory_space<vmem>>, vector<16xf32>,
      %get3A_635 = arith.index_cast %scan3A_56 : i32 to index
      %get3A_636 = arith.constant 768 : index
      %get3A_637 = tpu.vector_load %arg11[%get3A_635, %get3A_636] {strides = array<i32>} : memref<32x1024xf32, #tpu.memory_space<vmem>>, vector<16xf32>,
      %mul3A_638 = arith.mulf %gather3A, %get3A_634 : vector<16xf32>
      %mul3A_639 = arith.mulf %gather3A_57, %get3A_637 : vector<16xf32>
      %add3A_640 = arith.addf %mul3A_638, %mul3A_639 : vector<16xf32>
      %swap3A_641 = arith.index_cast %scan3A_56 : i32 to index
      %swap3A_642 = arith.constant 768 : index
      %swap3A_643 = tpu.vector_load %arg12[%swap3A_641, %swap3A_642] {strides = array<i32>} : memref<32x1024xf32, #tpu.memory_space<vmem>>, vector<16xf32>,
      tpu.vector_store %arg12[%swap3A_641, %swap3A_642], %add3A_640 {strides = array<i32>} : memref<32x1024xf32, #tpu.memory_space<vmem>>, vector<16xf32>,
      %get3A_644 = arith.index_cast %scan3A_56 : i32 to index
      %get3A_645 = arith.constant 784 : index
      %get3A_646 = tpu.vector_load %arg10[%get3A_644, %get3A_645] {strides = array<i32>} : memref<32x1024xf32, #tpu.memory_space<vmem>>, vector<16xf32>,
      %get3A_647 = arith.index_cast %scan3A_56 : i32 to index
      %get3A_648 = arith.constant 784 : index
      %get3A_649 = tpu.vector_load %arg11[%get3A_647, %get3A_648] {strides = array<i32>} : memref<32x1024xf32, #tpu.memory_space<vmem>>, vector<16xf32>,
      %mul3A_650 = arith.mulf %gather3A, %get3A_646 : vector<16xf32>
      %mul3A_651 = arith.mulf %gather3A_57, %get3A_649 : vector<16xf32>
      %add3A_652 = arith.addf %mul3A_650, %mul3A_651 : vector<16xf32>
      %swap3A_653 = arith.index_cast %scan3A_56 : i32 to index
      %swap3A_654 = arith.constant 784 : index
      %swap3A_655 = tpu.vector_load %arg12[%swap3A_653, %swap3A_654] {strides = array<i32>} : memref<32x1024xf32, #tpu.memory_space<vmem>>, vector<16xf32>,
      tpu.vector_store %arg12[%swap3A_653, %swap3A_654], %add3A_652 {strides = array<i32>} : memref<32x1024xf32, #tpu.memory_space<vmem>>, vector<16xf32>,
      %get3A_656 = arith.index_cast %scan3A_56 : i32 to index
      %get3A_657 = arith.constant 800 : index
      %get3A_658 = tpu.vector_load %arg10[%get3A_656, %get3A_657] {strides = array<i32>} : memref<32x1024xf32, #tpu.memory_space<vmem>>, vector<16xf32>,
      %get3A_659 = arith.index_cast %scan3A_56 : i32 to index
      %get3A_660 = arith.constant 800 : index
      %get3A_661 = tpu.vector_load %arg11[%get3A_659, %get3A_660] {strides = array<i32>} : memref<32x1024xf32, #tpu.memory_space<vmem>>, vector<16xf32>,
      %mul3A_662 = arith.mulf %gather3A, %get3A_658 : vector<16xf32>
      %mul3A_663 = arith.mulf %gather3A_57, %get3A_661 : vector<16xf32>
      %add3A_664 = arith.addf %mul3A_662, %mul3A_663 : vector<16xf32>
      %swap3A_665 = arith.index_cast %scan3A_56 : i32 to index
      %swap3A_666 = arith.constant 800 : index
      %swap3A_667 = tpu.vector_load %arg12[%swap3A_665, %swap3A_666] {strides = array<i32>} : memref<32x1024xf32, #tpu.memory_space<vmem>>, vector<16xf32>,
      tpu.vector_store %arg12[%swap3A_665, %swap3A_666], %add3A_664 {strides = array<i32>} : memref<32x1024xf32, #tpu.memory_space<vmem>>, vector<16xf32>,
      %get3A_668 = arith.index_cast %scan3A_56 : i32 to index
      %get3A_669 = arith.constant 816 : index
      %get3A_670 = tpu.vector_load %arg10[%get3A_668, %get3A_669] {strides = array<i32>} : memref<32x1024xf32, #tpu.memory_space<vmem>>, vector<16xf32>,
      %get3A_671 = arith.index_cast %scan3A_56 : i32 to index
      %get3A_672 = arith.constant 816 : index
      %get3A_673 = tpu.vector_load %arg11[%get3A_671, %get3A_672] {strides = array<i32>} : memref<32x1024xf32, #tpu.memory_space<vmem>>, vector<16xf32>,
      %mul3A_674 = arith.mulf %gather3A, %get3A_670 : vector<16xf32>
      %mul3A_675 = arith.mulf %gather3A_57, %get3A_673 : vector<16xf32>
      %add3A_676 = arith.addf %mul3A_674, %mul3A_675 : vector<16xf32>
      %swap3A_677 = arith.index_cast %scan3A_56 : i32 to index
      %swap3A_678 = arith.constant 816 : index
      %swap3A_679 = tpu.vector_load %arg12[%swap3A_677, %swap3A_678] {strides = array<i32>} : memref<32x1024xf32, #tpu.memory_space<vmem>>, vector<16xf32>,
      tpu.vector_store %arg12[%swap3A_677, %swap3A_678], %add3A_676 {strides = array<i32>} : memref<32x1024xf32, #tpu.memory_space<vmem>>, vector<16xf32>,
      %get3A_680 = arith.index_cast %scan3A_56 : i32 to index
      %get3A_681 = arith.constant 832 : index
      %get3A_682 = tpu.vector_load %arg10[%get3A_680, %get3A_681] {strides = array<i32>} : memref<32x1024xf32, #tpu.memory_space<vmem>>, vector<16xf32>,
      %get3A_683 = arith.index_cast %scan3A_56 : i32 to index
      %get3A_684 = arith.constant 832 : index
      %get3A_685 = tpu.vector_load %arg11[%get3A_683, %get3A_684] {strides = array<i32>} : memref<32x1024xf32, #tpu.memory_space<vmem>>, vector<16xf32>,
      %mul3A_686 = arith.mulf %gather3A, %get3A_682 : vector<16xf32>
      %mul3A_687 = arith.mulf %gather3A_57, %get3A_685 : vector<16xf32>
      %add3A_688 = arith.addf %mul3A_686, %mul3A_687 : vector<16xf32>
      %swap3A_689 = arith.index_cast %scan3A_56 : i32 to index
      %swap3A_690 = arith.constant 832 : index
      %swap3A_691 = tpu.vector_load %arg12[%swap3A_689, %swap3A_690] {strides = array<i32>} : memref<32x1024xf32, #tpu.memory_space<vmem>>, vector<16xf32>,
      tpu.vector_store %arg12[%swap3A_689, %swap3A_690], %add3A_688 {strides = array<i32>} : memref<32x1024xf32, #tpu.memory_space<vmem>>, vector<16xf32>,
      %get3A_692 = arith.index_cast %scan3A_56 : i32 to index
      %get3A_693 = arith.constant 848 : index
      %get3A_694 = tpu.vector_load %arg10[%get3A_692, %get3A_693] {strides = array<i32>} : memref<32x1024xf32, #tpu.memory_space<vmem>>, vector<16xf32>,
      %get3A_695 = arith.index_cast %scan3A_56 : i32 to index
      %get3A_696 = arith.constant 848 : index
      %get3A_697 = tpu.vector_load %arg11[%get3A_695, %get3A_696] {strides = array<i32>} : memref<32x1024xf32, #tpu.memory_space<vmem>>, vector<16xf32>,
      %mul3A_698 = arith.mulf %gather3A, %get3A_694 : vector<16xf32>
      %mul3A_699 = arith.mulf %gather3A_57, %get3A_697 : vector<16xf32>
      %add3A_700 = arith.addf %mul3A_698, %mul3A_699 : vector<16xf32>
      %swap3A_701 = arith.index_cast %scan3A_56 : i32 to index
      %swap3A_702 = arith.constant 848 : index
      %swap3A_703 = tpu.vector_load %arg12[%swap3A_701, %swap3A_702] {strides = array<i32>} : memref<32x1024xf32, #tpu.memory_space<vmem>>, vector<16xf32>,
      tpu.vector_store %arg12[%swap3A_701, %swap3A_702], %add3A_700 {strides = array<i32>} : memref<32x1024xf32, #tpu.memory_space<vmem>>, vector<16xf32>,
      %get3A_704 = arith.index_cast %scan3A_56 : i32 to index
      %get3A_705 = arith.constant 864 : index
      %get3A_706 = tpu.vector_load %arg10[%get3A_704, %get3A_705] {strides = array<i32>} : memref<32x1024xf32, #tpu.memory_space<vmem>>, vector<16xf32>,
      %get3A_707 = arith.index_cast %scan3A_56 : i32 to index
      %get3A_708 = arith.constant 864 : index
      %get3A_709 = tpu.vector_load %arg11[%get3A_707, %get3A_708] {strides = array<i32>} : memref<32x1024xf32, #tpu.memory_space<vmem>>, vector<16xf32>,
      %mul3A_710 = arith.mulf %gather3A, %get3A_706 : vector<16xf32>
      %mul3A_711 = arith.mulf %gather3A_57, %get3A_709 : vector<16xf32>
      %add3A_712 = arith.addf %mul3A_710, %mul3A_711 : vector<16xf32>
      %swap3A_713 = arith.index_cast %scan3A_56 : i32 to index
      %swap3A_714 = arith.constant 864 : index
      %swap3A_715 = tpu.vector_load %arg12[%swap3A_713, %swap3A_714] {strides = array<i32>} : memref<32x1024xf32, #tpu.memory_space<vmem>>, vector<16xf32>,
      tpu.vector_store %arg12[%swap3A_713, %swap3A_714], %add3A_712 {strides = array<i32>} : memref<32x1024xf32, #tpu.memory_space<vmem>>, vector<16xf32>,
      %get3A_716 = arith.index_cast %scan3A_56 : i32 to index
      %get3A_717 = arith.constant 880 : index
      %get3A_718 = tpu.vector_load %arg10[%get3A_716, %get3A_717] {strides = array<i32>} : memref<32x1024xf32, #tpu.memory_space<vmem>>, vector<16xf32>,
      %get3A_719 = arith.index_cast %scan3A_56 : i32 to index
      %get3A_720 = arith.constant 880 : index
      %get3A_721 = tpu.vector_load %arg11[%get3A_719, %get3A_720] {strides = array<i32>} : memref<32x1024xf32, #tpu.memory_space<vmem>>, vector<16xf32>,
      %mul3A_722 = arith.mulf %gather3A, %get3A_718 : vector<16xf32>
      %mul3A_723 = arith.mulf %gather3A_57, %get3A_721 : vector<16xf32>
      %add3A_724 = arith.addf %mul3A_722, %mul3A_723 : vector<16xf32>
      %swap3A_725 = arith.index_cast %scan3A_56 : i32 to index
      %swap3A_726 = arith.constant 880 : index
      %swap3A_727 = tpu.vector_load %arg12[%swap3A_725, %swap3A_726] {strides = array<i32>} : memref<32x1024xf32, #tpu.memory_space<vmem>>, vector<16xf32>,
      tpu.vector_store %arg12[%swap3A_725, %swap3A_726], %add3A_724 {strides = array<i32>} : memref<32x1024xf32, #tpu.memory_space<vmem>>, vector<16xf32>,
      %get3A_728 = arith.index_cast %scan3A_56 : i32 to index
      %get3A_729 = arith.constant 896 : index
      %get3A_730 = tpu.vector_load %arg10[%get3A_728, %get3A_729] {strides = array<i32>} : memref<32x1024xf32, #tpu.memory_space<vmem>>, vector<16xf32>,
      %get3A_731 = arith.index_cast %scan3A_56 : i32 to index
      %get3A_732 = arith.constant 896 : index
      %get3A_733 = tpu.vector_load %arg11[%get3A_731, %get3A_732] {strides = array<i32>} : memref<32x1024xf32, #tpu.memory_space<vmem>>, vector<16xf32>,
      %mul3A_734 = arith.mulf %gather3A, %get3A_730 : vector<16xf32>
      %mul3A_735 = arith.mulf %gather3A_57, %get3A_733 : vector<16xf32>
      %add3A_736 = arith.addf %mul3A_734, %mul3A_735 : vector<16xf32>
      %swap3A_737 = arith.index_cast %scan3A_56 : i32 to index
      %swap3A_738 = arith.constant 896 : index
      %swap3A_739 = tpu.vector_load %arg12[%swap3A_737, %swap3A_738] {strides = array<i32>} : memref<32x1024xf32, #tpu.memory_space<vmem>>, vector<16xf32>,
      tpu.vector_store %arg12[%swap3A_737, %swap3A_738], %add3A_736 {strides = array<i32>} : memref<32x1024xf32, #tpu.memory_space<vmem>>, vector<16xf32>,
      %get3A_740 = arith.index_cast %scan3A_56 : i32 to index
      %get3A_741 = arith.constant 912 : index
      %get3A_742 = tpu.vector_load %arg10[%get3A_740, %get3A_741] {strides = array<i32>} : memref<32x1024xf32, #tpu.memory_space<vmem>>, vector<16xf32>,
      %get3A_743 = arith.index_cast %scan3A_56 : i32 to index
      %get3A_744 = arith.constant 912 : index
      %get3A_745 = tpu.vector_load %arg11[%get3A_743, %get3A_744] {strides = array<i32>} : memref<32x1024xf32, #tpu.memory_space<vmem>>, vector<16xf32>,
      %mul3A_746 = arith.mulf %gather3A, %get3A_742 : vector<16xf32>
      %mul3A_747 = arith.mulf %gather3A_57, %get3A_745 : vector<16xf32>
      %add3A_748 = arith.addf %mul3A_746, %mul3A_747 : vector<16xf32>
      %swap3A_749 = arith.index_cast %scan3A_56 : i32 to index
      %swap3A_750 = arith.constant 912 : index
      %swap3A_751 = tpu.vector_load %arg12[%swap3A_749, %swap3A_750] {strides = array<i32>} : memref<32x1024xf32, #tpu.memory_space<vmem>>, vector<16xf32>,
      tpu.vector_store %arg12[%swap3A_749, %swap3A_750], %add3A_748 {strides = array<i32>} : memref<32x1024xf32, #tpu.memory_space<vmem>>, vector<16xf32>,
      %get3A_752 = arith.index_cast %scan3A_56 : i32 to index
      %get3A_753 = arith.constant 928 : index
      %get3A_754 = tpu.vector_load %arg10[%get3A_752, %get3A_753] {strides = array<i32>} : memref<32x1024xf32, #tpu.memory_space<vmem>>, vector<16xf32>,
      %get3A_755 = arith.index_cast %scan3A_56 : i32 to index
      %get3A_756 = arith.constant 928 : index
      %get3A_757 = tpu.vector_load %arg11[%get3A_755, %get3A_756] {strides = array<i32>} : memref<32x1024xf32, #tpu.memory_space<vmem>>, vector<16xf32>,
      %mul3A_758 = arith.mulf %gather3A, %get3A_754 : vector<16xf32>
      %mul3A_759 = arith.mulf %gather3A_57, %get3A_757 : vector<16xf32>
      %add3A_760 = arith.addf %mul3A_758, %mul3A_759 : vector<16xf32>
      %swap3A_761 = arith.index_cast %scan3A_56 : i32 to index
      %swap3A_762 = arith.constant 928 : index
      %swap3A_763 = tpu.vector_load %arg12[%swap3A_761, %swap3A_762] {strides = array<i32>} : memref<32x1024xf32, #tpu.memory_space<vmem>>, vector<16xf32>,
      tpu.vector_store %arg12[%swap3A_761, %swap3A_762], %add3A_760 {strides = array<i32>} : memref<32x1024xf32, #tpu.memory_space<vmem>>, vector<16xf32>,
      %get3A_764 = arith.index_cast %scan3A_56 : i32 to index
      %get3A_765 = arith.constant 944 : index
      %get3A_766 = tpu.vector_load %arg10[%get3A_764, %get3A_765] {strides = array<i32>} : memref<32x1024xf32, #tpu.memory_space<vmem>>, vector<16xf32>,
      %get3A_767 = arith.index_cast %scan3A_56 : i32 to index
      %get3A_768 = arith.constant 944 : index
      %get3A_769 = tpu.vector_load %arg11[%get3A_767, %get3A_768] {strides = array<i32>} : memref<32x1024xf32, #tpu.memory_space<vmem>>, vector<16xf32>,
      %mul3A_770 = arith.mulf %gather3A, %get3A_766 : vector<16xf32>
      %mul3A_771 = arith.mulf %gather3A_57, %get3A_769 : vector<16xf32>
      %add3A_772 = arith.addf %mul3A_770, %mul3A_771 : vector<16xf32>
      %swap3A_773 = arith.index_cast %scan3A_56 : i32 to index
      %swap3A_774 = arith.constant 944 : index
      %swap3A_775 = tpu.vector_load %arg12[%swap3A_773, %swap3A_774] {strides = array<i32>} : memref<32x1024xf32, #tpu.memory_space<vmem>>, vector<16xf32>,
      tpu.vector_store %arg12[%swap3A_773, %swap3A_774], %add3A_772 {strides = array<i32>} : memref<32x1024xf32, #tpu.memory_space<vmem>>, vector<16xf32>,
      %get3A_776 = arith.index_cast %scan3A_56 : i32 to index
      %get3A_777 = arith.constant 960 : index
      %get3A_778 = tpu.vector_load %arg10[%get3A_776, %get3A_777] {strides = array<i32>} : memref<32x1024xf32, #tpu.memory_space<vmem>>, vector<16xf32>,
      %get3A_779 = arith.index_cast %scan3A_56 : i32 to index
      %get3A_780 = arith.constant 960 : index
      %get3A_781 = tpu.vector_load %arg11[%get3A_779, %get3A_780] {strides = array<i32>} : memref<32x1024xf32, #tpu.memory_space<vmem>>, vector<16xf32>,
      %mul3A_782 = arith.mulf %gather3A, %get3A_778 : vector<16xf32>
      %mul3A_783 = arith.mulf %gather3A_57, %get3A_781 : vector<16xf32>
      %add3A_784 = arith.addf %mul3A_782, %mul3A_783 : vector<16xf32>
      %swap3A_785 = arith.index_cast %scan3A_56 : i32 to index
      %swap3A_786 = arith.constant 960 : index
      %swap3A_787 = tpu.vector_load %arg12[%swap3A_785, %swap3A_786] {strides = array<i32>} : memref<32x1024xf32, #tpu.memory_space<vmem>>, vector<16xf32>,
      tpu.vector_store %arg12[%swap3A_785, %swap3A_786], %add3A_784 {strides = array<i32>} : memref<32x1024xf32, #tpu.memory_space<vmem>>, vector<16xf32>,
      %get3A_788 = arith.index_cast %scan3A_56 : i32 to index
      %get3A_789 = arith.constant 976 : index
      %get3A_790 = tpu.vector_load %arg10[%get3A_788, %get3A_789] {strides = array<i32>} : memref<32x1024xf32, #tpu.memory_space<vmem>>, vector<16xf32>,
      %get3A_791 = arith.index_cast %scan3A_56 : i32 to index
      %get3A_792 = arith.constant 976 : index
      %get3A_793 = tpu.vector_load %arg11[%get3A_791, %get3A_792] {strides = array<i32>} : memref<32x1024xf32, #tpu.memory_space<vmem>>, vector<16xf32>,
      %mul3A_794 = arith.mulf %gather3A, %get3A_790 : vector<16xf32>
      %mul3A_795 = arith.mulf %gather3A_57, %get3A_793 : vector<16xf32>
      %add3A_796 = arith.addf %mul3A_794, %mul3A_795 : vector<16xf32>
      %swap3A_797 = arith.index_cast %scan3A_56 : i32 to index
      %swap3A_798 = arith.constant 976 : index
      %swap3A_799 = tpu.vector_load %arg12[%swap3A_797, %swap3A_798] {strides = array<i32>} : memref<32x1024xf32, #tpu.memory_space<vmem>>, vector<16xf32>,
      tpu.vector_store %arg12[%swap3A_797, %swap3A_798], %add3A_796 {strides = array<i32>} : memref<32x1024xf32, #tpu.memory_space<vmem>>, vector<16xf32>,
      %get3A_800 = arith.index_cast %scan3A_56 : i32 to index
      %get3A_801 = arith.constant 992 : index
      %get3A_802 = tpu.vector_load %arg10[%get3A_800, %get3A_801] {strides = array<i32>} : memref<32x1024xf32, #tpu.memory_space<vmem>>, vector<16xf32>,
      %get3A_803 = arith.index_cast %scan3A_56 : i32 to index
      %get3A_804 = arith.constant 992 : index
      %get3A_805 = tpu.vector_load %arg11[%get3A_803, %get3A_804] {strides = array<i32>} : memref<32x1024xf32, #tpu.memory_space<vmem>>, vector<16xf32>,
      %mul3A_806 = arith.mulf %gather3A, %get3A_802 : vector<16xf32>
      %mul3A_807 = arith.mulf %gather3A_57, %get3A_805 : vector<16xf32>
      %add3A_808 = arith.addf %mul3A_806, %mul3A_807 : vector<16xf32>
      %swap3A_809 = arith.index_cast %scan3A_56 : i32 to index
      %swap3A_810 = arith.constant 992 : index
      %swap3A_811 = tpu.vector_load %arg12[%swap3A_809, %swap3A_810] {strides = array<i32>} : memref<32x1024xf32, #tpu.memory_space<vmem>>, vector<16xf32>,
      tpu.vector_store %arg12[%swap3A_809, %swap3A_810], %add3A_808 {strides = array<i32>} : memref<32x1024xf32, #tpu.memory_space<vmem>>, vector<16xf32>,
      %get3A_812 = arith.index_cast %scan3A_56 : i32 to index
      %get3A_813 = arith.constant 1008 : index
      %get3A_814 = tpu.vector_load %arg10[%get3A_812, %get3A_813] {strides = array<i32>} : memref<32x1024xf32, #tpu.memory_space<vmem>>, vector<16xf32>,
      %get3A_815 = arith.index_cast %scan3A_56 : i32 to index
      %get3A_816 = arith.constant 1008 : index
      %get3A_817 = tpu.vector_load %arg11[%get3A_815, %get3A_816] {strides = array<i32>} : memref<32x1024xf32, #tpu.memory_space<vmem>>, vector<16xf32>,
      %mul3A_818 = arith.mulf %gather3A, %get3A_814 : vector<16xf32>
      %mul3A_819 = arith.mulf %gather3A_57, %get3A_817 : vector<16xf32>
      %add3A_820 = arith.addf %mul3A_818, %mul3A_819 : vector<16xf32>
      %swap3A_821 = arith.index_cast %scan3A_56 : i32 to index
      %swap3A_822 = arith.constant 1008 : index
      %swap3A_823 = tpu.vector_load %arg12[%swap3A_821, %swap3A_822] {strides = array<i32>} : memref<32x1024xf32, #tpu.memory_space<vmem>>, vector<16xf32>,
      tpu.vector_store %arg12[%swap3A_821, %swap3A_822], %add3A_820 {strides = array<i32>} : memref<32x1024xf32, #tpu.memory_space<vmem>>, vector<16xf32>,
    }
    %scan3A_53 = arith.constant 32 : i32
    %add3A_54 = arith.constant 32 : i32
    %add3A_55 = arith.addi %mul3A_2, %add3A_54 : i32
    "tpu.region"() ({
      %run_scoped3A = tpu.sem_alloc : memref<!tpu.dma_semaphore, #tpu.memory_space<semaphore_mem>>
      %dma_start3A_56 = arith.constant 0 : i32
      %dma_start3A_57 = tpu.memref_slice %arg5[%add3A_55, %dma_start3A_56] : memref<2048x1024xf32, #tpu.memory_space<hbm>> -> memref<32x1024xf32, #tpu.memory_space<hbm>>
      %dma_start3A_58 = arith.constant 0 : i32
      %dma_start3A_59 = tpu.memref_slice %arg5[%add3A_55, %dma_start3A_58] : memref<2048x1024xf32, #tpu.memory_space<hbm>> -> memref<32x1024xf32, #tpu.memory_space<hbm>>
      tpu.enqueue_dma source(%arg12 : memref<32x1024xf32, #tpu.memory_space<vmem>>) target(%dma_start3A_59 : memref<32x1024xf32, #tpu.memory_space<hbm>>) target_semaphore(%run_scoped3A : memref<!tpu.dma_semaphore, #tpu.memory_space<semaphore_mem>>)
      %dma_wait3A_60 = arith.constant 0 : i32
      %dma_wait3A_61 = tpu.memref_slice %arg5[%add3A_55, %dma_wait3A_60] : memref<2048x1024xf32, #tpu.memory_space<hbm>> -> memref<32x1024xf32, #tpu.memory_space<hbm>>
      %dma_wait3A_62 = arith.constant 0 : i32
      %dma_wait3A_63 = tpu.memref_slice %arg5[%add3A_55, %dma_wait3A_62] : memref<2048x1024xf32, #tpu.memory_space<hbm>> -> memref<32x1024xf32, #tpu.memory_space<hbm>>
      tpu.wait_dma2 semaphore(%run_scoped3A : memref<!tpu.dma_semaphore, #tpu.memory_space<semaphore_mem>>) src(%arg12 : memref<32x1024xf32, #tpu.memory_space<vmem>>) dst(%dma_wait3A_63 : memref<32x1024xf32, #tpu.memory_space<hbm>>)
      tpu.yield
    }) : () -> ()
    return
  }
}

module attributes {stable_mosaic.version = 14 : i64} {
  func.func @_router_body(%arg0: i32, %arg1: memref<256x1024xf32, #tpu.memory_space<vmem>>, %arg2: memref<1024x8xf32, #tpu.memory_space<vmem>>, %arg3: memref<8x512xi32, #tpu.memory_space<vmem>>, %arg4: memref<8x512xf32, #tpu.memory_space<vmem>>, %arg5: memref<1x32xi32, #tpu.memory_space<vmem>>, %arg6: memref<256x512xi32, #tpu.memory_space<vmem>>, %arg7: memref<8x1xf32, #tpu.memory_space<vmem>>, %arg8: memref<8x512xf32, #tpu.memory_space<vmem>>, %arg9: memref<8x512xf32, #tpu.memory_space<vmem>>) attributes {dimension_semantics = [#tpu.dimension_semantics<arbitrary>], iteration_bounds = array<i64: 8>, scalar_prefetch = 0 : i64, scratch_operands = 3 : i64, tpu.core_type = #tpu.core_type<tc>, window_params = [{transform_indices = @transform_0, window_bounds = array<i64: 256, 1024>}, {pipeline_mode = #tpu.pipeline_mode<synchronous>, transform_indices = @transform_1, window_bounds = array<i64: 1024, 8>}, {pipeline_mode = #tpu.pipeline_mode<synchronous>, transform_indices = @transform_2, window_bounds = array<i64: 8, 512>}, {pipeline_mode = #tpu.pipeline_mode<synchronous>, transform_indices = @transform_3, window_bounds = array<i64: 8, 512>}, {pipeline_mode = #tpu.pipeline_mode<synchronous>, transform_indices = @transform_4, window_bounds = array<i64: 1, 32>}, {transform_indices = @transform_5, window_bounds = array<i64: 256, 512>}]} {
    %eq3A = arith.constant 0 : i32
    %eq3A_0 = arith.cmpi eq, %arg0, %eq3A : i32
    %convert_element_type3A = arith.extui %eq3A_0 : i1 to i32
    %cond3A = arith.constant 0 : i32
    %cond3A_1 = arith.cmpi ne, %convert_element_type3A, %cond3A : i32
    scf.if %cond3A_1 {
      %broadcast_in_dim3A_100 = arith.constant 0.000000e+00 : f32
      %broadcast_in_dim3A_101 = vector.broadcast %broadcast_in_dim3A_100 : f32 to vector<8x1xf32>
      %swap3A_102 = arith.constant 0 : index
      %swap3A_103 = arith.constant 0 : index
      %swap3A_104 = vector.load %arg7[%swap3A_102, %swap3A_103] : memref<8x1xf32, #tpu.memory_space<vmem>>, vector<8x1xf32>
      tpu.vector_store %arg7[%swap3A_102, %swap3A_103], %broadcast_in_dim3A_101 {strides = array<i32>} : memref<8x1xf32, #tpu.memory_space<vmem>>, vector<8x1xf32>,
    } else {
    }
    %get3A = arith.constant 0 : index
    %get3A_2 = arith.constant 0 : index
    %get3A_3 = vector.load %arg1[%get3A, %get3A_2] : memref<256x1024xf32, #tpu.memory_space<vmem>>, vector<256x1024xf32>
    %get3A_4 = arith.constant 0 : index
    %get3A_5 = arith.constant 0 : index
    %get3A_6 = vector.load %arg2[%get3A_4, %get3A_5] : memref<1024x8xf32, #tpu.memory_space<vmem>>, vector<1024x8xf32>
    %dot_general3A = arith.constant dense<0.000000e+00> : vector<256x8xf32>
    %dot_general3A_7 = tpu.matmul %get3A_3, %get3A_6, %dot_general3A {dimension_numbers = #tpu.dot_dimension_numbers<[1], [0], [0], [1], [0, 0, 1, 1], [], []>, transpose_lhs_hint = false} : vector<256x1024xf32>, vector<1024x8xf32>, vector<256x8xf32> -> vector<256x8xf32>
    %reduce_max3A = arith.constant dense<0xFF800000> : vector<256xf32>
    %reduce_max3A_8 = vector.multi_reduction <maximumf>, %dot_general3A_7, %reduce_max3A [1] : vector<256x8xf32> to vector<256xf32>
    %max3A = arith.constant 0xFF800000 : f32
    %max3A_9 = vector.broadcast %max3A : f32 to vector<256xf32>
    %max3A_10 = arith.maximumf %max3A_9, %reduce_max3A_8 : vector<256xf32>
    %broadcast_in_dim3A = vector.shape_cast %max3A_10 : vector<256xf32> to vector<256x1xf32>
    %sub3A = vector.broadcast %broadcast_in_dim3A : vector<256x1xf32> to vector<256x8xf32>
    %sub3A_11 = arith.subf %dot_general3A_7, %sub3A : vector<256x8xf32>
    %exp3A = math.exp %sub3A_11 : vector<256x8xf32>
    %reduce_sum3A = arith.constant dense<0.000000e+00> : vector<256xf32>
    %reduce_sum3A_12 = vector.multi_reduction <add>, %exp3A, %reduce_sum3A [1] : vector<256x8xf32> to vector<256xf32>
    %broadcast_in_dim3A_13 = vector.shape_cast %reduce_sum3A_12 : vector<256xf32> to vector<256x1xf32>
    %div3A = vector.broadcast %broadcast_in_dim3A_13 : vector<256x1xf32> to vector<256x8xf32>
    %div3A_14 = arith.divf %exp3A, %div3A : vector<256x8xf32>
    %iota3A = tpu.iota {dimensions = array<i32: 1>} : vector<256x8xi32>
    %reduce_max3A_15 = arith.constant dense<0xFF800000> : vector<256xf32>
    %reduce_max3A_16 = vector.multi_reduction <maximumf>, %div3A_14, %reduce_max3A_15 [1] : vector<256x8xf32> to vector<256xf32>
    %broadcast_in_dim3A_17 = vector.shape_cast %reduce_max3A_16 : vector<256xf32> to vector<256x1xf32>
    %eq3A_18 = vector.broadcast %broadcast_in_dim3A_17 : vector<256x1xf32> to vector<256x8xf32>
    %eq3A_19 = arith.cmpf oeq, %div3A_14, %eq3A_18 : vector<256x8xf32>
    %jit3A = arith.constant 8 : i32
    %broadcast_in_dim3A_20 = vector.broadcast %jit3A : i32 to vector<256x8xi32>
    %select_n3A = arith.select %eq3A_19, %iota3A, %broadcast_in_dim3A_20 : vector<256x8xi1>, vector<256x8xi32>
    %reduce_min3A = arith.constant dense<2147483647> : vector<256xi32>
    %reduce_min3A_21 = vector.multi_reduction <minsi>, %select_n3A, %reduce_min3A [1] : vector<256x8xi32> to vector<256xi32>
    %broadcast_in_dim3A_22 = vector.shape_cast %reduce_min3A_21 : vector<256xi32> to vector<256x1xi32>
    %eq3A_23 = vector.broadcast %broadcast_in_dim3A_22 : vector<256x1xi32> to vector<256x8xi32>
    %eq3A_24 = arith.cmpi eq, %iota3A, %eq3A_23 : vector<256x8xi32>
    %jit3A_25 = arith.constant 0xFF800000 : f32
    %broadcast_in_dim3A_26 = vector.broadcast %jit3A_25 : f32 to vector<256x8xf32>
    %select_n3A_27 = arith.select %eq3A_24, %broadcast_in_dim3A_26, %div3A_14 : vector<256x8xi1>, vector<256x8xf32>
    %reduce_max3A_28 = arith.constant dense<0xFF800000> : vector<256xf32>
    %reduce_max3A_29 = vector.multi_reduction <maximumf>, %select_n3A_27, %reduce_max3A_28 [1] : vector<256x8xf32> to vector<256xf32>
    %broadcast_in_dim3A_30 = vector.shape_cast %reduce_max3A_29 : vector<256xf32> to vector<256x1xf32>
    %eq3A_31 = vector.broadcast %broadcast_in_dim3A_30 : vector<256x1xf32> to vector<256x8xf32>
    %eq3A_32 = arith.cmpf oeq, %select_n3A_27, %eq3A_31 : vector<256x8xf32>
    %jit3A_33 = arith.constant 8 : i32
    %broadcast_in_dim3A_34 = vector.broadcast %jit3A_33 : i32 to vector<256x8xi32>
    %select_n3A_35 = arith.select %eq3A_32, %iota3A, %broadcast_in_dim3A_34 : vector<256x8xi1>, vector<256x8xi32>
    %reduce_min3A_36 = arith.constant dense<2147483647> : vector<256xi32>
    %reduce_min3A_37 = vector.multi_reduction <minsi>, %select_n3A_35, %reduce_min3A_36 [1] : vector<256x8xi32> to vector<256xi32>
    %broadcast_in_dim3A_38 = vector.shape_cast %reduce_min3A_37 : vector<256xi32> to vector<256x1xi32>
    %concatenate3A = tpu.concatenate %broadcast_in_dim3A_22, %broadcast_in_dim3A_38 in 0 : vector<256x1xi32>, vector<256x1xi32> -> vector<512x1xi32>
    %convert_element_type3A_39 = arith.sitofp %concatenate3A : vector<512x1xi32> to vector<512x1xf32>
    %transpose3A = tpu.transpose %convert_element_type3A_39, [1, 0] : vector<512x1xf32> -> vector<1x512xf32>
    %concatenate3A_40 = tpu.concatenate %broadcast_in_dim3A_17, %broadcast_in_dim3A_30 in 0 : vector<256x1xf32>, vector<256x1xf32> -> vector<512x1xf32>
    %transpose3A_41 = tpu.transpose %concatenate3A_40, [1, 0] : vector<512x1xf32> -> vector<1x512xf32>
    %iota3A_42 = tpu.iota {dimensions = array<i32: 0>} : vector<8x512xi32>
    %convert_element_type3A_43 = arith.sitofp %iota3A_42 : vector<8x512xi32> to vector<8x512xf32>
    %eq3A_44 = vector.broadcast %transpose3A : vector<1x512xf32> to vector<8x512xf32>
    %eq3A_45 = arith.cmpf oeq, %convert_element_type3A_43, %eq3A_44 : vector<8x512xf32>
    %convert_element_type3A_46 = arith.extui %eq3A_45 : vector<8x512xi1> to vector<8x512xi32>
    %convert_element_type3A_47 = arith.sitofp %convert_element_type3A_46 : vector<8x512xi32> to vector<8x512xf32>
    %iota3A_48 = tpu.iota {dimensions = array<i32: 0>} : vector<512x512xi32>
    %iota3A_49 = tpu.iota {dimensions = array<i32: 1>} : vector<512x512xi32>
    %lt3A = arith.cmpi slt, %iota3A_48, %iota3A_49 : vector<512x512xi32>
    %convert_element_type3A_50 = arith.extui %lt3A : vector<512x512xi1> to vector<512x512xi32>
    %convert_element_type3A_51 = arith.sitofp %convert_element_type3A_50 : vector<512x512xi32> to vector<512x512xf32>
    %dot_general3A_52 = arith.constant dense<0.000000e+00> : vector<8x512xf32>
    %dot_general3A_53 = tpu.matmul %convert_element_type3A_47, %convert_element_type3A_51, %dot_general3A_52 {dimension_numbers = #tpu.dot_dimension_numbers<[1], [0], [0], [1], [0, 0, 1, 1], [], []>, transpose_lhs_hint = false} : vector<8x512xf32>, vector<512x512xf32>, vector<8x512xf32> -> vector<8x512xf32>
    %get3A_54 = arith.constant 0 : index
    %get3A_55 = arith.constant 0 : index
    %get3A_56 = vector.load %arg7[%get3A_54, %get3A_55] : memref<8x1xf32, #tpu.memory_space<vmem>>, vector<8x1xf32>
    %add3A = vector.broadcast %get3A_56 : vector<8x1xf32> to vector<8x512xf32>
    %add3A_57 = arith.addf %dot_general3A_53, %add3A : vector<8x512xf32>
    %mul3A = arith.mulf %convert_element_type3A_47, %add3A_57 : vector<8x512xf32>
    %reduce_sum3A_58 = arith.constant dense<0.000000e+00> : vector<512xf32>
    %reduce_sum3A_59 = vector.multi_reduction <add>, %mul3A, %reduce_sum3A_58 [0] : vector<8x512xf32> to vector<512xf32>
    %broadcast_in_dim3A_60 = vector.shape_cast %reduce_sum3A_59 : vector<512xf32> to vector<1x512xf32>
    %get3A_61 = arith.constant 0 : index
    %get3A_62 = arith.constant 0 : index
    %get3A_63 = vector.load %arg7[%get3A_61, %get3A_62] : memref<8x1xf32, #tpu.memory_space<vmem>>, vector<8x1xf32>
    %reduce_sum3A_64 = arith.constant dense<0.000000e+00> : vector<8xf32>
    %reduce_sum3A_65 = vector.multi_reduction <add>, %convert_element_type3A_47, %reduce_sum3A_64 [1] : vector<8x512xf32> to vector<8xf32>
    %broadcast_in_dim3A_66 = vector.shape_cast %reduce_sum3A_65 : vector<8xf32> to vector<8x1xf32>
    %add3A_67 = arith.addf %get3A_63, %broadcast_in_dim3A_66 : vector<8x1xf32>
    %swap3A = arith.constant 0 : index
    %swap3A_68 = arith.constant 0 : index
    %swap3A_69 = vector.load %arg7[%swap3A, %swap3A_68] : memref<8x1xf32, #tpu.memory_space<vmem>>, vector<8x1xf32>
    tpu.vector_store %arg7[%swap3A, %swap3A_68], %add3A_67 {strides = array<i32>} : memref<8x1xf32, #tpu.memory_space<vmem>>, vector<8x1xf32>,
    %swap3A_70 = arith.index_cast %arg0 : i32 to index
    %swap3A_71 = arith.constant 0 : index
    %swap3A_72 = vector.load %arg8[%swap3A_70, %swap3A_71] : memref<8x512xf32, #tpu.memory_space<vmem>>, vector<1x512xf32>
    tpu.vector_store %arg8[%swap3A_70, %swap3A_71], %transpose3A {strides = array<i32>} : memref<8x512xf32, #tpu.memory_space<vmem>>, vector<1x512xf32>,
    %swap3A_73 = arith.index_cast %arg0 : i32 to index
    %swap3A_74 = arith.constant 0 : index
    %swap3A_75 = vector.load %arg9[%swap3A_73, %swap3A_74] : memref<8x512xf32, #tpu.memory_space<vmem>>, vector<1x512xf32>
    tpu.vector_store %arg9[%swap3A_73, %swap3A_74], %broadcast_in_dim3A_60 {strides = array<i32>} : memref<8x512xf32, #tpu.memory_space<vmem>>, vector<1x512xf32>,
    %swap3A_76 = arith.index_cast %arg0 : i32 to index
    %swap3A_77 = arith.constant 0 : index
    %swap3A_78 = vector.load %arg4[%swap3A_76, %swap3A_77] : memref<8x512xf32, #tpu.memory_space<vmem>>, vector<1x512xf32>
    tpu.vector_store %arg4[%swap3A_76, %swap3A_77], %transpose3A_41 {strides = array<i32>} : memref<8x512xf32, #tpu.memory_space<vmem>>, vector<1x512xf32>,
    %bitcast_convert_type3A = tpu.bitcast %get3A_3 : vector<256x1024xf32> -> vector<256x1024xi32>
    %add3A_79 = arith.constant 32767 : i32
    %add3A_80 = vector.broadcast %add3A_79 : i32 to vector<256x1024xi32>
    %add3A_81 = arith.addi %bitcast_convert_type3A, %add3A_80 : vector<256x1024xi32>
    %shift_right_arithmetic3A = arith.constant 16 : i32
    %shift_right_arithmetic3A_82 = vector.broadcast %shift_right_arithmetic3A : i32 to vector<256x1024xi32>
    %shift_right_arithmetic3A_83 = arith.shrsi %bitcast_convert_type3A, %shift_right_arithmetic3A_82 : vector<256x1024xi32>
    %and3A = arith.constant 1 : i32
    %and3A_84 = vector.broadcast %and3A : i32 to vector<256x1024xi32>
    %and3A_85 = arith.andi %shift_right_arithmetic3A_83, %and3A_84 : vector<256x1024xi32>
    %add3A_86 = arith.addi %add3A_81, %and3A_85 : vector<256x1024xi32>
    %shift_right_logical3A = arith.constant 16 : i32
    %shift_right_logical3A_87 = vector.broadcast %shift_right_logical3A : i32 to vector<256x1024xi32>
    %shift_right_logical3A_88 = arith.shrui %add3A_86, %shift_right_logical3A_87 : vector<256x1024xi32>
    %slice3A = vector.extract_strided_slice %shift_right_logical3A_88 {offsets = [0, 0], sizes = [256, 512], strides = [1, 1]} : vector<256x1024xi32> to vector<256x512xi32>
    %slice3A_89 = vector.extract_strided_slice %shift_right_logical3A_88 {offsets = [0, 512], sizes = [256, 512], strides = [1, 1]} : vector<256x1024xi32> to vector<256x512xi32>
    %shift_left3A = arith.constant 16 : i32
    %shift_left3A_90 = vector.broadcast %shift_left3A : i32 to vector<256x512xi32>
    %shift_left3A_91 = arith.shli %slice3A_89, %shift_left3A_90 : vector<256x512xi32>
    %or3A = arith.ori %slice3A, %shift_left3A_91 : vector<256x512xi32>
    %swap3A_92 = arith.constant 0 : index
    %swap3A_93 = arith.constant 0 : index
    %swap3A_94 = vector.load %arg6[%swap3A_92, %swap3A_93] : memref<256x512xi32, #tpu.memory_space<vmem>>, vector<256x512xi32>
    tpu.vector_store %arg6[%swap3A_92, %swap3A_93], %or3A {strides = array<i32>} : memref<256x512xi32, #tpu.memory_space<vmem>>, vector<256x512xi32>,
    %eq3A_95 = arith.constant 7 : i32
    %eq3A_96 = arith.cmpi eq, %arg0, %eq3A_95 : i32
    %convert_element_type3A_97 = arith.extui %eq3A_96 : i1 to i32
    %cond3A_98 = arith.constant 0 : i32
    %cond3A_99 = arith.cmpi ne, %convert_element_type3A_97, %cond3A_98 : i32
    scf.if %cond3A_99 {
      %get3A_100 = arith.constant 0 : index
      %get3A_101 = arith.constant 0 : index
      %get3A_102 = vector.load %arg7[%get3A_100, %get3A_101] : memref<8x1xf32, #tpu.memory_space<vmem>>, vector<8x1xf32>
      %add3A_103 = arith.constant 2.550000e+02 : f32
      %add3A_104 = vector.broadcast %add3A_103 : f32 to vector<8x1xf32>
      %add3A_105 = arith.addf %get3A_102, %add3A_104 : vector<8x1xf32>
      %div3A_106 = arith.constant 2.560000e+02 : f32
      %div3A_107 = vector.broadcast %div3A_106 : f32 to vector<8x1xf32>
      %div3A_108 = arith.divf %add3A_105, %div3A_107 : vector<8x1xf32>
      %floor3A = math.floor %div3A_108 : vector<8x1xf32>
      %mul3A_109 = arith.constant 2.560000e+02 : f32
      %mul3A_110 = vector.broadcast %mul3A_109 : f32 to vector<8x1xf32>
      %mul3A_111 = arith.mulf %floor3A, %mul3A_110 : vector<8x1xf32>
      %iota3A_112 = tpu.iota {dimensions = array<i32: 0>} : vector<8x1xi32>
      %convert_element_type3A_113 = arith.sitofp %iota3A_112 : vector<8x1xi32> to vector<8x1xf32>
      %get3A_114 = arith.constant 0 : index
      %get3A_115 = arith.constant 0 : index
      %get3A_116 = vector.load %arg8[%get3A_114, %get3A_115] : memref<8x512xf32, #tpu.memory_space<vmem>>, vector<8x512xf32>
      %get3A_117 = arith.constant 0 : index
      %get3A_118 = arith.constant 0 : index
      %get3A_119 = vector.load %arg9[%get3A_117, %get3A_118] : memref<8x512xf32, #tpu.memory_space<vmem>>, vector<8x512xf32>
      %lt3A_120 = arith.constant 0.000000e+00 : f32
      %lt3A_121 = vector.broadcast %lt3A_120 : f32 to vector<8x1xf32>
      %lt3A_122 = arith.cmpf olt, %convert_element_type3A_113, %lt3A_121 : vector<8x1xf32>
      %convert_element_type3A_123 = arith.extui %lt3A_122 : vector<8x1xi1> to vector<8x1xi32>
      %convert_element_type3A_124 = arith.sitofp %convert_element_type3A_123 : vector<8x1xi32> to vector<8x1xf32>
      %mul3A_125 = arith.mulf %mul3A_111, %convert_element_type3A_124 : vector<8x1xf32>
      %reduce_sum3A_126 = vector.shape_cast %mul3A_125 : vector<8x1xf32> to vector<1x8x1xf32>
      %reduce_sum3A_127 = arith.constant dense<0.000000e+00> : vector<1xf32>
      %reduce_sum3A_128 = vector.multi_reduction <add>, %reduce_sum3A_126, %reduce_sum3A_127 [1, 2] : vector<1x8x1xf32> to vector<1xf32>
      %reduce_sum3A_129 = vector.shape_cast %reduce_sum3A_128 : vector<1xf32> to vector<1x1x1xf32>
      %reduce_sum3A_130 = vector.extract %reduce_sum3A_129[0, 0, 0] : f32 from vector<1x1x1xf32>
      %eq3A_131 = arith.constant 0.000000e+00 : f32
      %eq3A_132 = vector.broadcast %eq3A_131 : f32 to vector<8x512xf32>
      %eq3A_133 = arith.cmpf oeq, %get3A_116, %eq3A_132 : vector<8x512xf32>
      %jit3A_134 = arith.constant 0.000000e+00 : f32
      %broadcast_in_dim3A_135 = vector.broadcast %reduce_sum3A_130 : f32 to vector<8x512xf32>
      %broadcast_in_dim3A_136 = vector.broadcast %jit3A_134 : f32 to vector<8x512xf32>
      %select_n3A_137 = arith.select %eq3A_133, %broadcast_in_dim3A_135, %broadcast_in_dim3A_136 : vector<8x512xi1>, vector<8x512xf32>
      %add3A_138 = arith.addf %get3A_119, %select_n3A_137 : vector<8x512xf32>
      %lt3A_139 = arith.constant 1.000000e+00 : f32
      %lt3A_140 = vector.broadcast %lt3A_139 : f32 to vector<8x1xf32>
      %lt3A_141 = arith.cmpf olt, %convert_element_type3A_113, %lt3A_140 : vector<8x1xf32>
      %convert_element_type3A_142 = arith.extui %lt3A_141 : vector<8x1xi1> to vector<8x1xi32>
      %convert_element_type3A_143 = arith.sitofp %convert_element_type3A_142 : vector<8x1xi32> to vector<8x1xf32>
      %mul3A_144 = arith.mulf %mul3A_111, %convert_element_type3A_143 : vector<8x1xf32>
      %reduce_sum3A_145 = vector.shape_cast %mul3A_144 : vector<8x1xf32> to vector<1x8x1xf32>
      %reduce_sum3A_146 = arith.constant dense<0.000000e+00> : vector<1xf32>
      %reduce_sum3A_147 = vector.multi_reduction <add>, %reduce_sum3A_145, %reduce_sum3A_146 [1, 2] : vector<1x8x1xf32> to vector<1xf32>
      %reduce_sum3A_148 = vector.shape_cast %reduce_sum3A_147 : vector<1xf32> to vector<1x1x1xf32>
      %reduce_sum3A_149 = vector.extract %reduce_sum3A_148[0, 0, 0] : f32 from vector<1x1x1xf32>
      %eq3A_150 = arith.constant 1.000000e+00 : f32
      %eq3A_151 = vector.broadcast %eq3A_150 : f32 to vector<8x512xf32>
      %eq3A_152 = arith.cmpf oeq, %get3A_116, %eq3A_151 : vector<8x512xf32>
      %jit3A_153 = arith.constant 0.000000e+00 : f32
      %broadcast_in_dim3A_154 = vector.broadcast %reduce_sum3A_149 : f32 to vector<8x512xf32>
      %broadcast_in_dim3A_155 = vector.broadcast %jit3A_153 : f32 to vector<8x512xf32>
      %select_n3A_156 = arith.select %eq3A_152, %broadcast_in_dim3A_154, %broadcast_in_dim3A_155 : vector<8x512xi1>, vector<8x512xf32>
      %add3A_157 = arith.addf %add3A_138, %select_n3A_156 : vector<8x512xf32>
      %lt3A_158 = arith.constant 2.000000e+00 : f32
      %lt3A_159 = vector.broadcast %lt3A_158 : f32 to vector<8x1xf32>
      %lt3A_160 = arith.cmpf olt, %convert_element_type3A_113, %lt3A_159 : vector<8x1xf32>
      %convert_element_type3A_161 = arith.extui %lt3A_160 : vector<8x1xi1> to vector<8x1xi32>
      %convert_element_type3A_162 = arith.sitofp %convert_element_type3A_161 : vector<8x1xi32> to vector<8x1xf32>
      %mul3A_163 = arith.mulf %mul3A_111, %convert_element_type3A_162 : vector<8x1xf32>
      %reduce_sum3A_164 = vector.shape_cast %mul3A_163 : vector<8x1xf32> to vector<1x8x1xf32>
      %reduce_sum3A_165 = arith.constant dense<0.000000e+00> : vector<1xf32>
      %reduce_sum3A_166 = vector.multi_reduction <add>, %reduce_sum3A_164, %reduce_sum3A_165 [1, 2] : vector<1x8x1xf32> to vector<1xf32>
      %reduce_sum3A_167 = vector.shape_cast %reduce_sum3A_166 : vector<1xf32> to vector<1x1x1xf32>
      %reduce_sum3A_168 = vector.extract %reduce_sum3A_167[0, 0, 0] : f32 from vector<1x1x1xf32>
      %eq3A_169 = arith.constant 2.000000e+00 : f32
      %eq3A_170 = vector.broadcast %eq3A_169 : f32 to vector<8x512xf32>
      %eq3A_171 = arith.cmpf oeq, %get3A_116, %eq3A_170 : vector<8x512xf32>
      %jit3A_172 = arith.constant 0.000000e+00 : f32
      %broadcast_in_dim3A_173 = vector.broadcast %reduce_sum3A_168 : f32 to vector<8x512xf32>
      %broadcast_in_dim3A_174 = vector.broadcast %jit3A_172 : f32 to vector<8x512xf32>
      %select_n3A_175 = arith.select %eq3A_171, %broadcast_in_dim3A_173, %broadcast_in_dim3A_174 : vector<8x512xi1>, vector<8x512xf32>
      %add3A_176 = arith.addf %add3A_157, %select_n3A_175 : vector<8x512xf32>
      %lt3A_177 = arith.constant 3.000000e+00 : f32
      %lt3A_178 = vector.broadcast %lt3A_177 : f32 to vector<8x1xf32>
      %lt3A_179 = arith.cmpf olt, %convert_element_type3A_113, %lt3A_178 : vector<8x1xf32>
      %convert_element_type3A_180 = arith.extui %lt3A_179 : vector<8x1xi1> to vector<8x1xi32>
      %convert_element_type3A_181 = arith.sitofp %convert_element_type3A_180 : vector<8x1xi32> to vector<8x1xf32>
      %mul3A_182 = arith.mulf %mul3A_111, %convert_element_type3A_181 : vector<8x1xf32>
      %reduce_sum3A_183 = vector.shape_cast %mul3A_182 : vector<8x1xf32> to vector<1x8x1xf32>
      %reduce_sum3A_184 = arith.constant dense<0.000000e+00> : vector<1xf32>
      %reduce_sum3A_185 = vector.multi_reduction <add>, %reduce_sum3A_183, %reduce_sum3A_184 [1, 2] : vector<1x8x1xf32> to vector<1xf32>
      %reduce_sum3A_186 = vector.shape_cast %reduce_sum3A_185 : vector<1xf32> to vector<1x1x1xf32>
      %reduce_sum3A_187 = vector.extract %reduce_sum3A_186[0, 0, 0] : f32 from vector<1x1x1xf32>
      %eq3A_188 = arith.constant 3.000000e+00 : f32
      %eq3A_189 = vector.broadcast %eq3A_188 : f32 to vector<8x512xf32>
      %eq3A_190 = arith.cmpf oeq, %get3A_116, %eq3A_189 : vector<8x512xf32>
      %jit3A_191 = arith.constant 0.000000e+00 : f32
      %broadcast_in_dim3A_192 = vector.broadcast %reduce_sum3A_187 : f32 to vector<8x512xf32>
      %broadcast_in_dim3A_193 = vector.broadcast %jit3A_191 : f32 to vector<8x512xf32>
      %select_n3A_194 = arith.select %eq3A_190, %broadcast_in_dim3A_192, %broadcast_in_dim3A_193 : vector<8x512xi1>, vector<8x512xf32>
      %add3A_195 = arith.addf %add3A_176, %select_n3A_194 : vector<8x512xf32>
      %lt3A_196 = arith.constant 4.000000e+00 : f32
      %lt3A_197 = vector.broadcast %lt3A_196 : f32 to vector<8x1xf32>
      %lt3A_198 = arith.cmpf olt, %convert_element_type3A_113, %lt3A_197 : vector<8x1xf32>
      %convert_element_type3A_199 = arith.extui %lt3A_198 : vector<8x1xi1> to vector<8x1xi32>
      %convert_element_type3A_200 = arith.sitofp %convert_element_type3A_199 : vector<8x1xi32> to vector<8x1xf32>
      %mul3A_201 = arith.mulf %mul3A_111, %convert_element_type3A_200 : vector<8x1xf32>
      %reduce_sum3A_202 = vector.shape_cast %mul3A_201 : vector<8x1xf32> to vector<1x8x1xf32>
      %reduce_sum3A_203 = arith.constant dense<0.000000e+00> : vector<1xf32>
      %reduce_sum3A_204 = vector.multi_reduction <add>, %reduce_sum3A_202, %reduce_sum3A_203 [1, 2] : vector<1x8x1xf32> to vector<1xf32>
      %reduce_sum3A_205 = vector.shape_cast %reduce_sum3A_204 : vector<1xf32> to vector<1x1x1xf32>
      %reduce_sum3A_206 = vector.extract %reduce_sum3A_205[0, 0, 0] : f32 from vector<1x1x1xf32>
      %eq3A_207 = arith.constant 4.000000e+00 : f32
      %eq3A_208 = vector.broadcast %eq3A_207 : f32 to vector<8x512xf32>
      %eq3A_209 = arith.cmpf oeq, %get3A_116, %eq3A_208 : vector<8x512xf32>
      %jit3A_210 = arith.constant 0.000000e+00 : f32
      %broadcast_in_dim3A_211 = vector.broadcast %reduce_sum3A_206 : f32 to vector<8x512xf32>
      %broadcast_in_dim3A_212 = vector.broadcast %jit3A_210 : f32 to vector<8x512xf32>
      %select_n3A_213 = arith.select %eq3A_209, %broadcast_in_dim3A_211, %broadcast_in_dim3A_212 : vector<8x512xi1>, vector<8x512xf32>
      %add3A_214 = arith.addf %add3A_195, %select_n3A_213 : vector<8x512xf32>
      %lt3A_215 = arith.constant 5.000000e+00 : f32
      %lt3A_216 = vector.broadcast %lt3A_215 : f32 to vector<8x1xf32>
      %lt3A_217 = arith.cmpf olt, %convert_element_type3A_113, %lt3A_216 : vector<8x1xf32>
      %convert_element_type3A_218 = arith.extui %lt3A_217 : vector<8x1xi1> to vector<8x1xi32>
      %convert_element_type3A_219 = arith.sitofp %convert_element_type3A_218 : vector<8x1xi32> to vector<8x1xf32>
      %mul3A_220 = arith.mulf %mul3A_111, %convert_element_type3A_219 : vector<8x1xf32>
      %reduce_sum3A_221 = vector.shape_cast %mul3A_220 : vector<8x1xf32> to vector<1x8x1xf32>
      %reduce_sum3A_222 = arith.constant dense<0.000000e+00> : vector<1xf32>
      %reduce_sum3A_223 = vector.multi_reduction <add>, %reduce_sum3A_221, %reduce_sum3A_222 [1, 2] : vector<1x8x1xf32> to vector<1xf32>
      %reduce_sum3A_224 = vector.shape_cast %reduce_sum3A_223 : vector<1xf32> to vector<1x1x1xf32>
      %reduce_sum3A_225 = vector.extract %reduce_sum3A_224[0, 0, 0] : f32 from vector<1x1x1xf32>
      %eq3A_226 = arith.constant 5.000000e+00 : f32
      %eq3A_227 = vector.broadcast %eq3A_226 : f32 to vector<8x512xf32>
      %eq3A_228 = arith.cmpf oeq, %get3A_116, %eq3A_227 : vector<8x512xf32>
      %jit3A_229 = arith.constant 0.000000e+00 : f32
      %broadcast_in_dim3A_230 = vector.broadcast %reduce_sum3A_225 : f32 to vector<8x512xf32>
      %broadcast_in_dim3A_231 = vector.broadcast %jit3A_229 : f32 to vector<8x512xf32>
      %select_n3A_232 = arith.select %eq3A_228, %broadcast_in_dim3A_230, %broadcast_in_dim3A_231 : vector<8x512xi1>, vector<8x512xf32>
      %add3A_233 = arith.addf %add3A_214, %select_n3A_232 : vector<8x512xf32>
      %lt3A_234 = arith.constant 6.000000e+00 : f32
      %lt3A_235 = vector.broadcast %lt3A_234 : f32 to vector<8x1xf32>
      %lt3A_236 = arith.cmpf olt, %convert_element_type3A_113, %lt3A_235 : vector<8x1xf32>
      %convert_element_type3A_237 = arith.extui %lt3A_236 : vector<8x1xi1> to vector<8x1xi32>
      %convert_element_type3A_238 = arith.sitofp %convert_element_type3A_237 : vector<8x1xi32> to vector<8x1xf32>
      %mul3A_239 = arith.mulf %mul3A_111, %convert_element_type3A_238 : vector<8x1xf32>
      %reduce_sum3A_240 = vector.shape_cast %mul3A_239 : vector<8x1xf32> to vector<1x8x1xf32>
      %reduce_sum3A_241 = arith.constant dense<0.000000e+00> : vector<1xf32>
      %reduce_sum3A_242 = vector.multi_reduction <add>, %reduce_sum3A_240, %reduce_sum3A_241 [1, 2] : vector<1x8x1xf32> to vector<1xf32>
      %reduce_sum3A_243 = vector.shape_cast %reduce_sum3A_242 : vector<1xf32> to vector<1x1x1xf32>
      %reduce_sum3A_244 = vector.extract %reduce_sum3A_243[0, 0, 0] : f32 from vector<1x1x1xf32>
      %eq3A_245 = arith.constant 6.000000e+00 : f32
      %eq3A_246 = vector.broadcast %eq3A_245 : f32 to vector<8x512xf32>
      %eq3A_247 = arith.cmpf oeq, %get3A_116, %eq3A_246 : vector<8x512xf32>
      %jit3A_248 = arith.constant 0.000000e+00 : f32
      %broadcast_in_dim3A_249 = vector.broadcast %reduce_sum3A_244 : f32 to vector<8x512xf32>
      %broadcast_in_dim3A_250 = vector.broadcast %jit3A_248 : f32 to vector<8x512xf32>
      %select_n3A_251 = arith.select %eq3A_247, %broadcast_in_dim3A_249, %broadcast_in_dim3A_250 : vector<8x512xi1>, vector<8x512xf32>
      %add3A_252 = arith.addf %add3A_233, %select_n3A_251 : vector<8x512xf32>
      %lt3A_253 = arith.constant 7.000000e+00 : f32
      %lt3A_254 = vector.broadcast %lt3A_253 : f32 to vector<8x1xf32>
      %lt3A_255 = arith.cmpf olt, %convert_element_type3A_113, %lt3A_254 : vector<8x1xf32>
      %convert_element_type3A_256 = arith.extui %lt3A_255 : vector<8x1xi1> to vector<8x1xi32>
      %convert_element_type3A_257 = arith.sitofp %convert_element_type3A_256 : vector<8x1xi32> to vector<8x1xf32>
      %mul3A_258 = arith.mulf %mul3A_111, %convert_element_type3A_257 : vector<8x1xf32>
      %reduce_sum3A_259 = vector.shape_cast %mul3A_258 : vector<8x1xf32> to vector<1x8x1xf32>
      %reduce_sum3A_260 = arith.constant dense<0.000000e+00> : vector<1xf32>
      %reduce_sum3A_261 = vector.multi_reduction <add>, %reduce_sum3A_259, %reduce_sum3A_260 [1, 2] : vector<1x8x1xf32> to vector<1xf32>
      %reduce_sum3A_262 = vector.shape_cast %reduce_sum3A_261 : vector<1xf32> to vector<1x1x1xf32>
      %reduce_sum3A_263 = vector.extract %reduce_sum3A_262[0, 0, 0] : f32 from vector<1x1x1xf32>
      %eq3A_264 = arith.constant 7.000000e+00 : f32
      %eq3A_265 = vector.broadcast %eq3A_264 : f32 to vector<8x512xf32>
      %eq3A_266 = arith.cmpf oeq, %get3A_116, %eq3A_265 : vector<8x512xf32>
      %jit3A_267 = arith.constant 0.000000e+00 : f32
      %broadcast_in_dim3A_268 = vector.broadcast %reduce_sum3A_263 : f32 to vector<8x512xf32>
      %broadcast_in_dim3A_269 = vector.broadcast %jit3A_267 : f32 to vector<8x512xf32>
      %select_n3A_270 = arith.select %eq3A_266, %broadcast_in_dim3A_268, %broadcast_in_dim3A_269 : vector<8x512xi1>, vector<8x512xf32>
      %add3A_271 = arith.addf %add3A_252, %select_n3A_270 : vector<8x512xf32>
      %convert_element_type3A_272 = arith.fptosi %add3A_271 : vector<8x512xf32> to vector<8x512xi32>
      %swap3A_273 = arith.constant 0 : index
      %swap3A_274 = arith.constant 0 : index
      %swap3A_275 = vector.load %arg3[%swap3A_273, %swap3A_274] : memref<8x512xi32, #tpu.memory_space<vmem>>, vector<8x512xi32>
      tpu.vector_store %arg3[%swap3A_273, %swap3A_274], %convert_element_type3A_272 {strides = array<i32>} : memref<8x512xi32, #tpu.memory_space<vmem>>, vector<8x512xi32>,
      %iota3A_276 = tpu.iota {dimensions = array<i32: 1>} : vector<1x32xi32>
      %convert_element_type3A_277 = arith.sitofp %iota3A_276 : vector<1x32xi32> to vector<1x32xf32>
      %mul3A_278 = arith.constant 2.560000e+02 : f32
      %mul3A_279 = vector.broadcast %mul3A_278 : f32 to vector<1x32xf32>
      %mul3A_280 = arith.mulf %convert_element_type3A_277, %mul3A_279 : vector<1x32xf32>
      %broadcast_in_dim3A_281 = arith.constant 0.000000e+00 : f32
      %broadcast_in_dim3A_282 = vector.broadcast %broadcast_in_dim3A_281 : f32 to vector<1x32xf32>
      %le3A = arith.constant 0.000000e+00 : f32
      %le3A_283 = vector.broadcast %le3A : f32 to vector<8x1xf32>
      %le3A_284 = arith.cmpf ole, %convert_element_type3A_113, %le3A_283 : vector<8x1xf32>
      %convert_element_type3A_285 = arith.extui %le3A_284 : vector<8x1xi1> to vector<8x1xi32>
      %convert_element_type3A_286 = arith.sitofp %convert_element_type3A_285 : vector<8x1xi32> to vector<8x1xf32>
      %mul3A_287 = arith.mulf %mul3A_111, %convert_element_type3A_286 : vector<8x1xf32>
      %reduce_sum3A_288 = vector.shape_cast %mul3A_287 : vector<8x1xf32> to vector<1x8x1xf32>
      %reduce_sum3A_289 = arith.constant dense<0.000000e+00> : vector<1xf32>
      %reduce_sum3A_290 = vector.multi_reduction <add>, %reduce_sum3A_288, %reduce_sum3A_289 [1, 2] : vector<1x8x1xf32> to vector<1xf32>
      %reduce_sum3A_291 = vector.shape_cast %reduce_sum3A_290 : vector<1xf32> to vector<1x1x1xf32>
      %reduce_sum3A_292 = vector.extract %reduce_sum3A_291[0, 0, 0] : f32 from vector<1x1x1xf32>
      %ge3A = vector.broadcast %reduce_sum3A_292 : f32 to vector<1x32xf32>
      %ge3A_293 = arith.cmpf oge, %mul3A_280, %ge3A : vector<1x32xf32>
      %jit3A_294 = arith.constant 1.000000e+00 : f32
      %jit3A_295 = arith.constant 0.000000e+00 : f32
      %broadcast_in_dim3A_296 = vector.broadcast %jit3A_294 : f32 to vector<1x32xf32>
      %broadcast_in_dim3A_297 = vector.broadcast %jit3A_295 : f32 to vector<1x32xf32>
      %select_n3A_298 = arith.select %ge3A_293, %broadcast_in_dim3A_296, %broadcast_in_dim3A_297 : vector<1x32xi1>, vector<1x32xf32>
      %add3A_299 = arith.addf %broadcast_in_dim3A_282, %select_n3A_298 : vector<1x32xf32>
      %le3A_300 = arith.constant 1.000000e+00 : f32
      %le3A_301 = vector.broadcast %le3A_300 : f32 to vector<8x1xf32>
      %le3A_302 = arith.cmpf ole, %convert_element_type3A_113, %le3A_301 : vector<8x1xf32>
      %convert_element_type3A_303 = arith.extui %le3A_302 : vector<8x1xi1> to vector<8x1xi32>
      %convert_element_type3A_304 = arith.sitofp %convert_element_type3A_303 : vector<8x1xi32> to vector<8x1xf32>
      %mul3A_305 = arith.mulf %mul3A_111, %convert_element_type3A_304 : vector<8x1xf32>
      %reduce_sum3A_306 = vector.shape_cast %mul3A_305 : vector<8x1xf32> to vector<1x8x1xf32>
      %reduce_sum3A_307 = arith.constant dense<0.000000e+00> : vector<1xf32>
      %reduce_sum3A_308 = vector.multi_reduction <add>, %reduce_sum3A_306, %reduce_sum3A_307 [1, 2] : vector<1x8x1xf32> to vector<1xf32>
      %reduce_sum3A_309 = vector.shape_cast %reduce_sum3A_308 : vector<1xf32> to vector<1x1x1xf32>
      %reduce_sum3A_310 = vector.extract %reduce_sum3A_309[0, 0, 0] : f32 from vector<1x1x1xf32>
      %ge3A_311 = vector.broadcast %reduce_sum3A_310 : f32 to vector<1x32xf32>
      %ge3A_312 = arith.cmpf oge, %mul3A_280, %ge3A_311 : vector<1x32xf32>
      %jit3A_313 = arith.constant 1.000000e+00 : f32
      %jit3A_314 = arith.constant 0.000000e+00 : f32
      %broadcast_in_dim3A_315 = vector.broadcast %jit3A_313 : f32 to vector<1x32xf32>
      %broadcast_in_dim3A_316 = vector.broadcast %jit3A_314 : f32 to vector<1x32xf32>
      %select_n3A_317 = arith.select %ge3A_312, %broadcast_in_dim3A_315, %broadcast_in_dim3A_316 : vector<1x32xi1>, vector<1x32xf32>
      %add3A_318 = arith.addf %add3A_299, %select_n3A_317 : vector<1x32xf32>
      %le3A_319 = arith.constant 2.000000e+00 : f32
      %le3A_320 = vector.broadcast %le3A_319 : f32 to vector<8x1xf32>
      %le3A_321 = arith.cmpf ole, %convert_element_type3A_113, %le3A_320 : vector<8x1xf32>
      %convert_element_type3A_322 = arith.extui %le3A_321 : vector<8x1xi1> to vector<8x1xi32>
      %convert_element_type3A_323 = arith.sitofp %convert_element_type3A_322 : vector<8x1xi32> to vector<8x1xf32>
      %mul3A_324 = arith.mulf %mul3A_111, %convert_element_type3A_323 : vector<8x1xf32>
      %reduce_sum3A_325 = vector.shape_cast %mul3A_324 : vector<8x1xf32> to vector<1x8x1xf32>
      %reduce_sum3A_326 = arith.constant dense<0.000000e+00> : vector<1xf32>
      %reduce_sum3A_327 = vector.multi_reduction <add>, %reduce_sum3A_325, %reduce_sum3A_326 [1, 2] : vector<1x8x1xf32> to vector<1xf32>
      %reduce_sum3A_328 = vector.shape_cast %reduce_sum3A_327 : vector<1xf32> to vector<1x1x1xf32>
      %reduce_sum3A_329 = vector.extract %reduce_sum3A_328[0, 0, 0] : f32 from vector<1x1x1xf32>
      %ge3A_330 = vector.broadcast %reduce_sum3A_329 : f32 to vector<1x32xf32>
      %ge3A_331 = arith.cmpf oge, %mul3A_280, %ge3A_330 : vector<1x32xf32>
      %jit3A_332 = arith.constant 1.000000e+00 : f32
      %jit3A_333 = arith.constant 0.000000e+00 : f32
      %broadcast_in_dim3A_334 = vector.broadcast %jit3A_332 : f32 to vector<1x32xf32>
      %broadcast_in_dim3A_335 = vector.broadcast %jit3A_333 : f32 to vector<1x32xf32>
      %select_n3A_336 = arith.select %ge3A_331, %broadcast_in_dim3A_334, %broadcast_in_dim3A_335 : vector<1x32xi1>, vector<1x32xf32>
      %add3A_337 = arith.addf %add3A_318, %select_n3A_336 : vector<1x32xf32>
      %le3A_338 = arith.constant 3.000000e+00 : f32
      %le3A_339 = vector.broadcast %le3A_338 : f32 to vector<8x1xf32>
      %le3A_340 = arith.cmpf ole, %convert_element_type3A_113, %le3A_339 : vector<8x1xf32>
      %convert_element_type3A_341 = arith.extui %le3A_340 : vector<8x1xi1> to vector<8x1xi32>
      %convert_element_type3A_342 = arith.sitofp %convert_element_type3A_341 : vector<8x1xi32> to vector<8x1xf32>
      %mul3A_343 = arith.mulf %mul3A_111, %convert_element_type3A_342 : vector<8x1xf32>
      %reduce_sum3A_344 = vector.shape_cast %mul3A_343 : vector<8x1xf32> to vector<1x8x1xf32>
      %reduce_sum3A_345 = arith.constant dense<0.000000e+00> : vector<1xf32>
      %reduce_sum3A_346 = vector.multi_reduction <add>, %reduce_sum3A_344, %reduce_sum3A_345 [1, 2] : vector<1x8x1xf32> to vector<1xf32>
      %reduce_sum3A_347 = vector.shape_cast %reduce_sum3A_346 : vector<1xf32> to vector<1x1x1xf32>
      %reduce_sum3A_348 = vector.extract %reduce_sum3A_347[0, 0, 0] : f32 from vector<1x1x1xf32>
      %ge3A_349 = vector.broadcast %reduce_sum3A_348 : f32 to vector<1x32xf32>
      %ge3A_350 = arith.cmpf oge, %mul3A_280, %ge3A_349 : vector<1x32xf32>
      %jit3A_351 = arith.constant 1.000000e+00 : f32
      %jit3A_352 = arith.constant 0.000000e+00 : f32
      %broadcast_in_dim3A_353 = vector.broadcast %jit3A_351 : f32 to vector<1x32xf32>
      %broadcast_in_dim3A_354 = vector.broadcast %jit3A_352 : f32 to vector<1x32xf32>
      %select_n3A_355 = arith.select %ge3A_350, %broadcast_in_dim3A_353, %broadcast_in_dim3A_354 : vector<1x32xi1>, vector<1x32xf32>
      %add3A_356 = arith.addf %add3A_337, %select_n3A_355 : vector<1x32xf32>
      %le3A_357 = arith.constant 4.000000e+00 : f32
      %le3A_358 = vector.broadcast %le3A_357 : f32 to vector<8x1xf32>
      %le3A_359 = arith.cmpf ole, %convert_element_type3A_113, %le3A_358 : vector<8x1xf32>
      %convert_element_type3A_360 = arith.extui %le3A_359 : vector<8x1xi1> to vector<8x1xi32>
      %convert_element_type3A_361 = arith.sitofp %convert_element_type3A_360 : vector<8x1xi32> to vector<8x1xf32>
      %mul3A_362 = arith.mulf %mul3A_111, %convert_element_type3A_361 : vector<8x1xf32>
      %reduce_sum3A_363 = vector.shape_cast %mul3A_362 : vector<8x1xf32> to vector<1x8x1xf32>
      %reduce_sum3A_364 = arith.constant dense<0.000000e+00> : vector<1xf32>
      %reduce_sum3A_365 = vector.multi_reduction <add>, %reduce_sum3A_363, %reduce_sum3A_364 [1, 2] : vector<1x8x1xf32> to vector<1xf32>
      %reduce_sum3A_366 = vector.shape_cast %reduce_sum3A_365 : vector<1xf32> to vector<1x1x1xf32>
      %reduce_sum3A_367 = vector.extract %reduce_sum3A_366[0, 0, 0] : f32 from vector<1x1x1xf32>
      %ge3A_368 = vector.broadcast %reduce_sum3A_367 : f32 to vector<1x32xf32>
      %ge3A_369 = arith.cmpf oge, %mul3A_280, %ge3A_368 : vector<1x32xf32>
      %jit3A_370 = arith.constant 1.000000e+00 : f32
      %jit3A_371 = arith.constant 0.000000e+00 : f32
      %broadcast_in_dim3A_372 = vector.broadcast %jit3A_370 : f32 to vector<1x32xf32>
      %broadcast_in_dim3A_373 = vector.broadcast %jit3A_371 : f32 to vector<1x32xf32>
      %select_n3A_374 = arith.select %ge3A_369, %broadcast_in_dim3A_372, %broadcast_in_dim3A_373 : vector<1x32xi1>, vector<1x32xf32>
      %add3A_375 = arith.addf %add3A_356, %select_n3A_374 : vector<1x32xf32>
      %le3A_376 = arith.constant 5.000000e+00 : f32
      %le3A_377 = vector.broadcast %le3A_376 : f32 to vector<8x1xf32>
      %le3A_378 = arith.cmpf ole, %convert_element_type3A_113, %le3A_377 : vector<8x1xf32>
      %convert_element_type3A_379 = arith.extui %le3A_378 : vector<8x1xi1> to vector<8x1xi32>
      %convert_element_type3A_380 = arith.sitofp %convert_element_type3A_379 : vector<8x1xi32> to vector<8x1xf32>
      %mul3A_381 = arith.mulf %mul3A_111, %convert_element_type3A_380 : vector<8x1xf32>
      %reduce_sum3A_382 = vector.shape_cast %mul3A_381 : vector<8x1xf32> to vector<1x8x1xf32>
      %reduce_sum3A_383 = arith.constant dense<0.000000e+00> : vector<1xf32>
      %reduce_sum3A_384 = vector.multi_reduction <add>, %reduce_sum3A_382, %reduce_sum3A_383 [1, 2] : vector<1x8x1xf32> to vector<1xf32>
      %reduce_sum3A_385 = vector.shape_cast %reduce_sum3A_384 : vector<1xf32> to vector<1x1x1xf32>
      %reduce_sum3A_386 = vector.extract %reduce_sum3A_385[0, 0, 0] : f32 from vector<1x1x1xf32>
      %ge3A_387 = vector.broadcast %reduce_sum3A_386 : f32 to vector<1x32xf32>
      %ge3A_388 = arith.cmpf oge, %mul3A_280, %ge3A_387 : vector<1x32xf32>
      %jit3A_389 = arith.constant 1.000000e+00 : f32
      %jit3A_390 = arith.constant 0.000000e+00 : f32
      %broadcast_in_dim3A_391 = vector.broadcast %jit3A_389 : f32 to vector<1x32xf32>
      %broadcast_in_dim3A_392 = vector.broadcast %jit3A_390 : f32 to vector<1x32xf32>
      %select_n3A_393 = arith.select %ge3A_388, %broadcast_in_dim3A_391, %broadcast_in_dim3A_392 : vector<1x32xi1>, vector<1x32xf32>
      %add3A_394 = arith.addf %add3A_375, %select_n3A_393 : vector<1x32xf32>
      %le3A_395 = arith.constant 6.000000e+00 : f32
      %le3A_396 = vector.broadcast %le3A_395 : f32 to vector<8x1xf32>
      %le3A_397 = arith.cmpf ole, %convert_element_type3A_113, %le3A_396 : vector<8x1xf32>
      %convert_element_type3A_398 = arith.extui %le3A_397 : vector<8x1xi1> to vector<8x1xi32>
      %convert_element_type3A_399 = arith.sitofp %convert_element_type3A_398 : vector<8x1xi32> to vector<8x1xf32>
      %mul3A_400 = arith.mulf %mul3A_111, %convert_element_type3A_399 : vector<8x1xf32>
      %reduce_sum3A_401 = vector.shape_cast %mul3A_400 : vector<8x1xf32> to vector<1x8x1xf32>
      %reduce_sum3A_402 = arith.constant dense<0.000000e+00> : vector<1xf32>
      %reduce_sum3A_403 = vector.multi_reduction <add>, %reduce_sum3A_401, %reduce_sum3A_402 [1, 2] : vector<1x8x1xf32> to vector<1xf32>
      %reduce_sum3A_404 = vector.shape_cast %reduce_sum3A_403 : vector<1xf32> to vector<1x1x1xf32>
      %reduce_sum3A_405 = vector.extract %reduce_sum3A_404[0, 0, 0] : f32 from vector<1x1x1xf32>
      %ge3A_406 = vector.broadcast %reduce_sum3A_405 : f32 to vector<1x32xf32>
      %ge3A_407 = arith.cmpf oge, %mul3A_280, %ge3A_406 : vector<1x32xf32>
      %jit3A_408 = arith.constant 1.000000e+00 : f32
      %jit3A_409 = arith.constant 0.000000e+00 : f32
      %broadcast_in_dim3A_410 = vector.broadcast %jit3A_408 : f32 to vector<1x32xf32>
      %broadcast_in_dim3A_411 = vector.broadcast %jit3A_409 : f32 to vector<1x32xf32>
      %select_n3A_412 = arith.select %ge3A_407, %broadcast_in_dim3A_410, %broadcast_in_dim3A_411 : vector<1x32xi1>, vector<1x32xf32>
      %add3A_413 = arith.addf %add3A_394, %select_n3A_412 : vector<1x32xf32>
      %le3A_414 = arith.constant 7.000000e+00 : f32
      %le3A_415 = vector.broadcast %le3A_414 : f32 to vector<8x1xf32>
      %le3A_416 = arith.cmpf ole, %convert_element_type3A_113, %le3A_415 : vector<8x1xf32>
      %convert_element_type3A_417 = arith.extui %le3A_416 : vector<8x1xi1> to vector<8x1xi32>
      %convert_element_type3A_418 = arith.sitofp %convert_element_type3A_417 : vector<8x1xi32> to vector<8x1xf32>
      %mul3A_419 = arith.mulf %mul3A_111, %convert_element_type3A_418 : vector<8x1xf32>
      %reduce_sum3A_420 = vector.shape_cast %mul3A_419 : vector<8x1xf32> to vector<1x8x1xf32>
      %reduce_sum3A_421 = arith.constant dense<0.000000e+00> : vector<1xf32>
      %reduce_sum3A_422 = vector.multi_reduction <add>, %reduce_sum3A_420, %reduce_sum3A_421 [1, 2] : vector<1x8x1xf32> to vector<1xf32>
      %reduce_sum3A_423 = vector.shape_cast %reduce_sum3A_422 : vector<1xf32> to vector<1x1x1xf32>
      %reduce_sum3A_424 = vector.extract %reduce_sum3A_423[0, 0, 0] : f32 from vector<1x1x1xf32>
      %ge3A_425 = vector.broadcast %reduce_sum3A_424 : f32 to vector<1x32xf32>
      %ge3A_426 = arith.cmpf oge, %mul3A_280, %ge3A_425 : vector<1x32xf32>
      %jit3A_427 = arith.constant 1.000000e+00 : f32
      %jit3A_428 = arith.constant 0.000000e+00 : f32
      %broadcast_in_dim3A_429 = vector.broadcast %jit3A_427 : f32 to vector<1x32xf32>
      %broadcast_in_dim3A_430 = vector.broadcast %jit3A_428 : f32 to vector<1x32xf32>
      %select_n3A_431 = arith.select %ge3A_426, %broadcast_in_dim3A_429, %broadcast_in_dim3A_430 : vector<1x32xi1>, vector<1x32xf32>
      %add3A_432 = arith.addf %add3A_413, %select_n3A_431 : vector<1x32xf32>
      %min3A = arith.constant 7.000000e+00 : f32
      %min3A_433 = vector.broadcast %min3A : f32 to vector<1x32xf32>
      %min3A_434 = arith.minimumf %add3A_432, %min3A_433 : vector<1x32xf32>
      %convert_element_type3A_435 = arith.fptosi %min3A_434 : vector<1x32xf32> to vector<1x32xi32>
      %swap3A_436 = arith.constant 0 : index
      %swap3A_437 = arith.constant 0 : index
      %swap3A_438 = vector.load %arg5[%swap3A_436, %swap3A_437] : memref<1x32xi32, #tpu.memory_space<vmem>>, vector<1x32xi32>
      tpu.vector_store %arg5[%swap3A_436, %swap3A_437], %convert_element_type3A_435 {strides = array<i32>} : memref<1x32xi32, #tpu.memory_space<vmem>>, vector<1x32xi32>,
    } else {
    }
    return
  }
  func.func @transform_0(%arg0: i32) -> (i32, i32) {
    %c0_i32 = arith.constant 0 : i32
    %c0_i32_0 = arith.constant 0 : i32
    return %arg0, %c0_i32 : i32, i32
  }
  func.func @transform_1(%arg0: i32) -> (i32, i32) {
    %c0_i32 = arith.constant 0 : i32
    %c0_i32_0 = arith.constant 0 : i32
    %c0_i32_1 = arith.constant 0 : i32
    return %c0_i32, %c0_i32_0 : i32, i32
  }
  func.func @transform_2(%arg0: i32) -> (i32, i32) {
    %c0_i32 = arith.constant 0 : i32
    %c0_i32_0 = arith.constant 0 : i32
    %c0_i32_1 = arith.constant 0 : i32
    return %c0_i32, %c0_i32_0 : i32, i32
  }
  func.func @transform_3(%arg0: i32) -> (i32, i32) {
    %c0_i32 = arith.constant 0 : i32
    %c0_i32_0 = arith.constant 0 : i32
    %c0_i32_1 = arith.constant 0 : i32
    return %c0_i32, %c0_i32_0 : i32, i32
  }
  func.func @transform_4(%arg0: i32) -> (i32, i32) {
    %c0_i32 = arith.constant 0 : i32
    %c0_i32_0 = arith.constant 0 : i32
    %c0_i32_1 = arith.constant 0 : i32
    return %c0_i32, %c0_i32_0 : i32, i32
  }
  func.func @transform_5(%arg0: i32) -> (i32, i32) {
    %c0_i32 = arith.constant 0 : i32
    %c0_i32_0 = arith.constant 0 : i32
    return %arg0, %c0_i32 : i32, i32
  }
}

module attributes {stable_mosaic.version = 14 : i64} {
  func.func @_gemm_body(%arg0: i32, %arg1: memref<24xi32, #tpu.memory_space<smem>>, %arg2: memref<256x512xi32, #tpu.memory_space<vmem>>, %arg3: memref<1x1024x1024xf32, #tpu.memory_space<vmem>>, %arg4: memref<1x1024x1024xf32, #tpu.memory_space<vmem>>, %arg5: memref<256x1024xf32, #tpu.memory_space<vmem>>) attributes {dimension_semantics = [#tpu.dimension_semantics<arbitrary>], iteration_bounds = array<i64: 24>, scalar_prefetch = 1 : i64, scratch_operands = 0 : i64, tpu.core_type = #tpu.core_type<tc>, window_params = [{transform_indices = @transform_0, window_bounds = array<i64: 256, 512>}, {transform_indices = @transform_1, window_bounds = array<i64: 1, 1024, 1024>}, {transform_indices = @transform_2, window_bounds = array<i64: 1, 1024, 1024>}, {transform_indices = @transform_3, window_bounds = array<i64: 256, 1024>}]} {
    %get3A = arith.constant 0 : index
    %get3A_0 = arith.constant 0 : index
    %get3A_1 = vector.load %arg2[%get3A, %get3A_0] : memref<256x512xi32, #tpu.memory_space<vmem>>, vector<256x512xi32>
    %shift_left3A = arith.constant 16 : i32
    %shift_left3A_2 = vector.broadcast %shift_left3A : i32 to vector<256x512xi32>
    %shift_left3A_3 = arith.shli %get3A_1, %shift_left3A_2 : vector<256x512xi32>
    %bitcast_convert_type3A = tpu.bitcast %shift_left3A_3 : vector<256x512xi32> -> vector<256x512xf32>
    %and3A = arith.constant -65536 : i32
    %and3A_4 = vector.broadcast %and3A : i32 to vector<256x512xi32>
    %and3A_5 = arith.andi %get3A_1, %and3A_4 : vector<256x512xi32>
    %bitcast_convert_type3A_6 = tpu.bitcast %and3A_5 : vector<256x512xi32> -> vector<256x512xf32>
    %concatenate3A = tpu.concatenate %bitcast_convert_type3A, %bitcast_convert_type3A_6 in 1 : vector<256x512xf32>, vector<256x512xf32> -> vector<256x1024xf32>
    %convert_element_type3A = arith.truncf %concatenate3A : vector<256x1024xf32> to vector<256x1024xbf16>
    %get3A_7 = arith.constant 0 : index
    %get3A_8 = arith.constant 0 : index
    %get3A_9 = arith.constant 0 : index
    %get3A_10 = vector.load %arg3[%get3A_7, %get3A_8, %get3A_9] : memref<1x1024x1024xf32, #tpu.memory_space<vmem>>, vector<1x1024x1024xf32>
    %get3A_11 = vector.shape_cast %get3A_10 : vector<1x1024x1024xf32> to vector<1024x1024xf32>
    %convert_element_type3A_12 = arith.truncf %get3A_11 : vector<1024x1024xf32> to vector<1024x1024xbf16>
    %dot_general3A = arith.constant dense<0.000000e+00> : vector<256x1024xf32>
    %dot_general3A_13 = tpu.matmul %convert_element_type3A, %convert_element_type3A_12, %dot_general3A {dimension_numbers = #tpu.dot_dimension_numbers<[1], [0], [0], [1], [0, 0, 1, 1], [], []>, transpose_lhs_hint = false} : vector<256x1024xbf16>, vector<1024x1024xbf16>, vector<256x1024xf32> -> vector<256x1024xf32>
    %convert_element_type3A_14 = arith.truncf %dot_general3A_13 : vector<256x1024xf32> to vector<256x1024xbf16>
    %get3A_15 = arith.constant 0 : index
    %get3A_16 = arith.constant 0 : index
    %get3A_17 = arith.constant 0 : index
    %get3A_18 = vector.load %arg4[%get3A_15, %get3A_16, %get3A_17] : memref<1x1024x1024xf32, #tpu.memory_space<vmem>>, vector<1x1024x1024xf32>
    %get3A_19 = vector.shape_cast %get3A_18 : vector<1x1024x1024xf32> to vector<1024x1024xf32>
    %convert_element_type3A_20 = arith.truncf %get3A_19 : vector<1024x1024xf32> to vector<1024x1024xbf16>
    %dot_general3A_21 = arith.constant dense<0.000000e+00> : vector<256x1024xf32>
    %dot_general3A_22 = tpu.matmul %convert_element_type3A_14, %convert_element_type3A_20, %dot_general3A_21 {dimension_numbers = #tpu.dot_dimension_numbers<[1], [0], [0], [1], [0, 0, 1, 1], [], []>, transpose_lhs_hint = false} : vector<256x1024xbf16>, vector<1024x1024xbf16>, vector<256x1024xf32> -> vector<256x1024xf32>
    %swap3A = arith.constant 0 : index
    %swap3A_23 = arith.constant 0 : index
    %swap3A_24 = vector.load %arg5[%swap3A, %swap3A_23] : memref<256x1024xf32, #tpu.memory_space<vmem>>, vector<256x1024xf32>
    tpu.vector_store %arg5[%swap3A, %swap3A_23], %dot_general3A_22 {strides = array<i32>} : memref<256x1024xf32, #tpu.memory_space<vmem>>, vector<256x1024xf32>,
    return
  }
  func.func @transform_0(%arg0: i32, %arg1: memref<24xi32, #tpu.memory_space<smem>>) -> (i32, i32) {
    %c0_i32 = arith.constant 0 : i32
    %c0_i32_0 = arith.constant 0 : i32
    return %arg0, %c0_i32 : i32, i32
  }
  func.func @transform_1(%arg0: i32, %arg1: memref<24xi32, #tpu.memory_space<smem>>) -> (i32, i32, i32) {
    %get3A = arith.index_cast %arg0 : i32 to index
    %get3A_0 = memref.load %arg1[%get3A] : memref<24xi32, #tpu.memory_space<smem>>
    %c0_i32 = arith.constant 0 : i32
    %c0_i32_1 = arith.constant 0 : i32
    %c0_i32_2 = arith.constant 0 : i32
    return %get3A_0, %c0_i32, %c0_i32_1 : i32, i32, i32
  }
  func.func @transform_2(%arg0: i32, %arg1: memref<24xi32, #tpu.memory_space<smem>>) -> (i32, i32, i32) {
    %get3A = arith.index_cast %arg0 : i32 to index
    %get3A_0 = memref.load %arg1[%get3A] : memref<24xi32, #tpu.memory_space<smem>>
    %c0_i32 = arith.constant 0 : i32
    %c0_i32_1 = arith.constant 0 : i32
    %c0_i32_2 = arith.constant 0 : i32
    return %get3A_0, %c0_i32, %c0_i32_1 : i32, i32, i32
  }
  func.func @transform_3(%arg0: i32, %arg1: memref<24xi32, #tpu.memory_space<smem>>) -> (i32, i32) {
    %c0_i32 = arith.constant 0 : i32
    %c0_i32_0 = arith.constant 0 : i32
    return %arg0, %c0_i32 : i32, i32
  }
}

</mosaic_0001>

<sc_bundles>
// kernel: kernel.6.cloned.1.call-start
scs
__scs_entry_jumppad:
0x0: {  	(pc) =	sbr.rel $0x88, $3  }
0x1: {  	(tag) =	ssettag $0x0;
	lr =	simm.s32 $0x1  }
0x2: {  	[smem:$0x3F9D] =	sst lr;
	_ =	strace $0xD0000000  }
0x3: {  	_ = 	snop  }
0x4: {  	_ = 	snop  }
0x5: {  	_ = 	snop  }
0x6: {  	_ = 	snop  }
0x7: {  	_ = 	snop  }
__scs_overlays_trampoline_lowered:
0x8: {  	[smem:$0x3FAC] =	sst s0  }
0x9: {  	[smem:$0x3FAD] =	sst s1  }
0xa: {  	[smem:$0x3FAE] =	sst s2  }
0xb: {  	[smem:$0x3FAF] =	sst s3  }
0xc: {  	[smem:$0x3FB0] =	sst s4  }
0xd: {  	[smem:$0x3FB1] =	sst s5  }
0xe: {  	[smem:$0x3FB2] =	sst s6  }
0xf: {  	[smem:$0x3FB3] =	sst s7  }
0x10: {  	[smem:$0x3FB4] =	sst s8  }
0x11: {  	[smem:$0x3FB5] =	sst s9;
	s0 =	simm.s32 @!p0 $0x0  }
0x12: {  	s1 =	sld [smem:$0x3F9B];
	s0 =	simm.s32 @p0 $0x1  }
0x13: {  	[smem:$0x3FB6] =	sst s0;
	s0 =	simm.s32 @!p1 $0x0  }
0x14: {  	s2 =	sld [smem:$0x3F9A];
	s0 =	simm.s32 @p1 $0x1  }
0x15: {  	[smem:$0x3FB7] =	sst s0;
	s0 =	simm.s32 @!p2 $0x0  }
0x16: {  	s3 =	sld [smem:$0x3FDB];
	s0 =	simm.s32 @p2 $0x1  }
0x17: {  	s4 =	simm.s32 $0x1BF5;
	[smem:$0x3FB9] =	sst s0  }
0x18: {  	s0 =	sld [smem:$0x3F9C];
	_ =	swait.ge [sflag:s4], $0x0  }
0x19: {  	s7 =	sld [smem:$0x3F9D]  }
0x1a: {  	s8 =	sadd.s32 $0xFFFFE003, lr  }
0x1b: {  	s9 =	sadd.s32 $0xFFFFFEF7, lr;
	s5 =	simm.s32 $0xFFFFFFFF;
	p2 =	slt.u32 s8, $0xFFFFF086  }
0x1c: {  	p1 =	slt.u32 s9, $0xF7A;
	s5 =	simm.s32 @!p2 $0x0  }
0x1d: {  	s5 =	simm.s32 @p1 $0x1;
	p0 =	seq.s32 s7, s2  }
0x1e: {  	s7 =	smul.u32 @!p0 $0xF7A, s2;
	p2 =	seq.s32 @!p0 s5, $0x0  }
0x1f: {  	s9 =	smul.u32 $0xF7A, s1;
	s8 =	simm.s32 @!p0 $0x1BF5;
	p2 =	por !p2, p0  }
0x20: {  	[sflag:s8] =	ssyncset.s32 @!p0 $0xFFFFF086;
	s6 =	sadd.s32 @!p0 s3, s7;
	s7 =	simm.s32 @!p0 $0x108  }
0x21: {  	s3 =	sadd.s32 s3, s9;
	s6 =	sadd.s32 @!p0 $0x88, s6;
	s7 =	simm.s32 @p2 $0x1082  }
0x22: {  	[simem:s7], [sflag:s8] =	dma.local @!p0 [hbm:s6], $0xF7A  }
0x23: {  	s9 =	sor.u32 $0xD0000000, s2;
	s6 =	simm.s32 $0x108;
	_ =	swait.ge @!p0 [sflag:s8], $0x0  }
0x24: {  	s3 =	sadd.s32 $0x88, s3;
	s6 =	simm.s32 @!p1 $0x1082;
	[sflag:s4] =	ssyncset.s32 $0xFFFFF086  }
0x25: {  	[simem:s6], [sflag:s4] =	dma.local [hbm:s3], $0xF7A  }
0x26: {  	[smem:$0x3F9D] =	sst s1;
	(tag) =	ssettag s2;
	_ =	strace s9  }
0x27: {  	s1 =	sld [smem:$0x3FAD]  }
0x28: {  	s2 =	sld [smem:$0x3FAE]  }
0x29: {  	s4 =	sld [smem:$0x3FB0]  }
0x2a: {  	p0 =	seq.s32 s5, $0x0;
	s5 =	sld [smem:$0x3FB1]  }
0x2b: {  	s6 =	sld [smem:$0x3FB2]  }
0x2c: {  	s7 =	sld [smem:$0x3FB3]  }
0x2d: {  	s3 =	simm.s32 $0x108;
	s8 =	sld [smem:$0x3FB4]  }
0x2e: {  	s3 =	simm.s32 @!p0 $0x1082;
	s9 =	sld [smem:$0x3FB5]  }
0x2f: {  	lr =	sadd.s32 s0, s3;
	s0 =	sld [smem:$0x3FAC]  }
0x30: {  	s3 =	sld [smem:$0x3FAF]  }
0x31: {  	[smem:$0x3FB8] =	sst s10  }
0x32: {  	s10 =	sld [smem:$0x3FB6];
	_ =	sdelay $0x3  }
0x33: {  	p0 =	seq.s32 s10, $0x1;
	s10 =	sld [smem:$0x3FB8];
	_ =	sdelay $0x3  }
0x34: {  	[smem:$0x3FB8] =	sst s10  }
0x35: {  	s10 =	sld [smem:$0x3FB7];
	_ =	sdelay $0x3  }
0x36: {  	p1 =	seq.s32 s10, $0x1;
	s10 =	sld [smem:$0x3FB8];
	_ =	sdelay $0x3  }
0x37: {  	[smem:$0x3FB8] =	sst s10  }
0x38: {  	s10 =	sld [smem:$0x3FB9]  }
0x39: {  	_ = 	snop;
	(pc) =	sbr.ind lr, $3  }
0x3a: {  	_ = 	snop  }
0x3b: {  	_ = 	snop  }
0x3c: {  	p2 =	seq.s32 s10, $0x1;
	s10 =	sld [smem:$0x3FB8]  }
0x3d: {  	_ =	shalt  }
0x3e: {  	_ =	shalt  }
0x3f: {  	_ =	shalt  }
0x40: {  	_ =	shalt  }
0x41: {  	_ =	shalt  }
0x42: {  	_ =	shalt  }
0x43: {  	_ =	shalt  }
0x44: {  	_ =	shalt  }
0x45: {  	_ =	shalt  }
0x46: {  	_ =	shalt  }
0x47: {  	_ =	shalt  }
0x48: {  	_ =	shalt  }
0x49: {  	_ =	shalt  }
0x4a: {  	_ =	shalt  }
0x4b: {  	_ =	shalt  }
0x4c: {  	_ =	shalt  }
0x4d: {  	_ =	shalt  }
0x4e: {  	_ =	shalt  }
0x4f: {  	_ =	shalt  }
0x50: {  	_ =	shalt  }
0x51: {  	_ =	shalt  }
0x52: {  	_ =	shalt  }
0x53: {  	_ =	shalt  }
0x54: {  	_ =	shalt  }
0x55: {  	_ =	shalt  }
0x56: {  	_ =	shalt  }
0x57: {  	_ =	shalt  }
0x58: {  	_ =	shalt  }
0x59: {  	_ =	shalt  }
0x5a: {  	_ =	shalt  }
0x5b: {  	_ =	shalt  }
0x5c: {  	_ =	shalt  }
0x5d: {  	_ =	shalt  }
0x5e: {  	_ =	shalt  }
0x5f: {  	_ =	shalt  }
0x60: {  	_ =	shalt  }
0x61: {  	_ =	shalt  }
0x62: {  	_ =	shalt  }
0x63: {  	_ =	shalt  }
0x64: {  	_ =	shalt  }
0x65: {  	_ =	shalt  }
0x66: {  	_ =	shalt  }
0x67: {  	_ =	shalt  }
0x68: {  	_ =	shalt  }
0x69: {  	_ =	shalt  }
0x6a: {  	_ =	shalt  }
0x6b: {  	_ =	shalt  }
0x6c: {  	_ =	shalt  }
0x6d: {  	_ =	shalt  }
0x6e: {  	_ =	shalt  }
0x6f: {  	_ =	shalt  }
0x70: {  	_ =	shalt  }
0x71: {  	_ =	shalt  }
0x72: {  	_ =	shalt  }
0x73: {  	_ =	shalt  }
0x74: {  	_ =	shalt  }
0x75: {  	_ =	shalt  }
0x76: {  	_ =	shalt  }
0x77: {  	_ =	shalt  }
0x78: {  	_ =	shalt  }
0x79: {  	_ =	shalt  }
0x7a: {  	_ =	shalt  }
0x7b: {  	_ =	shalt  }
0x7c: {  	_ =	shalt  }
0x7d: {  	_ =	shalt  }
0x7e: {  	_ =	shalt  }
0x7f: {  	_ =	shalt  }
0x80: {  	_ =	shalt  }
0x81: {  	_ =	shalt  }
0x82: {  	_ =	shalt  }
0x83: {  	_ =	shalt  }
0x84: {  	_ =	shalt  }
0x85: {  	_ =	shalt  }
0x86: {  	_ =	shalt  }
0x87: {  	_ =	shalt  }
.Lfunc_end0:
.L_simem_size_0:
called_computation_lowered:
.L_overlay_start_0:
0x88: {  	s2 =	sld [smem:$0x3FD9]  }
0x89: {  	s3 =	sld [smem:$0x3FFE];
	_ =	sdelay $0x1  }
0x8a: {  	s1 =	srdreg.scid  }
0x8b: {  	s0 =	sand.u32 $0x1, s1  }
0x8c: {  	s17 =	sshll.u32 s0, $0xA;
	s2 =	sadd.s32 s3, s2  }
0x8d: {  	s2 =	sadd.s32 s2, s17  }
0x8e: {  	[smem:$0x3FC4] =	sst s2  }
0x8f: {  	_ = 	snop  }
0x90: {  	s2 =	sld [smem:$0x3FD0];
	(tm) =	ssettm $0x1  }
0x91: {  	s18 =	sld [smem:$0x3FFB];
	_ =	sdelay $0x3  }
0x92: {  	_ =	strace s18  }
0x93: {  	s3 =	sld [smem:$0x3FFC];
	_ =	sdelay $0x3  }
0x94: {  	_ =	strace s3  }
0x95: {  	s3 =	sld [smem:$0x3FFD];
	_ =	sdelay $0x3  }
0x96: {  	_ =	strace s3  }
0x97: {  	_ =	strace $0x8FFFFFFF  }
0x98: {  	s19 =	sld [smem:$0x3FDB];
	_ =	sdelay $0x1  }
0x99: {  	s4 =	simm.s32 $_scs_section_size  }
0x9a: {  	s5 =	simm.s32 $_size__tile_overlayer_lowered;
	s6 =	simm.s32 $_tile_overlayer_lowered  }
0x9b: {  	s22 =	simm.s32 $0x1BFF;
	s21 =	sshll.u32 s6, $0x1;
	s3 =	sadd.s32 s4, s19  }
0x9c: {  	s7 =	simm.s32 $0x0;
	s20 =	sshll.u32 s5, $0x1;
	s5 =	sadd.s32 s21, s3  }
0x9d: {  	[timem:s7], [sflag:s22] =	dma.local [hbm:s5], s20  }
0x9e: {  	_ =	swait.ge [sflag:s22], s20  }
0x9f: {  	s4 =	ssub.s32 $0x0, s20;
	[sflag:s22] =	ssyncset.done $0x0  }
0xa0: {  	[sflag:s22] =	ssyncadd.s32 s4;
	_ =	sdelay $0x1  }
0xa1: {  	s23 =	simm.s32 $0x1B8B  }
0xa2: {  	_ =	swait.ge [sflag:s23], $0x1  }
0xa3: {  	[sflag:s23] =	ssyncset.done $0x0  }
0xa4: {  	s25 =	simm.s32 $0x1B8E;
	s24 =	sld [smem:$0x3FFE];
	[sflag:s23] =	ssyncadd.s32 $0xFFFFFFFF  }
0xa5: {  	s26 =	simm.s32 $execute0_lowered;
	[smem:$0x3FD2] =	sst s25  }
0xa6: {  	s5 =	sshll.u32 s26, $0x1;
	_ =	strace $0x80000046;
	[dreg:$0x1] =	wrdreg $0xFFFFFFFF  }
0xa7: {  	s28 =	simm.s32 $_size_execute0_lowered;
	s3 =	sadd.s32 s3, s5;
	[dreg:$0x0] =	wrdreg $0x0  }
0xa8: {  	s5 =	sshll.u32 s28, $0x1;
	[dreg:$0x2] =	wrdreg s3  }
0xa9: {  	[dreg:$0x3] =	wrdreg s5  }
0xaa: {  	[dreg:$0x4] =	wrdreg $0xC0  }
0xab: {  	_ =	task [dreg:s7], $0x5FFFF  }
0xac: {  	[dreg:$0x1] =	wrdreg $0xFFFFFFFF  }
0xad: {  	[dreg:$0x0] =	wrdreg $0x60  }
0xae: {  	[dreg:$0x2] =	wrdreg s24  }
0xaf: {  	[dreg:$0x3] =	wrdreg s2  }
0xb0: {  	[dreg:$0x4] =	wrdreg $0x9  }
0xb1: {  	_ =	task.clear_ibuf [dreg:s7], $0x5FFFF;
	_ =	strace $0x90000046  }
0xb2: {  	s29 =	simm.s32 $0x9;
	_ =	strace $0x80000048  }
0xb3: {  	_ =	swait.ge [sflag:s29], $0x1  }
0xb4: {  	[sflag:s29] =	ssyncadd.s32 $0xFFFFFFFF  }
0xb5: {  	_ =	strace $0x90000048  }
0xb6: {  	_ =	sfence  }
0xb7: {  	s30 =	sld [smem:$0x0];
	_ =	sdelay $0x2  }
0xb8: {  	s31 =	sshll.u32 s1, $0xD;
	s1 =	sshrl.u32 s1, $0x2  }
0xb9: {  	s3 =	sand.u32 $0x4000, s31;
	s1 =	sadd.s32 s1, s30  }
0xba: {  	s0 =	sor.u32 s3, s0;
	s1 =	sshll.u32 s1, $0x11  }
0xbb: {  	s0 =	sor.u32 s1, s0  }
0xbc: {  	s0 =	sadd.s32 $0x8F2B, s0  }
0xbd: {  	[sflag:s0] =	ssyncadd.remote.s32 $0x1  }
0xbe: {  	_ =	sfence.sel $0xFFFF  }
0xbf: {  	[dreg:$0x0] =	wrdreg $0xFFFFFFFF;
	(pc) =	sbr.abs _section_cstart, $3  }
0xc0: {  	[dreg:$0x1] =	wrdreg $0xFFFFFFFF  }
0xc1: {  	_ =	task.clear_ibuf [dreg:s7], $0x2FFFF;
	_ =	strace $0x9FFFFFFF  }
0xc2: {  	(tm) =	ssettm $0x7FFFFFFF  }
0xc3: {  	_ =	shalt  }
tec
execute0_lowered:
.L_overlay_start_1:
0x0: {  	(tag) =	ssettag $0x1  }
0x1: {  	s1 =	srdreg.scid  }
0x2: {  	s7 =	rddreg [dreg:$0x0];
	s0 =	stileid.u32  }
0x3: {  	s6 =	rddreg [dreg:$0x1];
	s11 =	simm.s32 $0x8080;
	s12 =	simm.s32 $0x800  }
0x4: {  	s13 =	simm.s32 $0x1000;
	s14 =	simm.s32 $0x1800;
	s15 =	simm.s32 $0x2000  }
0x5: {  	s16 =	simm.s32 $0x2800;
	s17 =	simm.s32 $0x3000;
	s18 =	simm.s32 $0x3800  }
0x6: {  	s19 =	simm.s32 $0x4000;
	s20 =	simm.s32 $0x4800;
	s21 =	simm.s32 $0x5000  }
0x7: {  	s22 =	simm.s32 $0x5800;
	s23 =	simm.s32 $0x6000;
	s24 =	simm.s32 $0x6800  }
0x8: {  	s25 =	simm.s32 $0x7000;
	s28 =	simm.s32 $0x1;
	s29 =	simm.s32 $0x2  }
0x9: {  	s3 =	sand.u32 $0x1, s1;
	s2 =	sshll.u32 s0, $0x7;
	s1 =	rddreg [dreg:$0x2]  }
0xa: {  	s26 =	sshll.u32 s0, $0x8;
	s4 =	sshll.u32 s3, $0x6;
	s30 =	ssub.s32 $0x2, s3  }
0xb: {  	s3 =	sadd.s32 $0x1000, s7;
	s5 =	sor.u32 s4, s2;
	s2 =	simm.s32 $0x0  }
0xc: {  	s4 =	sand.u32 $0xE00, s26;
	s31 =	sshrl.u32 s30, $0x1;
	s26 =	simm.s32 $0x7800  }
0xd: {  	s8 =	sand.u32 $0xC0, s5;
	[smem:$0x7FF] =	sst s2;
	s10 =	sshll.u32 s5, $0x6  }
0xe: {  	s4 =	sor.u32 s4, s8;
	_ =	strace $0x80000047;
	s8 =	ssub.s32 s30, s31  }
0xf: {  	v2 =	vlaneseq.u32;
	s6 =	sadd.s32 s6, s10;
	s10 =	simm.s32 $0x3;
	s4 =	sshrl.u32 s4, $0x3  }
0x10: {  	vm0 =	vmmov $0xffff;
	v1 =	vshrl.u32 v2, $0x3;
	s8 =	smax.u32 s8, $0x1;
	s9 =	sadd.s32 s4, s7;
	s7 =	sadd.s32 $0x1100, s7  }
0x11: {  	v0 =	vand.u32 $0x7, v2;
	v2 =	vor.u32 $0x8, v2;
	v1 =	vmul.u32 $0x8, v1;
	s4 =	sadd.s32 $0xE00, s9;
	s5 =	sadd.s32 $0xE20, s9;
	s9 =	simm.s32 $0x8000  }
.LBB2_1:
0x12: {  	[tilespmem:s9], [sflag:$0x3] =	stream.linear.gather [hbm4b:s4+s2], $0x40, $0x38;
	[tilespmem:$0x8100] =	vst v63  }
0x13: {  	_ =	swait.ge [sflag:s10], $0x40  }
0x14: {  	[sflag:s10] =	ssyncset.done $0x0  }
0x15: {  	[sflag:s10] =	ssyncadd.s32 $0xFFFFFFC0  }
0x16: {  	[tilespmem:s11], [sflag:$0x3] =	stream.linear.gather [hbm4b:s5+s2], $0x40, $0x38;
	[tilespmem:$0x8100] =	vst v63  }
0x17: {  	_ =	swait.ge [sflag:s10], $0x40  }
0x18: {  	[sflag:s10] =	ssyncset.done $0x0  }
0x19: {  	[sflag:s10] =	ssyncadd.s32 $0xFFFFFFC0  }
0x1a: {  	[tilespmem:s2], [sflag:$0x3] =	stream.linear.gather [hbm4b:s6+s2], $0x8000, $0x38;
	[tilespmem:$0x8100] =	vst v63  }
0x1b: {  	_ =	swait.ge [sflag:s10], $0x8000  }
0x1c: {  	[sflag:s10] =	ssyncset.done $0x0  }
0x1d: {  	[sflag:s10] =	ssyncadd.s32 $0xFFFF8000  }
0x1e: {  	v3 =	vld [tilespmem:$0x8000];
	_ =	sdelay $0x4  }
0x1f: {  	v4 =	vshll.u32 v3, $0x2  }
0x20: {  	v3 =	vand.u32 $0x7, v3;
	v4 =	vand.u32 $0xFFFFFFE0, v4  }
0x21: {  	v3 =	vor.u32 v3, v4  }
0x22: {  	v4 =	vperm.xlane v3, v0;
	_ =	sdelay $0x1  }
0x23: {  	v4 =	vadd.s32 v1, v4;
	_ =	sdelay $0x1  }
0x24: {  	v3 =	vperm.xlane v3, v2;
	_ =	sdelay $0x1  }
0x25: {  	v3 =	vadd.s32 v1, v3  }
0x26: {  	[hbm4b:s3+s2] =	stream.indirect_vreg.scatter [tilespmem:s2], [sflag:$0x1], $0x80, v4, vm0, $0xb8;
	[tilespmem:$0x8100] =	vst v63  }
0x27: {  	_ = 	snop  }
0x28: {  	[hbm4b:s7+s2] =	stream.indirect_vreg.scatter [tilespmem:s12], [sflag:$0x1], $0x80, v4, vm0, $0xb8;
	[tilespmem:$0x8100] =	vst v63  }
0x29: {  	_ = 	snop  }
0x2a: {  	[hbm4b:s3+s2] =	stream.indirect_vreg.scatter [tilespmem:s13], [sflag:$0x1], $0x80, v3, vm0, $0xb8;
	[tilespmem:$0x8100] =	vst v63  }
0x2b: {  	_ = 	snop  }
0x2c: {  	[hbm4b:s7+s2] =	stream.indirect_vreg.scatter [tilespmem:s14], [sflag:$0x1], $0x80, v3, vm0, $0xb8;
	[tilespmem:$0x8100] =	vst v63  }
0x2d: {  	v3 =	vld [tilespmem:$0x8010];
	_ =	sdelay $0x4  }
0x2e: {  	v57 =	vshll.u32 v3, $0x2  }
0x2f: {  	v3 =	vand.u32 $0x7, v3;
	v4 =	vand.u32 $0xFFFFFFE0, v57  }
0x30: {  	v3 =	vor.u32 v3, v4  }
0x31: {  	v4 =	vperm.xlane v3, v0;
	_ =	sdelay $0x1  }
0x32: {  	v4 =	vadd.s32 v1, v4;
	_ =	sdelay $0x1  }
0x33: {  	v3 =	vperm.xlane v3, v2;
	_ =	sdelay $0x1  }
0x34: {  	v3 =	vadd.s32 v1, v3  }
0x35: {  	[hbm4b:s3+s2] =	stream.indirect_vreg.scatter [tilespmem:s15], [sflag:$0x1], $0x80, v4, vm0, $0xb8;
	[tilespmem:$0x8100] =	vst v63  }
0x36: {  	_ = 	snop  }
0x37: {  	[hbm4b:s7+s2] =	stream.indirect_vreg.scatter [tilespmem:s16], [sflag:$0x1], $0x80, v4, vm0, $0xb8;
	[tilespmem:$0x8100] =	vst v63  }
0x38: {  	_ = 	snop  }
0x39: {  	[hbm4b:s3+s2] =	stream.indirect_vreg.scatter [tilespmem:s17], [sflag:$0x1], $0x80, v3, vm0, $0xb8;
	[tilespmem:$0x8100] =	vst v63  }
0x3a: {  	_ = 	snop  }
0x3b: {  	[hbm4b:s7+s2] =	stream.indirect_vreg.scatter [tilespmem:s18], [sflag:$0x1], $0x80, v3, vm0, $0xb8;
	[tilespmem:$0x8100] =	vst v63  }
0x3c: {  	v3 =	vld [tilespmem:$0x8020];
	_ =	sdelay $0x4  }
0x3d: {  	v58 =	vshll.u32 v3, $0x2  }
0x3e: {  	v3 =	vand.u32 $0x7, v3;
	v4 =	vand.u32 $0xFFFFFFE0, v58  }
0x3f: {  	v3 =	vor.u32 v3, v4  }
0x40: {  	v4 =	vperm.xlane v3, v0;
	_ =	sdelay $0x1  }
0x41: {  	v4 =	vadd.s32 v1, v4;
	_ =	sdelay $0x1  }
0x42: {  	v3 =	vperm.xlane v3, v2;
	_ =	sdelay $0x1  }
0x43: {  	v3 =	vadd.s32 v1, v3  }
0x44: {  	[hbm4b:s3+s2] =	stream.indirect_vreg.scatter [tilespmem:s19], [sflag:$0x1], $0x80, v4, vm0, $0xb8;
	[tilespmem:$0x8100] =	vst v63  }
0x45: {  	_ = 	snop  }
0x46: {  	[hbm4b:s7+s2] =	stream.indirect_vreg.scatter [tilespmem:s20], [sflag:$0x1], $0x80, v4, vm0, $0xb8;
	[tilespmem:$0x8100] =	vst v63  }
0x47: {  	_ = 	snop  }
0x48: {  	[hbm4b:s3+s2] =	stream.indirect_vreg.scatter [tilespmem:s21], [sflag:$0x1], $0x80, v3, vm0, $0xb8;
	[tilespmem:$0x8100] =	vst v63  }
0x49: {  	_ = 	snop  }
0x4a: {  	[hbm4b:s7+s2] =	stream.indirect_vreg.scatter [tilespmem:s22], [sflag:$0x1], $0x80, v3, vm0, $0xb8;
	[tilespmem:$0x8100] =	vst v63  }
0x4b: {  	v3 =	vld [tilespmem:$0x8030];
	_ =	sdelay $0x4  }
0x4c: {  	v59 =	vshll.u32 v3, $0x2  }
0x4d: {  	v3 =	vand.u32 $0x7, v3;
	v4 =	vand.u32 $0xFFFFFFE0, v59  }
0x4e: {  	v3 =	vor.u32 v3, v4  }
0x4f: {  	v4 =	vperm.xlane v3, v0;
	_ =	sdelay $0x1  }
0x50: {  	v4 =	vadd.s32 v1, v4;
	_ =	sdelay $0x1  }
0x51: {  	v3 =	vperm.xlane v3, v2;
	_ =	sdelay $0x1  }
0x52: {  	v3 =	vadd.s32 v1, v3  }
0x53: {  	[hbm4b:s3+s2] =	stream.indirect_vreg.scatter [tilespmem:s23], [sflag:$0x1], $0x80, v4, vm0, $0xb8;
	[tilespmem:$0x8100] =	vst v63  }
0x54: {  	_ = 	snop  }
0x55: {  	[hbm4b:s7+s2] =	stream.indirect_vreg.scatter [tilespmem:s24], [sflag:$0x1], $0x80, v4, vm0, $0xb8;
	[tilespmem:$0x8100] =	vst v63  }
0x56: {  	_ = 	snop  }
0x57: {  	[hbm4b:s3+s2] =	stream.indirect_vreg.scatter [tilespmem:s25], [sflag:$0x1], $0x80, v3, vm0, $0xb8;
	[tilespmem:$0x8100] =	vst v63  }
0x58: {  	_ = 	snop  }
0x59: {  	[hbm4b:s7+s2] =	stream.indirect_vreg.scatter [tilespmem:s26], [sflag:$0x1], $0x80, v3, vm0, $0xb8;
	[tilespmem:$0x8100] =	vst v63  }
0x5a: {  	v3 =	vld [tilespmem:$0x8080];
	_ =	sdelay $0x4  }
0x5b: {  	v60 =	vshll.u32 v3, $0x2  }
0x5c: {  	v3 =	vand.u32 $0x7, v3;
	v4 =	vand.u32 $0xFFFFFFE0, v60  }
0x5d: {  	v3 =	vor.u32 v3, v4  }
0x5e: {  	v4 =	vperm.xlane v3, v0;
	_ =	sdelay $0x1  }
0x5f: {  	v4 =	vadd.s32 v1, v4;
	_ =	sdelay $0x1  }
0x60: {  	v3 =	vperm.xlane v3, v2;
	_ =	sdelay $0x1  }
0x61: {  	v3 =	vadd.s32 v1, v3  }
0x62: {  	[hbm4b:s3+s2] =	stream.indirect_vreg.scatter [tilespmem:s2], [sflag:$0x2], $0x80, v4, vm0, $0xb8;
	[tilespmem:$0x8100] =	vst v63  }
0x63: {  	_ = 	snop  }
0x64: {  	[hbm4b:s7+s2] =	stream.indirect_vreg.scatter [tilespmem:s12], [sflag:$0x2], $0x80, v4, vm0, $0xb8;
	[tilespmem:$0x8100] =	vst v63  }
0x65: {  	_ = 	snop  }
0x66: {  	[hbm4b:s3+s2] =	stream.indirect_vreg.scatter [tilespmem:s13], [sflag:$0x2], $0x80, v3, vm0, $0xb8;
	[tilespmem:$0x8100] =	vst v63  }
0x67: {  	_ = 	snop  }
0x68: {  	[hbm4b:s7+s2] =	stream.indirect_vreg.scatter [tilespmem:s14], [sflag:$0x2], $0x80, v3, vm0, $0xb8;
	[tilespmem:$0x8100] =	vst v63  }
0x69: {  	v3 =	vld [tilespmem:$0x8090];
	_ =	sdelay $0x4  }
0x6a: {  	v61 =	vshll.u32 v3, $0x2  }
0x6b: {  	v3 =	vand.u32 $0x7, v3;
	v4 =	vand.u32 $0xFFFFFFE0, v61  }
0x6c: {  	v3 =	vor.u32 v3, v4  }
0x6d: {  	v4 =	vperm.xlane v3, v0;
	_ =	sdelay $0x1  }
0x6e: {  	v4 =	vadd.s32 v1, v4;
	_ =	sdelay $0x1  }
0x6f: {  	v3 =	vperm.xlane v3, v2;
	_ =	sdelay $0x1  }
0x70: {  	v3 =	vadd.s32 v1, v3  }
0x71: {  	[hbm4b:s3+s2] =	stream.indirect_vreg.scatter [tilespmem:s15], [sflag:$0x2], $0x80, v4, vm0, $0xb8;
	[tilespmem:$0x8100] =	vst v63  }
0x72: {  	_ = 	snop  }
0x73: {  	[hbm4b:s7+s2] =	stream.indirect_vreg.scatter [tilespmem:s16], [sflag:$0x2], $0x80, v4, vm0, $0xb8;
	[tilespmem:$0x8100] =	vst v63  }
0x74: {  	_ = 	snop  }
0x75: {  	[hbm4b:s3+s2] =	stream.indirect_vreg.scatter [tilespmem:s17], [sflag:$0x2], $0x80, v3, vm0, $0xb8;
	[tilespmem:$0x8100] =	vst v63  }
0x76: {  	_ = 	snop  }
0x77: {  	[hbm4b:s7+s2] =	stream.indirect_vreg.scatter [tilespmem:s18], [sflag:$0x2], $0x80, v3, vm0, $0xb8;
	[tilespmem:$0x8100] =	vst v63  }
0x78: {  	v3 =	vld [tilespmem:$0x80A0];
	_ =	sdelay $0x4  }
0x79: {  	v62 =	vshll.u32 v3, $0x2  }
0x7a: {  	v3 =	vand.u32 $0x7, v3;
	v4 =	vand.u32 $0xFFFFFFE0, v62  }
0x7b: {  	v3 =	vor.u32 v3, v4  }
0x7c: {  	v4 =	vperm.xlane v3, v0;
	_ =	sdelay $0x1  }
0x7d: {  	v4 =	vadd.s32 v1, v4;
	_ =	sdelay $0x1  }
0x7e: {  	v3 =	vperm.xlane v3, v2;
	_ =	sdelay $0x1  }
0x7f: {  	v3 =	vadd.s32 v1, v3  }
0x80: {  	[hbm4b:s3+s2] =	stream.indirect_vreg.scatter [tilespmem:s19], [sflag:$0x2], $0x80, v4, vm0, $0xb8;
	[tilespmem:$0x8100] =	vst v63  }
0x81: {  	_ = 	snop  }
0x82: {  	[hbm4b:s7+s2] =	stream.indirect_vreg.scatter [tilespmem:s20], [sflag:$0x2], $0x80, v4, vm0, $0xb8;
	[tilespmem:$0x8100] =	vst v63  }
0x83: {  	_ = 	snop  }
0x84: {  	[hbm4b:s3+s2] =	stream.indirect_vreg.scatter [tilespmem:s21], [sflag:$0x2], $0x80, v3, vm0, $0xb8;
	[tilespmem:$0x8100] =	vst v63  }
0x85: {  	_ = 	snop  }
0x86: {  	[hbm4b:s7+s2] =	stream.indirect_vreg.scatter [tilespmem:s22], [sflag:$0x2], $0x80, v3, vm0, $0xb8;
	[tilespmem:$0x8100] =	vst v63  }
0x87: {  	v3 =	vld [tilespmem:$0x80B0];
	_ =	sdelay $0x4  }
0x88: {  	v63 =	vshll.u32 v3, $0x2  }
0x89: {  	v3 =	vand.u32 $0x7, v3;
	v4 =	vand.u32 $0xFFFFFFE0, v63  }
0x8a: {  	v3 =	vor.u32 v3, v4  }
0x8b: {  	v4 =	vperm.xlane v3, v0;
	_ =	sdelay $0x1  }
0x8c: {  	v4 =	vadd.s32 v1, v4;
	_ =	sdelay $0x1  }
0x8d: {  	v3 =	vperm.xlane v3, v2;
	_ =	sdelay $0x1  }
0x8e: {  	v3 =	vadd.s32 v1, v3  }
0x8f: {  	[hbm4b:s3+s2] =	stream.indirect_vreg.scatter [tilespmem:s23], [sflag:$0x2], $0x80, v4, vm0, $0xb8;
	[tilespmem:$0x8100] =	vst v63  }
0x90: {  	_ = 	snop  }
0x91: {  	[hbm4b:s7+s2] =	stream.indirect_vreg.scatter [tilespmem:s24], [sflag:$0x2], $0x80, v4, vm0, $0xb8;
	[tilespmem:$0x8100] =	vst v63  }
0x92: {  	_ = 	snop  }
0x93: {  	[hbm4b:s3+s2] =	stream.indirect_vreg.scatter [tilespmem:s25], [sflag:$0x2], $0x80, v3, vm0, $0xb8;
	[tilespmem:$0x8100] =	vst v63  }
0x94: {  	_ = 	snop  }
0x95: {  	[hbm4b:s7+s2] =	stream.indirect_vreg.scatter [tilespmem:s26], [sflag:$0x2], $0x80, v3, vm0, $0xb8;
	[tilespmem:$0x8100] =	vst v63  }
0x96: {  	p0 =	sne.s32 s8, $0x1;
	_ =	swait.ge [sflag:s28], $0x8000  }
.Ltmp0:
0x97: {  	[sflag:s28] =	ssyncset.done $0x0;
	(pc) =	sbr.rel @p0 .LBB2_1-.Ltmp0, $4  }
0x98: {  	[sflag:s28] =	ssyncadd.s32 $0xFFFF8000  }
0x99: {  	_ =	swait.ge [sflag:s29], $0x8000  }
0x9a: {  	[sflag:s29] =	ssyncset.done $0x0  }
0x9b: {  	s8 =	sadd.s32 $0xFFFFFFFF, s8;
	[sflag:s29] =	ssyncadd.s32 $0xFFFF8000  }
0x9c: {  	_ =	sfence.sel $0x180000  }
0x9d: {  	[bflag:$0x0] =	sbarrier.arrive $0xFFFF  }
0x9e: {  	p0 =	sne.s32 s0, $0x0;
	_ =	strace $0x90000047  }
0x9f: {  	s0 =	sadd.s32 @!p0 $0x100000, s1;
	[bflag:$0x2] =	sbarrier.arrive $0xFFFF  }
0xa0: {  	[sflag:s0] =	ssyncadd.tile.s32 @!p0 $0x1;
	_ =	shalt  }
.Lfunc_end2:
_tile_overlayer_lowered:
.L_overlay_start_2:
0xa1: {  	(tag) =	ssettag $0x2  }
0xa2: {  	s0 =	rddreg [dreg:$0x0];
	s2 =	stileid.u32  }
0xa3: {  	s1 =	rddreg [dreg:$0x1];
	p0 =	sne.s32 s2, $0x0  }
0xa4: {  	s3 =	rddreg [dreg:$0x2];
	[bflag:$0x3] =	sbarrier.arrive $0xFFFF;
	s2 =	simm.s32 @!p0 $0x1C03  }
0xa5: {  	[timem:s3], [sflag:s2] =	dma.local @!p0 [hbm:s0], s1  }
0xa6: {  	s0 =	simm.s32 @!p0 $0x3  }
0xa7: {  	_ =	swait.ge @!p0 [sflag:s0], s1  }
0xa8: {  	s1 =	ssub.s32 @!p0 $0x0, s1;
	[sflag:s0] =	ssyncset.done @!p0 $0x0  }
0xa9: {  	[sflag:s0] =	ssyncadd.s32 @!p0 s1  }
0xaa: {  	[bflag:$0x3] =	sbarrier.arrive $0xFFFF  }
0xab: {  	_ =	shalt  }

// kernel: kernel.9.cloned.1.call-start
scs
__scs_entry_jumppad:
0x0: {  	(pc) =	sbr.rel $0x88, $3  }
0x1: {  	(tag) =	ssettag $0x0;
	lr =	simm.s32 $0x1  }
0x2: {  	[smem:$0x3F9D] =	sst lr;
	_ =	strace $0xD0000000  }
0x3: {  	_ = 	snop  }
0x4: {  	_ = 	snop  }
0x5: {  	_ = 	snop  }
0x6: {  	_ = 	snop  }
0x7: {  	_ = 	snop  }
__scs_overlays_trampoline_lowered:
0x8: {  	[smem:$0x3FAC] =	sst s0  }
0x9: {  	[smem:$0x3FAD] =	sst s1  }
0xa: {  	[smem:$0x3FAE] =	sst s2  }
0xb: {  	[smem:$0x3FAF] =	sst s3  }
0xc: {  	[smem:$0x3FB0] =	sst s4  }
0xd: {  	[smem:$0x3FB1] =	sst s5  }
0xe: {  	[smem:$0x3FB2] =	sst s6  }
0xf: {  	[smem:$0x3FB3] =	sst s7  }
0x10: {  	[smem:$0x3FB4] =	sst s8  }
0x11: {  	[smem:$0x3FB5] =	sst s9;
	s0 =	simm.s32 @!p0 $0x0  }
0x12: {  	s1 =	sld [smem:$0x3F9B];
	s0 =	simm.s32 @p0 $0x1  }
0x13: {  	[smem:$0x3FB6] =	sst s0;
	s0 =	simm.s32 @!p1 $0x0  }
0x14: {  	s2 =	sld [smem:$0x3F9A];
	s0 =	simm.s32 @p1 $0x1  }
0x15: {  	[smem:$0x3FB7] =	sst s0;
	s0 =	simm.s32 @!p2 $0x0  }
0x16: {  	s3 =	sld [smem:$0x3FDB];
	s0 =	simm.s32 @p2 $0x1  }
0x17: {  	s4 =	simm.s32 $0x1BF5;
	[smem:$0x3FB9] =	sst s0  }
0x18: {  	s0 =	sld [smem:$0x3F9C];
	_ =	swait.ge [sflag:s4], $0x0  }
0x19: {  	s7 =	sld [smem:$0x3F9D]  }
0x1a: {  	s8 =	sadd.s32 $0xFFFFE003, lr  }
0x1b: {  	s9 =	sadd.s32 $0xFFFFFEF7, lr;
	s5 =	simm.s32 $0xFFFFFFFF;
	p2 =	slt.u32 s8, $0xFFFFF086  }
0x1c: {  	p1 =	slt.u32 s9, $0xF7A;
	s5 =	simm.s32 @!p2 $0x0  }
0x1d: {  	s5 =	simm.s32 @p1 $0x1;
	p0 =	seq.s32 s7, s2  }
0x1e: {  	s7 =	smul.u32 @!p0 $0xF7A, s2;
	p2 =	seq.s32 @!p0 s5, $0x0  }
0x1f: {  	s9 =	smul.u32 $0xF7A, s1;
	s8 =	simm.s32 @!p0 $0x1BF5;
	p2 =	por !p2, p0  }
0x20: {  	[sflag:s8] =	ssyncset.s32 @!p0 $0xFFFFF086;
	s6 =	sadd.s32 @!p0 s3, s7;
	s7 =	simm.s32 @!p0 $0x108  }
0x21: {  	s3 =	sadd.s32 s3, s9;
	s6 =	sadd.s32 @!p0 $0x88, s6;
	s7 =	simm.s32 @p2 $0x1082  }
0x22: {  	[simem:s7], [sflag:s8] =	dma.local @!p0 [hbm:s6], $0xF7A  }
0x23: {  	s9 =	sor.u32 $0xD0000000, s2;
	s6 =	simm.s32 $0x108;
	_ =	swait.ge @!p0 [sflag:s8], $0x0  }
0x24: {  	s3 =	sadd.s32 $0x88, s3;
	s6 =	simm.s32 @!p1 $0x1082;
	[sflag:s4] =	ssyncset.s32 $0xFFFFF086  }
0x25: {  	[simem:s6], [sflag:s4] =	dma.local [hbm:s3], $0xF7A  }
0x26: {  	[smem:$0x3F9D] =	sst s1;
	(tag) =	ssettag s2;
	_ =	strace s9  }
0x27: {  	s1 =	sld [smem:$0x3FAD]  }
0x28: {  	s2 =	sld [smem:$0x3FAE]  }
0x29: {  	s4 =	sld [smem:$0x3FB0]  }
0x2a: {  	p0 =	seq.s32 s5, $0x0;
	s5 =	sld [smem:$0x3FB1]  }
0x2b: {  	s6 =	sld [smem:$0x3FB2]  }
0x2c: {  	s7 =	sld [smem:$0x3FB3]  }
0x2d: {  	s3 =	simm.s32 $0x108;
	s8 =	sld [smem:$0x3FB4]  }
0x2e: {  	s3 =	simm.s32 @!p0 $0x1082;
	s9 =	sld [smem:$0x3FB5]  }
0x2f: {  	lr =	sadd.s32 s0, s3;
	s0 =	sld [smem:$0x3FAC]  }
0x30: {  	s3 =	sld [smem:$0x3FAF]  }
0x31: {  	[smem:$0x3FB8] =	sst s10  }
0x32: {  	s10 =	sld [smem:$0x3FB6];
	_ =	sdelay $0x3  }
0x33: {  	p0 =	seq.s32 s10, $0x1;
	s10 =	sld [smem:$0x3FB8];
	_ =	sdelay $0x3  }
0x34: {  	[smem:$0x3FB8] =	sst s10  }
0x35: {  	s10 =	sld [smem:$0x3FB7];
	_ =	sdelay $0x3  }
0x36: {  	p1 =	seq.s32 s10, $0x1;
	s10 =	sld [smem:$0x3FB8];
	_ =	sdelay $0x3  }
0x37: {  	[smem:$0x3FB8] =	sst s10  }
0x38: {  	s10 =	sld [smem:$0x3FB9]  }
0x39: {  	_ = 	snop;
	(pc) =	sbr.ind lr, $3  }
0x3a: {  	_ = 	snop  }
0x3b: {  	_ = 	snop  }
0x3c: {  	p2 =	seq.s32 s10, $0x1;
	s10 =	sld [smem:$0x3FB8]  }
0x3d: {  	_ =	shalt  }
0x3e: {  	_ =	shalt  }
0x3f: {  	_ =	shalt  }
0x40: {  	_ =	shalt  }
0x41: {  	_ =	shalt  }
0x42: {  	_ =	shalt  }
0x43: {  	_ =	shalt  }
0x44: {  	_ =	shalt  }
0x45: {  	_ =	shalt  }
0x46: {  	_ =	shalt  }
0x47: {  	_ =	shalt  }
0x48: {  	_ =	shalt  }
0x49: {  	_ =	shalt  }
0x4a: {  	_ =	shalt  }
0x4b: {  	_ =	shalt  }
0x4c: {  	_ =	shalt  }
0x4d: {  	_ =	shalt  }
0x4e: {  	_ =	shalt  }
0x4f: {  	_ =	shalt  }
0x50: {  	_ =	shalt  }
0x51: {  	_ =	shalt  }
0x52: {  	_ =	shalt  }
0x53: {  	_ =	shalt  }
0x54: {  	_ =	shalt  }
0x55: {  	_ =	shalt  }
0x56: {  	_ =	shalt  }
0x57: {  	_ =	shalt  }
0x58: {  	_ =	shalt  }
0x59: {  	_ =	shalt  }
0x5a: {  	_ =	shalt  }
0x5b: {  	_ =	shalt  }
0x5c: {  	_ =	shalt  }
0x5d: {  	_ =	shalt  }
0x5e: {  	_ =	shalt  }
0x5f: {  	_ =	shalt  }
0x60: {  	_ =	shalt  }
0x61: {  	_ =	shalt  }
0x62: {  	_ =	shalt  }
0x63: {  	_ =	shalt  }
0x64: {  	_ =	shalt  }
0x65: {  	_ =	shalt  }
0x66: {  	_ =	shalt  }
0x67: {  	_ =	shalt  }
0x68: {  	_ =	shalt  }
0x69: {  	_ =	shalt  }
0x6a: {  	_ =	shalt  }
0x6b: {  	_ =	shalt  }
0x6c: {  	_ =	shalt  }
0x6d: {  	_ =	shalt  }
0x6e: {  	_ =	shalt  }
0x6f: {  	_ =	shalt  }
0x70: {  	_ =	shalt  }
0x71: {  	_ =	shalt  }
0x72: {  	_ =	shalt  }
0x73: {  	_ =	shalt  }
0x74: {  	_ =	shalt  }
0x75: {  	_ =	shalt  }
0x76: {  	_ =	shalt  }
0x77: {  	_ =	shalt  }
0x78: {  	_ =	shalt  }
0x79: {  	_ =	shalt  }
0x7a: {  	_ =	shalt  }
0x7b: {  	_ =	shalt  }
0x7c: {  	_ =	shalt  }
0x7d: {  	_ =	shalt  }
0x7e: {  	_ =	shalt  }
0x7f: {  	_ =	shalt  }
0x80: {  	_ =	shalt  }
0x81: {  	_ =	shalt  }
0x82: {  	_ =	shalt  }
0x83: {  	_ =	shalt  }
0x84: {  	_ =	shalt  }
0x85: {  	_ =	shalt  }
0x86: {  	_ =	shalt  }
0x87: {  	_ =	shalt  }
.Lfunc_end0:
.L_simem_size_0:
called_computation.1_lowered:
.L_overlay_start_0:
0x88: {  	s2 =	sld [smem:$0x3FD9]  }
0x89: {  	s3 =	sld [smem:$0x3FFE];
	_ =	sdelay $0x1  }
0x8a: {  	s1 =	srdreg.scid  }
0x8b: {  	s0 =	sand.u32 $0x1, s1  }
0x8c: {  	s16 =	sshll.u32 s0, $0xA;
	s2 =	sadd.s32 s3, s2  }
0x8d: {  	s2 =	sadd.s32 s2, s16  }
0x8e: {  	[smem:$0x3FC4] =	sst s2  }
0x8f: {  	_ = 	snop  }
0x90: {  	(tm) =	ssettm $0x1  }
0x91: {  	s17 =	sld [smem:$0x3FFB];
	_ =	sdelay $0x3  }
0x92: {  	_ =	strace s17  }
0x93: {  	s2 =	sld [smem:$0x3FFC];
	_ =	sdelay $0x3  }
0x94: {  	_ =	strace s2  }
0x95: {  	s2 =	sld [smem:$0x3FFD];
	_ =	sdelay $0x3  }
0x96: {  	_ =	strace s2  }
0x97: {  	_ =	strace $0x8FFFFFFF  }
0x98: {  	s18 =	sld [smem:$0x3FDB];
	_ =	sdelay $0x1  }
0x99: {  	s19 =	simm.s32 $_scs_section_size  }
0x9a: {  	s4 =	simm.s32 $_size__tile_overlayer_lowered;
	s5 =	simm.s32 $_tile_overlayer_lowered  }
0x9b: {  	s22 =	simm.s32 $0x1BFF;
	s21 =	sshll.u32 s5, $0x1;
	s2 =	sadd.s32 s19, s18  }
0x9c: {  	s6 =	simm.s32 $0x0;
	s20 =	sshll.u32 s4, $0x1;
	s4 =	sadd.s32 s21, s2  }
0x9d: {  	[timem:s6], [sflag:s22] =	dma.local [hbm:s4], s20  }
0x9e: {  	_ =	swait.ge [sflag:s22], s20  }
0x9f: {  	s3 =	ssub.s32 $0x0, s20;
	[sflag:s22] =	ssyncset.done $0x0  }
0xa0: {  	[sflag:s22] =	ssyncadd.s32 s3;
	_ =	sdelay $0x1  }
0xa1: {  	s23 =	simm.s32 $0x1B8B  }
0xa2: {  	_ =	swait.ge [sflag:s23], $0x1  }
0xa3: {  	[sflag:s23] =	ssyncset.done $0x0  }
0xa4: {  	s25 =	simm.s32 $0x1B8E;
	s24 =	sld [smem:$0x3FFE];
	[sflag:s23] =	ssyncadd.s32 $0xFFFFFFFF  }
0xa5: {  	s26 =	simm.s32 $execute0_lowered;
	[smem:$0x3FD2] =	sst s25  }
0xa6: {  	s4 =	sshll.u32 s26, $0x1;
	_ =	strace $0x80000049;
	[dreg:$0x1] =	wrdreg $0xFFFFFFFF  }
0xa7: {  	s28 =	simm.s32 $_size_execute0_lowered;
	s2 =	sadd.s32 s2, s4;
	[dreg:$0x0] =	wrdreg $0x0  }
0xa8: {  	s4 =	sshll.u32 s28, $0x1;
	[dreg:$0x2] =	wrdreg s2  }
0xa9: {  	[dreg:$0x3] =	wrdreg s4  }
0xaa: {  	[dreg:$0x4] =	wrdreg $0xC0  }
0xab: {  	_ =	task [dreg:s6], $0x5FFFF  }
0xac: {  	[dreg:$0x1] =	wrdreg $0xFFFFFFFF  }
0xad: {  	[dreg:$0x0] =	wrdreg $0x60  }
0xae: {  	[dreg:$0x2] =	wrdreg s24  }
0xaf: {  	[dreg:$0x3] =	wrdreg $0x9  }
0xb0: {  	_ =	task.clear_ibuf [dreg:s6], $0x4FFFF;
	_ =	strace $0x90000049  }
0xb1: {  	s29 =	simm.s32 $0x9;
	_ =	strace $0x8000004B  }
0xb2: {  	_ =	swait.ge [sflag:s29], $0x1  }
0xb3: {  	[sflag:s29] =	ssyncadd.s32 $0xFFFFFFFF  }
0xb4: {  	_ =	strace $0x9000004B  }
0xb5: {  	_ =	sfence  }
0xb6: {  	s30 =	sld [smem:$0x0];
	_ =	sdelay $0x2  }
0xb7: {  	s31 =	sshll.u32 s1, $0xD;
	s1 =	sshrl.u32 s1, $0x2  }
0xb8: {  	s3 =	sand.u32 $0x4000, s31;
	s1 =	sadd.s32 s1, s30  }
0xb9: {  	s0 =	sor.u32 s3, s0;
	s1 =	sshll.u32 s1, $0x11  }
0xba: {  	s0 =	sor.u32 s1, s0  }
0xbb: {  	s0 =	sadd.s32 $0x8F2B, s0  }
0xbc: {  	[sflag:s0] =	ssyncadd.remote.s32 $0x1  }
0xbd: {  	_ =	sfence.sel $0xFFFF  }
0xbe: {  	[dreg:$0x0] =	wrdreg $0xFFFFFFFF;
	(pc) =	sbr.abs _section_cstart, $3  }
0xbf: {  	[dreg:$0x1] =	wrdreg $0xFFFFFFFF  }
0xc0: {  	_ =	task.clear_ibuf [dreg:s6], $0x2FFFF;
	_ =	strace $0x9FFFFFFF  }
0xc1: {  	(tm) =	ssettm $0x7FFFFFFF  }
tec
execute0_lowered:
.L_overlay_start_1:
0x0: {  	(tag) =	ssettag $0x1  }
0x1: {  	s0 =	rddreg [dreg:$0x0];
	s1 =	srdreg.scid  }
0x2: {  	s2 =	simm.s32 $0x0;
	s5 =	stileid.u32;
	s28 =	simm.s32 $0xB200  }
0x3: {  	s12 =	simm.s32 $0xBA00;
	s29 =	simm.s32 $0xC200;
	s30 =	simm.s32 $0xCA00  }
0x4: {  	s13 =	simm.s32 $0xD200;
	s31 =	simm.s32 $0xDA00;
	s1 =	sand.u32 $0x1, s1  }
0x5: {  	[smem:$0x7FF] =	sst s2;
	s3 =	sshll.u32 s5, $0x7;
	s14 =	sshll.u32 s5, $0x8  }
0x6: {  	s15 =	sadd.s32 $0xE00, s0;
	s11 =	sadd.s32 $0x61000, s0;
	s9 =	sadd.s32 $0x61400, s0  }
0x7: {  	s10 =	sadd.s32 $0x61500, s0;
	s4 =	sshll.u32 s1, $0x6;
	_ =	strace $0x8000004A  }
0x8: {  	s6 =	sand.u32 $0xE00, s14;
	s1 =	ssub.s32 $0x2, s1;
	s14 =	simm.s32 $0xE200  }
0x9: {  	s4 =	sor.u32 s4, s3;
	s3 =	sadd.s32 $0x61200, s0;
	s16 =	sshrl.u32 s1, $0x1  }
0xa: {  	s7 =	sand.u32 $0xC0, s4;
	s4 =	sshll.u32 s4, $0x7;
	s1 =	ssub.s32 s1, s16  }
0xb: {  	s16 =	simm.s32 $0x1;
	s6 =	sor.u32 s6, s7;
	s4 =	sadd.s32 s4, s0  }
0xc: {  	s26 =	smax.u32 s1, $0x1;
	s1 =	simm.s32 $0xFA00;
	s6 =	sshrl.u32 s6, $0x3  }
0xd: {  	s22 =	sadd.s32 $0x1000, s4;
	s25 =	sadd.s32 $0x2000, s4;
	[dreg:$0xc] =	wrdreg s26  }
0xe: {  	s26 =	simm.s32 $0xA200;
	s4 =	simm.s32 $0x2;
	[dreg:$0x6] =	wrdreg s22  }
0xf: {  	s8 =	sor.u32 $0x20, s6;
	s17 =	sadd.s32 s15, s6;
	[dreg:$0xb] =	wrdreg s25  }
0x10: {  	s19 =	sadd.s32 s11, s6;
	s21 =	sor.u32 $0x4, s6;
	[dreg:$0x2] =	wrdreg s17  }
0x11: {  	s6 =	sor.u32 $0x24, s6;
	s18 =	sadd.s32 s15, s8;
	[dreg:$0x4] =	wrdreg s19  }
0x12: {  	s25 =	simm.s32 $0x9A00;
	s20 =	sadd.s32 s11, s8;
	[dreg:$0x3] =	wrdreg s18  }
0x13: {  	s8 =	sadd.s32 $0x61300, s0;
	s23 =	sadd.s32 s15, s21;
	[dreg:$0x5] =	wrdreg s20  }
0x14: {  	v2 =	vlaneseq.u32;
	s5 =	sadd.s32 s15, s6;
	s0 =	sadd.s32 s11, s21;
	[dreg:$0x7] =	wrdreg s23  }
0x15: {  	v0 =	vand.u32 $0x7, v2;
	v1 =	vshrl.u32 v2, $0x3;
	s24 =	sadd.s32 s11, s6;
	s21 =	simm.s32 $0x180;
	[dreg:$0x8] =	wrdreg s5  }
0x16: {  	v63 =	vor.u32 $0x8, v2;
	[tilespmem:$0x1FFD0] =	vst v0;
	v62 =	vmul.u32 $0x8, v1;
	s11 =	simm.s32 $0xAA00;
	s15 =	simm.s32 $0xF200;
	[dreg:$0x9] =	wrdreg s0  }
0x17: {  	[tilespmem:$0x1FFF0] =	vst v63;
	s17 =	simm.s32 $0x10200;
	s19 =	simm.s32 $0x0;
	[dreg:$0xa] =	wrdreg s24  }
0x18: {  	vm0 =	vmmov $0xffff;
	[tilespmem:$0x1FFE0] =	vst v62;
	s18 =	simm.s32 $0x3;
	s20 =	simm.s32 $0x100;
	s0 =	simm.s32 $0xEA00  }
.LBB2_1:
0x19: {  	s5 =	rddreg [dreg:$0x2]  }
0x1a: {  	[tilespmem:s2], [sflag:$0x3] =	stream.linear.gather [hbm4b:s5+s2], $0x20, $0x38;
	[tilespmem:$0x18200] =	vst v63  }
0x1b: {  	_ =	swait.ge [sflag:s18], $0x20  }
0x1c: {  	[sflag:s18] =	ssyncset.done $0x0  }
0x1d: {  	s6 =	simm.s32 $0x80;
	s23 =	rddreg [dreg:$0x3];
	[sflag:s18] =	ssyncadd.s32 $0xFFFFFFE0  }
0x1e: {  	[tilespmem:s6], [sflag:$0x3] =	stream.linear.gather [hbm4b:s23+s2], $0x20, $0x38;
	[tilespmem:$0x18200] =	vst v63  }
0x1f: {  	_ =	swait.ge [sflag:s18], $0x20  }
0x20: {  	[sflag:s18] =	ssyncset.done $0x0  }
0x21: {  	s24 =	rddreg [dreg:$0x4];
	[sflag:s18] =	ssyncadd.s32 $0xFFFFFFE0  }
0x22: {  	[tilespmem:s20], [sflag:$0x3] =	stream.linear.gather [hbm4b:s24+s2], $0x20, $0x38;
	[tilespmem:$0x18200] =	vst v63  }
0x23: {  	_ =	swait.ge [sflag:s18], $0x20  }
0x24: {  	[sflag:s18] =	ssyncset.done $0x0  }
0x25: {  	s6 =	rddreg [dreg:$0x5];
	[sflag:s18] =	ssyncadd.s32 $0xFFFFFFE0  }
0x26: {  	[tilespmem:s21], [sflag:$0x3] =	stream.linear.gather [hbm4b:s6+s2], $0x20, $0x38;
	[tilespmem:$0x18200] =	vst v63  }
0x27: {  	_ =	swait.ge [sflag:s18], $0x20  }
0x28: {  	[sflag:s18] =	ssyncset.done $0x0  }
0x29: {  	[sflag:s18] =	ssyncadd.s32 $0xFFFFFFE0  }
0x2a: {  	v3 =	vld [tilespmem:$0x0];
	_ =	sdelay $0x2  }
0x2b: {  	v0 =	vld [tilespmem:$0x1FFD0];
	_ =	sdelay $0x1  }
0x2c: {  	v1 =	vld [tilespmem:$0x1FFE0];
	v4 =	vshll.u32 v3, $0x3  }
0x2d: {  	v3 =	vand.u32 $0x7, v3;
	v4 =	vand.u32 $0xFFFFFFC0, v4  }
0x2e: {  	v3 =	vor.u32 v3, v4  }
0x2f: {  	v4 =	vperm.xlane v3, v0;
	_ =	sdelay $0x1  }
0x30: {  	v4 =	vadd.s32 v1, v4  }
0x31: {  	v2 =	vld [tilespmem:$0x1FFF0];
	_ =	sdelay $0x2  }
0x32: {  	s7 =	simm.s32 $0x200  }
0x33: {  	[tilespmem:s7], [sflag:$0x1] =	stream.indirect_vreg.gather [hbm4b:s3+s2], $0x80, v4, vm0, $0xb8;
	[tilespmem:$0x18200] =	vst v63  }
0x34: {  	s22 =	simm.s32 $0xA00;
	v3 =	vperm.xlane v3, v2  }
0x35: {  	[tilespmem:s22], [sflag:$0x1] =	stream.indirect_vreg.gather [hbm4b:s8+s2], $0x80, v4, vm0, $0xb8;
	[tilespmem:$0x18200] =	vst v63  }
0x36: {  	s23 =	simm.s32 $0x1200;
	v3 =	vadd.s32 v1, v3  }
0x37: {  	[tilespmem:s23], [sflag:$0x1] =	stream.indirect_vreg.gather [hbm4b:s9+s2], $0x80, v4, vm0, $0xb8;
	[tilespmem:$0x18200] =	vst v63  }
0x38: {  	s24 =	simm.s32 $0x1A00  }
0x39: {  	[tilespmem:s24], [sflag:$0x1] =	stream.indirect_vreg.gather [hbm4b:s10+s2], $0x80, v4, vm0, $0xb8;
	[tilespmem:$0x18200] =	vst v63  }
0x3a: {  	s6 =	simm.s32 $0x2200  }
0x3b: {  	[tilespmem:s6], [sflag:$0x1] =	stream.indirect_vreg.gather [hbm4b:s3+s2], $0x80, v3, vm0, $0xb8;
	[tilespmem:$0x18200] =	vst v63  }
0x3c: {  	s7 =	simm.s32 $0x2A00  }
0x3d: {  	[tilespmem:s7], [sflag:$0x1] =	stream.indirect_vreg.gather [hbm4b:s8+s2], $0x80, v3, vm0, $0xb8;
	[tilespmem:$0x18200] =	vst v63  }
0x3e: {  	s22 =	simm.s32 $0x3200  }
0x3f: {  	[tilespmem:s22], [sflag:$0x1] =	stream.indirect_vreg.gather [hbm4b:s9+s2], $0x80, v3, vm0, $0xb8;
	[tilespmem:$0x18200] =	vst v63  }
0x40: {  	s23 =	simm.s32 $0x3A00  }
0x41: {  	[tilespmem:s23], [sflag:$0x1] =	stream.indirect_vreg.gather [hbm4b:s10+s2], $0x80, v3, vm0, $0xb8;
	[tilespmem:$0x18200] =	vst v63  }
0x42: {  	v3 =	vld [tilespmem:$0x10];
	_ =	sdelay $0x4  }
0x43: {  	v61 =	vshll.u32 v3, $0x3  }
0x44: {  	v3 =	vand.u32 $0x7, v3;
	v4 =	vand.u32 $0xFFFFFFC0, v61  }
0x45: {  	v3 =	vor.u32 v3, v4  }
0x46: {  	v4 =	vperm.xlane v3, v0;
	_ =	sdelay $0x1  }
0x47: {  	v4 =	vadd.s32 v1, v4;
	_ =	sdelay $0x3  }
0x48: {  	s24 =	simm.s32 $0x4200  }
0x49: {  	[tilespmem:s24], [sflag:$0x1] =	stream.indirect_vreg.gather [hbm4b:s3+s2], $0x80, v4, vm0, $0xb8;
	[tilespmem:$0x18200] =	vst v63  }
0x4a: {  	s6 =	simm.s32 $0x4A00;
	v3 =	vperm.xlane v3, v2  }
0x4b: {  	[tilespmem:s6], [sflag:$0x1] =	stream.indirect_vreg.gather [hbm4b:s8+s2], $0x80, v4, vm0, $0xb8;
	[tilespmem:$0x18200] =	vst v63  }
0x4c: {  	s7 =	simm.s32 $0x5200;
	v3 =	vadd.s32 v1, v3  }
0x4d: {  	[tilespmem:s7], [sflag:$0x1] =	stream.indirect_vreg.gather [hbm4b:s9+s2], $0x80, v4, vm0, $0xb8;
	[tilespmem:$0x18200] =	vst v63  }
0x4e: {  	s22 =	simm.s32 $0x5A00  }
0x4f: {  	[tilespmem:s22], [sflag:$0x1] =	stream.indirect_vreg.gather [hbm4b:s10+s2], $0x80, v4, vm0, $0xb8;
	[tilespmem:$0x18200] =	vst v63  }
0x50: {  	s23 =	simm.s32 $0x6200  }
0x51: {  	[tilespmem:s23], [sflag:$0x1] =	stream.indirect_vreg.gather [hbm4b:s3+s2], $0x80, v3, vm0, $0xb8;
	[tilespmem:$0x18200] =	vst v63  }
0x52: {  	s24 =	simm.s32 $0x6A00  }
0x53: {  	[tilespmem:s24], [sflag:$0x1] =	stream.indirect_vreg.gather [hbm4b:s8+s2], $0x80, v3, vm0, $0xb8;
	[tilespmem:$0x18200] =	vst v63  }
0x54: {  	s6 =	simm.s32 $0x7200  }
0x55: {  	[tilespmem:s6], [sflag:$0x1] =	stream.indirect_vreg.gather [hbm4b:s9+s2], $0x80, v3, vm0, $0xb8;
	[tilespmem:$0x18200] =	vst v63  }
0x56: {  	s7 =	simm.s32 $0x7A00  }
0x57: {  	[tilespmem:s7], [sflag:$0x1] =	stream.indirect_vreg.gather [hbm4b:s10+s2], $0x80, v3, vm0, $0xb8;
	[tilespmem:$0x18200] =	vst v63  }
0x58: {  	v3 =	vld [tilespmem:$0x80];
	_ =	sdelay $0x4  }
0x59: {  	v62 =	vshll.u32 v3, $0x3  }
0x5a: {  	v3 =	vand.u32 $0x7, v3;
	v4 =	vand.u32 $0xFFFFFFC0, v62  }
0x5b: {  	v3 =	vor.u32 v3, v4  }
0x5c: {  	v4 =	vperm.xlane v3, v0;
	_ =	sdelay $0x1  }
0x5d: {  	v4 =	vadd.s32 v1, v4;
	_ =	sdelay $0x3  }
0x5e: {  	s22 =	simm.s32 $0x8200  }
0x5f: {  	[tilespmem:s22], [sflag:$0x2] =	stream.indirect_vreg.gather [hbm4b:s3+s2], $0x80, v4, vm0, $0xb8;
	[tilespmem:$0x18200] =	vst v63  }
0x60: {  	s23 =	simm.s32 $0x8A00;
	v3 =	vperm.xlane v3, v2  }
0x61: {  	[tilespmem:s23], [sflag:$0x2] =	stream.indirect_vreg.gather [hbm4b:s8+s2], $0x80, v4, vm0, $0xb8;
	[tilespmem:$0x18200] =	vst v63  }
0x62: {  	s24 =	simm.s32 $0x9200;
	v3 =	vadd.s32 v1, v3  }
0x63: {  	[tilespmem:s24], [sflag:$0x2] =	stream.indirect_vreg.gather [hbm4b:s9+s2], $0x80, v4, vm0, $0xb8;
	[tilespmem:$0x18200] =	vst v63  }
0x64: {  	_ = 	snop  }
0x65: {  	[tilespmem:s25], [sflag:$0x2] =	stream.indirect_vreg.gather [hbm4b:s10+s2], $0x80, v4, vm0, $0xb8;
	[tilespmem:$0x18200] =	vst v63  }
0x66: {  	_ = 	snop  }
0x67: {  	[tilespmem:s26], [sflag:$0x2] =	stream.indirect_vreg.gather [hbm4b:s3+s2], $0x80, v3, vm0, $0xb8;
	[tilespmem:$0x18200] =	vst v63  }
0x68: {  	_ = 	snop  }
0x69: {  	[tilespmem:s11], [sflag:$0x2] =	stream.indirect_vreg.gather [hbm4b:s8+s2], $0x80, v3, vm0, $0xb8;
	[tilespmem:$0x18200] =	vst v63  }
0x6a: {  	_ = 	snop  }
0x6b: {  	[tilespmem:s28], [sflag:$0x2] =	stream.indirect_vreg.gather [hbm4b:s9+s2], $0x80, v3, vm0, $0xb8;
	[tilespmem:$0x18200] =	vst v63  }
0x6c: {  	_ = 	snop  }
0x6d: {  	[tilespmem:s12], [sflag:$0x2] =	stream.indirect_vreg.gather [hbm4b:s10+s2], $0x80, v3, vm0, $0xb8;
	[tilespmem:$0x18200] =	vst v63  }
0x6e: {  	v3 =	vld [tilespmem:$0x90];
	_ =	sdelay $0x4  }
0x6f: {  	v63 =	vshll.u32 v3, $0x3  }
0x70: {  	v3 =	vand.u32 $0x7, v3;
	v4 =	vand.u32 $0xFFFFFFC0, v63  }
0x71: {  	v3 =	vor.u32 v3, v4  }
0x72: {  	v4 =	vperm.xlane v3, v0;
	_ =	sdelay $0x1  }
0x73: {  	v4 =	vadd.s32 v1, v4;
	_ =	sdelay $0x4  }
0x74: {  	[tilespmem:s29], [sflag:$0x2] =	stream.indirect_vreg.gather [hbm4b:s3+s2], $0x80, v4, vm0, $0xb8;
	[tilespmem:$0x18200] =	vst v63  }
0x75: {  	v3 =	vperm.xlane v3, v2  }
0x76: {  	[tilespmem:s30], [sflag:$0x2] =	stream.indirect_vreg.gather [hbm4b:s8+s2], $0x80, v4, vm0, $0xb8;
	[tilespmem:$0x18200] =	vst v63  }
0x77: {  	v3 =	vadd.s32 v1, v3  }
0x78: {  	[tilespmem:s13], [sflag:$0x2] =	stream.indirect_vreg.gather [hbm4b:s9+s2], $0x80, v4, vm0, $0xb8;
	[tilespmem:$0x18200] =	vst v63  }
0x79: {  	_ = 	snop  }
0x7a: {  	[tilespmem:s31], [sflag:$0x2] =	stream.indirect_vreg.gather [hbm4b:s10+s2], $0x80, v4, vm0, $0xb8;
	[tilespmem:$0x18200] =	vst v63  }
0x7b: {  	_ = 	snop  }
0x7c: {  	[tilespmem:s14], [sflag:$0x2] =	stream.indirect_vreg.gather [hbm4b:s3+s2], $0x80, v3, vm0, $0xb8;
	[tilespmem:$0x18200] =	vst v63  }
0x7d: {  	_ = 	snop  }
0x7e: {  	[tilespmem:s0], [sflag:$0x2] =	stream.indirect_vreg.gather [hbm4b:s8+s2], $0x80, v3, vm0, $0xb8;
	[tilespmem:$0x18200] =	vst v63  }
0x7f: {  	_ = 	snop  }
0x80: {  	[tilespmem:s15], [sflag:$0x2] =	stream.indirect_vreg.gather [hbm4b:s9+s2], $0x80, v3, vm0, $0xb8;
	[tilespmem:$0x18200] =	vst v63  }
0x81: {  	_ = 	snop  }
0x82: {  	[tilespmem:s1], [sflag:$0x2] =	stream.indirect_vreg.gather [hbm4b:s10+s2], $0x80, v3, vm0, $0xb8;
	[tilespmem:$0x18200] =	vst v63  }
0x83: {  	_ =	swait.ge [sflag:s16], $0x8000  }
0x84: {  	[sflag:s16] =	ssyncset.done $0x0  }
0x85: {  	[sflag:s16] =	ssyncadd.s32 $0xFFFF8000  }
0x86: {  	_ =	swait.ge [sflag:s4], $0x8000  }
0x87: {  	s5 =	simm.s32 $0x0;
	s6 =	simm.s32 $0x0;
	[sflag:s4] =	ssyncset.done $0x0  }
0x88: {  	s7 =	simm.s32 $0x0;
	s22 =	simm.s32 $0x0;
	[sflag:s4] =	ssyncadd.s32 $0xFFFF8000  }
.LBB2_2:
0x89: {  	s23 =	sand.u32 $0x6000, s6;
	s24 =	sand.u32 $0x380, s7  }
0x8a: {  	s23 =	sor.u32 s24, s23  }
0x8b: {  	v6 =	vld [tilespmem:s23+$0x200]  }
0x8c: {  	v7 =	vld [tilespmem:s23+$0x8200]  }
0x8d: {  	v10 =	vld [tilespmem:s23+$0x210]  }
0x8e: {  	v11 =	vld [tilespmem:s23+$0x8210]  }
0x8f: {  	v14 =	vld [tilespmem:s23+$0x220]  }
0x90: {  	v17 =	vld [tilespmem:s23+$0x8220]  }
0x91: {  	v20 =	vld [tilespmem:s23+$0x230]  }
0x92: {  	v21 =	vld [tilespmem:s23+$0x8230]  }
0x93: {  	v26 =	vld [tilespmem:s23+$0x240]  }
0x94: {  	v27 =	vld [tilespmem:s23+$0x8240]  }
0x95: {  	v28 =	vld [tilespmem:s23+$0x250]  }
0x96: {  	v29 =	vld [tilespmem:s23+$0x8250]  }
0x97: {  	v30 =	vld [tilespmem:s23+$0x260]  }
0x98: {  	v31 =	vld [tilespmem:s23+$0x8260]  }
0x99: {  	v32 =	vld [tilespmem:s23+$0x270]  }
0x9a: {  	v33 =	vld [tilespmem:s23+$0x8270]  }
0x9b: {  	v34 =	vld [tilespmem:s23+$0x600]  }
0x9c: {  	v35 =	vld [tilespmem:s23+$0x8600]  }
0x9d: {  	v36 =	vld [tilespmem:s23+$0x610]  }
0x9e: {  	v37 =	vld [tilespmem:s23+$0x8610]  }
0x9f: {  	v38 =	vld [tilespmem:s23+$0x620]  }
0xa0: {  	v39 =	vld [tilespmem:s23+$0x8620]  }
0xa1: {  	v40 =	vld [tilespmem:s23+$0x630]  }
0xa2: {  	v41 =	vld [tilespmem:s23+$0x8630]  }
0xa3: {  	v42 =	vld [tilespmem:s23+$0x640]  }
0xa4: {  	v43 =	vld [tilespmem:s23+$0x8640]  }
0xa5: {  	v44 =	vld [tilespmem:s23+$0x650]  }
0xa6: {  	v45 =	vld [tilespmem:s23+$0x8650]  }
0xa7: {  	v46 =	vld [tilespmem:s23+$0x660]  }
0xa8: {  	v47 =	vld [tilespmem:s23+$0x8660]  }
0xa9: {  	v48 =	vld [tilespmem:s23+$0x670]  }
0xaa: {  	v49 =	vld [tilespmem:s23+$0x8670]  }
0xab: {  	v50 =	vld [tilespmem:s23+$0xA00]  }
0xac: {  	v51 =	vld [tilespmem:s23+$0x8A00]  }
0xad: {  	v52 =	vld [tilespmem:s23+$0xA10]  }
0xae: {  	v53 =	vld [tilespmem:s23+$0x8A10]  }
0xaf: {  	v54 =	vld [tilespmem:s23+$0xA20]  }
0xb0: {  	v55 =	vld [tilespmem:s23+$0x8A20]  }
0xb1: {  	v56 =	vld [tilespmem:s23+$0xA30]  }
0xb2: {  	v57 =	vld [tilespmem:s23+$0x8A30]  }
0xb3: {  	v58 =	vld [tilespmem:s23+$0xA40]  }
0xb4: {  	v59 =	vld [tilespmem:s23+$0x8A40]  }
0xb5: {  	v60 =	vld [tilespmem:s23+$0xA50]  }
0xb6: {  	v61 =	vld [tilespmem:s23+$0x8A50]  }
0xb7: {  	v62 =	vld [tilespmem:s23+$0xA60]  }
0xb8: {  	v63 =	vld [tilespmem:s23+$0x8A60]  }
0xb9: {  	v5 =	vld [tilespmem:s23+$0xA70]  }
0xba: {  	v2 =	vld [tilespmem:s23+$0x8A70]  }
0xbb: {  	v24 =	vld [tilespmem:s23+$0xE00]  }
0xbc: {  	v25 =	vld [tilespmem:s23+$0x8E00]  }
0xbd: {  	v22 =	vld [tilespmem:s23+$0xE10]  }
0xbe: {  	v4 =	vmov s22;
	v23 =	vld [tilespmem:s23+$0x8E10]  }
0xbf: {  	v18 =	vld [tilespmem:s23+$0xE20]  }
0xc0: {  	v19 =	vld [tilespmem:s23+$0x8E20]  }
0xc1: {  	v15 =	vld [tilespmem:s23+$0xE30]  }
0xc2: {  	v0 =	vld [tilespmem:s23+$0xE60]  }
0xc3: {  	v3 =	vld.idx.msk [tilespmem:v4+s20+$0x0], $0xffff  }
0xc4: {  	v4 =	vld.idx.msk [tilespmem:v4+s21+$0x0], $0xffff  }
0xc5: {  	v16 =	vld [tilespmem:s23+$0x8E30]  }
0xc6: {  	v12 =	vld [tilespmem:s23+$0xE40]  }
0xc7: {  	v13 =	vld [tilespmem:s23+$0x8E40]  }
0xc8: {  	v8 =	vld [tilespmem:s23+$0xE50];
	v1 =	vmul.f32 v6, v3  }
0xc9: {  	v9 =	vld [tilespmem:s23+$0x8E50];
	[tilespmem:$0x1FFC0] =	vst v0;
	v0 =	vmul.f32 v7, v4;
	v10 =	vmul.f32 v10, v3  }
0xca: {  	v7 =	vld [tilespmem:s23+$0x8E60];
	v11 =	vmul.f32 v11, v4;
	v14 =	vmul.f32 v14, v3  }
0xcb: {  	v6 =	vld [tilespmem:s23+$0xE70];
	v17 =	vmul.f32 v17, v4;
	v20 =	vmul.f32 v20, v3  }
0xcc: {  	v21 =	vmul.f32 v21, v4;
	v26 =	vmul.f32 v26, v3;
	v1 =	vadd.f32 v0, v1;
	v0 =	vld [tilespmem:s23+$0x8E70]  }
0xcd: {  	v5 =	vmul.f32 v5, v3;
	v2 =	vmul.f32 v2, v4;
	v10 =	vadd.f32 v11, v10;
	v11 =	vld [tilespmem:s23+$0x1200]  }
0xce: {  	v24 =	vmul.f32 v24, v3;
	v25 =	vmul.f32 v25, v4;
	[tilespmem:s23+$0x10200] =	vst v1;
	v1 =	vadd.f32 v17, v14;
	v14 =	vld [tilespmem:s23+$0x9200]  }
0xcf: {  	[tilespmem:s23+$0x10210] =	vst v10;
	v10 =	vadd.f32 v21, v20;
	v21 =	vmul.f32 v28, v3;
	v28 =	vmul.f32 v29, v4;
	v17 =	vld [tilespmem:s23+$0x1210]  }
0xd0: {  	v27 =	vmul.f32 v27, v4;
	v34 =	vmul.f32 v34, v3;
	v2 =	vadd.f32 v2, v5;
	v20 =	vld [tilespmem:s23+$0x9210]  }
0xd1: {  	v35 =	vmul.f32 v35, v4;
	v25 =	vadd.f32 v25, v24;
	[tilespmem:s23+$0x10230] =	vst v10;
	v10 =	vadd.f32 v28, v21;
	v21 =	vld [tilespmem:s23+$0x1220]  }
0xd2: {  	v29 =	vmul.f32 v33, v4;
	[tilespmem:s23+$0x10220] =	vst v1;
	v1 =	vadd.f32 v27, v26;
	v27 =	vmul.f32 v31, v4;
	v31 =	vld [tilespmem:s23+$0x1230]  }
0xd3: {  	[tilespmem:s23+$0x10A70] =	vst v2;
	v26 =	vmul.f32 v30, v3;
	v28 =	vmul.f32 v32, v3;
	v32 =	vld [tilespmem:s23+$0x9230]  }
0xd4: {  	v38 =	vmul.f32 v38, v3;
	[tilespmem:s23+$0x10E00] =	vst v25;
	v30 =	vmul.f32 v15, v3;
	v15 =	vld [tilespmem:s23+$0x1640]  }
0xd5: {  	v39 =	vmul.f32 v39, v4;
	v33 =	vadd.f32 v27, v26;
	v26 =	vld [tilespmem:s23+$0x9220];
	[tilespmem:s23+$0x10250] =	vst v10;
	v10 =	vadd.f32 v29, v28  }
0xd6: {  	[tilespmem:s23+$0x10240] =	vst v1;
	v28 =	vmul.f32 v36, v3;
	v36 =	vmul.f32 v37, v4;
	v37 =	vadd.f32 v35, v34;
	v34 =	vld [tilespmem:s23+$0x9240]  }
0xd7: {  	v40 =	vmul.f32 v40, v3;
	v52 =	vmul.f32 v52, v3;
	v35 =	vld [tilespmem:s23+$0x1250];
	[tilespmem:s23+$0x10260] =	vst v33  }
0xd8: {  	v18 =	vmul.f32 v18, v3;
	v27 =	vld [tilespmem:s23+$0x9620];
	[tilespmem:s23+$0x10270] =	vst v10;
	v10 =	vadd.f32 v36, v28;
	v36 =	vmul.f32 v41, v4  }
0xd9: {  	v33 =	vld [tilespmem:s23+$0x1240];
	[tilespmem:s23+$0x10600] =	vst v37;
	v37 =	vadd.f32 v39, v38;
	v38 =	vmul.f32 v42, v3;
	v39 =	vmul.f32 v43, v4  }
0xda: {  	v41 =	vmul.f32 v45, v4;
	v28 =	vld [tilespmem:s23+$0x1620];
	[tilespmem:s23+$0x10610] =	vst v10;
	v10 =	vadd.f32 v36, v40;
	v40 =	vmul.f32 v44, v3  }
0xdb: {  	v43 =	vmul.f32 v46, v3;
	[tilespmem:s23+$0x10620] =	vst v37;
	v42 =	vadd.f32 v39, v38;
	v44 =	vmul.f32 v47, v4;
	v36 =	vld [tilespmem:s23+$0x9250]  }
0xdc: {  	v46 =	vmul.f32 v48, v3;
	v47 =	vmul.f32 v49, v4;
	v37 =	vld [tilespmem:s23+$0x1260];
	[tilespmem:s23+$0x10630] =	vst v10;
	v45 =	vadd.f32 v41, v40  }
0xdd: {  	v49 =	vmul.f32 v50, v3;
	v50 =	vmul.f32 v51, v4;
	v38 =	vld [tilespmem:s23+$0x9260];
	[tilespmem:s23+$0x10640] =	vst v42;
	v48 =	vadd.f32 v44, v43  }
0xde: {  	v19 =	vmul.f32 v19, v4;
	v39 =	vld [tilespmem:s23+$0x1270];
	v51 =	vadd.f32 v47, v46;
	v44 =	vmul.f32 v53, v4;
	[tilespmem:s23+$0x10650] =	vst v45  }
0xdf: {  	v46 =	vmul.f32 v54, v3;
	v47 =	vmul.f32 v55, v4;
	v40 =	vld [tilespmem:s23+$0x9270];
	[tilespmem:s23+$0x10660] =	vst v48;
	v45 =	vadd.f32 v50, v49  }
0xe0: {  	v41 =	vld [tilespmem:s23+$0x1600];
	v53 =	vmul.f32 v59, v4;
	v55 =	vmul.f32 v60, v3;
	[tilespmem:s23+$0x10670] =	vst v51;
	v48 =	vadd.f32 v44, v52  }
0xe1: {  	v42 =	vld [tilespmem:s23+$0x9600];
	v49 =	vmul.f32 v56, v3;
	v50 =	vmul.f32 v57, v4;
	v51 =	vadd.f32 v47, v46;
	[tilespmem:s23+$0x10A00] =	vst v45  }
0xe2: {  	v43 =	vld [tilespmem:s23+$0x1610];
	v59 =	vmul.f32 v63, v4;
	v52 =	vmul.f32 v58, v3;
	v46 =	vadd.f32 v19, v18;
	[tilespmem:s23+$0x10A10] =	vst v48  }
0xe3: {  	v63 =	vmul.f32 v23, v4;
	v23 =	vld [tilespmem:s23+$0x9630];
	v56 =	vmul.f32 v61, v4;
	v54 =	vadd.f32 v50, v49;
	[tilespmem:s23+$0x10A20] =	vst v51  }
0xe4: {  	v58 =	vmul.f32 v62, v3;
	v44 =	vld [tilespmem:s23+$0x9610];
	v57 =	vadd.f32 v53, v52;
	[tilespmem:s23+$0x10E20] =	vst v46  }
0xe5: {  	v62 =	vmul.f32 v22, v3;
	v22 =	vld [tilespmem:s23+$0x1630];
	v60 =	vadd.f32 v56, v55;
	[tilespmem:s23+$0x10A30] =	vst v54  }
0xe6: {  	v12 =	vmul.f32 v12, v3;
	v13 =	vmul.f32 v13, v4;
	v18 =	vld [tilespmem:s23+$0x1A10];
	v61 =	vadd.f32 v59, v58;
	[tilespmem:s23+$0x10A40] =	vst v57  }
0xe7: {  	v25 =	vmul.f32 v34, v4;
	v24 =	vmul.f32 v33, v3;
	v19 =	vld [tilespmem:s23+$0x9A10];
	v29 =	vadd.f32 v63, v62;
	[tilespmem:s23+$0x10A50] =	vst v60  }
0xe8: {  	v45 =	vmul.f32 v16, v4;
	v16 =	vld [tilespmem:s23+$0x9640];
	v48 =	vmul.f32 v8, v3;
	v50 =	vadd.f32 v13, v12;
	[tilespmem:s23+$0x10A60] =	vst v61  }
0xe9: {  	v49 =	vmul.f32 v9, v4;
	v9 =	vld [tilespmem:s23+$0x1650];
	v63 =	vmul.f32 v31, v3;
	v31 =	vadd.f32 v25, v24;
	[tilespmem:s23+$0x10E10] =	vst v29  }
0xea: {  	v0 =	vmul.f32 v0, v4;
	v51 =	vld [tilespmem:$0x1FFC0];
	v53 =	vmul.f32 v6, v3;
	v47 =	vadd.f32 v45, v30;
	[tilespmem:s23+$0x10E40] =	vst v50  }
0xeb: {  	v12 =	vld [tilespmem:s23+$0x9650];
	v55 =	vmul.f32 v11, v3;
	v56 =	vmul.f32 v14, v4;
	v52 =	vadd.f32 v49, v48;
	[tilespmem:s23+$0x11240] =	vst v31  }
0xec: {  	v6 =	vld [tilespmem:s23+$0x1660];
	v58 =	vmul.f32 v20, v4;
	v20 =	vmul.f32 v32, v4;
	v0 =	vadd.f32 v0, v53;
	[tilespmem:s23+$0x10E30] =	vst v47  }
0xed: {  	v33 =	vmul.f32 v38, v4;
	v11 =	vld [tilespmem:s23+$0x1670];
	v32 =	vmul.f32 v37, v3;
	v59 =	vadd.f32 v56, v55;
	[tilespmem:s23+$0x10E50] =	vst v52  }
0xee: {  	v13 =	vld [tilespmem:s23+$0x9670];
	v57 =	vmul.f32 v17, v3;
	v61 =	vmul.f32 v26, v4;
	v26 =	vadd.f32 v20, v63;
	[tilespmem:s23+$0x10E70] =	vst v0  }
0xef: {  	v7 =	vmul.f32 v7, v4;
	v14 =	vld [tilespmem:s23+$0x1A00];
	v60 =	vmul.f32 v21, v3;
	v37 =	vadd.f32 v33, v32;
	[tilespmem:s23+$0x11200] =	vst v59  }
0xf0: {  	v17 =	vld [tilespmem:s23+$0x9A00];
	v29 =	vmul.f32 v35, v3;
	v30 =	vmul.f32 v36, v4;
	v62 =	vadd.f32 v58, v57;
	[tilespmem:s23+$0x11230] =	vst v26  }
0xf1: {  	v35 =	vmul.f32 v39, v3;
	v36 =	vmul.f32 v40, v4;
	v20 =	vld [tilespmem:s23+$0x1A20];
	v21 =	vadd.f32 v61, v60;
	[tilespmem:s23+$0x11260] =	vst v37  }
0xf2: {  	v38 =	vmul.f32 v41, v3;
	v39 =	vmul.f32 v42, v4;
	v40 =	vld [tilespmem:s23+$0x9A20];
	v34 =	vadd.f32 v30, v29;
	[tilespmem:s23+$0x11210] =	vst v62  }
0xf3: {  	v42 =	vmul.f32 v43, v3;
	v48 =	vld [tilespmem:s23+$0x9A30];
	v43 =	vmul.f32 v44, v4;
	v41 =	vadd.f32 v36, v35;
	[tilespmem:s23+$0x11220] =	vst v21  }
0xf4: {  	v46 =	vmul.f32 v28, v3;
	v56 =	vld [tilespmem:s23+$0x9A40];
	v45 =	vadd.f32 v39, v38;
	v47 =	vmul.f32 v27, v4;
	[tilespmem:s23+$0x11250] =	vst v34  }
0xf5: {  	v63 =	vld [tilespmem:s23+$0x9A50];
	v50 =	vmul.f32 v22, v3;
	v10 =	vmul.f32 v51, v3;
	v49 =	vadd.f32 v43, v42;
	[tilespmem:s23+$0x11270] =	vst v41  }
0xf6: {  	v31 =	vld [tilespmem:s23+$0x9A60];
	v33 =	vmul.f32 v18, v3;
	v51 =	vmul.f32 v23, v4;
	[tilespmem:s23+$0x11600] =	vst v45;
	v53 =	vadd.f32 v47, v46  }
0xf7: {  	v44 =	vld [tilespmem:s23+$0x1A30];
	v58 =	vmul.f32 v9, v3;
	v59 =	vmul.f32 v12, v4;
	v54 =	vadd.f32 v7, v10;
	[tilespmem:s23+$0x11610] =	vst v49  }
0xf8: {  	v52 =	vld [tilespmem:s23+$0x1A40];
	v23 =	vmul.f32 v11, v3;
	v26 =	vmul.f32 v13, v4;
	v57 =	vadd.f32 v51, v50;
	[tilespmem:s23+$0x11620] =	vst v53  }
0xf9: {  	v60 =	vld [tilespmem:s23+$0x1A50];
	v55 =	vmul.f32 v16, v4;
	v34 =	vmul.f32 v19, v4;
	v16 =	vadd.f32 v59, v58;
	[tilespmem:s23+$0x10E60] =	vst v54  }
0xfa: {  	v27 =	vld [tilespmem:s23+$0x1A60];
	v29 =	vmul.f32 v14, v3;
	v30 =	vmul.f32 v17, v4;
	v32 =	vadd.f32 v26, v23;
	[tilespmem:s23+$0x11630] =	vst v57  }
0xfb: {  	v35 =	vld [tilespmem:s23+$0x1A70];
	v37 =	vmul.f32 v20, v3;
	v38 =	vmul.f32 v40, v4;
	v40 =	vadd.f32 v34, v33;
	[tilespmem:s23+$0x11650] =	vst v16  }
0xfc: {  	v39 =	vld [tilespmem:s23+$0x9A70];
	v42 =	vmul.f32 v48, v4;
	v41 =	vmul.f32 v44, v3;
	v36 =	vadd.f32 v30, v29;
	[tilespmem:s23+$0x11670] =	vst v32  }
0xfd: {  	v10 =	vld [tilespmem:s23+$0x9660];
	v54 =	vmul.f32 v15, v3;
	v43 =	vadd.f32 v38, v37;
	[tilespmem:s23+$0x11A10] =	vst v40  }
0xfe: {  	v45 =	vmul.f32 v56, v4;
	v44 =	vmul.f32 v52, v3;
	v46 =	vadd.f32 v42, v41;
	[tilespmem:s23+$0x11A00] =	vst v36  }
0xff: {  	v48 =	vmul.f32 v63, v4;
	v47 =	vmul.f32 v60, v3;
	v61 =	vadd.f32 v55, v54;
	[tilespmem:s23+$0x11A20] =	vst v43  }
0x100: {  	v51 =	vmul.f32 v31, v4;
	v50 =	vmul.f32 v27, v3;
	v49 =	vadd.f32 v45, v44;
	[tilespmem:s23+$0x11A30] =	vst v46  }
0x101: {  	v53 =	vmul.f32 v35, v3;
	v52 =	vadd.f32 v48, v47;
	v54 =	vmul.f32 v39, v4;
	[tilespmem:s23+$0x11640] =	vst v61  }
0x102: {  	v6 =	vmul.f32 v6, v3;
	v55 =	vadd.f32 v51, v50;
	v62 =	vmul.f32 v10, v4;
	[tilespmem:s23+$0x11A40] =	vst v49  }
0x103: {  	s24 =	sand.u32 $0x7, s5;
	[tilespmem:s23+$0x11A50] =	vst v52;
	v56 =	vadd.f32 v54, v53  }
0x104: {  	s24 =	sshll.u32 s24, $0x7;
	[tilespmem:s23+$0x11A60] =	vst v55;
	v28 =	vadd.f32 v62, v6  }
0x105: {  	s24 =	sadd.s32 s24, s6;
	[tilespmem:s23+$0x11A70] =	vst v56  }
0x106: {  	[tilespmem:s23+$0x11660] =	vst v28;
	s23 =	sor.u32 $0x1C00, s24  }
0x107: {  	v0 =	vld [tilespmem:s23+$0x200]  }
0x108: {  	v1 =	vld [tilespmem:s23+$0x8200];
	_ =	sdelay $0x4  }
0x109: {  	v0 =	vmul.f32 v0, v3;
	v1 =	vmul.f32 v1, v4;
	_ =	sdelay $0x1  }
0x10a: {  	v0 =	vadd.f32 v1, v0;
	_ =	sdelay $0x1  }
0x10b: {  	[tilespmem:s23+$0x10200] =	vst v0;
	s23 =	sor.u32 $0x1C10, s24  }
0x10c: {  	v0 =	vld [tilespmem:s23+$0x200]  }
0x10d: {  	v57 =	vld [tilespmem:s23+$0x8200];
	_ =	sdelay $0x4  }
0x10e: {  	v0 =	vmul.f32 v0, v3;
	v1 =	vmul.f32 v57, v4;
	_ =	sdelay $0x1  }
0x10f: {  	v0 =	vadd.f32 v1, v0;
	_ =	sdelay $0x1  }
0x110: {  	[tilespmem:s23+$0x10200] =	vst v0;
	s23 =	sor.u32 $0x1C20, s24  }
0x111: {  	v0 =	vld [tilespmem:s23+$0x200]  }
0x112: {  	v58 =	vld [tilespmem:s23+$0x8200];
	_ =	sdelay $0x4  }
0x113: {  	v0 =	vmul.f32 v0, v3;
	v1 =	vmul.f32 v58, v4;
	_ =	sdelay $0x1  }
0x114: {  	v0 =	vadd.f32 v1, v0;
	_ =	sdelay $0x1  }
0x115: {  	[tilespmem:s23+$0x10200] =	vst v0;
	s23 =	sor.u32 $0x1C30, s24  }
0x116: {  	v0 =	vld [tilespmem:s23+$0x200]  }
0x117: {  	v59 =	vld [tilespmem:s23+$0x8200];
	_ =	sdelay $0x4  }
0x118: {  	v0 =	vmul.f32 v0, v3;
	v1 =	vmul.f32 v59, v4;
	_ =	sdelay $0x1  }
0x119: {  	v0 =	vadd.f32 v1, v0;
	_ =	sdelay $0x1  }
0x11a: {  	[tilespmem:s23+$0x10200] =	vst v0;
	s23 =	sor.u32 $0x1C40, s24  }
0x11b: {  	v0 =	vld [tilespmem:s23+$0x200]  }
0x11c: {  	v60 =	vld [tilespmem:s23+$0x8200];
	_ =	sdelay $0x4  }
0x11d: {  	v0 =	vmul.f32 v0, v3;
	v1 =	vmul.f32 v60, v4;
	_ =	sdelay $0x1  }
0x11e: {  	v0 =	vadd.f32 v1, v0;
	_ =	sdelay $0x1  }
0x11f: {  	[tilespmem:s23+$0x10200] =	vst v0;
	s23 =	sor.u32 $0x1C50, s24  }
0x120: {  	v0 =	vld [tilespmem:s23+$0x200]  }
0x121: {  	v61 =	vld [tilespmem:s23+$0x8200];
	_ =	sdelay $0x4  }
0x122: {  	v0 =	vmul.f32 v0, v3;
	v1 =	vmul.f32 v61, v4;
	_ =	sdelay $0x1  }
0x123: {  	v0 =	vadd.f32 v1, v0;
	_ =	sdelay $0x1  }
0x124: {  	[tilespmem:s23+$0x10200] =	vst v0;
	s23 =	sor.u32 $0x1C60, s24  }
0x125: {  	v0 =	vld [tilespmem:s23+$0x200]  }
0x126: {  	v62 =	vld [tilespmem:s23+$0x8200];
	_ =	sdelay $0x4  }
0x127: {  	v0 =	vmul.f32 v0, v3;
	v1 =	vmul.f32 v62, v4;
	_ =	sdelay $0x1  }
0x128: {  	v0 =	vadd.f32 v1, v0;
	_ =	sdelay $0x1  }
0x129: {  	s24 =	sor.u32 $0x1C70, s24;
	[tilespmem:s23+$0x10200] =	vst v0  }
0x12a: {  	v0 =	vld [tilespmem:s24+$0x200]  }
0x12b: {  	v63 =	vld [tilespmem:s24+$0x8200];
	_ =	sdelay $0x3  }
0x12c: {  	p0 =	sne.s32 s22, $0x1F  }
.Ltmp0:
0x12d: {  	v0 =	vmul.f32 v0, v3;
	v1 =	vmul.f32 v63, v4;
	(pc) =	sbr.rel @p0 .LBB2_2-.Ltmp0, $4  }
0x12e: {  	_ = 	snop  }
0x12f: {  	v0 =	vadd.f32 v1, v0  }
0x130: {  	s7 =	sadd.s32 $0x80, s7  }
0x131: {  	s22 =	sadd.s32 $0x1, s22;
	s5 =	sadd.s32 $0x1, s5;
	s6 =	sadd.s32 $0x400, s6;
	[tilespmem:s24+$0x10200] =	vst v0  }
0x132: {  	s5 =	simm.s32 $0x0;
	s6 =	rddreg [dreg:$0x6]  }
0x133: {  	[hbm4b:s6+s5] =	stream.linear.scatter [tilespmem:s17], [sflag:$0x3], $0x8000, $0x38;
	[tilespmem:$0x18200] =	vst v63  }
0x134: {  	_ =	swait.ge [sflag:s18], $0x8000  }
0x135: {  	[sflag:s18] =	ssyncset.done $0x0  }
0x136: {  	s22 =	rddreg [dreg:$0x7];
	[sflag:s18] =	ssyncadd.s32 $0xFFFF8000  }
0x137: {  	[tilespmem:s5], [sflag:$0x3] =	stream.linear.gather [hbm4b:s22+s5], $0x20, $0x38;
	[tilespmem:$0x18200] =	vst v63  }
0x138: {  	_ =	swait.ge [sflag:s18], $0x20  }
0x139: {  	[sflag:s18] =	ssyncset.done $0x0  }
0x13a: {  	s7 =	simm.s32 $0x80;
	s23 =	rddreg [dreg:$0x8];
	[sflag:s18] =	ssyncadd.s32 $0xFFFFFFE0  }
0x13b: {  	[tilespmem:s7], [sflag:$0x3] =	stream.linear.gather [hbm4b:s23+s5], $0x20, $0x38;
	[tilespmem:$0x18200] =	vst v63  }
0x13c: {  	_ =	swait.ge [sflag:s18], $0x20  }
0x13d: {  	[sflag:s18] =	ssyncset.done $0x0  }
0x13e: {  	s24 =	rddreg [dreg:$0x9];
	[sflag:s18] =	ssyncadd.s32 $0xFFFFFFE0  }
0x13f: {  	[tilespmem:s20], [sflag:$0x3] =	stream.linear.gather [hbm4b:s24+s5], $0x20, $0x38;
	[tilespmem:$0x18200] =	vst v63  }
0x140: {  	_ =	swait.ge [sflag:s18], $0x20  }
0x141: {  	[sflag:s18] =	ssyncset.done $0x0  }
0x142: {  	s7 =	rddreg [dreg:$0xa];
	[sflag:s18] =	ssyncadd.s32 $0xFFFFFFE0  }
0x143: {  	[tilespmem:s21], [sflag:$0x3] =	stream.linear.gather [hbm4b:s7+s5], $0x20, $0x38;
	[tilespmem:$0x18200] =	vst v63  }
0x144: {  	_ =	swait.ge [sflag:s18], $0x20  }
0x145: {  	[sflag:s18] =	ssyncset.done $0x0  }
0x146: {  	[sflag:s18] =	ssyncadd.s32 $0xFFFFFFE0  }
0x147: {  	v0 =	vld [tilespmem:$0x0];
	_ =	sdelay $0x2  }
0x148: {  	v2 =	vld [tilespmem:$0x1FFD0];
	_ =	sdelay $0x1  }
0x149: {  	v3 =	vld [tilespmem:$0x1FFE0];
	v1 =	vshll.u32 v0, $0x3  }
0x14a: {  	v0 =	vand.u32 $0x7, v0;
	v1 =	vand.u32 $0xFFFFFFC0, v1  }
0x14b: {  	v0 =	vor.u32 v0, v1  }
0x14c: {  	v1 =	vperm.xlane v0, v2;
	_ =	sdelay $0x1  }
0x14d: {  	v1 =	vadd.s32 v3, v1  }
0x14e: {  	v4 =	vld [tilespmem:$0x1FFF0];
	_ =	sdelay $0x2  }
0x14f: {  	s22 =	simm.s32 $0x200  }
0x150: {  	[tilespmem:s22], [sflag:$0x1] =	stream.indirect_vreg.gather [hbm4b:s3+s5], $0x80, v1, vm0, $0xb8;
	[tilespmem:$0x18200] =	vst v63  }
0x151: {  	s23 =	simm.s32 $0xA00;
	v0 =	vperm.xlane v0, v4  }
0x152: {  	[tilespmem:s23], [sflag:$0x1] =	stream.indirect_vreg.gather [hbm4b:s8+s5], $0x80, v1, vm0, $0xb8;
	[tilespmem:$0x18200] =	vst v63  }
0x153: {  	s24 =	simm.s32 $0x1200;
	v0 =	vadd.s32 v3, v0  }
0x154: {  	[tilespmem:s24], [sflag:$0x1] =	stream.indirect_vreg.gather [hbm4b:s9+s5], $0x80, v1, vm0, $0xb8;
	[tilespmem:$0x18200] =	vst v63  }
0x155: {  	s7 =	simm.s32 $0x1A00  }
0x156: {  	[tilespmem:s7], [sflag:$0x1] =	stream.indirect_vreg.gather [hbm4b:s10+s5], $0x80, v1, vm0, $0xb8;
	[tilespmem:$0x18200] =	vst v63  }
0x157: {  	s22 =	simm.s32 $0x2200  }
0x158: {  	[tilespmem:s22], [sflag:$0x1] =	stream.indirect_vreg.gather [hbm4b:s3+s5], $0x80, v0, vm0, $0xb8;
	[tilespmem:$0x18200] =	vst v63  }
0x159: {  	s23 =	simm.s32 $0x2A00  }
0x15a: {  	[tilespmem:s23], [sflag:$0x1] =	stream.indirect_vreg.gather [hbm4b:s8+s5], $0x80, v0, vm0, $0xb8;
	[tilespmem:$0x18200] =	vst v63  }
0x15b: {  	s24 =	simm.s32 $0x3200  }
0x15c: {  	[tilespmem:s24], [sflag:$0x1] =	stream.indirect_vreg.gather [hbm4b:s9+s5], $0x80, v0, vm0, $0xb8;
	[tilespmem:$0x18200] =	vst v63  }
0x15d: {  	s7 =	simm.s32 $0x3A00  }
0x15e: {  	[tilespmem:s7], [sflag:$0x1] =	stream.indirect_vreg.gather [hbm4b:s10+s5], $0x80, v0, vm0, $0xb8;
	[tilespmem:$0x18200] =	vst v63  }
0x15f: {  	v0 =	vld [tilespmem:$0x10];
	_ =	sdelay $0x4  }
0x160: {  	v61 =	vshll.u32 v0, $0x3  }
0x161: {  	v0 =	vand.u32 $0x7, v0;
	v1 =	vand.u32 $0xFFFFFFC0, v61  }
0x162: {  	v0 =	vor.u32 v0, v1  }
0x163: {  	v1 =	vperm.xlane v0, v2;
	_ =	sdelay $0x1  }
0x164: {  	v1 =	vadd.s32 v3, v1;
	_ =	sdelay $0x3  }
0x165: {  	s22 =	simm.s32 $0x4200  }
0x166: {  	[tilespmem:s22], [sflag:$0x1] =	stream.indirect_vreg.gather [hbm4b:s3+s5], $0x80, v1, vm0, $0xb8;
	[tilespmem:$0x18200] =	vst v63  }
0x167: {  	s23 =	simm.s32 $0x4A00;
	v0 =	vperm.xlane v0, v4  }
0x168: {  	[tilespmem:s23], [sflag:$0x1] =	stream.indirect_vreg.gather [hbm4b:s8+s5], $0x80, v1, vm0, $0xb8;
	[tilespmem:$0x18200] =	vst v63  }
0x169: {  	s24 =	simm.s32 $0x5200;
	v0 =	vadd.s32 v3, v0  }
0x16a: {  	[tilespmem:s24], [sflag:$0x1] =	stream.indirect_vreg.gather [hbm4b:s9+s5], $0x80, v1, vm0, $0xb8;
	[tilespmem:$0x18200] =	vst v63  }
0x16b: {  	s7 =	simm.s32 $0x5A00  }
0x16c: {  	[tilespmem:s7], [sflag:$0x1] =	stream.indirect_vreg.gather [hbm4b:s10+s5], $0x80, v1, vm0, $0xb8;
	[tilespmem:$0x18200] =	vst v63  }
0x16d: {  	s22 =	simm.s32 $0x6200  }
0x16e: {  	[tilespmem:s22], [sflag:$0x1] =	stream.indirect_vreg.gather [hbm4b:s3+s5], $0x80, v0, vm0, $0xb8;
	[tilespmem:$0x18200] =	vst v63  }
0x16f: {  	s23 =	simm.s32 $0x6A00  }
0x170: {  	[tilespmem:s23], [sflag:$0x1] =	stream.indirect_vreg.gather [hbm4b:s8+s5], $0x80, v0, vm0, $0xb8;
	[tilespmem:$0x18200] =	vst v63  }
0x171: {  	s24 =	simm.s32 $0x7200  }
0x172: {  	[tilespmem:s24], [sflag:$0x1] =	stream.indirect_vreg.gather [hbm4b:s9+s5], $0x80, v0, vm0, $0xb8;
	[tilespmem:$0x18200] =	vst v63  }
0x173: {  	s7 =	simm.s32 $0x7A00  }
0x174: {  	[tilespmem:s7], [sflag:$0x1] =	stream.indirect_vreg.gather [hbm4b:s10+s5], $0x80, v0, vm0, $0xb8;
	[tilespmem:$0x18200] =	vst v63  }
0x175: {  	v0 =	vld [tilespmem:$0x80];
	_ =	sdelay $0x4  }
0x176: {  	v62 =	vshll.u32 v0, $0x3  }
0x177: {  	v0 =	vand.u32 $0x7, v0;
	v1 =	vand.u32 $0xFFFFFFC0, v62  }
0x178: {  	v0 =	vor.u32 v0, v1  }
0x179: {  	v1 =	vperm.xlane v0, v2;
	_ =	sdelay $0x1  }
0x17a: {  	v1 =	vadd.s32 v3, v1;
	_ =	sdelay $0x3  }
0x17b: {  	s22 =	simm.s32 $0x8200  }
0x17c: {  	[tilespmem:s22], [sflag:$0x2] =	stream.indirect_vreg.gather [hbm4b:s3+s5], $0x80, v1, vm0, $0xb8;
	[tilespmem:$0x18200] =	vst v63  }
0x17d: {  	s23 =	simm.s32 $0x8A00;
	v0 =	vperm.xlane v0, v4  }
0x17e: {  	[tilespmem:s23], [sflag:$0x2] =	stream.indirect_vreg.gather [hbm4b:s8+s5], $0x80, v1, vm0, $0xb8;
	[tilespmem:$0x18200] =	vst v63  }
0x17f: {  	s24 =	simm.s32 $0x9200;
	v0 =	vadd.s32 v3, v0  }
0x180: {  	[tilespmem:s24], [sflag:$0x2] =	stream.indirect_vreg.gather [hbm4b:s9+s5], $0x80, v1, vm0, $0xb8;
	[tilespmem:$0x18200] =	vst v63  }
0x181: {  	_ = 	snop  }
0x182: {  	[tilespmem:s25], [sflag:$0x2] =	stream.indirect_vreg.gather [hbm4b:s10+s5], $0x80, v1, vm0, $0xb8;
	[tilespmem:$0x18200] =	vst v63  }
0x183: {  	_ = 	snop  }
0x184: {  	[tilespmem:s26], [sflag:$0x2] =	stream.indirect_vreg.gather [hbm4b:s3+s5], $0x80, v0, vm0, $0xb8;
	[tilespmem:$0x18200] =	vst v63  }
0x185: {  	_ = 	snop  }
0x186: {  	[tilespmem:s11], [sflag:$0x2] =	stream.indirect_vreg.gather [hbm4b:s8+s5], $0x80, v0, vm0, $0xb8;
	[tilespmem:$0x18200] =	vst v63  }
0x187: {  	_ = 	snop  }
0x188: {  	[tilespmem:s28], [sflag:$0x2] =	stream.indirect_vreg.gather [hbm4b:s9+s5], $0x80, v0, vm0, $0xb8;
	[tilespmem:$0x18200] =	vst v63  }
0x189: {  	_ = 	snop  }
0x18a: {  	[tilespmem:s12], [sflag:$0x2] =	stream.indirect_vreg.gather [hbm4b:s10+s5], $0x80, v0, vm0, $0xb8;
	[tilespmem:$0x18200] =	vst v63  }
0x18b: {  	v0 =	vld [tilespmem:$0x90];
	_ =	sdelay $0x4  }
0x18c: {  	v63 =	vshll.u32 v0, $0x3  }
0x18d: {  	v0 =	vand.u32 $0x7, v0;
	v1 =	vand.u32 $0xFFFFFFC0, v63  }
0x18e: {  	v0 =	vor.u32 v0, v1  }
0x18f: {  	v1 =	vperm.xlane v0, v2;
	_ =	sdelay $0x1  }
0x190: {  	v1 =	vadd.s32 v3, v1;
	_ =	sdelay $0x4  }
0x191: {  	[tilespmem:s29], [sflag:$0x2] =	stream.indirect_vreg.gather [hbm4b:s3+s5], $0x80, v1, vm0, $0xb8;
	[tilespmem:$0x18200] =	vst v63  }
0x192: {  	v0 =	vperm.xlane v0, v4  }
0x193: {  	[tilespmem:s30], [sflag:$0x2] =	stream.indirect_vreg.gather [hbm4b:s8+s5], $0x80, v1, vm0, $0xb8;
	[tilespmem:$0x18200] =	vst v63  }
0x194: {  	v0 =	vadd.s32 v3, v0  }
0x195: {  	[tilespmem:s13], [sflag:$0x2] =	stream.indirect_vreg.gather [hbm4b:s9+s5], $0x80, v1, vm0, $0xb8;
	[tilespmem:$0x18200] =	vst v63  }
0x196: {  	_ = 	snop  }
0x197: {  	[tilespmem:s31], [sflag:$0x2] =	stream.indirect_vreg.gather [hbm4b:s10+s5], $0x80, v1, vm0, $0xb8;
	[tilespmem:$0x18200] =	vst v63  }
0x198: {  	_ = 	snop  }
0x199: {  	[tilespmem:s14], [sflag:$0x2] =	stream.indirect_vreg.gather [hbm4b:s3+s5], $0x80, v0, vm0, $0xb8;
	[tilespmem:$0x18200] =	vst v63  }
0x19a: {  	_ = 	snop  }
0x19b: {  	[tilespmem:s0], [sflag:$0x2] =	stream.indirect_vreg.gather [hbm4b:s8+s5], $0x80, v0, vm0, $0xb8;
	[tilespmem:$0x18200] =	vst v63  }
0x19c: {  	_ = 	snop  }
0x19d: {  	[tilespmem:s15], [sflag:$0x2] =	stream.indirect_vreg.gather [hbm4b:s9+s5], $0x80, v0, vm0, $0xb8;
	[tilespmem:$0x18200] =	vst v63  }
0x19e: {  	_ = 	snop  }
0x19f: {  	[tilespmem:s1], [sflag:$0x2] =	stream.indirect_vreg.gather [hbm4b:s10+s5], $0x80, v0, vm0, $0xb8;
	[tilespmem:$0x18200] =	vst v63  }
0x1a0: {  	_ =	swait.ge [sflag:s16], $0x8000  }
0x1a1: {  	[sflag:s16] =	ssyncset.done $0x0  }
0x1a2: {  	[sflag:s16] =	ssyncadd.s32 $0xFFFF8000  }
0x1a3: {  	_ =	swait.ge [sflag:s4], $0x8000  }
0x1a4: {  	s6 =	simm.s32 $0x0;
	[sflag:s4] =	ssyncset.done $0x0  }
0x1a5: {  	s7 =	simm.s32 $0x0;
	s22 =	simm.s32 $0x0;
	[sflag:s4] =	ssyncadd.s32 $0xFFFF8000  }
.LBB2_4:
0x1a6: {  	s23 =	sand.u32 $0x6000, s6;
	s24 =	sand.u32 $0x380, s7  }
0x1a7: {  	s23 =	sor.u32 s24, s23  }
0x1a8: {  	v1 =	vld [tilespmem:s23+$0x8200]  }
0x1a9: {  	v2 =	vld [tilespmem:s23+$0x210]  }
0x1aa: {  	v6 =	vld [tilespmem:s23+$0x8210]  }
0x1ab: {  	v10 =	vld [tilespmem:s23+$0x220]  }
0x1ac: {  	v11 =	vld [tilespmem:s23+$0x8220]  }
0x1ad: {  	v14 =	vld [tilespmem:s23+$0x230]  }
0x1ae: {  	v17 =	vld [tilespmem:s23+$0x8230]  }
0x1af: {  	v20 =	vld [tilespmem:s23+$0x240]  }
0x1b0: {  	v21 =	vld [tilespmem:s23+$0x8240]  }
0x1b1: {  	v26 =	vld [tilespmem:s23+$0x250]  }
0x1b2: {  	v27 =	vld [tilespmem:s23+$0x8250]  }
0x1b3: {  	v28 =	vld [tilespmem:s23+$0x260]  }
0x1b4: {  	v29 =	vld [tilespmem:s23+$0x8260]  }
0x1b5: {  	v30 =	vld [tilespmem:s23+$0x270]  }
0x1b6: {  	v31 =	vld [tilespmem:s23+$0x8270]  }
0x1b7: {  	v32 =	vld [tilespmem:s23+$0x600]  }
0x1b8: {  	v33 =	vld [tilespmem:s23+$0x8600]  }
0x1b9: {  	v34 =	vld [tilespmem:s23+$0x610]  }
0x1ba: {  	v35 =	vld [tilespmem:s23+$0x8610]  }
0x1bb: {  	v36 =	vld [tilespmem:s23+$0x620]  }
0x1bc: {  	v37 =	vld [tilespmem:s23+$0x8620]  }
0x1bd: {  	v38 =	vld [tilespmem:s23+$0x630]  }
0x1be: {  	v39 =	vld [tilespmem:s23+$0x8630]  }
0x1bf: {  	v40 =	vld [tilespmem:s23+$0x640]  }
0x1c0: {  	v41 =	vld [tilespmem:s23+$0x8640]  }
0x1c1: {  	v42 =	vld [tilespmem:s23+$0x650]  }
0x1c2: {  	v43 =	vld [tilespmem:s23+$0x8650]  }
0x1c3: {  	v44 =	vld [tilespmem:s23+$0x660]  }
0x1c4: {  	v45 =	vld [tilespmem:s23+$0x8660]  }
0x1c5: {  	v46 =	vld [tilespmem:s23+$0x670]  }
0x1c6: {  	v47 =	vld [tilespmem:s23+$0x8670]  }
0x1c7: {  	v48 =	vld [tilespmem:s23+$0xA00]  }
0x1c8: {  	v49 =	vld [tilespmem:s23+$0x8A00]  }
0x1c9: {  	v50 =	vld [tilespmem:s23+$0xA10]  }
0x1ca: {  	v51 =	vld [tilespmem:s23+$0x8A10]  }
0x1cb: {  	v52 =	vld [tilespmem:s23+$0xA20]  }
0x1cc: {  	v53 =	vld [tilespmem:s23+$0x8A20]  }
0x1cd: {  	v54 =	vld [tilespmem:s23+$0xA30]  }
0x1ce: {  	v55 =	vld [tilespmem:s23+$0x8A30]  }
0x1cf: {  	v56 =	vld [tilespmem:s23+$0xA40]  }
0x1d0: {  	v57 =	vld [tilespmem:s23+$0x8A40]  }
0x1d1: {  	v58 =	vld [tilespmem:s23+$0xA50]  }
0x1d2: {  	v59 =	vld [tilespmem:s23+$0x8A50]  }
0x1d3: {  	v60 =	vld [tilespmem:s23+$0xA60]  }
0x1d4: {  	v61 =	vld [tilespmem:s23+$0x8A60]  }
0x1d5: {  	v62 =	vld [tilespmem:s23+$0xA70]  }
0x1d6: {  	v63 =	vld [tilespmem:s23+$0x8A70]  }
0x1d7: {  	v24 =	vld [tilespmem:s23+$0xE00]  }
0x1d8: {  	v25 =	vld [tilespmem:s23+$0x8E00]  }
0x1d9: {  	v22 =	vld [tilespmem:s23+$0xE10]  }
0x1da: {  	v0 =	vmov s22;
	v23 =	vld [tilespmem:s23+$0x8E10]  }
0x1db: {  	v18 =	vld [tilespmem:s23+$0xE20]  }
0x1dc: {  	v19 =	vld [tilespmem:s23+$0x8E20]  }
0x1dd: {  	v15 =	vld [tilespmem:s23+$0xE30]  }
0x1de: {  	v16 =	vld [tilespmem:s23+$0x8E30]  }
0x1df: {  	v3 =	vld.idx.msk [tilespmem:v0+s20+$0x0], $0xffff  }
0x1e0: {  	v4 =	vld.idx.msk [tilespmem:v0+s21+$0x0], $0xffff  }
0x1e1: {  	v0 =	vld [tilespmem:s23+$0x200]  }
0x1e2: {  	v5 =	vld [tilespmem:s23+$0xE60]  }
0x1e3: {  	v12 =	vld [tilespmem:s23+$0xE40]  }
0x1e4: {  	v13 =	vld [tilespmem:s23+$0x8E40]  }
0x1e5: {  	v8 =	vld [tilespmem:s23+$0xE50]  }
0x1e6: {  	v9 =	vld [tilespmem:s23+$0x8E50];
	v0 =	vmul.f32 v0, v3;
	v1 =	vmul.f32 v1, v4  }
0x1e7: {  	v7 =	vld [tilespmem:s23+$0x8E60];
	[tilespmem:$0x1FFA0] =	vst v5;
	v5 =	vmul.f32 v2, v3;
	v2 =	vmul.f32 v6, v4  }
0x1e8: {  	v6 =	vld [tilespmem:s23+$0xE70];
	v17 =	vmul.f32 v17, v4;
	v0 =	vadd.f32 v1, v0  }
0x1e9: {  	v1 =	vmul.f32 v10, v3;
	v10 =	vld [tilespmem:s23+$0x8E70];
	v5 =	vadd.f32 v2, v5;
	v2 =	vmul.f32 v14, v3  }
0x1ea: {  	v11 =	vmul.f32 v11, v4;
	v14 =	vld [tilespmem:s23+$0x9200]  }
0x1eb: {  	v26 =	vmul.f32 v26, v3;
	v2 =	vadd.f32 v17, v2;
	v17 =	vld [tilespmem:s23+$0x1210]  }
0x1ec: {  	[tilespmem:s23+$0x10200] =	vst v0;
	v0 =	vadd.f32 v11, v1;
	v1 =	vmul.f32 v20, v3;
	v11 =	vmul.f32 v21, v4;
	v20 =	vld [tilespmem:s23+$0x9210]  }
0x1ed: {  	v27 =	vmul.f32 v27, v4;
	v30 =	vmul.f32 v30, v3;
	v21 =	vld [tilespmem:s23+$0x1220];
	[tilespmem:$0x1FFB0] =	vst v6  }
0x1ee: {  	v31 =	vmul.f32 v31, v4;
	v33 =	vmul.f32 v33, v4;
	v6 =	vld [tilespmem:s23+$0x1200];
	[tilespmem:s23+$0x10220] =	vst v0;
	v0 =	vadd.f32 v11, v1  }
0x1ef: {  	v1 =	vmul.f32 v28, v3;
	v11 =	vmul.f32 v29, v4;
	[tilespmem:s23+$0x10230] =	vst v2;
	v2 =	vadd.f32 v27, v26;
	v26 =	vld [tilespmem:s23+$0x9220]  }
0x1f0: {  	[tilespmem:s23+$0x10210] =	vst v5;
	v5 =	vmul.f32 v34, v3;
	v34 =	vmul.f32 v37, v4;
	v28 =	vld [tilespmem:s23+$0x1230]  }
0x1f1: {  	v37 =	vmul.f32 v39, v4;
	v29 =	vld [tilespmem:s23+$0x9230];
	[tilespmem:s23+$0x10240] =	vst v0;
	v0 =	vadd.f32 v11, v1;
	v1 =	vmul.f32 v32, v3  }
0x1f2: {  	v27 =	vmul.f32 v16, v4;
	v16 =	vld [tilespmem:s23+$0x1640];
	[tilespmem:s23+$0x10250] =	vst v2;
	v2 =	vadd.f32 v31, v30;
	v32 =	vmul.f32 v35, v4  }
0x1f3: {  	v30 =	vld [tilespmem:s23+$0x1240];
	[tilespmem:s23+$0x10260] =	vst v0;
	v0 =	vadd.f32 v33, v1;
	v33 =	vmul.f32 v36, v3;
	v36 =	vmul.f32 v38, v3  }
0x1f4: {  	v39 =	vmul.f32 v40, v3;
	v40 =	vmul.f32 v41, v4;
	v31 =	vld [tilespmem:s23+$0x9240];
	[tilespmem:s23+$0x10270] =	vst v2;
	v35 =	vadd.f32 v32, v5  }
0x1f5: {  	v42 =	vmul.f32 v42, v3;
	v11 =	vld [tilespmem:s23+$0x9650];
	[tilespmem:s23+$0x10600] =	vst v0;
	v38 =	vadd.f32 v34, v33;
	v41 =	vadd.f32 v37, v36  }
0x1f6: {  	v32 =	vld [tilespmem:s23+$0x1250];
	[tilespmem:s23+$0x10610] =	vst v35;
	v36 =	vmul.f32 v43, v4;
	v37 =	vadd.f32 v40, v39;
	v39 =	vmul.f32 v45, v4  }
0x1f7: {  	v33 =	vld [tilespmem:s23+$0x9250];
	v45 =	vmul.f32 v49, v4;
	[tilespmem:s23+$0x10620] =	vst v38;
	v38 =	vmul.f32 v44, v3  }
0x1f8: {  	v34 =	vld [tilespmem:s23+$0x1260];
	[tilespmem:s23+$0x10630] =	vst v41;
	v40 =	vadd.f32 v36, v42;
	v41 =	vmul.f32 v46, v3;
	v42 =	vmul.f32 v47, v4  }
0x1f9: {  	v35 =	vld [tilespmem:s23+$0x9260];
	[tilespmem:s23+$0x10640] =	vst v37;
	v44 =	vmul.f32 v48, v3;
	v47 =	vmul.f32 v50, v3;
	v43 =	vadd.f32 v39, v38  }
0x1fa: {  	v48 =	vmul.f32 v51, v4;
	v36 =	vld [tilespmem:s23+$0x1270];
	v50 =	vmul.f32 v52, v3;
	[tilespmem:s23+$0x10650] =	vst v40;
	v46 =	vadd.f32 v42, v41  }
0x1fb: {  	v51 =	vmul.f32 v53, v4;
	v37 =	vld [tilespmem:s23+$0x9270];
	v53 =	vmul.f32 v54, v3;
	v49 =	vadd.f32 v45, v44;
	[tilespmem:s23+$0x10660] =	vst v43  }
0x1fc: {  	v54 =	vmul.f32 v55, v4;
	v52 =	vadd.f32 v48, v47;
	v38 =	vld [tilespmem:s23+$0x1600];
	v44 =	vmul.f32 v56, v3;
	[tilespmem:s23+$0x10670] =	vst v46  }
0x1fd: {  	v55 =	vadd.f32 v51, v50;
	v45 =	vmul.f32 v57, v4;
	v39 =	vld [tilespmem:s23+$0x9600];
	v47 =	vmul.f32 v58, v3;
	[tilespmem:s23+$0x10A00] =	vst v49  }
0x1fe: {  	v48 =	vmul.f32 v59, v4;
	v40 =	vld [tilespmem:s23+$0x1610];
	v50 =	vmul.f32 v60, v3;
	[tilespmem:s23+$0x10A10] =	vst v52;
	v46 =	vadd.f32 v54, v53  }
0x1ff: {  	v51 =	vmul.f32 v61, v4;
	v41 =	vld [tilespmem:s23+$0x9610];
	v56 =	vmul.f32 v24, v3;
	[tilespmem:s23+$0x10A20] =	vst v55;
	v49 =	vadd.f32 v45, v44  }
0x200: {  	v42 =	vld [tilespmem:s23+$0x1620];
	v57 =	vmul.f32 v25, v4;
	v59 =	vmul.f32 v22, v3;
	v52 =	vadd.f32 v48, v47;
	[tilespmem:s23+$0x10A30] =	vst v46  }
0x201: {  	v24 =	vld [tilespmem:s23+$0x9620];
	v60 =	vmul.f32 v23, v4;
	v25 =	vmul.f32 v15, v3;
	v55 =	vadd.f32 v51, v50;
	[tilespmem:s23+$0x10A40] =	vst v49  }
0x202: {  	v23 =	vld [tilespmem:s23+$0x1630];
	v53 =	vmul.f32 v62, v3;
	v54 =	vmul.f32 v63, v4;
	v61 =	vadd.f32 v57, v56;
	[tilespmem:s23+$0x10A50] =	vst v52  }
0x203: {  	v15 =	vld [tilespmem:s23+$0x1A00];
	v62 =	vmul.f32 v18, v3;
	v63 =	vmul.f32 v19, v4;
	v22 =	vadd.f32 v60, v59;
	[tilespmem:s23+$0x10A60] =	vst v55  }
0x204: {  	v18 =	vld [tilespmem:s23+$0x9630];
	v44 =	vmul.f32 v12, v3;
	v45 =	vmul.f32 v13, v4;
	v58 =	vadd.f32 v54, v53;
	[tilespmem:s23+$0x10E00] =	vst v61  }
0x205: {  	v12 =	vld [tilespmem:s23+$0x9640];
	v47 =	vmul.f32 v8, v3;
	v48 =	vmul.f32 v9, v4;
	v43 =	vadd.f32 v63, v62;
	[tilespmem:s23+$0x10E10] =	vst v22  }
0x206: {  	v9 =	vld [tilespmem:s23+$0x1650];
	v56 =	vmul.f32 v14, v4;
	v59 =	vmul.f32 v20, v4;
	v46 =	vadd.f32 v27, v25;
	[tilespmem:s23+$0x10A70] =	vst v58  }
0x207: {  	v50 =	vld [tilespmem:$0x1FFA0];
	v20 =	vmul.f32 v28, v3;
	v49 =	vadd.f32 v45, v44;
	v55 =	vmul.f32 v6, v3;
	[tilespmem:s23+$0x10E20] =	vst v43  }
0x208: {  	v13 =	vld [tilespmem:s23+$0x1670];
	v51 =	vadd.f32 v48, v47;
	v61 =	vmul.f32 v21, v3;
	v62 =	vmul.f32 v26, v4;
	[tilespmem:s23+$0x10E30] =	vst v46  }
0x209: {  	v14 =	vld [tilespmem:s23+$0x9670];
	v28 =	vmul.f32 v32, v3;
	v21 =	vmul.f32 v29, v4;
	[tilespmem:s23+$0x10E40] =	vst v49;
	v60 =	vadd.f32 v56, v55  }
0x20a: {  	v19 =	vld [tilespmem:s23+$0x1A10];
	v25 =	vmul.f32 v30, v3;
	v26 =	vmul.f32 v31, v4;
	[tilespmem:s23+$0x10E50] =	vst v51;
	v22 =	vadd.f32 v62, v61  }
0x20b: {  	v32 =	vmul.f32 v35, v4;
	v52 =	vld [tilespmem:$0x1FFB0];
	v29 =	vmul.f32 v33, v4;
	v27 =	vadd.f32 v21, v20;
	[tilespmem:s23+$0x11200] =	vst v60  }
0x20c: {  	v53 =	vmul.f32 v10, v4;
	v10 =	vld [tilespmem:s23+$0x1660];
	v31 =	vmul.f32 v34, v3;
	v30 =	vadd.f32 v26, v25;
	[tilespmem:s23+$0x11220] =	vst v22  }
0x20d: {  	v35 =	vmul.f32 v37, v4;
	v34 =	vmul.f32 v36, v3;
	v44 =	vld [tilespmem:s23+$0x1A30];
	v33 =	vadd.f32 v29, v28;
	[tilespmem:s23+$0x11230] =	vst v27  }
0x20e: {  	v48 =	vld [tilespmem:s23+$0x9A30];
	v37 =	vmul.f32 v38, v3;
	v38 =	vmul.f32 v39, v4;
	v36 =	vadd.f32 v32, v31;
	[tilespmem:s23+$0x11240] =	vst v30  }
0x20f: {  	v58 =	vmul.f32 v17, v3;
	v17 =	vld [tilespmem:s23+$0x9A00];
	v39 =	vadd.f32 v35, v34;
	[tilespmem:s23+$0x11250] =	vst v33  }
0x210: {  	v40 =	vmul.f32 v40, v3;
	v20 =	vld [tilespmem:s23+$0x9A10];
	v43 =	vmul.f32 v41, v4;
	v45 =	vadd.f32 v38, v37;
	[tilespmem:s23+$0x11260] =	vst v36  }
0x211: {  	v7 =	vmul.f32 v7, v4;
	v21 =	vld [tilespmem:s23+$0x1A20];
	v1 =	vmul.f32 v50, v3;
	v63 =	vadd.f32 v59, v58;
	[tilespmem:s23+$0x11270] =	vst v39  }
0x212: {  	v56 =	vld [tilespmem:s23+$0x9A40];
	v49 =	vadd.f32 v43, v40;
	v58 =	vmul.f32 v9, v3;
	v59 =	vmul.f32 v11, v4;
	[tilespmem:s23+$0x11600] =	vst v45  }
0x213: {  	v28 =	vld [tilespmem:s23+$0x1A60];
	v26 =	vmul.f32 v13, v3;
	v27 =	vmul.f32 v14, v4;
	v54 =	vadd.f32 v7, v1;
	[tilespmem:s23+$0x11210] =	vst v63  }
0x214: {  	v32 =	vld [tilespmem:s23+$0x9A60];
	v50 =	vmul.f32 v23, v3;
	v5 =	vmul.f32 v52, v3;
	[tilespmem:s23+$0x11610] =	vst v49;
	v23 =	vadd.f32 v59, v58  }
0x215: {  	v47 =	vmul.f32 v24, v4;
	v46 =	vmul.f32 v42, v3;
	v22 =	vld [tilespmem:s23+$0x9A20];
	v33 =	vadd.f32 v27, v26;
	[tilespmem:s23+$0x10E60] =	vst v54  }
0x216: {  	v60 =	vld [tilespmem:s23+$0x1A50];
	v42 =	vmul.f32 v44, v3;
	v43 =	vmul.f32 v48, v4;
	v57 =	vadd.f32 v53, v5;
	[tilespmem:s23+$0x11650] =	vst v23  }
0x217: {  	v51 =	vmul.f32 v18, v4;
	v36 =	vld [tilespmem:s23+$0x1A70];
	v53 =	vadd.f32 v47, v46;
	[tilespmem:s23+$0x11670] =	vst v33  }
0x218: {  	v55 =	vmul.f32 v12, v4;
	v40 =	vld [tilespmem:s23+$0x9A70];
	v54 =	vmul.f32 v16, v3;
	v47 =	vadd.f32 v43, v42;
	[tilespmem:s23+$0x10E70] =	vst v57  }
0x219: {  	v30 =	vmul.f32 v15, v3;
	v7 =	vld [tilespmem:s23+$0x9660];
	v31 =	vmul.f32 v17, v4;
	v57 =	vadd.f32 v51, v50;
	[tilespmem:s23+$0x11620] =	vst v53  }
0x21a: {  	v34 =	vmul.f32 v19, v3;
	v52 =	vld [tilespmem:s23+$0x1A40];
	v35 =	vmul.f32 v20, v4;
	v61 =	vadd.f32 v55, v54;
	[tilespmem:s23+$0x11A30] =	vst v47  }
0x21b: {  	v16 =	vld [tilespmem:s23+$0x9A50];
	v38 =	vmul.f32 v21, v3;
	v37 =	vadd.f32 v31, v30;
	v39 =	vmul.f32 v22, v4;
	[tilespmem:s23+$0x11630] =	vst v57  }
0x21c: {  	v41 =	vadd.f32 v35, v34;
	v50 =	vmul.f32 v28, v3;
	v51 =	vmul.f32 v32, v4;
	[tilespmem:s23+$0x11640] =	vst v61  }
0x21d: {  	v53 =	vmul.f32 v36, v3;
	v54 =	vmul.f32 v40, v4;
	[tilespmem:s23+$0x11A00] =	vst v37;
	v44 =	vadd.f32 v39, v38  }
0x21e: {  	v62 =	vmul.f32 v10, v3;
	v63 =	vmul.f32 v7, v4;
	[tilespmem:s23+$0x11A10] =	vst v41;
	v55 =	vadd.f32 v51, v50  }
0x21f: {  	v46 =	vmul.f32 v56, v4;
	v45 =	vmul.f32 v52, v3;
	v56 =	vadd.f32 v54, v53;
	[tilespmem:s23+$0x11A20] =	vst v44  }
0x220: {  	v48 =	vmul.f32 v60, v3;
	v29 =	vadd.f32 v63, v62;
	v7 =	vmul.f32 v16, v4;
	[tilespmem:s23+$0x11A60] =	vst v55  }
0x221: {  	s24 =	sand.u32 $0x7, s5;
	v49 =	vadd.f32 v46, v45;
	[tilespmem:s23+$0x11A70] =	vst v56  }
0x222: {  	s24 =	sshll.u32 s24, $0x7;
	[tilespmem:s23+$0x11660] =	vst v29;
	v52 =	vadd.f32 v7, v48  }
0x223: {  	s24 =	sadd.s32 s24, s6;
	[tilespmem:s23+$0x11A40] =	vst v49  }
0x224: {  	[tilespmem:s23+$0x11A50] =	vst v52;
	s23 =	sor.u32 $0x1C00, s24  }
0x225: {  	v0 =	vld [tilespmem:s23+$0x200]  }
0x226: {  	v1 =	vld [tilespmem:s23+$0x8200];
	_ =	sdelay $0x4  }
0x227: {  	v0 =	vmul.f32 v0, v3;
	v1 =	vmul.f32 v1, v4;
	_ =	sdelay $0x1  }
0x228: {  	v0 =	vadd.f32 v1, v0;
	_ =	sdelay $0x1  }
0x229: {  	[tilespmem:s23+$0x10200] =	vst v0;
	s23 =	sor.u32 $0x1C10, s24  }
0x22a: {  	v0 =	vld [tilespmem:s23+$0x200]  }
0x22b: {  	v57 =	vld [tilespmem:s23+$0x8200];
	_ =	sdelay $0x4  }
0x22c: {  	v0 =	vmul.f32 v0, v3;
	v1 =	vmul.f32 v57, v4;
	_ =	sdelay $0x1  }
0x22d: {  	v0 =	vadd.f32 v1, v0;
	_ =	sdelay $0x1  }
0x22e: {  	[tilespmem:s23+$0x10200] =	vst v0;
	s23 =	sor.u32 $0x1C20, s24  }
0x22f: {  	v0 =	vld [tilespmem:s23+$0x200]  }
0x230: {  	v58 =	vld [tilespmem:s23+$0x8200];
	_ =	sdelay $0x4  }
0x231: {  	v0 =	vmul.f32 v0, v3;
	v1 =	vmul.f32 v58, v4;
	_ =	sdelay $0x1  }
0x232: {  	v0 =	vadd.f32 v1, v0;
	_ =	sdelay $0x1  }
0x233: {  	[tilespmem:s23+$0x10200] =	vst v0;
	s23 =	sor.u32 $0x1C30, s24  }
0x234: {  	v0 =	vld [tilespmem:s23+$0x200]  }
0x235: {  	v59 =	vld [tilespmem:s23+$0x8200];
	_ =	sdelay $0x4  }
0x236: {  	v0 =	vmul.f32 v0, v3;
	v1 =	vmul.f32 v59, v4;
	_ =	sdelay $0x1  }
0x237: {  	v0 =	vadd.f32 v1, v0;
	_ =	sdelay $0x1  }
0x238: {  	[tilespmem:s23+$0x10200] =	vst v0;
	s23 =	sor.u32 $0x1C40, s24  }
0x239: {  	v0 =	vld [tilespmem:s23+$0x200]  }
0x23a: {  	v60 =	vld [tilespmem:s23+$0x8200];
	_ =	sdelay $0x4  }
0x23b: {  	v0 =	vmul.f32 v0, v3;
	v1 =	vmul.f32 v60, v4;
	_ =	sdelay $0x1  }
0x23c: {  	v0 =	vadd.f32 v1, v0;
	_ =	sdelay $0x1  }
0x23d: {  	[tilespmem:s23+$0x10200] =	vst v0;
	s23 =	sor.u32 $0x1C50, s24  }
0x23e: {  	v0 =	vld [tilespmem:s23+$0x200]  }
0x23f: {  	v61 =	vld [tilespmem:s23+$0x8200];
	_ =	sdelay $0x4  }
0x240: {  	v0 =	vmul.f32 v0, v3;
	v1 =	vmul.f32 v61, v4;
	_ =	sdelay $0x1  }
0x241: {  	v0 =	vadd.f32 v1, v0;
	_ =	sdelay $0x1  }
0x242: {  	[tilespmem:s23+$0x10200] =	vst v0;
	s23 =	sor.u32 $0x1C60, s24  }
0x243: {  	v0 =	vld [tilespmem:s23+$0x200]  }
0x244: {  	v62 =	vld [tilespmem:s23+$0x8200];
	_ =	sdelay $0x4  }
0x245: {  	v0 =	vmul.f32 v0, v3;
	v1 =	vmul.f32 v62, v4;
	_ =	sdelay $0x1  }
0x246: {  	v0 =	vadd.f32 v1, v0;
	_ =	sdelay $0x1  }
0x247: {  	s24 =	sor.u32 $0x1C70, s24;
	[tilespmem:s23+$0x10200] =	vst v0  }
0x248: {  	v0 =	vld [tilespmem:s24+$0x200]  }
0x249: {  	v63 =	vld [tilespmem:s24+$0x8200];
	_ =	sdelay $0x3  }
0x24a: {  	p0 =	sne.s32 s22, $0x1F  }
.Ltmp1:
0x24b: {  	v0 =	vmul.f32 v0, v3;
	v1 =	vmul.f32 v63, v4;
	(pc) =	sbr.rel @p0 .LBB2_4-.Ltmp1, $4  }
0x24c: {  	_ = 	snop  }
0x24d: {  	v0 =	vadd.f32 v1, v0  }
0x24e: {  	s7 =	sadd.s32 $0x80, s7  }
0x24f: {  	s22 =	sadd.s32 $0x1, s22;
	s5 =	sadd.s32 $0x1, s5;
	s6 =	sadd.s32 $0x400, s6;
	[tilespmem:s24+$0x10200] =	vst v0  }
0x250: {  	s5 =	rddreg [dreg:$0xb]  }
0x251: {  	[hbm4b:s5+s2] =	stream.linear.scatter [tilespmem:s17], [sflag:$0x3], $0x8000, $0x38;
	[tilespmem:$0x18200] =	vst v63  }
0x252: {  	_ =	swait.ge [sflag:s18], $0x8000  }
0x253: {  	s19 =	sadd.s32 $0x1, s19;
	s24 =	rddreg [dreg:$0xc]  }
0x254: {  	p0 =	sne.s32 s19, s24  }
.Ltmp2:
0x255: {  	_ = 	snop;
	(pc) =	sbr.rel @p0 .LBB2_1-.Ltmp2, $3  }
0x256: {  	_ =	sdelay $0x1  }
0x257: {  	[sflag:s18] =	ssyncset.done $0x0  }
0x258: {  	[sflag:s18] =	ssyncadd.s32 $0xFFFF8000  }
0x259: {  	_ =	sfence.sel $0x180000  }
0x25a: {  	[bflag:$0x0] =	sbarrier.arrive $0xFFFF  }
0x25b: {  	_ =	strace $0x9000004A  }
0x25c: {  	s0 =	stileid.u32;
	[bflag:$0x2] =	sbarrier.arrive $0xFFFF  }
0x25d: {  	p0 =	sne.s32 s0, $0x0;
	s0 =	rddreg [dreg:$0x1]  }
0x25e: {  	s0 =	sadd.s32 @!p0 $0x100000, s0  }
0x25f: {  	[sflag:s0] =	ssyncadd.tile.s32 @!p0 $0x1;
	_ =	shalt  }
.Lfunc_end2:
_tile_overlayer_lowered:
.L_overlay_start_2:
0x260: {  	(tag) =	ssettag $0x2  }
0x261: {  	s0 =	rddreg [dreg:$0x0];
	s2 =	stileid.u32  }
0x262: {  	s1 =	rddreg [dreg:$0x1];
	p0 =	sne.s32 s2, $0x0  }
0x263: {  	s3 =	rddreg [dreg:$0x2];
	[bflag:$0x3] =	sbarrier.arrive $0xFFFF;
	s2 =	simm.s32 @!p0 $0x1C03  }
0x264: {  	[timem:s3], [sflag:s2] =	dma.local @!p0 [hbm:s0], s1  }
0x265: {  	s0 =	simm.s32 @!p0 $0x3  }
0x266: {  	_ =	swait.ge @!p0 [sflag:s0], s1  }
0x267: {  	s1 =	ssub.s32 @!p0 $0x0, s1;
	[sflag:s0] =	ssyncset.done @!p0 $0x0  }
0x268: {  	[sflag:s0] =	ssyncadd.s32 @!p0 s1  }
0x269: {  	[bflag:$0x3] =	sbarrier.arrive $0xFFFF  }
0x26a: {  	_ =	shalt  }

</sc_bundles>
